<compile_context>
chip_gen: v7x
topology: tpu7x:2x2x1
jax: 0.10.2.dev20260603
libtpu: 0.0.44.dev20260713+nightly
codegen_flags: <defaults>
</compile_context>

<pallas_src>
import functools

import jax
import jax.numpy as jnp
from jax import lax
from jax.experimental import pallas as pl
from jax.experimental.pallas import tpu as pltpu
from jax.experimental.pallas import tpu_sc as plsc

N_NODES = 10000
D = 128
K = 128
NBUF = 3
NC = 2
NS = 16
NW = NC * NS
CHUNKS = 81
N_ACC = 10112
ZROWS = N_ACC // NS

_mesh = plsc.VectorSubcoreMesh(core_axis_name="c", subcore_axis_name="s")


@functools.partial(
    pl.kernel,
    mesh=_mesh,
    out_type=jax.ShapeDtypeStruct((NC, N_ACC, D), jnp.float32),
    scratch_types=[
        pltpu.VMEM_SHARED((N_ACC, D), jnp.float32),
        pltpu.VMEM((NBUF, K), jnp.int32),
        pltpu.VMEM((K, D), jnp.float32),
    ],
)
def _deg_kernel(dst_hbm, ones_hbm, zeros_hbm, out_hbm, accd, db, ones_v):
    c = lax.axis_index("c")
    s = lax.axis_index("s")
    w = c * NS + s
    pltpu.sync_copy(zeros_hbm.at[pl.ds(s * ZROWS, ZROWS)],
                    accd.at[pl.ds(s * ZROWS, ZROWS)])
    pltpu.sync_copy(ones_hbm, ones_v)
    plsc.subcore_barrier()

    def body(i, carry):
        pltpu.sync_copy(dst_hbm.at[w, i], db.at[0])
        pltpu.sync_copy(ones_v, accd.at[db.at[0]], add=True)
        return carry

    lax.fori_loop(0, CHUNKS, body, 0)
    plsc.subcore_barrier()
    pltpu.sync_copy(accd.at[pl.ds(s * ZROWS, ZROWS)],
                    out_hbm.at[c, pl.ds(s * ZROWS, ZROWS)])


@functools.partial(
    pl.kernel,
    mesh=_mesh,
    out_type=jax.ShapeDtypeStruct((NC, N_ACC, D), jnp.float32),
    scratch_types=[
        pltpu.VMEM_SHARED((N_ACC, D), jnp.float32),
        pltpu.VMEM((NBUF, K), jnp.int32),
        pltpu.VMEM((NBUF, K), jnp.int32),
        pltpu.VMEM((NBUF, K, D), jnp.float32),
    ] + [pltpu.SemaphoreType.DMA] * NBUF,
)
def _agg_kernel(y_hbm, src_hbm, dst_hbm, zeros_hbm, out_hbm,
                acc, sb, db, rows, *sems):
    c = lax.axis_index("c")
    s = lax.axis_index("s")
    w = c * NS + s
    pltpu.sync_copy(zeros_hbm.at[pl.ds(s * ZROWS, ZROWS)],
                    acc.at[pl.ds(s * ZROWS, ZROWS)])
    plsc.subcore_barrier()

    for b in range(NBUF):
        pltpu.sync_copy(src_hbm.at[w, b], sb.at[b])
        pltpu.sync_copy(dst_hbm.at[w, b], db.at[b])
        pltpu.make_async_copy(y_hbm.at[sb.at[b]], rows.at[b], sems[b]).start()

    def body(it, carry):
        g = it * NBUF
        for b in range(NBUF):
            i = g + b
            pltpu.make_async_copy(y_hbm.at[sb.at[b]], rows.at[b],
                                  sems[b]).wait()
            pltpu.sync_copy(rows.at[b], acc.at[db.at[b]], add=True)
            j = i + NBUF

            @pl.when(j < CHUNKS)
            def _prefetch():
                pltpu.sync_copy(src_hbm.at[w, j], sb.at[b])
                pltpu.sync_copy(dst_hbm.at[w, j], db.at[b])
                pltpu.make_async_copy(y_hbm.at[sb.at[b]], rows.at[b],
                                      sems[b]).start()

        return carry

    lax.fori_loop(0, CHUNKS // NBUF, body, 0)
    plsc.subcore_barrier()
    pltpu.sync_copy(acc.at[pl.ds(s * ZROWS, ZROWS)],
                    out_hbm.at[c, pl.ds(s * ZROWS, ZROWS)])


_BLK = 1000
_GRID = N_NODES // _BLK


def _dis_from(deg0_ref, deg1_ref):
    return lax.rsqrt(1.0 + deg0_ref[...][:, 0:1] + deg1_ref[...][:, 0:1])


def _first_body(deg0_ref, deg1_ref, x_ref, w_ref, y_ref):
    dis = _dis_from(deg0_ref, deg1_ref)
    y_ref[...] = dis * jnp.dot(x_ref[...], w_ref[...],
                               preferred_element_type=jnp.float32)


def _mid_body(p0_ref, p1_ref, y_ref, deg0_ref, deg1_ref, b_ref, w_ref,
              out_ref):
    dis = _dis_from(deg0_ref, deg1_ref)
    h = dis * (p0_ref[...] + p1_ref[...] + y_ref[...]) + b_ref[...]
    h = jnp.maximum(h, 0.0)
    out_ref[...] = dis * jnp.dot(h, w_ref[...],
                                 preferred_element_type=jnp.float32)


def _last_body(p0_ref, p1_ref, y_ref, deg0_ref, deg1_ref, b_ref, out_ref):
    dis = _dis_from(deg0_ref, deg1_ref)
    out_ref[...] = dis * (p0_ref[...] + p1_ref[...] + y_ref[...]) + b_ref[...]


_row_spec = pl.BlockSpec((_BLK, D), lambda i: (i, 0))
_deg_spec = _row_spec
_w_spec = pl.BlockSpec((D, D), lambda i: (0, 0))
_b_spec = pl.BlockSpec((1, D), lambda i: (0, 0))
_out_row = jax.ShapeDtypeStruct((N_NODES, D), jnp.float32)

_first_call = pl.pallas_call(
    _first_body, grid=(_GRID,),
    in_specs=[_deg_spec, _deg_spec, _row_spec, _w_spec],
    out_specs=_row_spec, out_shape=_out_row)

_mid_call = pl.pallas_call(
    _mid_body, grid=(_GRID,),
    in_specs=[_row_spec, _row_spec, _row_spec, _deg_spec, _deg_spec,
              _b_spec, _w_spec],
    out_specs=_row_spec, out_shape=_out_row)

_last_call = pl.pallas_call(
    _last_body, grid=(_GRID,),
    in_specs=[_row_spec, _row_spec, _row_spec, _deg_spec, _deg_spec, _b_spec],
    out_specs=_row_spec, out_shape=_out_row)


def kernel(x, edge_index, W1, b1, W2, b2, W3, b3):
    e = edge_index.shape[1]
    e_pad = NW * CHUNKS * K
    pad = e_pad - e
    src = jnp.concatenate(
        [edge_index[0], jnp.zeros((pad,), jnp.int32)]).reshape(NW, CHUNKS, K)
    dst = jnp.concatenate(
        [edge_index[1],
         jnp.full((pad,), N_NODES, jnp.int32)]).reshape(NW, CHUNKS, K)

    zeros128 = jnp.zeros((N_ACC, D), jnp.float32)
    ones128 = jnp.ones((K, D), jnp.float32)
    b1r = b1.reshape(1, D)
    b2r = b2.reshape(1, D)
    b3r = b3.reshape(1, D)

    deg2 = _deg_kernel(dst, ones128, zeros128)
    deg0, deg1 = deg2[0], deg2[1]

    y1 = _first_call(deg0, deg1, x, W1)
    p1 = _agg_kernel(y1, src, dst, zeros128)
    y2 = _mid_call(p1[0], p1[1], y1, deg0, deg1, b1r, W2)
    p2 = _agg_kernel(y2, src, dst, zeros128)
    y3 = _mid_call(p2[0], p2[1], y2, deg0, deg1, b2r, W3)
    p3 = _agg_kernel(y3, src, dst, zeros128)
    return _last_call(p3[0], p3[1], y3, deg0, deg1, b3r)

# --- scband reference (transcript-rebuilt; emitter-appended) ---
"""Pipeline reference for scband-gnnencoder-11871289606581 (READ-ONLY COPY).

The authoritative reference and input builder live on the scoring server;
editing this copy changes nothing except your own understanding.
"""

import jax, jax.numpy as jnp
import numpy as np

N = 10000
E = 320000
D_IN = 128
D_HID = 128
D_LAT = 128


def setup_inputs(seed: int = 0) -> dict:
    key = jax.random.key(seed)
    ks = jax.random.split(key, 9)
    x = jax.random.normal(ks[0], (N, D_IN), dtype=jnp.float32)
    edge_index = jax.random.randint(ks[1], (2, E), 0, N, dtype=jnp.int32)
    s1 = 1.0 / np.sqrt(D_IN)
    s2 = 1.0 / np.sqrt(D_HID)
    W1 = jax.random.normal(ks[2], (D_IN, D_HID), dtype=jnp.float32) * s1
    b1 = jnp.zeros((D_HID,), dtype=jnp.float32)
    W2 = jax.random.normal(ks[3], (D_HID, D_HID), dtype=jnp.float32) * s2
    b2 = jnp.zeros((D_HID,), dtype=jnp.float32)
    W3 = jax.random.normal(ks[4], (D_HID, D_LAT), dtype=jnp.float32) * s2
    b3 = jnp.zeros((D_LAT,), dtype=jnp.float32)
    return {"x": x, "edge_index": edge_index, "W1": W1, "b1": b1, "W2": W2, "b2": b2, "W3": W3, "b3": b3}


def _gcn_conv(x, edge_index, W, b):
    # GCNConv: out = D^{-1/2} (A + I) D^{-1/2} X W + b
    n = x.shape[0]
    loop = jnp.arange(n, dtype=edge_index.dtype)
    src = jnp.concatenate([edge_index[0], loop])
    dst = jnp.concatenate([edge_index[1], loop])
    deg = jnp.zeros((n,), dtype=x.dtype).at[dst].add(1.0)
    dis = jax.lax.rsqrt(deg)  # deg >= 1 due to self-loops
    norm = dis[src] * dis[dst]
    xw = x @ W
    msgs = norm[:, None] * jnp.take(xw, src, axis=0)
    out = jnp.zeros_like(xw).at[dst].add(msgs)
    return out + b


def reference(x, edge_index, W1, b1, W2, b2, W3, b3):
    h = jax.nn.relu(_gcn_conv(x, edge_index, W1, b1))
    h = jax.nn.relu(_gcn_conv(h, edge_index, W2, b2))
    out = _gcn_conv(h, edge_index, W3, b3)
    return out

if __name__ == "__main__":
    import jax
    _d = setup_inputs()
    print(jax.jit(kernel)(*tuple(_d.values())))

</pallas_src>

<mosaic_0001>
#map = affine_map<(d0, d1) -> (0, 0, 0)>
#map1 = affine_map<(d0, d1) -> (0, 0)>
module attributes {stable_mosaic.version = 14 : i64} {
  func.func @_deg_kernel(%arg0: i32, %arg1: i32, %arg2: memref<32x81x128xi32, #tpu.memory_space<hbm>>, %arg3: memref<128x128xf32, #tpu.memory_space<hbm>>, %arg4: memref<10112x128xf32, #tpu.memory_space<hbm>>, %arg5: memref<2x10112x128xf32, #tpu.memory_space<hbm>>, %arg6: memref<10112x128xf32, #tpu.memory_space<vmem_shared>>, %arg7: memref<3x128xi32, #tpu.memory_space<vmem>>, %arg8: memref<128x128xf32, #tpu.memory_space<vmem>>) attributes {dimension_semantics = [#tpu.dimension_semantics<core_parallel>, #tpu.dimension_semantics<subcore_parallel>], iteration_bounds = array<i64: 2, 16>, scalar_prefetch = 0 : i64, scratch_operands = 3 : i64, tpu.core_type = #tpu.core_type<sc_vector_subcore>, window_params = [{transform_indices = #map}, {transform_indices = #map1}, {transform_indices = #map1}, {transform_indices = #map}]} {
    %mul3A = arith.constant 16 : i32
    %mul3A_0 = arith.muli %arg0, %mul3A : i32
    %add3A = arith.addi %mul3A_0, %arg1 : i32
    %mul3A_1 = arith.constant 632 : i32
    %mul3A_2 = arith.muli %arg1, %mul3A_1 : i32
    %mul3A_3 = arith.constant 632 : i32
    %mul3A_4 = arith.muli %arg1, %mul3A_3 : i32
    "tpu.region"() ({
      %run_scoped3A = tpu.sem_alloc : memref<!tpu.dma_semaphore, #tpu.memory_space<semaphore_mem>>
      %dma_start3A = arith.constant 0 : i32
      %dma_start3A_15 = tpu.memref_slice %arg6[%mul3A_4, %dma_start3A] : memref<10112x128xf32, #tpu.memory_space<vmem_shared>> -> memref<632x128xf32, #tpu.memory_space<vmem_shared>>
      %dma_start3A_16 = arith.constant 0 : i32
      %dma_start3A_17 = tpu.memref_slice %arg4[%mul3A_2, %dma_start3A_16] : memref<10112x128xf32, #tpu.memory_space<hbm>> -> memref<632x128xf32, #tpu.memory_space<hbm>>
      tpu.enqueue_dma source(%dma_start3A_17 : memref<632x128xf32, #tpu.memory_space<hbm>>) target(%dma_start3A_15 : memref<632x128xf32, #tpu.memory_space<vmem_shared>>) target_semaphore(%run_scoped3A : memref<!tpu.dma_semaphore, #tpu.memory_space<semaphore_mem>>)
      %dma_wait3A = arith.constant 0 : i32
      %dma_wait3A_18 = tpu.memref_slice %arg6[%mul3A_4, %dma_wait3A] : memref<10112x128xf32, #tpu.memory_space<vmem_shared>> -> memref<632x128xf32, #tpu.memory_space<vmem_shared>>
      %dma_wait3A_19 = arith.constant 0 : i32
      %dma_wait3A_20 = tpu.memref_slice %arg4[%mul3A_2, %dma_wait3A_19] : memref<10112x128xf32, #tpu.memory_space<hbm>> -> memref<632x128xf32, #tpu.memory_space<hbm>>
      tpu.wait_dma2 semaphore(%run_scoped3A : memref<!tpu.dma_semaphore, #tpu.memory_space<semaphore_mem>>) src(%dma_wait3A_20 : memref<632x128xf32, #tpu.memory_space<hbm>>) dst(%dma_wait3A_18 : memref<632x128xf32, #tpu.memory_space<vmem_shared>>)
      tpu.yield
    }) : () -> ()
    "tpu.region"() ({
      %run_scoped3A = tpu.sem_alloc : memref<!tpu.dma_semaphore, #tpu.memory_space<semaphore_mem>>
      tpu.enqueue_dma source(%arg3 : memref<128x128xf32, #tpu.memory_space<hbm>>) target(%arg8 : memref<128x128xf32, #tpu.memory_space<vmem>>) target_semaphore(%run_scoped3A : memref<!tpu.dma_semaphore, #tpu.memory_space<semaphore_mem>>)
      tpu.wait_dma2 semaphore(%run_scoped3A : memref<!tpu.dma_semaphore, #tpu.memory_space<semaphore_mem>>) src(%arg3 : memref<128x128xf32, #tpu.memory_space<hbm>>) dst(%arg8 : memref<128x128xf32, #tpu.memory_space<vmem>>)
      tpu.yield
    }) : () -> ()
    %barrier3A = arith.constant 0 : index
    tpu.barrier barrier_id(%barrier3A)
    %scan3A = arith.constant 0 : i32
    %scan3A_5 = arith.constant 0 : i32
    %scan3A_6 = arith.constant 81 : i32
    %scan3A_7 = arith.addi %scan3A_5, %scan3A_6 : i32
    %scan3A_8 = arith.constant 1 : i32
    scf.for %scan3A_15 = %scan3A_5 to %scan3A_7 step %scan3A_8  : i32 {
      %run_scoped3A = arith.constant 0 : i32
      "tpu.region"() ({
        %run_scoped3A_17 = tpu.sem_alloc : memref<!tpu.dma_semaphore, #tpu.memory_space<semaphore_mem>>
        %dma_start3A = arith.constant 0 : i32
        %dma_start3A_18 = tpu.memref_slice %arg7[%run_scoped3A, %dma_start3A] : memref<3x128xi32, #tpu.memory_space<vmem>> -> memref<1x128xi32, #tpu.memory_space<vmem>>
        %dma_start3A_19 = tpu.memref_squeeze %dma_start3A_18 : memref<1x128xi32, #tpu.memory_space<vmem>> -> memref<128xi32, #tpu.memory_space<vmem>>
        %dma_start3A_20 = arith.constant 0 : i32
        %dma_start3A_21 = tpu.memref_slice %arg2[%add3A, %scan3A_15, %dma_start3A_20] : memref<32x81x128xi32, #tpu.memory_space<hbm>> -> memref<1x1x128xi32, #tpu.memory_space<hbm>>
        %dma_start3A_22 = tpu.memref_squeeze %dma_start3A_21 : memref<1x1x128xi32, #tpu.memory_space<hbm>> -> memref<128xi32, #tpu.memory_space<hbm>>
        %dma_start3A_23 = arith.constant 0 : i32
        %dma_start3A_24 = tpu.memref_slice %arg7[%run_scoped3A, %dma_start3A_23] : memref<3x128xi32, #tpu.memory_space<vmem>> -> memref<1x128xi32, #tpu.memory_space<vmem>>
        %dma_start3A_25 = tpu.memref_squeeze %dma_start3A_24 : memref<1x128xi32, #tpu.memory_space<vmem>> -> memref<128xi32, #tpu.memory_space<vmem>>
        %dma_start3A_26 = arith.constant 0 : i32
        %dma_start3A_27 = tpu.memref_slice %arg2[%add3A, %scan3A_15, %dma_start3A_26] : memref<32x81x128xi32, #tpu.memory_space<hbm>> -> memref<1x1x128xi32, #tpu.memory_space<hbm>>
        %dma_start3A_28 = tpu.memref_squeeze %dma_start3A_27 : memref<1x1x128xi32, #tpu.memory_space<hbm>> -> memref<128xi32, #tpu.memory_space<hbm>>
        tpu.enqueue_dma source(%dma_start3A_28 : memref<128xi32, #tpu.memory_space<hbm>>) target(%dma_start3A_25 : memref<128xi32, #tpu.memory_space<vmem>>) target_semaphore(%run_scoped3A_17 : memref<!tpu.dma_semaphore, #tpu.memory_space<semaphore_mem>>)
        %dma_wait3A = arith.constant 0 : i32
        %dma_wait3A_29 = tpu.memref_slice %arg7[%run_scoped3A, %dma_wait3A] : memref<3x128xi32, #tpu.memory_space<vmem>> -> memref<1x128xi32, #tpu.memory_space<vmem>>
        %dma_wait3A_30 = tpu.memref_squeeze %dma_wait3A_29 : memref<1x128xi32, #tpu.memory_space<vmem>> -> memref<128xi32, #tpu.memory_space<vmem>>
        %dma_wait3A_31 = arith.constant 0 : i32
        %dma_wait3A_32 = tpu.memref_slice %arg2[%add3A, %scan3A_15, %dma_wait3A_31] : memref<32x81x128xi32, #tpu.memory_space<hbm>> -> memref<1x1x128xi32, #tpu.memory_space<hbm>>
        %dma_wait3A_33 = tpu.memref_squeeze %dma_wait3A_32 : memref<1x1x128xi32, #tpu.memory_space<hbm>> -> memref<128xi32, #tpu.memory_space<hbm>>
        %dma_wait3A_34 = arith.constant 0 : i32
        %dma_wait3A_35 = tpu.memref_slice %arg7[%run_scoped3A, %dma_wait3A_34] : memref<3x128xi32, #tpu.memory_space<vmem>> -> memref<1x128xi32, #tpu.memory_space<vmem>>
        %dma_wait3A_36 = tpu.memref_squeeze %dma_wait3A_35 : memref<1x128xi32, #tpu.memory_space<vmem>> -> memref<128xi32, #tpu.memory_space<vmem>>
        %dma_wait3A_37 = arith.constant 0 : i32
        %dma_wait3A_38 = tpu.memref_slice %arg2[%add3A, %scan3A_15, %dma_wait3A_37] : memref<32x81x128xi32, #tpu.memory_space<hbm>> -> memref<1x1x128xi32, #tpu.memory_space<hbm>>
        %dma_wait3A_39 = tpu.memref_squeeze %dma_wait3A_38 : memref<1x1x128xi32, #tpu.memory_space<hbm>> -> memref<128xi32, #tpu.memory_space<hbm>>
        tpu.wait_dma2 semaphore(%run_scoped3A_17 : memref<!tpu.dma_semaphore, #tpu.memory_space<semaphore_mem>>) src(%dma_wait3A_39 : memref<128xi32, #tpu.memory_space<hbm>>) dst(%dma_wait3A_36 : memref<128xi32, #tpu.memory_space<vmem>>)
        tpu.yield
      }) : () -> ()
      %run_scoped3A_16 = arith.constant 0 : i32
      "tpu.region"() ({
        %run_scoped3A_17 = tpu.sem_alloc : memref<!tpu.dma_semaphore, #tpu.memory_space<semaphore_mem>>
        %dma_start3A = arith.constant 0 : i32
        %dma_start3A_18 = tpu.memref_slice %arg7[%run_scoped3A_16, %dma_start3A] : memref<3x128xi32, #tpu.memory_space<vmem>> -> memref<1x128xi32, #tpu.memory_space<vmem>>
        %dma_start3A_19 = tpu.memref_squeeze %dma_start3A_18 : memref<1x128xi32, #tpu.memory_space<vmem>> -> memref<128xi32, #tpu.memory_space<vmem>>
        %dma_start3A_20 = arith.constant 0 : i32
        %dma_start3A_21 = arith.constant 0 : i32
        %dma_start3A_22 = tpu.memref_slice %arg6[%dma_start3A_20, %dma_start3A_21] : memref<10112x128xf32, #tpu.memory_space<vmem_shared>> -> memref<10112x128xf32, #tpu.memory_space<vmem_shared>>
        tpu.enqueue_indirect_dma source(%arg8 : memref<128x128xf32, #tpu.memory_space<vmem>>) target(%dma_start3A_22 : memref<10112x128xf32, #tpu.memory_space<vmem_shared>>) offsets(%dma_start3A_19 : memref<128xi32, #tpu.memory_space<vmem>>) semaphore(%run_scoped3A_17 : memref<!tpu.dma_semaphore, #tpu.memory_space<semaphore_mem>>) {add = true}
        %dma_wait3A = arith.constant 0 : i32
        %dma_wait3A_23 = tpu.memref_slice %arg7[%run_scoped3A_16, %dma_wait3A] : memref<3x128xi32, #tpu.memory_space<vmem>> -> memref<1x128xi32, #tpu.memory_space<vmem>>
        %dma_wait3A_24 = tpu.memref_squeeze %dma_wait3A_23 : memref<1x128xi32, #tpu.memory_space<vmem>> -> memref<128xi32, #tpu.memory_space<vmem>>
        %dma_wait3A_25 = arith.constant 0 : i32
        %dma_wait3A_26 = arith.constant 0 : i32
        %dma_wait3A_27 = tpu.memref_slice %arg6[%dma_wait3A_25, %dma_wait3A_26] : memref<10112x128xf32, #tpu.memory_space<vmem_shared>> -> memref<10112x128xf32, #tpu.memory_space<vmem_shared>>
        tpu.wait_indirect_dma semaphore(%run_scoped3A_17 : memref<!tpu.dma_semaphore, #tpu.memory_space<semaphore_mem>>) src(%arg8 : memref<128x128xf32, #tpu.memory_space<vmem>>) dst(%dma_wait3A_27 : memref<10112x128xf32, #tpu.memory_space<vmem_shared>>)
        tpu.yield
      }) : () -> ()
    }
    %scan3A_9 = arith.constant 81 : i32
    %barrier3A_10 = arith.constant 0 : index
    tpu.barrier barrier_id(%barrier3A_10)
    %mul3A_11 = arith.constant 632 : i32
    %mul3A_12 = arith.muli %arg1, %mul3A_11 : i32
    %mul3A_13 = arith.constant 632 : i32
    %mul3A_14 = arith.muli %arg1, %mul3A_13 : i32
    "tpu.region"() ({
      %run_scoped3A = tpu.sem_alloc : memref<!tpu.dma_semaphore, #tpu.memory_space<semaphore_mem>>
      %dma_start3A = arith.constant 0 : i32
      %dma_start3A_15 = tpu.memref_slice %arg5[%arg0, %mul3A_14, %dma_start3A] : memref<2x10112x128xf32, #tpu.memory_space<hbm>> -> memref<1x632x128xf32, #tpu.memory_space<hbm>>
      %dma_start3A_16 = tpu.memref_squeeze %dma_start3A_15 : memref<1x632x128xf32, #tpu.memory_space<hbm>> -> memref<632x128xf32, #tpu.memory_space<hbm>>
      %dma_start3A_17 = arith.constant 0 : i32
      %dma_start3A_18 = tpu.memref_slice %arg6[%mul3A_12, %dma_start3A_17] : memref<10112x128xf32, #tpu.memory_space<vmem_shared>> -> memref<632x128xf32, #tpu.memory_space<vmem_shared>>
      tpu.enqueue_dma source(%dma_start3A_18 : memref<632x128xf32, #tpu.memory_space<vmem_shared>>) target(%dma_start3A_16 : memref<632x128xf32, #tpu.memory_space<hbm>>) target_semaphore(%run_scoped3A : memref<!tpu.dma_semaphore, #tpu.memory_space<semaphore_mem>>)
      %dma_wait3A = arith.constant 0 : i32
      %dma_wait3A_19 = tpu.memref_slice %arg5[%arg0, %mul3A_14, %dma_wait3A] : memref<2x10112x128xf32, #tpu.memory_space<hbm>> -> memref<1x632x128xf32, #tpu.memory_space<hbm>>
      %dma_wait3A_20 = tpu.memref_squeeze %dma_wait3A_19 : memref<1x632x128xf32, #tpu.memory_space<hbm>> -> memref<632x128xf32, #tpu.memory_space<hbm>>
      %dma_wait3A_21 = arith.constant 0 : i32
      %dma_wait3A_22 = tpu.memref_slice %arg6[%mul3A_12, %dma_wait3A_21] : memref<10112x128xf32, #tpu.memory_space<vmem_shared>> -> memref<632x128xf32, #tpu.memory_space<vmem_shared>>
      tpu.wait_dma2 semaphore(%run_scoped3A : memref<!tpu.dma_semaphore, #tpu.memory_space<semaphore_mem>>) src(%dma_wait3A_22 : memref<632x128xf32, #tpu.memory_space<vmem_shared>>) dst(%dma_wait3A_20 : memref<632x128xf32, #tpu.memory_space<hbm>>)
      tpu.yield
    }) : () -> ()
    return
  }
}

#map = affine_map<(d0, d1) -> (0, 0)>
#map1 = affine_map<(d0, d1) -> (0, 0, 0)>
module attributes {stable_mosaic.version = 14 : i64} {
  func.func @_agg_kernel(%arg0: i32, %arg1: i32, %arg2: memref<10000x128xf32, #tpu.memory_space<hbm>>, %arg3: memref<32x81x128xi32, #tpu.memory_space<hbm>>, %arg4: memref<32x81x128xi32, #tpu.memory_space<hbm>>, %arg5: memref<10112x128xf32, #tpu.memory_space<hbm>>, %arg6: memref<2x10112x128xf32, #tpu.memory_space<hbm>>, %arg7: memref<10112x128xf32, #tpu.memory_space<vmem_shared>>, %arg8: memref<3x128xi32, #tpu.memory_space<vmem>>, %arg9: memref<3x128xi32, #tpu.memory_space<vmem>>, %arg10: memref<3x128x128xf32, #tpu.memory_space<vmem>>, %arg11: memref<!tpu.dma_semaphore, #tpu.memory_space<semaphore_mem>>, %arg12: memref<!tpu.dma_semaphore, #tpu.memory_space<semaphore_mem>>, %arg13: memref<!tpu.dma_semaphore, #tpu.memory_space<semaphore_mem>>) attributes {dimension_semantics = [#tpu.dimension_semantics<core_parallel>, #tpu.dimension_semantics<subcore_parallel>], iteration_bounds = array<i64: 2, 16>, scalar_prefetch = 0 : i64, scratch_operands = 7 : i64, tpu.core_type = #tpu.core_type<sc_vector_subcore>, window_params = [{transform_indices = #map}, {transform_indices = #map1}, {transform_indices = #map1}, {transform_indices = #map}, {transform_indices = #map1}]} {
    %mul3A = arith.constant 16 : i32
    %mul3A_0 = arith.muli %arg0, %mul3A : i32
    %add3A = arith.addi %mul3A_0, %arg1 : i32
    %mul3A_1 = arith.constant 632 : i32
    %mul3A_2 = arith.muli %arg1, %mul3A_1 : i32
    %mul3A_3 = arith.constant 632 : i32
    %mul3A_4 = arith.muli %arg1, %mul3A_3 : i32
    "tpu.region"() ({
      %run_scoped3A_61 = tpu.sem_alloc : memref<!tpu.dma_semaphore, #tpu.memory_space<semaphore_mem>>
      %dma_start3A_62 = arith.constant 0 : i32
      %dma_start3A_63 = tpu.memref_slice %arg7[%mul3A_4, %dma_start3A_62] : memref<10112x128xf32, #tpu.memory_space<vmem_shared>> -> memref<632x128xf32, #tpu.memory_space<vmem_shared>>
      %dma_start3A_64 = arith.constant 0 : i32
      %dma_start3A_65 = tpu.memref_slice %arg5[%mul3A_2, %dma_start3A_64] : memref<10112x128xf32, #tpu.memory_space<hbm>> -> memref<632x128xf32, #tpu.memory_space<hbm>>
      tpu.enqueue_dma source(%dma_start3A_65 : memref<632x128xf32, #tpu.memory_space<hbm>>) target(%dma_start3A_63 : memref<632x128xf32, #tpu.memory_space<vmem_shared>>) target_semaphore(%run_scoped3A_61 : memref<!tpu.dma_semaphore, #tpu.memory_space<semaphore_mem>>)
      %dma_wait3A = arith.constant 0 : i32
      %dma_wait3A_66 = tpu.memref_slice %arg7[%mul3A_4, %dma_wait3A] : memref<10112x128xf32, #tpu.memory_space<vmem_shared>> -> memref<632x128xf32, #tpu.memory_space<vmem_shared>>
      %dma_wait3A_67 = arith.constant 0 : i32
      %dma_wait3A_68 = tpu.memref_slice %arg5[%mul3A_2, %dma_wait3A_67] : memref<10112x128xf32, #tpu.memory_space<hbm>> -> memref<632x128xf32, #tpu.memory_space<hbm>>
      tpu.wait_dma2 semaphore(%run_scoped3A_61 : memref<!tpu.dma_semaphore, #tpu.memory_space<semaphore_mem>>) src(%dma_wait3A_68 : memref<632x128xf32, #tpu.memory_space<hbm>>) dst(%dma_wait3A_66 : memref<632x128xf32, #tpu.memory_space<vmem_shared>>)
      tpu.yield
    }) : () -> ()
    %barrier3A = arith.constant 0 : index
    tpu.barrier barrier_id(%barrier3A)
    %run_scoped3A = arith.constant 0 : i32
    %run_scoped3A_5 = arith.constant 0 : i32
    "tpu.region"() ({
      %run_scoped3A_61 = tpu.sem_alloc : memref<!tpu.dma_semaphore, #tpu.memory_space<semaphore_mem>>
      %dma_start3A_62 = arith.constant 0 : i32
      %dma_start3A_63 = tpu.memref_slice %arg8[%run_scoped3A_5, %dma_start3A_62] : memref<3x128xi32, #tpu.memory_space<vmem>> -> memref<1x128xi32, #tpu.memory_space<vmem>>
      %dma_start3A_64 = tpu.memref_squeeze %dma_start3A_63 : memref<1x128xi32, #tpu.memory_space<vmem>> -> memref<128xi32, #tpu.memory_space<vmem>>
      %dma_start3A_65 = arith.constant 0 : i32
      %dma_start3A_66 = tpu.memref_slice %arg3[%add3A, %run_scoped3A, %dma_start3A_65] : memref<32x81x128xi32, #tpu.memory_space<hbm>> -> memref<1x1x128xi32, #tpu.memory_space<hbm>>
      %dma_start3A_67 = tpu.memref_squeeze %dma_start3A_66 : memref<1x1x128xi32, #tpu.memory_space<hbm>> -> memref<128xi32, #tpu.memory_space<hbm>>
      %dma_start3A_68 = arith.constant 0 : i32
      %dma_start3A_69 = tpu.memref_slice %arg8[%run_scoped3A_5, %dma_start3A_68] : memref<3x128xi32, #tpu.memory_space<vmem>> -> memref<1x128xi32, #tpu.memory_space<vmem>>
      %dma_start3A_70 = tpu.memref_squeeze %dma_start3A_69 : memref<1x128xi32, #tpu.memory_space<vmem>> -> memref<128xi32, #tpu.memory_space<vmem>>
      %dma_start3A_71 = arith.constant 0 : i32
      %dma_start3A_72 = tpu.memref_slice %arg3[%add3A, %run_scoped3A, %dma_start3A_71] : memref<32x81x128xi32, #tpu.memory_space<hbm>> -> memref<1x1x128xi32, #tpu.memory_space<hbm>>
      %dma_start3A_73 = tpu.memref_squeeze %dma_start3A_72 : memref<1x1x128xi32, #tpu.memory_space<hbm>> -> memref<128xi32, #tpu.memory_space<hbm>>
      tpu.enqueue_dma source(%dma_start3A_73 : memref<128xi32, #tpu.memory_space<hbm>>) target(%dma_start3A_70 : memref<128xi32, #tpu.memory_space<vmem>>) target_semaphore(%run_scoped3A_61 : memref<!tpu.dma_semaphore, #tpu.memory_space<semaphore_mem>>)
      %dma_wait3A = arith.constant 0 : i32
      %dma_wait3A_74 = tpu.memref_slice %arg8[%run_scoped3A_5, %dma_wait3A] : memref<3x128xi32, #tpu.memory_space<vmem>> -> memref<1x128xi32, #tpu.memory_space<vmem>>
      %dma_wait3A_75 = tpu.memref_squeeze %dma_wait3A_74 : memref<1x128xi32, #tpu.memory_space<vmem>> -> memref<128xi32, #tpu.memory_space<vmem>>
      %dma_wait3A_76 = arith.constant 0 : i32
      %dma_wait3A_77 = tpu.memref_slice %arg3[%add3A, %run_scoped3A, %dma_wait3A_76] : memref<32x81x128xi32, #tpu.memory_space<hbm>> -> memref<1x1x128xi32, #tpu.memory_space<hbm>>
      %dma_wait3A_78 = tpu.memref_squeeze %dma_wait3A_77 : memref<1x1x128xi32, #tpu.memory_space<hbm>> -> memref<128xi32, #tpu.memory_space<hbm>>
      %dma_wait3A_79 = arith.constant 0 : i32
      %dma_wait3A_80 = tpu.memref_slice %arg8[%run_scoped3A_5, %dma_wait3A_79] : memref<3x128xi32, #tpu.memory_space<vmem>> -> memref<1x128xi32, #tpu.memory_space<vmem>>
      %dma_wait3A_81 = tpu.memref_squeeze %dma_wait3A_80 : memref<1x128xi32, #tpu.memory_space<vmem>> -> memref<128xi32, #tpu.memory_space<vmem>>
      %dma_wait3A_82 = arith.constant 0 : i32
      %dma_wait3A_83 = tpu.memref_slice %arg3[%add3A, %run_scoped3A, %dma_wait3A_82] : memref<32x81x128xi32, #tpu.memory_space<hbm>> -> memref<1x1x128xi32, #tpu.memory_space<hbm>>
      %dma_wait3A_84 = tpu.memref_squeeze %dma_wait3A_83 : memref<1x1x128xi32, #tpu.memory_space<hbm>> -> memref<128xi32, #tpu.memory_space<hbm>>
      tpu.wait_dma2 semaphore(%run_scoped3A_61 : memref<!tpu.dma_semaphore, #tpu.memory_space<semaphore_mem>>) src(%dma_wait3A_84 : memref<128xi32, #tpu.memory_space<hbm>>) dst(%dma_wait3A_81 : memref<128xi32, #tpu.memory_space<vmem>>)
      tpu.yield
    }) : () -> ()
    %run_scoped3A_6 = arith.constant 0 : i32
    %run_scoped3A_7 = arith.constant 0 : i32
    "tpu.region"() ({
      %run_scoped3A_61 = tpu.sem_alloc : memref<!tpu.dma_semaphore, #tpu.memory_space<semaphore_mem>>
      %dma_start3A_62 = arith.constant 0 : i32
      %dma_start3A_63 = tpu.memref_slice %arg9[%run_scoped3A_7, %dma_start3A_62] : memref<3x128xi32, #tpu.memory_space<vmem>> -> memref<1x128xi32, #tpu.memory_space<vmem>>
      %dma_start3A_64 = tpu.memref_squeeze %dma_start3A_63 : memref<1x128xi32, #tpu.memory_space<vmem>> -> memref<128xi32, #tpu.memory_space<vmem>>
      %dma_start3A_65 = arith.constant 0 : i32
      %dma_start3A_66 = tpu.memref_slice %arg4[%add3A, %run_scoped3A_6, %dma_start3A_65] : memref<32x81x128xi32, #tpu.memory_space<hbm>> -> memref<1x1x128xi32, #tpu.memory_space<hbm>>
      %dma_start3A_67 = tpu.memref_squeeze %dma_start3A_66 : memref<1x1x128xi32, #tpu.memory_space<hbm>> -> memref<128xi32, #tpu.memory_space<hbm>>
      %dma_start3A_68 = arith.constant 0 : i32
      %dma_start3A_69 = tpu.memref_slice %arg9[%run_scoped3A_7, %dma_start3A_68] : memref<3x128xi32, #tpu.memory_space<vmem>> -> memref<1x128xi32, #tpu.memory_space<vmem>>
      %dma_start3A_70 = tpu.memref_squeeze %dma_start3A_69 : memref<1x128xi32, #tpu.memory_space<vmem>> -> memref<128xi32, #tpu.memory_space<vmem>>
      %dma_start3A_71 = arith.constant 0 : i32
      %dma_start3A_72 = tpu.memref_slice %arg4[%add3A, %run_scoped3A_6, %dma_start3A_71] : memref<32x81x128xi32, #tpu.memory_space<hbm>> -> memref<1x1x128xi32, #tpu.memory_space<hbm>>
      %dma_start3A_73 = tpu.memref_squeeze %dma_start3A_72 : memref<1x1x128xi32, #tpu.memory_space<hbm>> -> memref<128xi32, #tpu.memory_space<hbm>>
      tpu.enqueue_dma source(%dma_start3A_73 : memref<128xi32, #tpu.memory_space<hbm>>) target(%dma_start3A_70 : memref<128xi32, #tpu.memory_space<vmem>>) target_semaphore(%run_scoped3A_61 : memref<!tpu.dma_semaphore, #tpu.memory_space<semaphore_mem>>)
      %dma_wait3A = arith.constant 0 : i32
      %dma_wait3A_74 = tpu.memref_slice %arg9[%run_scoped3A_7, %dma_wait3A] : memref<3x128xi32, #tpu.memory_space<vmem>> -> memref<1x128xi32, #tpu.memory_space<vmem>>
      %dma_wait3A_75 = tpu.memref_squeeze %dma_wait3A_74 : memref<1x128xi32, #tpu.memory_space<vmem>> -> memref<128xi32, #tpu.memory_space<vmem>>
      %dma_wait3A_76 = arith.constant 0 : i32
      %dma_wait3A_77 = tpu.memref_slice %arg4[%add3A, %run_scoped3A_6, %dma_wait3A_76] : memref<32x81x128xi32, #tpu.memory_space<hbm>> -> memref<1x1x128xi32, #tpu.memory_space<hbm>>
      %dma_wait3A_78 = tpu.memref_squeeze %dma_wait3A_77 : memref<1x1x128xi32, #tpu.memory_space<hbm>> -> memref<128xi32, #tpu.memory_space<hbm>>
      %dma_wait3A_79 = arith.constant 0 : i32
      %dma_wait3A_80 = tpu.memref_slice %arg9[%run_scoped3A_7, %dma_wait3A_79] : memref<3x128xi32, #tpu.memory_space<vmem>> -> memref<1x128xi32, #tpu.memory_space<vmem>>
      %dma_wait3A_81 = tpu.memref_squeeze %dma_wait3A_80 : memref<1x128xi32, #tpu.memory_space<vmem>> -> memref<128xi32, #tpu.memory_space<vmem>>
      %dma_wait3A_82 = arith.constant 0 : i32
      %dma_wait3A_83 = tpu.memref_slice %arg4[%add3A, %run_scoped3A_6, %dma_wait3A_82] : memref<32x81x128xi32, #tpu.memory_space<hbm>> -> memref<1x1x128xi32, #tpu.memory_space<hbm>>
      %dma_wait3A_84 = tpu.memref_squeeze %dma_wait3A_83 : memref<1x1x128xi32, #tpu.memory_space<hbm>> -> memref<128xi32, #tpu.memory_space<hbm>>
      tpu.wait_dma2 semaphore(%run_scoped3A_61 : memref<!tpu.dma_semaphore, #tpu.memory_space<semaphore_mem>>) src(%dma_wait3A_84 : memref<128xi32, #tpu.memory_space<hbm>>) dst(%dma_wait3A_81 : memref<128xi32, #tpu.memory_space<vmem>>)
      tpu.yield
    }) : () -> ()
    %dma_start3A = arith.constant 0 : i32
    %dma_start3A_8 = arith.constant 0 : i32
    %dma_start3A_9 = arith.constant 0 : i32
    %dma_start3A_10 = arith.constant 0 : i32
    %dma_start3A_11 = tpu.memref_slice %arg10[%dma_start3A_8, %dma_start3A_9, %dma_start3A_10] : memref<3x128x128xf32, #tpu.memory_space<vmem>> -> memref<1x128x128xf32, #tpu.memory_space<vmem>>
    %dma_start3A_12 = tpu.memref_squeeze %dma_start3A_11 : memref<1x128x128xf32, #tpu.memory_space<vmem>> -> memref<128x128xf32, #tpu.memory_space<vmem>>
    %dma_start3A_13 = arith.constant 0 : i32
    %dma_start3A_14 = tpu.memref_slice %arg8[%dma_start3A, %dma_start3A_13] : memref<3x128xi32, #tpu.memory_space<vmem>> -> memref<1x128xi32, #tpu.memory_space<vmem>>
    %dma_start3A_15 = tpu.memref_squeeze %dma_start3A_14 : memref<1x128xi32, #tpu.memory_space<vmem>> -> memref<128xi32, #tpu.memory_space<vmem>>
    %dma_start3A_16 = arith.constant 0 : i32
    %dma_start3A_17 = arith.constant 0 : i32
    %dma_start3A_18 = tpu.memref_slice %arg2[%dma_start3A_16, %dma_start3A_17] : memref<10000x128xf32, #tpu.memory_space<hbm>> -> memref<10000x128xf32, #tpu.memory_space<hbm>>
    tpu.enqueue_indirect_dma source(%dma_start3A_18 : memref<10000x128xf32, #tpu.memory_space<hbm>>) target(%dma_start3A_12 : memref<128x128xf32, #tpu.memory_space<vmem>>) offsets(%dma_start3A_15 : memref<128xi32, #tpu.memory_space<vmem>>) semaphore(%arg11 : memref<!tpu.dma_semaphore, #tpu.memory_space<semaphore_mem>>)
    %run_scoped3A_19 = arith.constant 1 : i32
    %run_scoped3A_20 = arith.constant 1 : i32
    "tpu.region"() ({
      %run_scoped3A_61 = tpu.sem_alloc : memref<!tpu.dma_semaphore, #tpu.memory_space<semaphore_mem>>
      %dma_start3A_62 = arith.constant 0 : i32
      %dma_start3A_63 = tpu.memref_slice %arg8[%run_scoped3A_20, %dma_start3A_62] : memref<3x128xi32, #tpu.memory_space<vmem>> -> memref<1x128xi32, #tpu.memory_space<vmem>>
      %dma_start3A_64 = tpu.memref_squeeze %dma_start3A_63 : memref<1x128xi32, #tpu.memory_space<vmem>> -> memref<128xi32, #tpu.memory_space<vmem>>
      %dma_start3A_65 = arith.constant 0 : i32
      %dma_start3A_66 = tpu.memref_slice %arg3[%add3A, %run_scoped3A_19, %dma_start3A_65] : memref<32x81x128xi32, #tpu.memory_space<hbm>> -> memref<1x1x128xi32, #tpu.memory_space<hbm>>
      %dma_start3A_67 = tpu.memref_squeeze %dma_start3A_66 : memref<1x1x128xi32, #tpu.memory_space<hbm>> -> memref<128xi32, #tpu.memory_space<hbm>>
      %dma_start3A_68 = arith.constant 0 : i32
      %dma_start3A_69 = tpu.memref_slice %arg8[%run_scoped3A_20, %dma_start3A_68] : memref<3x128xi32, #tpu.memory_space<vmem>> -> memref<1x128xi32, #tpu.memory_space<vmem>>
      %dma_start3A_70 = tpu.memref_squeeze %dma_start3A_69 : memref<1x128xi32, #tpu.memory_space<vmem>> -> memref<128xi32, #tpu.memory_space<vmem>>
      %dma_start3A_71 = arith.constant 0 : i32
      %dma_start3A_72 = tpu.memref_slice %arg3[%add3A, %run_scoped3A_19, %dma_start3A_71] : memref<32x81x128xi32, #tpu.memory_space<hbm>> -> memref<1x1x128xi32, #tpu.memory_space<hbm>>
      %dma_start3A_73 = tpu.memref_squeeze %dma_start3A_72 : memref<1x1x128xi32, #tpu.memory_space<hbm>> -> memref<128xi32, #tpu.memory_space<hbm>>
      tpu.enqueue_dma source(%dma_start3A_73 : memref<128xi32, #tpu.memory_space<hbm>>) target(%dma_start3A_70 : memref<128xi32, #tpu.memory_space<vmem>>) target_semaphore(%run_scoped3A_61 : memref<!tpu.dma_semaphore, #tpu.memory_space<semaphore_mem>>)
      %dma_wait3A = arith.constant 0 : i32
      %dma_wait3A_74 = tpu.memref_slice %arg8[%run_scoped3A_20, %dma_wait3A] : memref<3x128xi32, #tpu.memory_space<vmem>> -> memref<1x128xi32, #tpu.memory_space<vmem>>
      %dma_wait3A_75 = tpu.memref_squeeze %dma_wait3A_74 : memref<1x128xi32, #tpu.memory_space<vmem>> -> memref<128xi32, #tpu.memory_space<vmem>>
      %dma_wait3A_76 = arith.constant 0 : i32
      %dma_wait3A_77 = tpu.memref_slice %arg3[%add3A, %run_scoped3A_19, %dma_wait3A_76] : memref<32x81x128xi32, #tpu.memory_space<hbm>> -> memref<1x1x128xi32, #tpu.memory_space<hbm>>
      %dma_wait3A_78 = tpu.memref_squeeze %dma_wait3A_77 : memref<1x1x128xi32, #tpu.memory_space<hbm>> -> memref<128xi32, #tpu.memory_space<hbm>>
      %dma_wait3A_79 = arith.constant 0 : i32
      %dma_wait3A_80 = tpu.memref_slice %arg8[%run_scoped3A_20, %dma_wait3A_79] : memref<3x128xi32, #tpu.memory_space<vmem>> -> memref<1x128xi32, #tpu.memory_space<vmem>>
      %dma_wait3A_81 = tpu.memref_squeeze %dma_wait3A_80 : memref<1x128xi32, #tpu.memory_space<vmem>> -> memref<128xi32, #tpu.memory_space<vmem>>
      %dma_wait3A_82 = arith.constant 0 : i32
      %dma_wait3A_83 = tpu.memref_slice %arg3[%add3A, %run_scoped3A_19, %dma_wait3A_82] : memref<32x81x128xi32, #tpu.memory_space<hbm>> -> memref<1x1x128xi32, #tpu.memory_space<hbm>>
      %dma_wait3A_84 = tpu.memref_squeeze %dma_wait3A_83 : memref<1x1x128xi32, #tpu.memory_space<hbm>> -> memref<128xi32, #tpu.memory_space<hbm>>
      tpu.wait_dma2 semaphore(%run_scoped3A_61 : memref<!tpu.dma_semaphore, #tpu.memory_space<semaphore_mem>>) src(%dma_wait3A_84 : memref<128xi32, #tpu.memory_space<hbm>>) dst(%dma_wait3A_81 : memref<128xi32, #tpu.memory_space<vmem>>)
      tpu.yield
    }) : () -> ()
    %run_scoped3A_21 = arith.constant 1 : i32
    %run_scoped3A_22 = arith.constant 1 : i32
    "tpu.region"() ({
      %run_scoped3A_61 = tpu.sem_alloc : memref<!tpu.dma_semaphore, #tpu.memory_space<semaphore_mem>>
      %dma_start3A_62 = arith.constant 0 : i32
      %dma_start3A_63 = tpu.memref_slice %arg9[%run_scoped3A_22, %dma_start3A_62] : memref<3x128xi32, #tpu.memory_space<vmem>> -> memref<1x128xi32, #tpu.memory_space<vmem>>
      %dma_start3A_64 = tpu.memref_squeeze %dma_start3A_63 : memref<1x128xi32, #tpu.memory_space<vmem>> -> memref<128xi32, #tpu.memory_space<vmem>>
      %dma_start3A_65 = arith.constant 0 : i32
      %dma_start3A_66 = tpu.memref_slice %arg4[%add3A, %run_scoped3A_21, %dma_start3A_65] : memref<32x81x128xi32, #tpu.memory_space<hbm>> -> memref<1x1x128xi32, #tpu.memory_space<hbm>>
      %dma_start3A_67 = tpu.memref_squeeze %dma_start3A_66 : memref<1x1x128xi32, #tpu.memory_space<hbm>> -> memref<128xi32, #tpu.memory_space<hbm>>
      %dma_start3A_68 = arith.constant 0 : i32
      %dma_start3A_69 = tpu.memref_slice %arg9[%run_scoped3A_22, %dma_start3A_68] : memref<3x128xi32, #tpu.memory_space<vmem>> -> memref<1x128xi32, #tpu.memory_space<vmem>>
      %dma_start3A_70 = tpu.memref_squeeze %dma_start3A_69 : memref<1x128xi32, #tpu.memory_space<vmem>> -> memref<128xi32, #tpu.memory_space<vmem>>
      %dma_start3A_71 = arith.constant 0 : i32
      %dma_start3A_72 = tpu.memref_slice %arg4[%add3A, %run_scoped3A_21, %dma_start3A_71] : memref<32x81x128xi32, #tpu.memory_space<hbm>> -> memref<1x1x128xi32, #tpu.memory_space<hbm>>
      %dma_start3A_73 = tpu.memref_squeeze %dma_start3A_72 : memref<1x1x128xi32, #tpu.memory_space<hbm>> -> memref<128xi32, #tpu.memory_space<hbm>>
      tpu.enqueue_dma source(%dma_start3A_73 : memref<128xi32, #tpu.memory_space<hbm>>) target(%dma_start3A_70 : memref<128xi32, #tpu.memory_space<vmem>>) target_semaphore(%run_scoped3A_61 : memref<!tpu.dma_semaphore, #tpu.memory_space<semaphore_mem>>)
      %dma_wait3A = arith.constant 0 : i32
      %dma_wait3A_74 = tpu.memref_slice %arg9[%run_scoped3A_22, %dma_wait3A] : memref<3x128xi32, #tpu.memory_space<vmem>> -> memref<1x128xi32, #tpu.memory_space<vmem>>
      %dma_wait3A_75 = tpu.memref_squeeze %dma_wait3A_74 : memref<1x128xi32, #tpu.memory_space<vmem>> -> memref<128xi32, #tpu.memory_space<vmem>>
      %dma_wait3A_76 = arith.constant 0 : i32
      %dma_wait3A_77 = tpu.memref_slice %arg4[%add3A, %run_scoped3A_21, %dma_wait3A_76] : memref<32x81x128xi32, #tpu.memory_space<hbm>> -> memref<1x1x128xi32, #tpu.memory_space<hbm>>
      %dma_wait3A_78 = tpu.memref_squeeze %dma_wait3A_77 : memref<1x1x128xi32, #tpu.memory_space<hbm>> -> memref<128xi32, #tpu.memory_space<hbm>>
      %dma_wait3A_79 = arith.constant 0 : i32
      %dma_wait3A_80 = tpu.memref_slice %arg9[%run_scoped3A_22, %dma_wait3A_79] : memref<3x128xi32, #tpu.memory_space<vmem>> -> memref<1x128xi32, #tpu.memory_space<vmem>>
      %dma_wait3A_81 = tpu.memref_squeeze %dma_wait3A_80 : memref<1x128xi32, #tpu.memory_space<vmem>> -> memref<128xi32, #tpu.memory_space<vmem>>
      %dma_wait3A_82 = arith.constant 0 : i32
      %dma_wait3A_83 = tpu.memref_slice %arg4[%add3A, %run_scoped3A_21, %dma_wait3A_82] : memref<32x81x128xi32, #tpu.memory_space<hbm>> -> memref<1x1x128xi32, #tpu.memory_space<hbm>>
      %dma_wait3A_84 = tpu.memref_squeeze %dma_wait3A_83 : memref<1x1x128xi32, #tpu.memory_space<hbm>> -> memref<128xi32, #tpu.memory_space<hbm>>
      tpu.wait_dma2 semaphore(%run_scoped3A_61 : memref<!tpu.dma_semaphore, #tpu.memory_space<semaphore_mem>>) src(%dma_wait3A_84 : memref<128xi32, #tpu.memory_space<hbm>>) dst(%dma_wait3A_81 : memref<128xi32, #tpu.memory_space<vmem>>)
      tpu.yield
    }) : () -> ()
    %dma_start3A_23 = arith.constant 1 : i32
    %dma_start3A_24 = arith.constant 1 : i32
    %dma_start3A_25 = arith.constant 0 : i32
    %dma_start3A_26 = arith.constant 0 : i32
    %dma_start3A_27 = tpu.memref_slice %arg10[%dma_start3A_24, %dma_start3A_25, %dma_start3A_26] : memref<3x128x128xf32, #tpu.memory_space<vmem>> -> memref<1x128x128xf32, #tpu.memory_space<vmem>>
    %dma_start3A_28 = tpu.memref_squeeze %dma_start3A_27 : memref<1x128x128xf32, #tpu.memory_space<vmem>> -> memref<128x128xf32, #tpu.memory_space<vmem>>
    %dma_start3A_29 = arith.constant 0 : i32
    %dma_start3A_30 = tpu.memref_slice %arg8[%dma_start3A_23, %dma_start3A_29] : memref<3x128xi32, #tpu.memory_space<vmem>> -> memref<1x128xi32, #tpu.memory_space<vmem>>
    %dma_start3A_31 = tpu.memref_squeeze %dma_start3A_30 : memref<1x128xi32, #tpu.memory_space<vmem>> -> memref<128xi32, #tpu.memory_space<vmem>>
    %dma_start3A_32 = arith.constant 0 : i32
    %dma_start3A_33 = arith.constant 0 : i32
    %dma_start3A_34 = tpu.memref_slice %arg2[%dma_start3A_32, %dma_start3A_33] : memref<10000x128xf32, #tpu.memory_space<hbm>> -> memref<10000x128xf32, #tpu.memory_space<hbm>>
    tpu.enqueue_indirect_dma source(%dma_start3A_34 : memref<10000x128xf32, #tpu.memory_space<hbm>>) target(%dma_start3A_28 : memref<128x128xf32, #tpu.memory_space<vmem>>) offsets(%dma_start3A_31 : memref<128xi32, #tpu.memory_space<vmem>>) semaphore(%arg12 : memref<!tpu.dma_semaphore, #tpu.memory_space<semaphore_mem>>)
    %run_scoped3A_35 = arith.constant 2 : i32
    %run_scoped3A_36 = arith.constant 2 : i32
    "tpu.region"() ({
      %run_scoped3A_61 = tpu.sem_alloc : memref<!tpu.dma_semaphore, #tpu.memory_space<semaphore_mem>>
      %dma_start3A_62 = arith.constant 0 : i32
      %dma_start3A_63 = tpu.memref_slice %arg8[%run_scoped3A_36, %dma_start3A_62] : memref<3x128xi32, #tpu.memory_space<vmem>> -> memref<1x128xi32, #tpu.memory_space<vmem>>
      %dma_start3A_64 = tpu.memref_squeeze %dma_start3A_63 : memref<1x128xi32, #tpu.memory_space<vmem>> -> memref<128xi32, #tpu.memory_space<vmem>>
      %dma_start3A_65 = arith.constant 0 : i32
      %dma_start3A_66 = tpu.memref_slice %arg3[%add3A, %run_scoped3A_35, %dma_start3A_65] : memref<32x81x128xi32, #tpu.memory_space<hbm>> -> memref<1x1x128xi32, #tpu.memory_space<hbm>>
      %dma_start3A_67 = tpu.memref_squeeze %dma_start3A_66 : memref<1x1x128xi32, #tpu.memory_space<hbm>> -> memref<128xi32, #tpu.memory_space<hbm>>
      %dma_start3A_68 = arith.constant 0 : i32
      %dma_start3A_69 = tpu.memref_slice %arg8[%run_scoped3A_36, %dma_start3A_68] : memref<3x128xi32, #tpu.memory_space<vmem>> -> memref<1x128xi32, #tpu.memory_space<vmem>>
      %dma_start3A_70 = tpu.memref_squeeze %dma_start3A_69 : memref<1x128xi32, #tpu.memory_space<vmem>> -> memref<128xi32, #tpu.memory_space<vmem>>
      %dma_start3A_71 = arith.constant 0 : i32
      %dma_start3A_72 = tpu.memref_slice %arg3[%add3A, %run_scoped3A_35, %dma_start3A_71] : memref<32x81x128xi32, #tpu.memory_space<hbm>> -> memref<1x1x128xi32, #tpu.memory_space<hbm>>
      %dma_start3A_73 = tpu.memref_squeeze %dma_start3A_72 : memref<1x1x128xi32, #tpu.memory_space<hbm>> -> memref<128xi32, #tpu.memory_space<hbm>>
      tpu.enqueue_dma source(%dma_start3A_73 : memref<128xi32, #tpu.memory_space<hbm>>) target(%dma_start3A_70 : memref<128xi32, #tpu.memory_space<vmem>>) target_semaphore(%run_scoped3A_61 : memref<!tpu.dma_semaphore, #tpu.memory_space<semaphore_mem>>)
      %dma_wait3A = arith.constant 0 : i32
      %dma_wait3A_74 = tpu.memref_slice %arg8[%run_scoped3A_36, %dma_wait3A] : memref<3x128xi32, #tpu.memory_space<vmem>> -> memref<1x128xi32, #tpu.memory_space<vmem>>
      %dma_wait3A_75 = tpu.memref_squeeze %dma_wait3A_74 : memref<1x128xi32, #tpu.memory_space<vmem>> -> memref<128xi32, #tpu.memory_space<vmem>>
      %dma_wait3A_76 = arith.constant 0 : i32
      %dma_wait3A_77 = tpu.memref_slice %arg3[%add3A, %run_scoped3A_35, %dma_wait3A_76] : memref<32x81x128xi32, #tpu.memory_space<hbm>> -> memref<1x1x128xi32, #tpu.memory_space<hbm>>
      %dma_wait3A_78 = tpu.memref_squeeze %dma_wait3A_77 : memref<1x1x128xi32, #tpu.memory_space<hbm>> -> memref<128xi32, #tpu.memory_space<hbm>>
      %dma_wait3A_79 = arith.constant 0 : i32
      %dma_wait3A_80 = tpu.memref_slice %arg8[%run_scoped3A_36, %dma_wait3A_79] : memref<3x128xi32, #tpu.memory_space<vmem>> -> memref<1x128xi32, #tpu.memory_space<vmem>>
      %dma_wait3A_81 = tpu.memref_squeeze %dma_wait3A_80 : memref<1x128xi32, #tpu.memory_space<vmem>> -> memref<128xi32, #tpu.memory_space<vmem>>
      %dma_wait3A_82 = arith.constant 0 : i32
      %dma_wait3A_83 = tpu.memref_slice %arg3[%add3A, %run_scoped3A_35, %dma_wait3A_82] : memref<32x81x128xi32, #tpu.memory_space<hbm>> -> memref<1x1x128xi32, #tpu.memory_space<hbm>>
      %dma_wait3A_84 = tpu.memref_squeeze %dma_wait3A_83 : memref<1x1x128xi32, #tpu.memory_space<hbm>> -> memref<128xi32, #tpu.memory_space<hbm>>
      tpu.wait_dma2 semaphore(%run_scoped3A_61 : memref<!tpu.dma_semaphore, #tpu.memory_space<semaphore_mem>>) src(%dma_wait3A_84 : memref<128xi32, #tpu.memory_space<hbm>>) dst(%dma_wait3A_81 : memref<128xi32, #tpu.memory_space<vmem>>)
      tpu.yield
    }) : () -> ()
    %run_scoped3A_37 = arith.constant 2 : i32
    %run_scoped3A_38 = arith.constant 2 : i32
    "tpu.region"() ({
      %run_scoped3A_61 = tpu.sem_alloc : memref<!tpu.dma_semaphore, #tpu.memory_space<semaphore_mem>>
      %dma_start3A_62 = arith.constant 0 : i32
      %dma_start3A_63 = tpu.memref_slice %arg9[%run_scoped3A_38, %dma_start3A_62] : memref<3x128xi32, #tpu.memory_space<vmem>> -> memref<1x128xi32, #tpu.memory_space<vmem>>
      %dma_start3A_64 = tpu.memref_squeeze %dma_start3A_63 : memref<1x128xi32, #tpu.memory_space<vmem>> -> memref<128xi32, #tpu.memory_space<vmem>>
      %dma_start3A_65 = arith.constant 0 : i32
      %dma_start3A_66 = tpu.memref_slice %arg4[%add3A, %run_scoped3A_37, %dma_start3A_65] : memref<32x81x128xi32, #tpu.memory_space<hbm>> -> memref<1x1x128xi32, #tpu.memory_space<hbm>>
      %dma_start3A_67 = tpu.memref_squeeze %dma_start3A_66 : memref<1x1x128xi32, #tpu.memory_space<hbm>> -> memref<128xi32, #tpu.memory_space<hbm>>
      %dma_start3A_68 = arith.constant 0 : i32
      %dma_start3A_69 = tpu.memref_slice %arg9[%run_scoped3A_38, %dma_start3A_68] : memref<3x128xi32, #tpu.memory_space<vmem>> -> memref<1x128xi32, #tpu.memory_space<vmem>>
      %dma_start3A_70 = tpu.memref_squeeze %dma_start3A_69 : memref<1x128xi32, #tpu.memory_space<vmem>> -> memref<128xi32, #tpu.memory_space<vmem>>
      %dma_start3A_71 = arith.constant 0 : i32
      %dma_start3A_72 = tpu.memref_slice %arg4[%add3A, %run_scoped3A_37, %dma_start3A_71] : memref<32x81x128xi32, #tpu.memory_space<hbm>> -> memref<1x1x128xi32, #tpu.memory_space<hbm>>
      %dma_start3A_73 = tpu.memref_squeeze %dma_start3A_72 : memref<1x1x128xi32, #tpu.memory_space<hbm>> -> memref<128xi32, #tpu.memory_space<hbm>>
      tpu.enqueue_dma source(%dma_start3A_73 : memref<128xi32, #tpu.memory_space<hbm>>) target(%dma_start3A_70 : memref<128xi32, #tpu.memory_space<vmem>>) target_semaphore(%run_scoped3A_61 : memref<!tpu.dma_semaphore, #tpu.memory_space<semaphore_mem>>)
      %dma_wait3A = arith.constant 0 : i32
      %dma_wait3A_74 = tpu.memref_slice %arg9[%run_scoped3A_38, %dma_wait3A] : memref<3x128xi32, #tpu.memory_space<vmem>> -> memref<1x128xi32, #tpu.memory_space<vmem>>
      %dma_wait3A_75 = tpu.memref_squeeze %dma_wait3A_74 : memref<1x128xi32, #tpu.memory_space<vmem>> -> memref<128xi32, #tpu.memory_space<vmem>>
      %dma_wait3A_76 = arith.constant 0 : i32
      %dma_wait3A_77 = tpu.memref_slice %arg4[%add3A, %run_scoped3A_37, %dma_wait3A_76] : memref<32x81x128xi32, #tpu.memory_space<hbm>> -> memref<1x1x128xi32, #tpu.memory_space<hbm>>
      %dma_wait3A_78 = tpu.memref_squeeze %dma_wait3A_77 : memref<1x1x128xi32, #tpu.memory_space<hbm>> -> memref<128xi32, #tpu.memory_space<hbm>>
      %dma_wait3A_79 = arith.constant 0 : i32
      %dma_wait3A_80 = tpu.memref_slice %arg9[%run_scoped3A_38, %dma_wait3A_79] : memref<3x128xi32, #tpu.memory_space<vmem>> -> memref<1x128xi32, #tpu.memory_space<vmem>>
      %dma_wait3A_81 = tpu.memref_squeeze %dma_wait3A_80 : memref<1x128xi32, #tpu.memory_space<vmem>> -> memref<128xi32, #tpu.memory_space<vmem>>
      %dma_wait3A_82 = arith.constant 0 : i32
      %dma_wait3A_83 = tpu.memref_slice %arg4[%add3A, %run_scoped3A_37, %dma_wait3A_82] : memref<32x81x128xi32, #tpu.memory_space<hbm>> -> memref<1x1x128xi32, #tpu.memory_space<hbm>>
      %dma_wait3A_84 = tpu.memref_squeeze %dma_wait3A_83 : memref<1x1x128xi32, #tpu.memory_space<hbm>> -> memref<128xi32, #tpu.memory_space<hbm>>
      tpu.wait_dma2 semaphore(%run_scoped3A_61 : memref<!tpu.dma_semaphore, #tpu.memory_space<semaphore_mem>>) src(%dma_wait3A_84 : memref<128xi32, #tpu.memory_space<hbm>>) dst(%dma_wait3A_81 : memref<128xi32, #tpu.memory_space<vmem>>)
      tpu.yield
    }) : () -> ()
    %dma_start3A_39 = arith.constant 2 : i32
    %dma_start3A_40 = arith.constant 2 : i32
    %dma_start3A_41 = arith.constant 0 : i32
    %dma_start3A_42 = arith.constant 0 : i32
    %dma_start3A_43 = tpu.memref_slice %arg10[%dma_start3A_40, %dma_start3A_41, %dma_start3A_42] : memref<3x128x128xf32, #tpu.memory_space<vmem>> -> memref<1x128x128xf32, #tpu.memory_space<vmem>>
    %dma_start3A_44 = tpu.memref_squeeze %dma_start3A_43 : memref<1x128x128xf32, #tpu.memory_space<vmem>> -> memref<128x128xf32, #tpu.memory_space<vmem>>
    %dma_start3A_45 = arith.constant 0 : i32
    %dma_start3A_46 = tpu.memref_slice %arg8[%dma_start3A_39, %dma_start3A_45] : memref<3x128xi32, #tpu.memory_space<vmem>> -> memref<1x128xi32, #tpu.memory_space<vmem>>
    %dma_start3A_47 = tpu.memref_squeeze %dma_start3A_46 : memref<1x128xi32, #tpu.memory_space<vmem>> -> memref<128xi32, #tpu.memory_space<vmem>>
    %dma_start3A_48 = arith.constant 0 : i32
    %dma_start3A_49 = arith.constant 0 : i32
    %dma_start3A_50 = tpu.memref_slice %arg2[%dma_start3A_48, %dma_start3A_49] : memref<10000x128xf32, #tpu.memory_space<hbm>> -> memref<10000x128xf32, #tpu.memory_space<hbm>>
    tpu.enqueue_indirect_dma source(%dma_start3A_50 : memref<10000x128xf32, #tpu.memory_space<hbm>>) target(%dma_start3A_44 : memref<128x128xf32, #tpu.memory_space<vmem>>) offsets(%dma_start3A_47 : memref<128xi32, #tpu.memory_space<vmem>>) semaphore(%arg13 : memref<!tpu.dma_semaphore, #tpu.memory_space<semaphore_mem>>)
    %scan3A = arith.constant 0 : i32
    %scan3A_51 = arith.constant 0 : i32
    %scan3A_52 = arith.constant 27 : i32
    %scan3A_53 = arith.addi %scan3A_51, %scan3A_52 : i32
    %scan3A_54 = arith.constant 1 : i32
    scf.for %scan3A_61 = %scan3A_51 to %scan3A_53 step %scan3A_54  : i32 {
      %mul3A_62 = arith.constant 3 : i32
      %mul3A_63 = arith.muli %scan3A_61, %mul3A_62 : i32
      %add3A_64 = arith.constant 0 : i32
      %add3A_65 = arith.addi %mul3A_63, %add3A_64 : i32
      %dma_wait3A = arith.constant 0 : i32
      %dma_wait3A_66 = arith.constant 0 : i32
      %dma_wait3A_67 = arith.constant 0 : i32
      %dma_wait3A_68 = arith.constant 0 : i32
      %dma_wait3A_69 = tpu.memref_slice %arg10[%dma_wait3A_66, %dma_wait3A_67, %dma_wait3A_68] : memref<3x128x128xf32, #tpu.memory_space<vmem>> -> memref<1x128x128xf32, #tpu.memory_space<vmem>>
      %dma_wait3A_70 = tpu.memref_squeeze %dma_wait3A_69 : memref<1x128x128xf32, #tpu.memory_space<vmem>> -> memref<128x128xf32, #tpu.memory_space<vmem>>
      %dma_wait3A_71 = arith.constant 0 : i32
      %dma_wait3A_72 = tpu.memref_slice %arg8[%dma_wait3A, %dma_wait3A_71] : memref<3x128xi32, #tpu.memory_space<vmem>> -> memref<1x128xi32, #tpu.memory_space<vmem>>
      %dma_wait3A_73 = tpu.memref_squeeze %dma_wait3A_72 : memref<1x128xi32, #tpu.memory_space<vmem>> -> memref<128xi32, #tpu.memory_space<vmem>>
      %dma_wait3A_74 = arith.constant 0 : i32
      %dma_wait3A_75 = arith.constant 0 : i32
      %dma_wait3A_76 = tpu.memref_slice %arg2[%dma_wait3A_74, %dma_wait3A_75] : memref<10000x128xf32, #tpu.memory_space<hbm>> -> memref<10000x128xf32, #tpu.memory_space<hbm>>
      tpu.wait_indirect_dma semaphore(%arg11 : memref<!tpu.dma_semaphore, #tpu.memory_space<semaphore_mem>>) src(%dma_wait3A_76 : memref<10000x128xf32, #tpu.memory_space<hbm>>) dst(%dma_wait3A_70 : memref<128x128xf32, #tpu.memory_space<vmem>>)
      %run_scoped3A_77 = arith.constant 0 : i32
      %run_scoped3A_78 = arith.constant 0 : i32
      "tpu.region"() ({
        %run_scoped3A_129 = tpu.sem_alloc : memref<!tpu.dma_semaphore, #tpu.memory_space<semaphore_mem>>
        %dma_start3A_130 = arith.constant 0 : i32
        %dma_start3A_131 = arith.constant 0 : i32
        %dma_start3A_132 = tpu.memref_slice %arg10[%run_scoped3A_77, %dma_start3A_130, %dma_start3A_131] : memref<3x128x128xf32, #tpu.memory_space<vmem>> -> memref<1x128x128xf32, #tpu.memory_space<vmem>>
        %dma_start3A_133 = tpu.memref_squeeze %dma_start3A_132 : memref<1x128x128xf32, #tpu.memory_space<vmem>> -> memref<128x128xf32, #tpu.memory_space<vmem>>
        %dma_start3A_134 = arith.constant 0 : i32
        %dma_start3A_135 = tpu.memref_slice %arg9[%run_scoped3A_78, %dma_start3A_134] : memref<3x128xi32, #tpu.memory_space<vmem>> -> memref<1x128xi32, #tpu.memory_space<vmem>>
        %dma_start3A_136 = tpu.memref_squeeze %dma_start3A_135 : memref<1x128xi32, #tpu.memory_space<vmem>> -> memref<128xi32, #tpu.memory_space<vmem>>
        %dma_start3A_137 = arith.constant 0 : i32
        %dma_start3A_138 = arith.constant 0 : i32
        %dma_start3A_139 = tpu.memref_slice %arg7[%dma_start3A_137, %dma_start3A_138] : memref<10112x128xf32, #tpu.memory_space<vmem_shared>> -> memref<10112x128xf32, #tpu.memory_space<vmem_shared>>
        tpu.enqueue_indirect_dma source(%dma_start3A_133 : memref<128x128xf32, #tpu.memory_space<vmem>>) target(%dma_start3A_139 : memref<10112x128xf32, #tpu.memory_space<vmem_shared>>) offsets(%dma_start3A_136 : memref<128xi32, #tpu.memory_space<vmem>>) semaphore(%run_scoped3A_129 : memref<!tpu.dma_semaphore, #tpu.memory_space<semaphore_mem>>) {add = true}
        %dma_wait3A_140 = arith.constant 0 : i32
        %dma_wait3A_141 = arith.constant 0 : i32
        %dma_wait3A_142 = tpu.memref_slice %arg10[%run_scoped3A_77, %dma_wait3A_140, %dma_wait3A_141] : memref<3x128x128xf32, #tpu.memory_space<vmem>> -> memref<1x128x128xf32, #tpu.memory_space<vmem>>
        %dma_wait3A_143 = tpu.memref_squeeze %dma_wait3A_142 : memref<1x128x128xf32, #tpu.memory_space<vmem>> -> memref<128x128xf32, #tpu.memory_space<vmem>>
        %dma_wait3A_144 = arith.constant 0 : i32
        %dma_wait3A_145 = tpu.memref_slice %arg9[%run_scoped3A_78, %dma_wait3A_144] : memref<3x128xi32, #tpu.memory_space<vmem>> -> memref<1x128xi32, #tpu.memory_space<vmem>>
        %dma_wait3A_146 = tpu.memref_squeeze %dma_wait3A_145 : memref<1x128xi32, #tpu.memory_space<vmem>> -> memref<128xi32, #tpu.memory_space<vmem>>
        %dma_wait3A_147 = arith.constant 0 : i32
        %dma_wait3A_148 = arith.constant 0 : i32
        %dma_wait3A_149 = tpu.memref_slice %arg7[%dma_wait3A_147, %dma_wait3A_148] : memref<10112x128xf32, #tpu.memory_space<vmem_shared>> -> memref<10112x128xf32, #tpu.memory_space<vmem_shared>>
        tpu.wait_indirect_dma semaphore(%run_scoped3A_129 : memref<!tpu.dma_semaphore, #tpu.memory_space<semaphore_mem>>) src(%dma_wait3A_143 : memref<128x128xf32, #tpu.memory_space<vmem>>) dst(%dma_wait3A_149 : memref<10112x128xf32, #tpu.memory_space<vmem_shared>>)
        tpu.yield
      }) : () -> ()
      %add3A_79 = arith.constant 3 : i32
      %add3A_80 = arith.addi %add3A_65, %add3A_79 : i32
      %lt3A = arith.constant 81 : i32
      %lt3A_81 = arith.cmpi slt, %add3A_80, %lt3A : i32
      %convert_element_type3A = arith.extui %lt3A_81 : i1 to i32
      %cond3A = arith.constant 0 : i32
      %cond3A_82 = arith.cmpi ne, %convert_element_type3A, %cond3A : i32
      scf.if %cond3A_82 {
        %run_scoped3A_129 = arith.constant 0 : i32
        "tpu.region"() ({
          %run_scoped3A_143 = tpu.sem_alloc : memref<!tpu.dma_semaphore, #tpu.memory_space<semaphore_mem>>
          %dma_start3A_144 = arith.constant 0 : i32
          %dma_start3A_145 = tpu.memref_slice %arg8[%run_scoped3A_129, %dma_start3A_144] : memref<3x128xi32, #tpu.memory_space<vmem>> -> memref<1x128xi32, #tpu.memory_space<vmem>>
          %dma_start3A_146 = tpu.memref_squeeze %dma_start3A_145 : memref<1x128xi32, #tpu.memory_space<vmem>> -> memref<128xi32, #tpu.memory_space<vmem>>
          %dma_start3A_147 = arith.constant 0 : i32
          %dma_start3A_148 = tpu.memref_slice %arg3[%add3A, %add3A_80, %dma_start3A_147] : memref<32x81x128xi32, #tpu.memory_space<hbm>> -> memref<1x1x128xi32, #tpu.memory_space<hbm>>
          %dma_start3A_149 = tpu.memref_squeeze %dma_start3A_148 : memref<1x1x128xi32, #tpu.memory_space<hbm>> -> memref<128xi32, #tpu.memory_space<hbm>>
          %dma_start3A_150 = arith.constant 0 : i32
          %dma_start3A_151 = tpu.memref_slice %arg8[%run_scoped3A_129, %dma_start3A_150] : memref<3x128xi32, #tpu.memory_space<vmem>> -> memref<1x128xi32, #tpu.memory_space<vmem>>
          %dma_start3A_152 = tpu.memref_squeeze %dma_start3A_151 : memref<1x128xi32, #tpu.memory_space<vmem>> -> memref<128xi32, #tpu.memory_space<vmem>>
          %dma_start3A_153 = arith.constant 0 : i32
          %dma_start3A_154 = tpu.memref_slice %arg3[%add3A, %add3A_80, %dma_start3A_153] : memref<32x81x128xi32, #tpu.memory_space<hbm>> -> memref<1x1x128xi32, #tpu.memory_space<hbm>>
          %dma_start3A_155 = tpu.memref_squeeze %dma_start3A_154 : memref<1x1x128xi32, #tpu.memory_space<hbm>> -> memref<128xi32, #tpu.memory_space<hbm>>
          tpu.enqueue_dma source(%dma_start3A_155 : memref<128xi32, #tpu.memory_space<hbm>>) target(%dma_start3A_152 : memref<128xi32, #tpu.memory_space<vmem>>) target_semaphore(%run_scoped3A_143 : memref<!tpu.dma_semaphore, #tpu.memory_space<semaphore_mem>>)
          %dma_wait3A_156 = arith.constant 0 : i32
          %dma_wait3A_157 = tpu.memref_slice %arg8[%run_scoped3A_129, %dma_wait3A_156] : memref<3x128xi32, #tpu.memory_space<vmem>> -> memref<1x128xi32, #tpu.memory_space<vmem>>
          %dma_wait3A_158 = tpu.memref_squeeze %dma_wait3A_157 : memref<1x128xi32, #tpu.memory_space<vmem>> -> memref<128xi32, #tpu.memory_space<vmem>>
          %dma_wait3A_159 = arith.constant 0 : i32
          %dma_wait3A_160 = tpu.memref_slice %arg3[%add3A, %add3A_80, %dma_wait3A_159] : memref<32x81x128xi32, #tpu.memory_space<hbm>> -> memref<1x1x128xi32, #tpu.memory_space<hbm>>
          %dma_wait3A_161 = tpu.memref_squeeze %dma_wait3A_160 : memref<1x1x128xi32, #tpu.memory_space<hbm>> -> memref<128xi32, #tpu.memory_space<hbm>>
          %dma_wait3A_162 = arith.constant 0 : i32
          %dma_wait3A_163 = tpu.memref_slice %arg8[%run_scoped3A_129, %dma_wait3A_162] : memref<3x128xi32, #tpu.memory_space<vmem>> -> memref<1x128xi32, #tpu.memory_space<vmem>>
          %dma_wait3A_164 = tpu.memref_squeeze %dma_wait3A_163 : memref<1x128xi32, #tpu.memory_space<vmem>> -> memref<128xi32, #tpu.memory_space<vmem>>
          %dma_wait3A_165 = arith.constant 0 : i32
          %dma_wait3A_166 = tpu.memref_slice %arg3[%add3A, %add3A_80, %dma_wait3A_165] : memref<32x81x128xi32, #tpu.memory_space<hbm>> -> memref<1x1x128xi32, #tpu.memory_space<hbm>>
          %dma_wait3A_167 = tpu.memref_squeeze %dma_wait3A_166 : memref<1x1x128xi32, #tpu.memory_space<hbm>> -> memref<128xi32, #tpu.memory_space<hbm>>
          tpu.wait_dma2 semaphore(%run_scoped3A_143 : memref<!tpu.dma_semaphore, #tpu.memory_space<semaphore_mem>>) src(%dma_wait3A_167 : memref<128xi32, #tpu.memory_space<hbm>>) dst(%dma_wait3A_164 : memref<128xi32, #tpu.memory_space<vmem>>)
          tpu.yield
        }) : () -> ()
        %run_scoped3A_130 = arith.constant 0 : i32
        "tpu.region"() ({
          %run_scoped3A_143 = tpu.sem_alloc : memref<!tpu.dma_semaphore, #tpu.memory_space<semaphore_mem>>
          %dma_start3A_144 = arith.constant 0 : i32
          %dma_start3A_145 = tpu.memref_slice %arg9[%run_scoped3A_130, %dma_start3A_144] : memref<3x128xi32, #tpu.memory_space<vmem>> -> memref<1x128xi32, #tpu.memory_space<vmem>>
          %dma_start3A_146 = tpu.memref_squeeze %dma_start3A_145 : memref<1x128xi32, #tpu.memory_space<vmem>> -> memref<128xi32, #tpu.memory_space<vmem>>
          %dma_start3A_147 = arith.constant 0 : i32
          %dma_start3A_148 = tpu.memref_slice %arg4[%add3A, %add3A_80, %dma_start3A_147] : memref<32x81x128xi32, #tpu.memory_space<hbm>> -> memref<1x1x128xi32, #tpu.memory_space<hbm>>
          %dma_start3A_149 = tpu.memref_squeeze %dma_start3A_148 : memref<1x1x128xi32, #tpu.memory_space<hbm>> -> memref<128xi32, #tpu.memory_space<hbm>>
          %dma_start3A_150 = arith.constant 0 : i32
          %dma_start3A_151 = tpu.memref_slice %arg9[%run_scoped3A_130, %dma_start3A_150] : memref<3x128xi32, #tpu.memory_space<vmem>> -> memref<1x128xi32, #tpu.memory_space<vmem>>
          %dma_start3A_152 = tpu.memref_squeeze %dma_start3A_151 : memref<1x128xi32, #tpu.memory_space<vmem>> -> memref<128xi32, #tpu.memory_space<vmem>>
          %dma_start3A_153 = arith.constant 0 : i32
          %dma_start3A_154 = tpu.memref_slice %arg4[%add3A, %add3A_80, %dma_start3A_153] : memref<32x81x128xi32, #tpu.memory_space<hbm>> -> memref<1x1x128xi32, #tpu.memory_space<hbm>>
          %dma_start3A_155 = tpu.memref_squeeze %dma_start3A_154 : memref<1x1x128xi32, #tpu.memory_space<hbm>> -> memref<128xi32, #tpu.memory_space<hbm>>
          tpu.enqueue_dma source(%dma_start3A_155 : memref<128xi32, #tpu.memory_space<hbm>>) target(%dma_start3A_152 : memref<128xi32, #tpu.memory_space<vmem>>) target_semaphore(%run_scoped3A_143 : memref<!tpu.dma_semaphore, #tpu.memory_space<semaphore_mem>>)
          %dma_wait3A_156 = arith.constant 0 : i32
          %dma_wait3A_157 = tpu.memref_slice %arg9[%run_scoped3A_130, %dma_wait3A_156] : memref<3x128xi32, #tpu.memory_space<vmem>> -> memref<1x128xi32, #tpu.memory_space<vmem>>
          %dma_wait3A_158 = tpu.memref_squeeze %dma_wait3A_157 : memref<1x128xi32, #tpu.memory_space<vmem>> -> memref<128xi32, #tpu.memory_space<vmem>>
          %dma_wait3A_159 = arith.constant 0 : i32
          %dma_wait3A_160 = tpu.memref_slice %arg4[%add3A, %add3A_80, %dma_wait3A_159] : memref<32x81x128xi32, #tpu.memory_space<hbm>> -> memref<1x1x128xi32, #tpu.memory_space<hbm>>
          %dma_wait3A_161 = tpu.memref_squeeze %dma_wait3A_160 : memref<1x1x128xi32, #tpu.memory_space<hbm>> -> memref<128xi32, #tpu.memory_space<hbm>>
          %dma_wait3A_162 = arith.constant 0 : i32
          %dma_wait3A_163 = tpu.memref_slice %arg9[%run_scoped3A_130, %dma_wait3A_162] : memref<3x128xi32, #tpu.memory_space<vmem>> -> memref<1x128xi32, #tpu.memory_space<vmem>>
          %dma_wait3A_164 = tpu.memref_squeeze %dma_wait3A_163 : memref<1x128xi32, #tpu.memory_space<vmem>> -> memref<128xi32, #tpu.memory_space<vmem>>
          %dma_wait3A_165 = arith.constant 0 : i32
          %dma_wait3A_166 = tpu.memref_slice %arg4[%add3A, %add3A_80, %dma_wait3A_165] : memref<32x81x128xi32, #tpu.memory_space<hbm>> -> memref<1x1x128xi32, #tpu.memory_space<hbm>>
          %dma_wait3A_167 = tpu.memref_squeeze %dma_wait3A_166 : memref<1x1x128xi32, #tpu.memory_space<hbm>> -> memref<128xi32, #tpu.memory_space<hbm>>
          tpu.wait_dma2 semaphore(%run_scoped3A_143 : memref<!tpu.dma_semaphore, #tpu.memory_space<semaphore_mem>>) src(%dma_wait3A_167 : memref<128xi32, #tpu.memory_space<hbm>>) dst(%dma_wait3A_164 : memref<128xi32, #tpu.memory_space<vmem>>)
          tpu.yield
        }) : () -> ()
        %dma_start3A_131 = arith.constant 0 : i32
        %dma_start3A_132 = arith.constant 0 : i32
        %dma_start3A_133 = arith.constant 0 : i32
        %dma_start3A_134 = arith.constant 0 : i32
        %dma_start3A_135 = tpu.memref_slice %arg10[%dma_start3A_132, %dma_start3A_133, %dma_start3A_134] : memref<3x128x128xf32, #tpu.memory_space<vmem>> -> memref<1x128x128xf32, #tpu.memory_space<vmem>>
        %dma_start3A_136 = tpu.memref_squeeze %dma_start3A_135 : memref<1x128x128xf32, #tpu.memory_space<vmem>> -> memref<128x128xf32, #tpu.memory_space<vmem>>
        %dma_start3A_137 = arith.constant 0 : i32
        %dma_start3A_138 = tpu.memref_slice %arg8[%dma_start3A_131, %dma_start3A_137] : memref<3x128xi32, #tpu.memory_space<vmem>> -> memref<1x128xi32, #tpu.memory_space<vmem>>
        %dma_start3A_139 = tpu.memref_squeeze %dma_start3A_138 : memref<1x128xi32, #tpu.memory_space<vmem>> -> memref<128xi32, #tpu.memory_space<vmem>>
        %dma_start3A_140 = arith.constant 0 : i32
        %dma_start3A_141 = arith.constant 0 : i32
        %dma_start3A_142 = tpu.memref_slice %arg2[%dma_start3A_140, %dma_start3A_141] : memref<10000x128xf32, #tpu.memory_space<hbm>> -> memref<10000x128xf32, #tpu.memory_space<hbm>>
        tpu.enqueue_indirect_dma source(%dma_start3A_142 : memref<10000x128xf32, #tpu.memory_space<hbm>>) target(%dma_start3A_136 : memref<128x128xf32, #tpu.memory_space<vmem>>) offsets(%dma_start3A_139 : memref<128xi32, #tpu.memory_space<vmem>>) semaphore(%arg11 : memref<!tpu.dma_semaphore, #tpu.memory_space<semaphore_mem>>)
      } else {
      }
      %add3A_83 = arith.constant 1 : i32
      %add3A_84 = arith.addi %mul3A_63, %add3A_83 : i32
      %dma_wait3A_85 = arith.constant 1 : i32
      %dma_wait3A_86 = arith.constant 1 : i32
      %dma_wait3A_87 = arith.constant 0 : i32
      %dma_wait3A_88 = arith.constant 0 : i32
      %dma_wait3A_89 = tpu.memref_slice %arg10[%dma_wait3A_86, %dma_wait3A_87, %dma_wait3A_88] : memref<3x128x128xf32, #tpu.memory_space<vmem>> -> memref<1x128x128xf32, #tpu.memory_space<vmem>>
      %dma_wait3A_90 = tpu.memref_squeeze %dma_wait3A_89 : memref<1x128x128xf32, #tpu.memory_space<vmem>> -> memref<128x128xf32, #tpu.memory_space<vmem>>
      %dma_wait3A_91 = arith.constant 0 : i32
      %dma_wait3A_92 = tpu.memref_slice %arg8[%dma_wait3A_85, %dma_wait3A_91] : memref<3x128xi32, #tpu.memory_space<vmem>> -> memref<1x128xi32, #tpu.memory_space<vmem>>
      %dma_wait3A_93 = tpu.memref_squeeze %dma_wait3A_92 : memref<1x128xi32, #tpu.memory_space<vmem>> -> memref<128xi32, #tpu.memory_space<vmem>>
      %dma_wait3A_94 = arith.constant 0 : i32
      %dma_wait3A_95 = arith.constant 0 : i32
      %dma_wait3A_96 = tpu.memref_slice %arg2[%dma_wait3A_94, %dma_wait3A_95] : memref<10000x128xf32, #tpu.memory_space<hbm>> -> memref<10000x128xf32, #tpu.memory_space<hbm>>
      tpu.wait_indirect_dma semaphore(%arg12 : memref<!tpu.dma_semaphore, #tpu.memory_space<semaphore_mem>>) src(%dma_wait3A_96 : memref<10000x128xf32, #tpu.memory_space<hbm>>) dst(%dma_wait3A_90 : memref<128x128xf32, #tpu.memory_space<vmem>>)
      %run_scoped3A_97 = arith.constant 1 : i32
      %run_scoped3A_98 = arith.constant 1 : i32
      "tpu.region"() ({
        %run_scoped3A_129 = tpu.sem_alloc : memref<!tpu.dma_semaphore, #tpu.memory_space<semaphore_mem>>
        %dma_start3A_130 = arith.constant 0 : i32
        %dma_start3A_131 = arith.constant 0 : i32
        %dma_start3A_132 = tpu.memref_slice %arg10[%run_scoped3A_97, %dma_start3A_130, %dma_start3A_131] : memref<3x128x128xf32, #tpu.memory_space<vmem>> -> memref<1x128x128xf32, #tpu.memory_space<vmem>>
        %dma_start3A_133 = tpu.memref_squeeze %dma_start3A_132 : memref<1x128x128xf32, #tpu.memory_space<vmem>> -> memref<128x128xf32, #tpu.memory_space<vmem>>
        %dma_start3A_134 = arith.constant 0 : i32
        %dma_start3A_135 = tpu.memref_slice %arg9[%run_scoped3A_98, %dma_start3A_134] : memref<3x128xi32, #tpu.memory_space<vmem>> -> memref<1x128xi32, #tpu.memory_space<vmem>>
        %dma_start3A_136 = tpu.memref_squeeze %dma_start3A_135 : memref<1x128xi32, #tpu.memory_space<vmem>> -> memref<128xi32, #tpu.memory_space<vmem>>
        %dma_start3A_137 = arith.constant 0 : i32
        %dma_start3A_138 = arith.constant 0 : i32
        %dma_start3A_139 = tpu.memref_slice %arg7[%dma_start3A_137, %dma_start3A_138] : memref<10112x128xf32, #tpu.memory_space<vmem_shared>> -> memref<10112x128xf32, #tpu.memory_space<vmem_shared>>
        tpu.enqueue_indirect_dma source(%dma_start3A_133 : memref<128x128xf32, #tpu.memory_space<vmem>>) target(%dma_start3A_139 : memref<10112x128xf32, #tpu.memory_space<vmem_shared>>) offsets(%dma_start3A_136 : memref<128xi32, #tpu.memory_space<vmem>>) semaphore(%run_scoped3A_129 : memref<!tpu.dma_semaphore, #tpu.memory_space<semaphore_mem>>) {add = true}
        %dma_wait3A_140 = arith.constant 0 : i32
        %dma_wait3A_141 = arith.constant 0 : i32
        %dma_wait3A_142 = tpu.memref_slice %arg10[%run_scoped3A_97, %dma_wait3A_140, %dma_wait3A_141] : memref<3x128x128xf32, #tpu.memory_space<vmem>> -> memref<1x128x128xf32, #tpu.memory_space<vmem>>
        %dma_wait3A_143 = tpu.memref_squeeze %dma_wait3A_142 : memref<1x128x128xf32, #tpu.memory_space<vmem>> -> memref<128x128xf32, #tpu.memory_space<vmem>>
        %dma_wait3A_144 = arith.constant 0 : i32
        %dma_wait3A_145 = tpu.memref_slice %arg9[%run_scoped3A_98, %dma_wait3A_144] : memref<3x128xi32, #tpu.memory_space<vmem>> -> memref<1x128xi32, #tpu.memory_space<vmem>>
        %dma_wait3A_146 = tpu.memref_squeeze %dma_wait3A_145 : memref<1x128xi32, #tpu.memory_space<vmem>> -> memref<128xi32, #tpu.memory_space<vmem>>
        %dma_wait3A_147 = arith.constant 0 : i32
        %dma_wait3A_148 = arith.constant 0 : i32
        %dma_wait3A_149 = tpu.memref_slice %arg7[%dma_wait3A_147, %dma_wait3A_148] : memref<10112x128xf32, #tpu.memory_space<vmem_shared>> -> memref<10112x128xf32, #tpu.memory_space<vmem_shared>>
        tpu.wait_indirect_dma semaphore(%run_scoped3A_129 : memref<!tpu.dma_semaphore, #tpu.memory_space<semaphore_mem>>) src(%dma_wait3A_143 : memref<128x128xf32, #tpu.memory_space<vmem>>) dst(%dma_wait3A_149 : memref<10112x128xf32, #tpu.memory_space<vmem_shared>>)
        tpu.yield
      }) : () -> ()
      %add3A_99 = arith.constant 3 : i32
      %add3A_100 = arith.addi %add3A_84, %add3A_99 : i32
      %lt3A_101 = arith.constant 81 : i32
      %lt3A_102 = arith.cmpi slt, %add3A_100, %lt3A_101 : i32
      %convert_element_type3A_103 = arith.extui %lt3A_102 : i1 to i32
      %cond3A_104 = arith.constant 0 : i32
      %cond3A_105 = arith.cmpi ne, %convert_element_type3A_103, %cond3A_104 : i32
      scf.if %cond3A_105 {
        %run_scoped3A_129 = arith.constant 1 : i32
        "tpu.region"() ({
          %run_scoped3A_143 = tpu.sem_alloc : memref<!tpu.dma_semaphore, #tpu.memory_space<semaphore_mem>>
          %dma_start3A_144 = arith.constant 0 : i32
          %dma_start3A_145 = tpu.memref_slice %arg8[%run_scoped3A_129, %dma_start3A_144] : memref<3x128xi32, #tpu.memory_space<vmem>> -> memref<1x128xi32, #tpu.memory_space<vmem>>
          %dma_start3A_146 = tpu.memref_squeeze %dma_start3A_145 : memref<1x128xi32, #tpu.memory_space<vmem>> -> memref<128xi32, #tpu.memory_space<vmem>>
          %dma_start3A_147 = arith.constant 0 : i32
          %dma_start3A_148 = tpu.memref_slice %arg3[%add3A, %add3A_100, %dma_start3A_147] : memref<32x81x128xi32, #tpu.memory_space<hbm>> -> memref<1x1x128xi32, #tpu.memory_space<hbm>>
          %dma_start3A_149 = tpu.memref_squeeze %dma_start3A_148 : memref<1x1x128xi32, #tpu.memory_space<hbm>> -> memref<128xi32, #tpu.memory_space<hbm>>
          %dma_start3A_150 = arith.constant 0 : i32
          %dma_start3A_151 = tpu.memref_slice %arg8[%run_scoped3A_129, %dma_start3A_150] : memref<3x128xi32, #tpu.memory_space<vmem>> -> memref<1x128xi32, #tpu.memory_space<vmem>>
          %dma_start3A_152 = tpu.memref_squeeze %dma_start3A_151 : memref<1x128xi32, #tpu.memory_space<vmem>> -> memref<128xi32, #tpu.memory_space<vmem>>
          %dma_start3A_153 = arith.constant 0 : i32
          %dma_start3A_154 = tpu.memref_slice %arg3[%add3A, %add3A_100, %dma_start3A_153] : memref<32x81x128xi32, #tpu.memory_space<hbm>> -> memref<1x1x128xi32, #tpu.memory_space<hbm>>
          %dma_start3A_155 = tpu.memref_squeeze %dma_start3A_154 : memref<1x1x128xi32, #tpu.memory_space<hbm>> -> memref<128xi32, #tpu.memory_space<hbm>>
          tpu.enqueue_dma source(%dma_start3A_155 : memref<128xi32, #tpu.memory_space<hbm>>) target(%dma_start3A_152 : memref<128xi32, #tpu.memory_space<vmem>>) target_semaphore(%run_scoped3A_143 : memref<!tpu.dma_semaphore, #tpu.memory_space<semaphore_mem>>)
          %dma_wait3A_156 = arith.constant 0 : i32
          %dma_wait3A_157 = tpu.memref_slice %arg8[%run_scoped3A_129, %dma_wait3A_156] : memref<3x128xi32, #tpu.memory_space<vmem>> -> memref<1x128xi32, #tpu.memory_space<vmem>>
          %dma_wait3A_158 = tpu.memref_squeeze %dma_wait3A_157 : memref<1x128xi32, #tpu.memory_space<vmem>> -> memref<128xi32, #tpu.memory_space<vmem>>
          %dma_wait3A_159 = arith.constant 0 : i32
          %dma_wait3A_160 = tpu.memref_slice %arg3[%add3A, %add3A_100, %dma_wait3A_159] : memref<32x81x128xi32, #tpu.memory_space<hbm>> -> memref<1x1x128xi32, #tpu.memory_space<hbm>>
          %dma_wait3A_161 = tpu.memref_squeeze %dma_wait3A_160 : memref<1x1x128xi32, #tpu.memory_space<hbm>> -> memref<128xi32, #tpu.memory_space<hbm>>
          %dma_wait3A_162 = arith.constant 0 : i32
          %dma_wait3A_163 = tpu.memref_slice %arg8[%run_scoped3A_129, %dma_wait3A_162] : memref<3x128xi32, #tpu.memory_space<vmem>> -> memref<1x128xi32, #tpu.memory_space<vmem>>
          %dma_wait3A_164 = tpu.memref_squeeze %dma_wait3A_163 : memref<1x128xi32, #tpu.memory_space<vmem>> -> memref<128xi32, #tpu.memory_space<vmem>>
          %dma_wait3A_165 = arith.constant 0 : i32
          %dma_wait3A_166 = tpu.memref_slice %arg3[%add3A, %add3A_100, %dma_wait3A_165] : memref<32x81x128xi32, #tpu.memory_space<hbm>> -> memref<1x1x128xi32, #tpu.memory_space<hbm>>
          %dma_wait3A_167 = tpu.memref_squeeze %dma_wait3A_166 : memref<1x1x128xi32, #tpu.memory_space<hbm>> -> memref<128xi32, #tpu.memory_space<hbm>>
          tpu.wait_dma2 semaphore(%run_scoped3A_143 : memref<!tpu.dma_semaphore, #tpu.memory_space<semaphore_mem>>) src(%dma_wait3A_167 : memref<128xi32, #tpu.memory_space<hbm>>) dst(%dma_wait3A_164 : memref<128xi32, #tpu.memory_space<vmem>>)
          tpu.yield
        }) : () -> ()
        %run_scoped3A_130 = arith.constant 1 : i32
        "tpu.region"() ({
          %run_scoped3A_143 = tpu.sem_alloc : memref<!tpu.dma_semaphore, #tpu.memory_space<semaphore_mem>>
          %dma_start3A_144 = arith.constant 0 : i32
          %dma_start3A_145 = tpu.memref_slice %arg9[%run_scoped3A_130, %dma_start3A_144] : memref<3x128xi32, #tpu.memory_space<vmem>> -> memref<1x128xi32, #tpu.memory_space<vmem>>
          %dma_start3A_146 = tpu.memref_squeeze %dma_start3A_145 : memref<1x128xi32, #tpu.memory_space<vmem>> -> memref<128xi32, #tpu.memory_space<vmem>>
          %dma_start3A_147 = arith.constant 0 : i32
          %dma_start3A_148 = tpu.memref_slice %arg4[%add3A, %add3A_100, %dma_start3A_147] : memref<32x81x128xi32, #tpu.memory_space<hbm>> -> memref<1x1x128xi32, #tpu.memory_space<hbm>>
          %dma_start3A_149 = tpu.memref_squeeze %dma_start3A_148 : memref<1x1x128xi32, #tpu.memory_space<hbm>> -> memref<128xi32, #tpu.memory_space<hbm>>
          %dma_start3A_150 = arith.constant 0 : i32
          %dma_start3A_151 = tpu.memref_slice %arg9[%run_scoped3A_130, %dma_start3A_150] : memref<3x128xi32, #tpu.memory_space<vmem>> -> memref<1x128xi32, #tpu.memory_space<vmem>>
          %dma_start3A_152 = tpu.memref_squeeze %dma_start3A_151 : memref<1x128xi32, #tpu.memory_space<vmem>> -> memref<128xi32, #tpu.memory_space<vmem>>
          %dma_start3A_153 = arith.constant 0 : i32
          %dma_start3A_154 = tpu.memref_slice %arg4[%add3A, %add3A_100, %dma_start3A_153] : memref<32x81x128xi32, #tpu.memory_space<hbm>> -> memref<1x1x128xi32, #tpu.memory_space<hbm>>
          %dma_start3A_155 = tpu.memref_squeeze %dma_start3A_154 : memref<1x1x128xi32, #tpu.memory_space<hbm>> -> memref<128xi32, #tpu.memory_space<hbm>>
          tpu.enqueue_dma source(%dma_start3A_155 : memref<128xi32, #tpu.memory_space<hbm>>) target(%dma_start3A_152 : memref<128xi32, #tpu.memory_space<vmem>>) target_semaphore(%run_scoped3A_143 : memref<!tpu.dma_semaphore, #tpu.memory_space<semaphore_mem>>)
          %dma_wait3A_156 = arith.constant 0 : i32
          %dma_wait3A_157 = tpu.memref_slice %arg9[%run_scoped3A_130, %dma_wait3A_156] : memref<3x128xi32, #tpu.memory_space<vmem>> -> memref<1x128xi32, #tpu.memory_space<vmem>>
          %dma_wait3A_158 = tpu.memref_squeeze %dma_wait3A_157 : memref<1x128xi32, #tpu.memory_space<vmem>> -> memref<128xi32, #tpu.memory_space<vmem>>
          %dma_wait3A_159 = arith.constant 0 : i32
          %dma_wait3A_160 = tpu.memref_slice %arg4[%add3A, %add3A_100, %dma_wait3A_159] : memref<32x81x128xi32, #tpu.memory_space<hbm>> -> memref<1x1x128xi32, #tpu.memory_space<hbm>>
          %dma_wait3A_161 = tpu.memref_squeeze %dma_wait3A_160 : memref<1x1x128xi32, #tpu.memory_space<hbm>> -> memref<128xi32, #tpu.memory_space<hbm>>
          %dma_wait3A_162 = arith.constant 0 : i32
          %dma_wait3A_163 = tpu.memref_slice %arg9[%run_scoped3A_130, %dma_wait3A_162] : memref<3x128xi32, #tpu.memory_space<vmem>> -> memref<1x128xi32, #tpu.memory_space<vmem>>
          %dma_wait3A_164 = tpu.memref_squeeze %dma_wait3A_163 : memref<1x128xi32, #tpu.memory_space<vmem>> -> memref<128xi32, #tpu.memory_space<vmem>>
          %dma_wait3A_165 = arith.constant 0 : i32
          %dma_wait3A_166 = tpu.memref_slice %arg4[%add3A, %add3A_100, %dma_wait3A_165] : memref<32x81x128xi32, #tpu.memory_space<hbm>> -> memref<1x1x128xi32, #tpu.memory_space<hbm>>
          %dma_wait3A_167 = tpu.memref_squeeze %dma_wait3A_166 : memref<1x1x128xi32, #tpu.memory_space<hbm>> -> memref<128xi32, #tpu.memory_space<hbm>>
          tpu.wait_dma2 semaphore(%run_scoped3A_143 : memref<!tpu.dma_semaphore, #tpu.memory_space<semaphore_mem>>) src(%dma_wait3A_167 : memref<128xi32, #tpu.memory_space<hbm>>) dst(%dma_wait3A_164 : memref<128xi32, #tpu.memory_space<vmem>>)
          tpu.yield
        }) : () -> ()
        %dma_start3A_131 = arith.constant 1 : i32
        %dma_start3A_132 = arith.constant 1 : i32
        %dma_start3A_133 = arith.constant 0 : i32
        %dma_start3A_134 = arith.constant 0 : i32
        %dma_start3A_135 = tpu.memref_slice %arg10[%dma_start3A_132, %dma_start3A_133, %dma_start3A_134] : memref<3x128x128xf32, #tpu.memory_space<vmem>> -> memref<1x128x128xf32, #tpu.memory_space<vmem>>
        %dma_start3A_136 = tpu.memref_squeeze %dma_start3A_135 : memref<1x128x128xf32, #tpu.memory_space<vmem>> -> memref<128x128xf32, #tpu.memory_space<vmem>>
        %dma_start3A_137 = arith.constant 0 : i32
        %dma_start3A_138 = tpu.memref_slice %arg8[%dma_start3A_131, %dma_start3A_137] : memref<3x128xi32, #tpu.memory_space<vmem>> -> memref<1x128xi32, #tpu.memory_space<vmem>>
        %dma_start3A_139 = tpu.memref_squeeze %dma_start3A_138 : memref<1x128xi32, #tpu.memory_space<vmem>> -> memref<128xi32, #tpu.memory_space<vmem>>
        %dma_start3A_140 = arith.constant 0 : i32
        %dma_start3A_141 = arith.constant 0 : i32
        %dma_start3A_142 = tpu.memref_slice %arg2[%dma_start3A_140, %dma_start3A_141] : memref<10000x128xf32, #tpu.memory_space<hbm>> -> memref<10000x128xf32, #tpu.memory_space<hbm>>
        tpu.enqueue_indirect_dma source(%dma_start3A_142 : memref<10000x128xf32, #tpu.memory_space<hbm>>) target(%dma_start3A_136 : memref<128x128xf32, #tpu.memory_space<vmem>>) offsets(%dma_start3A_139 : memref<128xi32, #tpu.memory_space<vmem>>) semaphore(%arg12 : memref<!tpu.dma_semaphore, #tpu.memory_space<semaphore_mem>>)
      } else {
      }
      %add3A_106 = arith.constant 2 : i32
      %add3A_107 = arith.addi %mul3A_63, %add3A_106 : i32
      %dma_wait3A_108 = arith.constant 2 : i32
      %dma_wait3A_109 = arith.constant 2 : i32
      %dma_wait3A_110 = arith.constant 0 : i32
      %dma_wait3A_111 = arith.constant 0 : i32
      %dma_wait3A_112 = tpu.memref_slice %arg10[%dma_wait3A_109, %dma_wait3A_110, %dma_wait3A_111] : memref<3x128x128xf32, #tpu.memory_space<vmem>> -> memref<1x128x128xf32, #tpu.memory_space<vmem>>
      %dma_wait3A_113 = tpu.memref_squeeze %dma_wait3A_112 : memref<1x128x128xf32, #tpu.memory_space<vmem>> -> memref<128x128xf32, #tpu.memory_space<vmem>>
      %dma_wait3A_114 = arith.constant 0 : i32
      %dma_wait3A_115 = tpu.memref_slice %arg8[%dma_wait3A_108, %dma_wait3A_114] : memref<3x128xi32, #tpu.memory_space<vmem>> -> memref<1x128xi32, #tpu.memory_space<vmem>>
      %dma_wait3A_116 = tpu.memref_squeeze %dma_wait3A_115 : memref<1x128xi32, #tpu.memory_space<vmem>> -> memref<128xi32, #tpu.memory_space<vmem>>
      %dma_wait3A_117 = arith.constant 0 : i32
      %dma_wait3A_118 = arith.constant 0 : i32
      %dma_wait3A_119 = tpu.memref_slice %arg2[%dma_wait3A_117, %dma_wait3A_118] : memref<10000x128xf32, #tpu.memory_space<hbm>> -> memref<10000x128xf32, #tpu.memory_space<hbm>>
      tpu.wait_indirect_dma semaphore(%arg13 : memref<!tpu.dma_semaphore, #tpu.memory_space<semaphore_mem>>) src(%dma_wait3A_119 : memref<10000x128xf32, #tpu.memory_space<hbm>>) dst(%dma_wait3A_113 : memref<128x128xf32, #tpu.memory_space<vmem>>)
      %run_scoped3A_120 = arith.constant 2 : i32
      %run_scoped3A_121 = arith.constant 2 : i32
      "tpu.region"() ({
        %run_scoped3A_129 = tpu.sem_alloc : memref<!tpu.dma_semaphore, #tpu.memory_space<semaphore_mem>>
        %dma_start3A_130 = arith.constant 0 : i32
        %dma_start3A_131 = arith.constant 0 : i32
        %dma_start3A_132 = tpu.memref_slice %arg10[%run_scoped3A_120, %dma_start3A_130, %dma_start3A_131] : memref<3x128x128xf32, #tpu.memory_space<vmem>> -> memref<1x128x128xf32, #tpu.memory_space<vmem>>
        %dma_start3A_133 = tpu.memref_squeeze %dma_start3A_132 : memref<1x128x128xf32, #tpu.memory_space<vmem>> -> memref<128x128xf32, #tpu.memory_space<vmem>>
        %dma_start3A_134 = arith.constant 0 : i32
        %dma_start3A_135 = tpu.memref_slice %arg9[%run_scoped3A_121, %dma_start3A_134] : memref<3x128xi32, #tpu.memory_space<vmem>> -> memref<1x128xi32, #tpu.memory_space<vmem>>
        %dma_start3A_136 = tpu.memref_squeeze %dma_start3A_135 : memref<1x128xi32, #tpu.memory_space<vmem>> -> memref<128xi32, #tpu.memory_space<vmem>>
        %dma_start3A_137 = arith.constant 0 : i32
        %dma_start3A_138 = arith.constant 0 : i32
        %dma_start3A_139 = tpu.memref_slice %arg7[%dma_start3A_137, %dma_start3A_138] : memref<10112x128xf32, #tpu.memory_space<vmem_shared>> -> memref<10112x128xf32, #tpu.memory_space<vmem_shared>>
        tpu.enqueue_indirect_dma source(%dma_start3A_133 : memref<128x128xf32, #tpu.memory_space<vmem>>) target(%dma_start3A_139 : memref<10112x128xf32, #tpu.memory_space<vmem_shared>>) offsets(%dma_start3A_136 : memref<128xi32, #tpu.memory_space<vmem>>) semaphore(%run_scoped3A_129 : memref<!tpu.dma_semaphore, #tpu.memory_space<semaphore_mem>>) {add = true}
        %dma_wait3A_140 = arith.constant 0 : i32
        %dma_wait3A_141 = arith.constant 0 : i32
        %dma_wait3A_142 = tpu.memref_slice %arg10[%run_scoped3A_120, %dma_wait3A_140, %dma_wait3A_141] : memref<3x128x128xf32, #tpu.memory_space<vmem>> -> memref<1x128x128xf32, #tpu.memory_space<vmem>>
        %dma_wait3A_143 = tpu.memref_squeeze %dma_wait3A_142 : memref<1x128x128xf32, #tpu.memory_space<vmem>> -> memref<128x128xf32, #tpu.memory_space<vmem>>
        %dma_wait3A_144 = arith.constant 0 : i32
        %dma_wait3A_145 = tpu.memref_slice %arg9[%run_scoped3A_121, %dma_wait3A_144] : memref<3x128xi32, #tpu.memory_space<vmem>> -> memref<1x128xi32, #tpu.memory_space<vmem>>
        %dma_wait3A_146 = tpu.memref_squeeze %dma_wait3A_145 : memref<1x128xi32, #tpu.memory_space<vmem>> -> memref<128xi32, #tpu.memory_space<vmem>>
        %dma_wait3A_147 = arith.constant 0 : i32
        %dma_wait3A_148 = arith.constant 0 : i32
        %dma_wait3A_149 = tpu.memref_slice %arg7[%dma_wait3A_147, %dma_wait3A_148] : memref<10112x128xf32, #tpu.memory_space<vmem_shared>> -> memref<10112x128xf32, #tpu.memory_space<vmem_shared>>
        tpu.wait_indirect_dma semaphore(%run_scoped3A_129 : memref<!tpu.dma_semaphore, #tpu.memory_space<semaphore_mem>>) src(%dma_wait3A_143 : memref<128x128xf32, #tpu.memory_space<vmem>>) dst(%dma_wait3A_149 : memref<10112x128xf32, #tpu.memory_space<vmem_shared>>)
        tpu.yield
      }) : () -> ()
      %add3A_122 = arith.constant 3 : i32
      %add3A_123 = arith.addi %add3A_107, %add3A_122 : i32
      %lt3A_124 = arith.constant 81 : i32
      %lt3A_125 = arith.cmpi slt, %add3A_123, %lt3A_124 : i32
      %convert_element_type3A_126 = arith.extui %lt3A_125 : i1 to i32
      %cond3A_127 = arith.constant 0 : i32
      %cond3A_128 = arith.cmpi ne, %convert_element_type3A_126, %cond3A_127 : i32
      scf.if %cond3A_128 {
        %run_scoped3A_129 = arith.constant 2 : i32
        "tpu.region"() ({
          %run_scoped3A_143 = tpu.sem_alloc : memref<!tpu.dma_semaphore, #tpu.memory_space<semaphore_mem>>
          %dma_start3A_144 = arith.constant 0 : i32
          %dma_start3A_145 = tpu.memref_slice %arg8[%run_scoped3A_129, %dma_start3A_144] : memref<3x128xi32, #tpu.memory_space<vmem>> -> memref<1x128xi32, #tpu.memory_space<vmem>>
          %dma_start3A_146 = tpu.memref_squeeze %dma_start3A_145 : memref<1x128xi32, #tpu.memory_space<vmem>> -> memref<128xi32, #tpu.memory_space<vmem>>
          %dma_start3A_147 = arith.constant 0 : i32
          %dma_start3A_148 = tpu.memref_slice %arg3[%add3A, %add3A_123, %dma_start3A_147] : memref<32x81x128xi32, #tpu.memory_space<hbm>> -> memref<1x1x128xi32, #tpu.memory_space<hbm>>
          %dma_start3A_149 = tpu.memref_squeeze %dma_start3A_148 : memref<1x1x128xi32, #tpu.memory_space<hbm>> -> memref<128xi32, #tpu.memory_space<hbm>>
          %dma_start3A_150 = arith.constant 0 : i32
          %dma_start3A_151 = tpu.memref_slice %arg8[%run_scoped3A_129, %dma_start3A_150] : memref<3x128xi32, #tpu.memory_space<vmem>> -> memref<1x128xi32, #tpu.memory_space<vmem>>
          %dma_start3A_152 = tpu.memref_squeeze %dma_start3A_151 : memref<1x128xi32, #tpu.memory_space<vmem>> -> memref<128xi32, #tpu.memory_space<vmem>>
          %dma_start3A_153 = arith.constant 0 : i32
          %dma_start3A_154 = tpu.memref_slice %arg3[%add3A, %add3A_123, %dma_start3A_153] : memref<32x81x128xi32, #tpu.memory_space<hbm>> -> memref<1x1x128xi32, #tpu.memory_space<hbm>>
          %dma_start3A_155 = tpu.memref_squeeze %dma_start3A_154 : memref<1x1x128xi32, #tpu.memory_space<hbm>> -> memref<128xi32, #tpu.memory_space<hbm>>
          tpu.enqueue_dma source(%dma_start3A_155 : memref<128xi32, #tpu.memory_space<hbm>>) target(%dma_start3A_152 : memref<128xi32, #tpu.memory_space<vmem>>) target_semaphore(%run_scoped3A_143 : memref<!tpu.dma_semaphore, #tpu.memory_space<semaphore_mem>>)
          %dma_wait3A_156 = arith.constant 0 : i32
          %dma_wait3A_157 = tpu.memref_slice %arg8[%run_scoped3A_129, %dma_wait3A_156] : memref<3x128xi32, #tpu.memory_space<vmem>> -> memref<1x128xi32, #tpu.memory_space<vmem>>
          %dma_wait3A_158 = tpu.memref_squeeze %dma_wait3A_157 : memref<1x128xi32, #tpu.memory_space<vmem>> -> memref<128xi32, #tpu.memory_space<vmem>>
          %dma_wait3A_159 = arith.constant 0 : i32
          %dma_wait3A_160 = tpu.memref_slice %arg3[%add3A, %add3A_123, %dma_wait3A_159] : memref<32x81x128xi32, #tpu.memory_space<hbm>> -> memref<1x1x128xi32, #tpu.memory_space<hbm>>
          %dma_wait3A_161 = tpu.memref_squeeze %dma_wait3A_160 : memref<1x1x128xi32, #tpu.memory_space<hbm>> -> memref<128xi32, #tpu.memory_space<hbm>>
          %dma_wait3A_162 = arith.constant 0 : i32
          %dma_wait3A_163 = tpu.memref_slice %arg8[%run_scoped3A_129, %dma_wait3A_162] : memref<3x128xi32, #tpu.memory_space<vmem>> -> memref<1x128xi32, #tpu.memory_space<vmem>>
          %dma_wait3A_164 = tpu.memref_squeeze %dma_wait3A_163 : memref<1x128xi32, #tpu.memory_space<vmem>> -> memref<128xi32, #tpu.memory_space<vmem>>
          %dma_wait3A_165 = arith.constant 0 : i32
          %dma_wait3A_166 = tpu.memref_slice %arg3[%add3A, %add3A_123, %dma_wait3A_165] : memref<32x81x128xi32, #tpu.memory_space<hbm>> -> memref<1x1x128xi32, #tpu.memory_space<hbm>>
          %dma_wait3A_167 = tpu.memref_squeeze %dma_wait3A_166 : memref<1x1x128xi32, #tpu.memory_space<hbm>> -> memref<128xi32, #tpu.memory_space<hbm>>
          tpu.wait_dma2 semaphore(%run_scoped3A_143 : memref<!tpu.dma_semaphore, #tpu.memory_space<semaphore_mem>>) src(%dma_wait3A_167 : memref<128xi32, #tpu.memory_space<hbm>>) dst(%dma_wait3A_164 : memref<128xi32, #tpu.memory_space<vmem>>)
          tpu.yield
        }) : () -> ()
        %run_scoped3A_130 = arith.constant 2 : i32
        "tpu.region"() ({
          %run_scoped3A_143 = tpu.sem_alloc : memref<!tpu.dma_semaphore, #tpu.memory_space<semaphore_mem>>
          %dma_start3A_144 = arith.constant 0 : i32
          %dma_start3A_145 = tpu.memref_slice %arg9[%run_scoped3A_130, %dma_start3A_144] : memref<3x128xi32, #tpu.memory_space<vmem>> -> memref<1x128xi32, #tpu.memory_space<vmem>>
          %dma_start3A_146 = tpu.memref_squeeze %dma_start3A_145 : memref<1x128xi32, #tpu.memory_space<vmem>> -> memref<128xi32, #tpu.memory_space<vmem>>
          %dma_start3A_147 = arith.constant 0 : i32
          %dma_start3A_148 = tpu.memref_slice %arg4[%add3A, %add3A_123, %dma_start3A_147] : memref<32x81x128xi32, #tpu.memory_space<hbm>> -> memref<1x1x128xi32, #tpu.memory_space<hbm>>
          %dma_start3A_149 = tpu.memref_squeeze %dma_start3A_148 : memref<1x1x128xi32, #tpu.memory_space<hbm>> -> memref<128xi32, #tpu.memory_space<hbm>>
          %dma_start3A_150 = arith.constant 0 : i32
          %dma_start3A_151 = tpu.memref_slice %arg9[%run_scoped3A_130, %dma_start3A_150] : memref<3x128xi32, #tpu.memory_space<vmem>> -> memref<1x128xi32, #tpu.memory_space<vmem>>
          %dma_start3A_152 = tpu.memref_squeeze %dma_start3A_151 : memref<1x128xi32, #tpu.memory_space<vmem>> -> memref<128xi32, #tpu.memory_space<vmem>>
          %dma_start3A_153 = arith.constant 0 : i32
          %dma_start3A_154 = tpu.memref_slice %arg4[%add3A, %add3A_123, %dma_start3A_153] : memref<32x81x128xi32, #tpu.memory_space<hbm>> -> memref<1x1x128xi32, #tpu.memory_space<hbm>>
          %dma_start3A_155 = tpu.memref_squeeze %dma_start3A_154 : memref<1x1x128xi32, #tpu.memory_space<hbm>> -> memref<128xi32, #tpu.memory_space<hbm>>
          tpu.enqueue_dma source(%dma_start3A_155 : memref<128xi32, #tpu.memory_space<hbm>>) target(%dma_start3A_152 : memref<128xi32, #tpu.memory_space<vmem>>) target_semaphore(%run_scoped3A_143 : memref<!tpu.dma_semaphore, #tpu.memory_space<semaphore_mem>>)
          %dma_wait3A_156 = arith.constant 0 : i32
          %dma_wait3A_157 = tpu.memref_slice %arg9[%run_scoped3A_130, %dma_wait3A_156] : memref<3x128xi32, #tpu.memory_space<vmem>> -> memref<1x128xi32, #tpu.memory_space<vmem>>
          %dma_wait3A_158 = tpu.memref_squeeze %dma_wait3A_157 : memref<1x128xi32, #tpu.memory_space<vmem>> -> memref<128xi32, #tpu.memory_space<vmem>>
          %dma_wait3A_159 = arith.constant 0 : i32
          %dma_wait3A_160 = tpu.memref_slice %arg4[%add3A, %add3A_123, %dma_wait3A_159] : memref<32x81x128xi32, #tpu.memory_space<hbm>> -> memref<1x1x128xi32, #tpu.memory_space<hbm>>
          %dma_wait3A_161 = tpu.memref_squeeze %dma_wait3A_160 : memref<1x1x128xi32, #tpu.memory_space<hbm>> -> memref<128xi32, #tpu.memory_space<hbm>>
          %dma_wait3A_162 = arith.constant 0 : i32
          %dma_wait3A_163 = tpu.memref_slice %arg9[%run_scoped3A_130, %dma_wait3A_162] : memref<3x128xi32, #tpu.memory_space<vmem>> -> memref<1x128xi32, #tpu.memory_space<vmem>>
          %dma_wait3A_164 = tpu.memref_squeeze %dma_wait3A_163 : memref<1x128xi32, #tpu.memory_space<vmem>> -> memref<128xi32, #tpu.memory_space<vmem>>
          %dma_wait3A_165 = arith.constant 0 : i32
          %dma_wait3A_166 = tpu.memref_slice %arg4[%add3A, %add3A_123, %dma_wait3A_165] : memref<32x81x128xi32, #tpu.memory_space<hbm>> -> memref<1x1x128xi32, #tpu.memory_space<hbm>>
          %dma_wait3A_167 = tpu.memref_squeeze %dma_wait3A_166 : memref<1x1x128xi32, #tpu.memory_space<hbm>> -> memref<128xi32, #tpu.memory_space<hbm>>
          tpu.wait_dma2 semaphore(%run_scoped3A_143 : memref<!tpu.dma_semaphore, #tpu.memory_space<semaphore_mem>>) src(%dma_wait3A_167 : memref<128xi32, #tpu.memory_space<hbm>>) dst(%dma_wait3A_164 : memref<128xi32, #tpu.memory_space<vmem>>)
          tpu.yield
        }) : () -> ()
        %dma_start3A_131 = arith.constant 2 : i32
        %dma_start3A_132 = arith.constant 2 : i32
        %dma_start3A_133 = arith.constant 0 : i32
        %dma_start3A_134 = arith.constant 0 : i32
        %dma_start3A_135 = tpu.memref_slice %arg10[%dma_start3A_132, %dma_start3A_133, %dma_start3A_134] : memref<3x128x128xf32, #tpu.memory_space<vmem>> -> memref<1x128x128xf32, #tpu.memory_space<vmem>>
        %dma_start3A_136 = tpu.memref_squeeze %dma_start3A_135 : memref<1x128x128xf32, #tpu.memory_space<vmem>> -> memref<128x128xf32, #tpu.memory_space<vmem>>
        %dma_start3A_137 = arith.constant 0 : i32
        %dma_start3A_138 = tpu.memref_slice %arg8[%dma_start3A_131, %dma_start3A_137] : memref<3x128xi32, #tpu.memory_space<vmem>> -> memref<1x128xi32, #tpu.memory_space<vmem>>
        %dma_start3A_139 = tpu.memref_squeeze %dma_start3A_138 : memref<1x128xi32, #tpu.memory_space<vmem>> -> memref<128xi32, #tpu.memory_space<vmem>>
        %dma_start3A_140 = arith.constant 0 : i32
        %dma_start3A_141 = arith.constant 0 : i32
        %dma_start3A_142 = tpu.memref_slice %arg2[%dma_start3A_140, %dma_start3A_141] : memref<10000x128xf32, #tpu.memory_space<hbm>> -> memref<10000x128xf32, #tpu.memory_space<hbm>>
        tpu.enqueue_indirect_dma source(%dma_start3A_142 : memref<10000x128xf32, #tpu.memory_space<hbm>>) target(%dma_start3A_136 : memref<128x128xf32, #tpu.memory_space<vmem>>) offsets(%dma_start3A_139 : memref<128xi32, #tpu.memory_space<vmem>>) semaphore(%arg13 : memref<!tpu.dma_semaphore, #tpu.memory_space<semaphore_mem>>)
      } else {
      }
    }
    %scan3A_55 = arith.constant 27 : i32
    %barrier3A_56 = arith.constant 0 : index
    tpu.barrier barrier_id(%barrier3A_56)
    %mul3A_57 = arith.constant 632 : i32
    %mul3A_58 = arith.muli %arg1, %mul3A_57 : i32
    %mul3A_59 = arith.constant 632 : i32
    %mul3A_60 = arith.muli %arg1, %mul3A_59 : i32
    "tpu.region"() ({
      %run_scoped3A_61 = tpu.sem_alloc : memref<!tpu.dma_semaphore, #tpu.memory_space<semaphore_mem>>
      %dma_start3A_62 = arith.constant 0 : i32
      %dma_start3A_63 = tpu.memref_slice %arg6[%arg0, %mul3A_60, %dma_start3A_62] : memref<2x10112x128xf32, #tpu.memory_space<hbm>> -> memref<1x632x128xf32, #tpu.memory_space<hbm>>
      %dma_start3A_64 = tpu.memref_squeeze %dma_start3A_63 : memref<1x632x128xf32, #tpu.memory_space<hbm>> -> memref<632x128xf32, #tpu.memory_space<hbm>>
      %dma_start3A_65 = arith.constant 0 : i32
      %dma_start3A_66 = tpu.memref_slice %arg7[%mul3A_58, %dma_start3A_65] : memref<10112x128xf32, #tpu.memory_space<vmem_shared>> -> memref<632x128xf32, #tpu.memory_space<vmem_shared>>
      tpu.enqueue_dma source(%dma_start3A_66 : memref<632x128xf32, #tpu.memory_space<vmem_shared>>) target(%dma_start3A_64 : memref<632x128xf32, #tpu.memory_space<hbm>>) target_semaphore(%run_scoped3A_61 : memref<!tpu.dma_semaphore, #tpu.memory_space<semaphore_mem>>)
      %dma_wait3A = arith.constant 0 : i32
      %dma_wait3A_67 = tpu.memref_slice %arg6[%arg0, %mul3A_60, %dma_wait3A] : memref<2x10112x128xf32, #tpu.memory_space<hbm>> -> memref<1x632x128xf32, #tpu.memory_space<hbm>>
      %dma_wait3A_68 = tpu.memref_squeeze %dma_wait3A_67 : memref<1x632x128xf32, #tpu.memory_space<hbm>> -> memref<632x128xf32, #tpu.memory_space<hbm>>
      %dma_wait3A_69 = arith.constant 0 : i32
      %dma_wait3A_70 = tpu.memref_slice %arg7[%mul3A_58, %dma_wait3A_69] : memref<10112x128xf32, #tpu.memory_space<vmem_shared>> -> memref<632x128xf32, #tpu.memory_space<vmem_shared>>
      tpu.wait_dma2 semaphore(%run_scoped3A_61 : memref<!tpu.dma_semaphore, #tpu.memory_space<semaphore_mem>>) src(%dma_wait3A_70 : memref<632x128xf32, #tpu.memory_space<vmem_shared>>) dst(%dma_wait3A_68 : memref<632x128xf32, #tpu.memory_space<hbm>>)
      tpu.yield
    }) : () -> ()
    return
  }
}

#map = affine_map<(d0, d1) -> (0, 0)>
#map1 = affine_map<(d0, d1) -> (0, 0, 0)>
module attributes {stable_mosaic.version = 14 : i64} {
  func.func @_agg_kernel(%arg0: i32, %arg1: i32, %arg2: memref<10000x128xf32, #tpu.memory_space<hbm>>, %arg3: memref<32x81x128xi32, #tpu.memory_space<hbm>>, %arg4: memref<32x81x128xi32, #tpu.memory_space<hbm>>, %arg5: memref<10112x128xf32, #tpu.memory_space<hbm>>, %arg6: memref<2x10112x128xf32, #tpu.memory_space<hbm>>, %arg7: memref<10112x128xf32, #tpu.memory_space<vmem_shared>>, %arg8: memref<3x128xi32, #tpu.memory_space<vmem>>, %arg9: memref<3x128xi32, #tpu.memory_space<vmem>>, %arg10: memref<3x128x128xf32, #tpu.memory_space<vmem>>, %arg11: memref<!tpu.dma_semaphore, #tpu.memory_space<semaphore_mem>>, %arg12: memref<!tpu.dma_semaphore, #tpu.memory_space<semaphore_mem>>, %arg13: memref<!tpu.dma_semaphore, #tpu.memory_space<semaphore_mem>>) attributes {dimension_semantics = [#tpu.dimension_semantics<core_parallel>, #tpu.dimension_semantics<subcore_parallel>], iteration_bounds = array<i64: 2, 16>, scalar_prefetch = 0 : i64, scratch_operands = 7 : i64, tpu.core_type = #tpu.core_type<sc_vector_subcore>, window_params = [{transform_indices = #map}, {transform_indices = #map1}, {transform_indices = #map1}, {transform_indices = #map}, {transform_indices = #map1}]} {
    %mul3A = arith.constant 16 : i32
    %mul3A_0 = arith.muli %arg0, %mul3A : i32
    %add3A = arith.addi %mul3A_0, %arg1 : i32
    %mul3A_1 = arith.constant 632 : i32
    %mul3A_2 = arith.muli %arg1, %mul3A_1 : i32
    %mul3A_3 = arith.constant 632 : i32
    %mul3A_4 = arith.muli %arg1, %mul3A_3 : i32
    "tpu.region"() ({
      %run_scoped3A_61 = tpu.sem_alloc : memref<!tpu.dma_semaphore, #tpu.memory_space<semaphore_mem>>
      %dma_start3A_62 = arith.constant 0 : i32
      %dma_start3A_63 = tpu.memref_slice %arg7[%mul3A_4, %dma_start3A_62] : memref<10112x128xf32, #tpu.memory_space<vmem_shared>> -> memref<632x128xf32, #tpu.memory_space<vmem_shared>>
      %dma_start3A_64 = arith.constant 0 : i32
      %dma_start3A_65 = tpu.memref_slice %arg5[%mul3A_2, %dma_start3A_64] : memref<10112x128xf32, #tpu.memory_space<hbm>> -> memref<632x128xf32, #tpu.memory_space<hbm>>
      tpu.enqueue_dma source(%dma_start3A_65 : memref<632x128xf32, #tpu.memory_space<hbm>>) target(%dma_start3A_63 : memref<632x128xf32, #tpu.memory_space<vmem_shared>>) target_semaphore(%run_scoped3A_61 : memref<!tpu.dma_semaphore, #tpu.memory_space<semaphore_mem>>)
      %dma_wait3A = arith.constant 0 : i32
      %dma_wait3A_66 = tpu.memref_slice %arg7[%mul3A_4, %dma_wait3A] : memref<10112x128xf32, #tpu.memory_space<vmem_shared>> -> memref<632x128xf32, #tpu.memory_space<vmem_shared>>
      %dma_wait3A_67 = arith.constant 0 : i32
      %dma_wait3A_68 = tpu.memref_slice %arg5[%mul3A_2, %dma_wait3A_67] : memref<10112x128xf32, #tpu.memory_space<hbm>> -> memref<632x128xf32, #tpu.memory_space<hbm>>
      tpu.wait_dma2 semaphore(%run_scoped3A_61 : memref<!tpu.dma_semaphore, #tpu.memory_space<semaphore_mem>>) src(%dma_wait3A_68 : memref<632x128xf32, #tpu.memory_space<hbm>>) dst(%dma_wait3A_66 : memref<632x128xf32, #tpu.memory_space<vmem_shared>>)
      tpu.yield
    }) : () -> ()
    %barrier3A = arith.constant 0 : index
    tpu.barrier barrier_id(%barrier3A)
    %run_scoped3A = arith.constant 0 : i32
    %run_scoped3A_5 = arith.constant 0 : i32
    "tpu.region"() ({
      %run_scoped3A_61 = tpu.sem_alloc : memref<!tpu.dma_semaphore, #tpu.memory_space<semaphore_mem>>
      %dma_start3A_62 = arith.constant 0 : i32
      %dma_start3A_63 = tpu.memref_slice %arg8[%run_scoped3A_5, %dma_start3A_62] : memref<3x128xi32, #tpu.memory_space<vmem>> -> memref<1x128xi32, #tpu.memory_space<vmem>>
      %dma_start3A_64 = tpu.memref_squeeze %dma_start3A_63 : memref<1x128xi32, #tpu.memory_space<vmem>> -> memref<128xi32, #tpu.memory_space<vmem>>
      %dma_start3A_65 = arith.constant 0 : i32
      %dma_start3A_66 = tpu.memref_slice %arg3[%add3A, %run_scoped3A, %dma_start3A_65] : memref<32x81x128xi32, #tpu.memory_space<hbm>> -> memref<1x1x128xi32, #tpu.memory_space<hbm>>
      %dma_start3A_67 = tpu.memref_squeeze %dma_start3A_66 : memref<1x1x128xi32, #tpu.memory_space<hbm>> -> memref<128xi32, #tpu.memory_space<hbm>>
      %dma_start3A_68 = arith.constant 0 : i32
      %dma_start3A_69 = tpu.memref_slice %arg8[%run_scoped3A_5, %dma_start3A_68] : memref<3x128xi32, #tpu.memory_space<vmem>> -> memref<1x128xi32, #tpu.memory_space<vmem>>
      %dma_start3A_70 = tpu.memref_squeeze %dma_start3A_69 : memref<1x128xi32, #tpu.memory_space<vmem>> -> memref<128xi32, #tpu.memory_space<vmem>>
      %dma_start3A_71 = arith.constant 0 : i32
      %dma_start3A_72 = tpu.memref_slice %arg3[%add3A, %run_scoped3A, %dma_start3A_71] : memref<32x81x128xi32, #tpu.memory_space<hbm>> -> memref<1x1x128xi32, #tpu.memory_space<hbm>>
      %dma_start3A_73 = tpu.memref_squeeze %dma_start3A_72 : memref<1x1x128xi32, #tpu.memory_space<hbm>> -> memref<128xi32, #tpu.memory_space<hbm>>
      tpu.enqueue_dma source(%dma_start3A_73 : memref<128xi32, #tpu.memory_space<hbm>>) target(%dma_start3A_70 : memref<128xi32, #tpu.memory_space<vmem>>) target_semaphore(%run_scoped3A_61 : memref<!tpu.dma_semaphore, #tpu.memory_space<semaphore_mem>>)
      %dma_wait3A = arith.constant 0 : i32
      %dma_wait3A_74 = tpu.memref_slice %arg8[%run_scoped3A_5, %dma_wait3A] : memref<3x128xi32, #tpu.memory_space<vmem>> -> memref<1x128xi32, #tpu.memory_space<vmem>>
      %dma_wait3A_75 = tpu.memref_squeeze %dma_wait3A_74 : memref<1x128xi32, #tpu.memory_space<vmem>> -> memref<128xi32, #tpu.memory_space<vmem>>
      %dma_wait3A_76 = arith.constant 0 : i32
      %dma_wait3A_77 = tpu.memref_slice %arg3[%add3A, %run_scoped3A, %dma_wait3A_76] : memref<32x81x128xi32, #tpu.memory_space<hbm>> -> memref<1x1x128xi32, #tpu.memory_space<hbm>>
      %dma_wait3A_78 = tpu.memref_squeeze %dma_wait3A_77 : memref<1x1x128xi32, #tpu.memory_space<hbm>> -> memref<128xi32, #tpu.memory_space<hbm>>
      %dma_wait3A_79 = arith.constant 0 : i32
      %dma_wait3A_80 = tpu.memref_slice %arg8[%run_scoped3A_5, %dma_wait3A_79] : memref<3x128xi32, #tpu.memory_space<vmem>> -> memref<1x128xi32, #tpu.memory_space<vmem>>
      %dma_wait3A_81 = tpu.memref_squeeze %dma_wait3A_80 : memref<1x128xi32, #tpu.memory_space<vmem>> -> memref<128xi32, #tpu.memory_space<vmem>>
      %dma_wait3A_82 = arith.constant 0 : i32
      %dma_wait3A_83 = tpu.memref_slice %arg3[%add3A, %run_scoped3A, %dma_wait3A_82] : memref<32x81x128xi32, #tpu.memory_space<hbm>> -> memref<1x1x128xi32, #tpu.memory_space<hbm>>
      %dma_wait3A_84 = tpu.memref_squeeze %dma_wait3A_83 : memref<1x1x128xi32, #tpu.memory_space<hbm>> -> memref<128xi32, #tpu.memory_space<hbm>>
      tpu.wait_dma2 semaphore(%run_scoped3A_61 : memref<!tpu.dma_semaphore, #tpu.memory_space<semaphore_mem>>) src(%dma_wait3A_84 : memref<128xi32, #tpu.memory_space<hbm>>) dst(%dma_wait3A_81 : memref<128xi32, #tpu.memory_space<vmem>>)
      tpu.yield
    }) : () -> ()
    %run_scoped3A_6 = arith.constant 0 : i32
    %run_scoped3A_7 = arith.constant 0 : i32
    "tpu.region"() ({
      %run_scoped3A_61 = tpu.sem_alloc : memref<!tpu.dma_semaphore, #tpu.memory_space<semaphore_mem>>
      %dma_start3A_62 = arith.constant 0 : i32
      %dma_start3A_63 = tpu.memref_slice %arg9[%run_scoped3A_7, %dma_start3A_62] : memref<3x128xi32, #tpu.memory_space<vmem>> -> memref<1x128xi32, #tpu.memory_space<vmem>>
      %dma_start3A_64 = tpu.memref_squeeze %dma_start3A_63 : memref<1x128xi32, #tpu.memory_space<vmem>> -> memref<128xi32, #tpu.memory_space<vmem>>
      %dma_start3A_65 = arith.constant 0 : i32
      %dma_start3A_66 = tpu.memref_slice %arg4[%add3A, %run_scoped3A_6, %dma_start3A_65] : memref<32x81x128xi32, #tpu.memory_space<hbm>> -> memref<1x1x128xi32, #tpu.memory_space<hbm>>
      %dma_start3A_67 = tpu.memref_squeeze %dma_start3A_66 : memref<1x1x128xi32, #tpu.memory_space<hbm>> -> memref<128xi32, #tpu.memory_space<hbm>>
      %dma_start3A_68 = arith.constant 0 : i32
      %dma_start3A_69 = tpu.memref_slice %arg9[%run_scoped3A_7, %dma_start3A_68] : memref<3x128xi32, #tpu.memory_space<vmem>> -> memref<1x128xi32, #tpu.memory_space<vmem>>
      %dma_start3A_70 = tpu.memref_squeeze %dma_start3A_69 : memref<1x128xi32, #tpu.memory_space<vmem>> -> memref<128xi32, #tpu.memory_space<vmem>>
      %dma_start3A_71 = arith.constant 0 : i32
      %dma_start3A_72 = tpu.memref_slice %arg4[%add3A, %run_scoped3A_6, %dma_start3A_71] : memref<32x81x128xi32, #tpu.memory_space<hbm>> -> memref<1x1x128xi32, #tpu.memory_space<hbm>>
      %dma_start3A_73 = tpu.memref_squeeze %dma_start3A_72 : memref<1x1x128xi32, #tpu.memory_space<hbm>> -> memref<128xi32, #tpu.memory_space<hbm>>
      tpu.enqueue_dma source(%dma_start3A_73 : memref<128xi32, #tpu.memory_space<hbm>>) target(%dma_start3A_70 : memref<128xi32, #tpu.memory_space<vmem>>) target_semaphore(%run_scoped3A_61 : memref<!tpu.dma_semaphore, #tpu.memory_space<semaphore_mem>>)
      %dma_wait3A = arith.constant 0 : i32
      %dma_wait3A_74 = tpu.memref_slice %arg9[%run_scoped3A_7, %dma_wait3A] : memref<3x128xi32, #tpu.memory_space<vmem>> -> memref<1x128xi32, #tpu.memory_space<vmem>>
      %dma_wait3A_75 = tpu.memref_squeeze %dma_wait3A_74 : memref<1x128xi32, #tpu.memory_space<vmem>> -> memref<128xi32, #tpu.memory_space<vmem>>
      %dma_wait3A_76 = arith.constant 0 : i32
      %dma_wait3A_77 = tpu.memref_slice %arg4[%add3A, %run_scoped3A_6, %dma_wait3A_76] : memref<32x81x128xi32, #tpu.memory_space<hbm>> -> memref<1x1x128xi32, #tpu.memory_space<hbm>>
      %dma_wait3A_78 = tpu.memref_squeeze %dma_wait3A_77 : memref<1x1x128xi32, #tpu.memory_space<hbm>> -> memref<128xi32, #tpu.memory_space<hbm>>
      %dma_wait3A_79 = arith.constant 0 : i32
      %dma_wait3A_80 = tpu.memref_slice %arg9[%run_scoped3A_7, %dma_wait3A_79] : memref<3x128xi32, #tpu.memory_space<vmem>> -> memref<1x128xi32, #tpu.memory_space<vmem>>
      %dma_wait3A_81 = tpu.memref_squeeze %dma_wait3A_80 : memref<1x128xi32, #tpu.memory_space<vmem>> -> memref<128xi32, #tpu.memory_space<vmem>>
      %dma_wait3A_82 = arith.constant 0 : i32
      %dma_wait3A_83 = tpu.memref_slice %arg4[%add3A, %run_scoped3A_6, %dma_wait3A_82] : memref<32x81x128xi32, #tpu.memory_space<hbm>> -> memref<1x1x128xi32, #tpu.memory_space<hbm>>
      %dma_wait3A_84 = tpu.memref_squeeze %dma_wait3A_83 : memref<1x1x128xi32, #tpu.memory_space<hbm>> -> memref<128xi32, #tpu.memory_space<hbm>>
      tpu.wait_dma2 semaphore(%run_scoped3A_61 : memref<!tpu.dma_semaphore, #tpu.memory_space<semaphore_mem>>) src(%dma_wait3A_84 : memref<128xi32, #tpu.memory_space<hbm>>) dst(%dma_wait3A_81 : memref<128xi32, #tpu.memory_space<vmem>>)
      tpu.yield
    }) : () -> ()
    %dma_start3A = arith.constant 0 : i32
    %dma_start3A_8 = arith.constant 0 : i32
    %dma_start3A_9 = arith.constant 0 : i32
    %dma_start3A_10 = arith.constant 0 : i32
    %dma_start3A_11 = tpu.memref_slice %arg10[%dma_start3A_8, %dma_start3A_9, %dma_start3A_10] : memref<3x128x128xf32, #tpu.memory_space<vmem>> -> memref<1x128x128xf32, #tpu.memory_space<vmem>>
    %dma_start3A_12 = tpu.memref_squeeze %dma_start3A_11 : memref<1x128x128xf32, #tpu.memory_space<vmem>> -> memref<128x128xf32, #tpu.memory_space<vmem>>
    %dma_start3A_13 = arith.constant 0 : i32
    %dma_start3A_14 = tpu.memref_slice %arg8[%dma_start3A, %dma_start3A_13] : memref<3x128xi32, #tpu.memory_space<vmem>> -> memref<1x128xi32, #tpu.memory_space<vmem>>
    %dma_start3A_15 = tpu.memref_squeeze %dma_start3A_14 : memref<1x128xi32, #tpu.memory_space<vmem>> -> memref<128xi32, #tpu.memory_space<vmem>>
    %dma_start3A_16 = arith.constant 0 : i32
    %dma_start3A_17 = arith.constant 0 : i32
    %dma_start3A_18 = tpu.memref_slice %arg2[%dma_start3A_16, %dma_start3A_17] : memref<10000x128xf32, #tpu.memory_space<hbm>> -> memref<10000x128xf32, #tpu.memory_space<hbm>>
    tpu.enqueue_indirect_dma source(%dma_start3A_18 : memref<10000x128xf32, #tpu.memory_space<hbm>>) target(%dma_start3A_12 : memref<128x128xf32, #tpu.memory_space<vmem>>) offsets(%dma_start3A_15 : memref<128xi32, #tpu.memory_space<vmem>>) semaphore(%arg11 : memref<!tpu.dma_semaphore, #tpu.memory_space<semaphore_mem>>)
    %run_scoped3A_19 = arith.constant 1 : i32
    %run_scoped3A_20 = arith.constant 1 : i32
    "tpu.region"() ({
      %run_scoped3A_61 = tpu.sem_alloc : memref<!tpu.dma_semaphore, #tpu.memory_space<semaphore_mem>>
      %dma_start3A_62 = arith.constant 0 : i32
      %dma_start3A_63 = tpu.memref_slice %arg8[%run_scoped3A_20, %dma_start3A_62] : memref<3x128xi32, #tpu.memory_space<vmem>> -> memref<1x128xi32, #tpu.memory_space<vmem>>
      %dma_start3A_64 = tpu.memref_squeeze %dma_start3A_63 : memref<1x128xi32, #tpu.memory_space<vmem>> -> memref<128xi32, #tpu.memory_space<vmem>>
      %dma_start3A_65 = arith.constant 0 : i32
      %dma_start3A_66 = tpu.memref_slice %arg3[%add3A, %run_scoped3A_19, %dma_start3A_65] : memref<32x81x128xi32, #tpu.memory_space<hbm>> -> memref<1x1x128xi32, #tpu.memory_space<hbm>>
      %dma_start3A_67 = tpu.memref_squeeze %dma_start3A_66 : memref<1x1x128xi32, #tpu.memory_space<hbm>> -> memref<128xi32, #tpu.memory_space<hbm>>
      %dma_start3A_68 = arith.constant 0 : i32
      %dma_start3A_69 = tpu.memref_slice %arg8[%run_scoped3A_20, %dma_start3A_68] : memref<3x128xi32, #tpu.memory_space<vmem>> -> memref<1x128xi32, #tpu.memory_space<vmem>>
      %dma_start3A_70 = tpu.memref_squeeze %dma_start3A_69 : memref<1x128xi32, #tpu.memory_space<vmem>> -> memref<128xi32, #tpu.memory_space<vmem>>
      %dma_start3A_71 = arith.constant 0 : i32
      %dma_start3A_72 = tpu.memref_slice %arg3[%add3A, %run_scoped3A_19, %dma_start3A_71] : memref<32x81x128xi32, #tpu.memory_space<hbm>> -> memref<1x1x128xi32, #tpu.memory_space<hbm>>
      %dma_start3A_73 = tpu.memref_squeeze %dma_start3A_72 : memref<1x1x128xi32, #tpu.memory_space<hbm>> -> memref<128xi32, #tpu.memory_space<hbm>>
      tpu.enqueue_dma source(%dma_start3A_73 : memref<128xi32, #tpu.memory_space<hbm>>) target(%dma_start3A_70 : memref<128xi32, #tpu.memory_space<vmem>>) target_semaphore(%run_scoped3A_61 : memref<!tpu.dma_semaphore, #tpu.memory_space<semaphore_mem>>)
      %dma_wait3A = arith.constant 0 : i32
      %dma_wait3A_74 = tpu.memref_slice %arg8[%run_scoped3A_20, %dma_wait3A] : memref<3x128xi32, #tpu.memory_space<vmem>> -> memref<1x128xi32, #tpu.memory_space<vmem>>
      %dma_wait3A_75 = tpu.memref_squeeze %dma_wait3A_74 : memref<1x128xi32, #tpu.memory_space<vmem>> -> memref<128xi32, #tpu.memory_space<vmem>>
      %dma_wait3A_76 = arith.constant 0 : i32
      %dma_wait3A_77 = tpu.memref_slice %arg3[%add3A, %run_scoped3A_19, %dma_wait3A_76] : memref<32x81x128xi32, #tpu.memory_space<hbm>> -> memref<1x1x128xi32, #tpu.memory_space<hbm>>
      %dma_wait3A_78 = tpu.memref_squeeze %dma_wait3A_77 : memref<1x1x128xi32, #tpu.memory_space<hbm>> -> memref<128xi32, #tpu.memory_space<hbm>>
      %dma_wait3A_79 = arith.constant 0 : i32
      %dma_wait3A_80 = tpu.memref_slice %arg8[%run_scoped3A_20, %dma_wait3A_79] : memref<3x128xi32, #tpu.memory_space<vmem>> -> memref<1x128xi32, #tpu.memory_space<vmem>>
      %dma_wait3A_81 = tpu.memref_squeeze %dma_wait3A_80 : memref<1x128xi32, #tpu.memory_space<vmem>> -> memref<128xi32, #tpu.memory_space<vmem>>
      %dma_wait3A_82 = arith.constant 0 : i32
      %dma_wait3A_83 = tpu.memref_slice %arg3[%add3A, %run_scoped3A_19, %dma_wait3A_82] : memref<32x81x128xi32, #tpu.memory_space<hbm>> -> memref<1x1x128xi32, #tpu.memory_space<hbm>>
      %dma_wait3A_84 = tpu.memref_squeeze %dma_wait3A_83 : memref<1x1x128xi32, #tpu.memory_space<hbm>> -> memref<128xi32, #tpu.memory_space<hbm>>
      tpu.wait_dma2 semaphore(%run_scoped3A_61 : memref<!tpu.dma_semaphore, #tpu.memory_space<semaphore_mem>>) src(%dma_wait3A_84 : memref<128xi32, #tpu.memory_space<hbm>>) dst(%dma_wait3A_81 : memref<128xi32, #tpu.memory_space<vmem>>)
      tpu.yield
    }) : () -> ()
    %run_scoped3A_21 = arith.constant 1 : i32
    %run_scoped3A_22 = arith.constant 1 : i32
    "tpu.region"() ({
      %run_scoped3A_61 = tpu.sem_alloc : memref<!tpu.dma_semaphore, #tpu.memory_space<semaphore_mem>>
      %dma_start3A_62 = arith.constant 0 : i32
      %dma_start3A_63 = tpu.memref_slice %arg9[%run_scoped3A_22, %dma_start3A_62] : memref<3x128xi32, #tpu.memory_space<vmem>> -> memref<1x128xi32, #tpu.memory_space<vmem>>
      %dma_start3A_64 = tpu.memref_squeeze %dma_start3A_63 : memref<1x128xi32, #tpu.memory_space<vmem>> -> memref<128xi32, #tpu.memory_space<vmem>>
      %dma_start3A_65 = arith.constant 0 : i32
      %dma_start3A_66 = tpu.memref_slice %arg4[%add3A, %run_scoped3A_21, %dma_start3A_65] : memref<32x81x128xi32, #tpu.memory_space<hbm>> -> memref<1x1x128xi32, #tpu.memory_space<hbm>>
      %dma_start3A_67 = tpu.memref_squeeze %dma_start3A_66 : memref<1x1x128xi32, #tpu.memory_space<hbm>> -> memref<128xi32, #tpu.memory_space<hbm>>
      %dma_start3A_68 = arith.constant 0 : i32
      %dma_start3A_69 = tpu.memref_slice %arg9[%run_scoped3A_22, %dma_start3A_68] : memref<3x128xi32, #tpu.memory_space<vmem>> -> memref<1x128xi32, #tpu.memory_space<vmem>>
      %dma_start3A_70 = tpu.memref_squeeze %dma_start3A_69 : memref<1x128xi32, #tpu.memory_space<vmem>> -> memref<128xi32, #tpu.memory_space<vmem>>
      %dma_start3A_71 = arith.constant 0 : i32
      %dma_start3A_72 = tpu.memref_slice %arg4[%add3A, %run_scoped3A_21, %dma_start3A_71] : memref<32x81x128xi32, #tpu.memory_space<hbm>> -> memref<1x1x128xi32, #tpu.memory_space<hbm>>
      %dma_start3A_73 = tpu.memref_squeeze %dma_start3A_72 : memref<1x1x128xi32, #tpu.memory_space<hbm>> -> memref<128xi32, #tpu.memory_space<hbm>>
      tpu.enqueue_dma source(%dma_start3A_73 : memref<128xi32, #tpu.memory_space<hbm>>) target(%dma_start3A_70 : memref<128xi32, #tpu.memory_space<vmem>>) target_semaphore(%run_scoped3A_61 : memref<!tpu.dma_semaphore, #tpu.memory_space<semaphore_mem>>)
      %dma_wait3A = arith.constant 0 : i32
      %dma_wait3A_74 = tpu.memref_slice %arg9[%run_scoped3A_22, %dma_wait3A] : memref<3x128xi32, #tpu.memory_space<vmem>> -> memref<1x128xi32, #tpu.memory_space<vmem>>
      %dma_wait3A_75 = tpu.memref_squeeze %dma_wait3A_74 : memref<1x128xi32, #tpu.memory_space<vmem>> -> memref<128xi32, #tpu.memory_space<vmem>>
      %dma_wait3A_76 = arith.constant 0 : i32
      %dma_wait3A_77 = tpu.memref_slice %arg4[%add3A, %run_scoped3A_21, %dma_wait3A_76] : memref<32x81x128xi32, #tpu.memory_space<hbm>> -> memref<1x1x128xi32, #tpu.memory_space<hbm>>
      %dma_wait3A_78 = tpu.memref_squeeze %dma_wait3A_77 : memref<1x1x128xi32, #tpu.memory_space<hbm>> -> memref<128xi32, #tpu.memory_space<hbm>>
      %dma_wait3A_79 = arith.constant 0 : i32
      %dma_wait3A_80 = tpu.memref_slice %arg9[%run_scoped3A_22, %dma_wait3A_79] : memref<3x128xi32, #tpu.memory_space<vmem>> -> memref<1x128xi32, #tpu.memory_space<vmem>>
      %dma_wait3A_81 = tpu.memref_squeeze %dma_wait3A_80 : memref<1x128xi32, #tpu.memory_space<vmem>> -> memref<128xi32, #tpu.memory_space<vmem>>
      %dma_wait3A_82 = arith.constant 0 : i32
      %dma_wait3A_83 = tpu.memref_slice %arg4[%add3A, %run_scoped3A_21, %dma_wait3A_82] : memref<32x81x128xi32, #tpu.memory_space<hbm>> -> memref<1x1x128xi32, #tpu.memory_space<hbm>>
      %dma_wait3A_84 = tpu.memref_squeeze %dma_wait3A_83 : memref<1x1x128xi32, #tpu.memory_space<hbm>> -> memref<128xi32, #tpu.memory_space<hbm>>
      tpu.wait_dma2 semaphore(%run_scoped3A_61 : memref<!tpu.dma_semaphore, #tpu.memory_space<semaphore_mem>>) src(%dma_wait3A_84 : memref<128xi32, #tpu.memory_space<hbm>>) dst(%dma_wait3A_81 : memref<128xi32, #tpu.memory_space<vmem>>)
      tpu.yield
    }) : () -> ()
    %dma_start3A_23 = arith.constant 1 : i32
    %dma_start3A_24 = arith.constant 1 : i32
    %dma_start3A_25 = arith.constant 0 : i32
    %dma_start3A_26 = arith.constant 0 : i32
    %dma_start3A_27 = tpu.memref_slice %arg10[%dma_start3A_24, %dma_start3A_25, %dma_start3A_26] : memref<3x128x128xf32, #tpu.memory_space<vmem>> -> memref<1x128x128xf32, #tpu.memory_space<vmem>>
    %dma_start3A_28 = tpu.memref_squeeze %dma_start3A_27 : memref<1x128x128xf32, #tpu.memory_space<vmem>> -> memref<128x128xf32, #tpu.memory_space<vmem>>
    %dma_start3A_29 = arith.constant 0 : i32
    %dma_start3A_30 = tpu.memref_slice %arg8[%dma_start3A_23, %dma_start3A_29] : memref<3x128xi32, #tpu.memory_space<vmem>> -> memref<1x128xi32, #tpu.memory_space<vmem>>
    %dma_start3A_31 = tpu.memref_squeeze %dma_start3A_30 : memref<1x128xi32, #tpu.memory_space<vmem>> -> memref<128xi32, #tpu.memory_space<vmem>>
    %dma_start3A_32 = arith.constant 0 : i32
    %dma_start3A_33 = arith.constant 0 : i32
    %dma_start3A_34 = tpu.memref_slice %arg2[%dma_start3A_32, %dma_start3A_33] : memref<10000x128xf32, #tpu.memory_space<hbm>> -> memref<10000x128xf32, #tpu.memory_space<hbm>>
    tpu.enqueue_indirect_dma source(%dma_start3A_34 : memref<10000x128xf32, #tpu.memory_space<hbm>>) target(%dma_start3A_28 : memref<128x128xf32, #tpu.memory_space<vmem>>) offsets(%dma_start3A_31 : memref<128xi32, #tpu.memory_space<vmem>>) semaphore(%arg12 : memref<!tpu.dma_semaphore, #tpu.memory_space<semaphore_mem>>)
    %run_scoped3A_35 = arith.constant 2 : i32
    %run_scoped3A_36 = arith.constant 2 : i32
    "tpu.region"() ({
      %run_scoped3A_61 = tpu.sem_alloc : memref<!tpu.dma_semaphore, #tpu.memory_space<semaphore_mem>>
      %dma_start3A_62 = arith.constant 0 : i32
      %dma_start3A_63 = tpu.memref_slice %arg8[%run_scoped3A_36, %dma_start3A_62] : memref<3x128xi32, #tpu.memory_space<vmem>> -> memref<1x128xi32, #tpu.memory_space<vmem>>
      %dma_start3A_64 = tpu.memref_squeeze %dma_start3A_63 : memref<1x128xi32, #tpu.memory_space<vmem>> -> memref<128xi32, #tpu.memory_space<vmem>>
      %dma_start3A_65 = arith.constant 0 : i32
      %dma_start3A_66 = tpu.memref_slice %arg3[%add3A, %run_scoped3A_35, %dma_start3A_65] : memref<32x81x128xi32, #tpu.memory_space<hbm>> -> memref<1x1x128xi32, #tpu.memory_space<hbm>>
      %dma_start3A_67 = tpu.memref_squeeze %dma_start3A_66 : memref<1x1x128xi32, #tpu.memory_space<hbm>> -> memref<128xi32, #tpu.memory_space<hbm>>
      %dma_start3A_68 = arith.constant 0 : i32
      %dma_start3A_69 = tpu.memref_slice %arg8[%run_scoped3A_36, %dma_start3A_68] : memref<3x128xi32, #tpu.memory_space<vmem>> -> memref<1x128xi32, #tpu.memory_space<vmem>>
      %dma_start3A_70 = tpu.memref_squeeze %dma_start3A_69 : memref<1x128xi32, #tpu.memory_space<vmem>> -> memref<128xi32, #tpu.memory_space<vmem>>
      %dma_start3A_71 = arith.constant 0 : i32
      %dma_start3A_72 = tpu.memref_slice %arg3[%add3A, %run_scoped3A_35, %dma_start3A_71] : memref<32x81x128xi32, #tpu.memory_space<hbm>> -> memref<1x1x128xi32, #tpu.memory_space<hbm>>
      %dma_start3A_73 = tpu.memref_squeeze %dma_start3A_72 : memref<1x1x128xi32, #tpu.memory_space<hbm>> -> memref<128xi32, #tpu.memory_space<hbm>>
      tpu.enqueue_dma source(%dma_start3A_73 : memref<128xi32, #tpu.memory_space<hbm>>) target(%dma_start3A_70 : memref<128xi32, #tpu.memory_space<vmem>>) target_semaphore(%run_scoped3A_61 : memref<!tpu.dma_semaphore, #tpu.memory_space<semaphore_mem>>)
      %dma_wait3A = arith.constant 0 : i32
      %dma_wait3A_74 = tpu.memref_slice %arg8[%run_scoped3A_36, %dma_wait3A] : memref<3x128xi32, #tpu.memory_space<vmem>> -> memref<1x128xi32, #tpu.memory_space<vmem>>
      %dma_wait3A_75 = tpu.memref_squeeze %dma_wait3A_74 : memref<1x128xi32, #tpu.memory_space<vmem>> -> memref<128xi32, #tpu.memory_space<vmem>>
      %dma_wait3A_76 = arith.constant 0 : i32
      %dma_wait3A_77 = tpu.memref_slice %arg3[%add3A, %run_scoped3A_35, %dma_wait3A_76] : memref<32x81x128xi32, #tpu.memory_space<hbm>> -> memref<1x1x128xi32, #tpu.memory_space<hbm>>
      %dma_wait3A_78 = tpu.memref_squeeze %dma_wait3A_77 : memref<1x1x128xi32, #tpu.memory_space<hbm>> -> memref<128xi32, #tpu.memory_space<hbm>>
      %dma_wait3A_79 = arith.constant 0 : i32
      %dma_wait3A_80 = tpu.memref_slice %arg8[%run_scoped3A_36, %dma_wait3A_79] : memref<3x128xi32, #tpu.memory_space<vmem>> -> memref<1x128xi32, #tpu.memory_space<vmem>>
      %dma_wait3A_81 = tpu.memref_squeeze %dma_wait3A_80 : memref<1x128xi32, #tpu.memory_space<vmem>> -> memref<128xi32, #tpu.memory_space<vmem>>
      %dma_wait3A_82 = arith.constant 0 : i32
      %dma_wait3A_83 = tpu.memref_slice %arg3[%add3A, %run_scoped3A_35, %dma_wait3A_82] : memref<32x81x128xi32, #tpu.memory_space<hbm>> -> memref<1x1x128xi32, #tpu.memory_space<hbm>>
      %dma_wait3A_84 = tpu.memref_squeeze %dma_wait3A_83 : memref<1x1x128xi32, #tpu.memory_space<hbm>> -> memref<128xi32, #tpu.memory_space<hbm>>
      tpu.wait_dma2 semaphore(%run_scoped3A_61 : memref<!tpu.dma_semaphore, #tpu.memory_space<semaphore_mem>>) src(%dma_wait3A_84 : memref<128xi32, #tpu.memory_space<hbm>>) dst(%dma_wait3A_81 : memref<128xi32, #tpu.memory_space<vmem>>)
      tpu.yield
    }) : () -> ()
    %run_scoped3A_37 = arith.constant 2 : i32
    %run_scoped3A_38 = arith.constant 2 : i32
    "tpu.region"() ({
      %run_scoped3A_61 = tpu.sem_alloc : memref<!tpu.dma_semaphore, #tpu.memory_space<semaphore_mem>>
      %dma_start3A_62 = arith.constant 0 : i32
      %dma_start3A_63 = tpu.memref_slice %arg9[%run_scoped3A_38, %dma_start3A_62] : memref<3x128xi32, #tpu.memory_space<vmem>> -> memref<1x128xi32, #tpu.memory_space<vmem>>
      %dma_start3A_64 = tpu.memref_squeeze %dma_start3A_63 : memref<1x128xi32, #tpu.memory_space<vmem>> -> memref<128xi32, #tpu.memory_space<vmem>>
      %dma_start3A_65 = arith.constant 0 : i32
      %dma_start3A_66 = tpu.memref_slice %arg4[%add3A, %run_scoped3A_37, %dma_start3A_65] : memref<32x81x128xi32, #tpu.memory_space<hbm>> -> memref<1x1x128xi32, #tpu.memory_space<hbm>>
      %dma_start3A_67 = tpu.memref_squeeze %dma_start3A_66 : memref<1x1x128xi32, #tpu.memory_space<hbm>> -> memref<128xi32, #tpu.memory_space<hbm>>
      %dma_start3A_68 = arith.constant 0 : i32
      %dma_start3A_69 = tpu.memref_slice %arg9[%run_scoped3A_38, %dma_start3A_68] : memref<3x128xi32, #tpu.memory_space<vmem>> -> memref<1x128xi32, #tpu.memory_space<vmem>>
      %dma_start3A_70 = tpu.memref_squeeze %dma_start3A_69 : memref<1x128xi32, #tpu.memory_space<vmem>> -> memref<128xi32, #tpu.memory_space<vmem>>
      %dma_start3A_71 = arith.constant 0 : i32
      %dma_start3A_72 = tpu.memref_slice %arg4[%add3A, %run_scoped3A_37, %dma_start3A_71] : memref<32x81x128xi32, #tpu.memory_space<hbm>> -> memref<1x1x128xi32, #tpu.memory_space<hbm>>
      %dma_start3A_73 = tpu.memref_squeeze %dma_start3A_72 : memref<1x1x128xi32, #tpu.memory_space<hbm>> -> memref<128xi32, #tpu.memory_space<hbm>>
      tpu.enqueue_dma source(%dma_start3A_73 : memref<128xi32, #tpu.memory_space<hbm>>) target(%dma_start3A_70 : memref<128xi32, #tpu.memory_space<vmem>>) target_semaphore(%run_scoped3A_61 : memref<!tpu.dma_semaphore, #tpu.memory_space<semaphore_mem>>)
      %dma_wait3A = arith.constant 0 : i32
      %dma_wait3A_74 = tpu.memref_slice %arg9[%run_scoped3A_38, %dma_wait3A] : memref<3x128xi32, #tpu.memory_space<vmem>> -> memref<1x128xi32, #tpu.memory_space<vmem>>
      %dma_wait3A_75 = tpu.memref_squeeze %dma_wait3A_74 : memref<1x128xi32, #tpu.memory_space<vmem>> -> memref<128xi32, #tpu.memory_space<vmem>>
      %dma_wait3A_76 = arith.constant 0 : i32
      %dma_wait3A_77 = tpu.memref_slice %arg4[%add3A, %run_scoped3A_37, %dma_wait3A_76] : memref<32x81x128xi32, #tpu.memory_space<hbm>> -> memref<1x1x128xi32, #tpu.memory_space<hbm>>
      %dma_wait3A_78 = tpu.memref_squeeze %dma_wait3A_77 : memref<1x1x128xi32, #tpu.memory_space<hbm>> -> memref<128xi32, #tpu.memory_space<hbm>>
      %dma_wait3A_79 = arith.constant 0 : i32
      %dma_wait3A_80 = tpu.memref_slice %arg9[%run_scoped3A_38, %dma_wait3A_79] : memref<3x128xi32, #tpu.memory_space<vmem>> -> memref<1x128xi32, #tpu.memory_space<vmem>>
      %dma_wait3A_81 = tpu.memref_squeeze %dma_wait3A_80 : memref<1x128xi32, #tpu.memory_space<vmem>> -> memref<128xi32, #tpu.memory_space<vmem>>
      %dma_wait3A_82 = arith.constant 0 : i32
      %dma_wait3A_83 = tpu.memref_slice %arg4[%add3A, %run_scoped3A_37, %dma_wait3A_82] : memref<32x81x128xi32, #tpu.memory_space<hbm>> -> memref<1x1x128xi32, #tpu.memory_space<hbm>>
      %dma_wait3A_84 = tpu.memref_squeeze %dma_wait3A_83 : memref<1x1x128xi32, #tpu.memory_space<hbm>> -> memref<128xi32, #tpu.memory_space<hbm>>
      tpu.wait_dma2 semaphore(%run_scoped3A_61 : memref<!tpu.dma_semaphore, #tpu.memory_space<semaphore_mem>>) src(%dma_wait3A_84 : memref<128xi32, #tpu.memory_space<hbm>>) dst(%dma_wait3A_81 : memref<128xi32, #tpu.memory_space<vmem>>)
      tpu.yield
    }) : () -> ()
    %dma_start3A_39 = arith.constant 2 : i32
    %dma_start3A_40 = arith.constant 2 : i32
    %dma_start3A_41 = arith.constant 0 : i32
    %dma_start3A_42 = arith.constant 0 : i32
    %dma_start3A_43 = tpu.memref_slice %arg10[%dma_start3A_40, %dma_start3A_41, %dma_start3A_42] : memref<3x128x128xf32, #tpu.memory_space<vmem>> -> memref<1x128x128xf32, #tpu.memory_space<vmem>>
    %dma_start3A_44 = tpu.memref_squeeze %dma_start3A_43 : memref<1x128x128xf32, #tpu.memory_space<vmem>> -> memref<128x128xf32, #tpu.memory_space<vmem>>
    %dma_start3A_45 = arith.constant 0 : i32
    %dma_start3A_46 = tpu.memref_slice %arg8[%dma_start3A_39, %dma_start3A_45] : memref<3x128xi32, #tpu.memory_space<vmem>> -> memref<1x128xi32, #tpu.memory_space<vmem>>
    %dma_start3A_47 = tpu.memref_squeeze %dma_start3A_46 : memref<1x128xi32, #tpu.memory_space<vmem>> -> memref<128xi32, #tpu.memory_space<vmem>>
    %dma_start3A_48 = arith.constant 0 : i32
    %dma_start3A_49 = arith.constant 0 : i32
    %dma_start3A_50 = tpu.memref_slice %arg2[%dma_start3A_48, %dma_start3A_49] : memref<10000x128xf32, #tpu.memory_space<hbm>> -> memref<10000x128xf32, #tpu.memory_space<hbm>>
    tpu.enqueue_indirect_dma source(%dma_start3A_50 : memref<10000x128xf32, #tpu.memory_space<hbm>>) target(%dma_start3A_44 : memref<128x128xf32, #tpu.memory_space<vmem>>) offsets(%dma_start3A_47 : memref<128xi32, #tpu.memory_space<vmem>>) semaphore(%arg13 : memref<!tpu.dma_semaphore, #tpu.memory_space<semaphore_mem>>)
    %scan3A = arith.constant 0 : i32
    %scan3A_51 = arith.constant 0 : i32
    %scan3A_52 = arith.constant 27 : i32
    %scan3A_53 = arith.addi %scan3A_51, %scan3A_52 : i32
    %scan3A_54 = arith.constant 1 : i32
    scf.for %scan3A_61 = %scan3A_51 to %scan3A_53 step %scan3A_54  : i32 {
      %mul3A_62 = arith.constant 3 : i32
      %mul3A_63 = arith.muli %scan3A_61, %mul3A_62 : i32
      %add3A_64 = arith.constant 0 : i32
      %add3A_65 = arith.addi %mul3A_63, %add3A_64 : i32
      %dma_wait3A = arith.constant 0 : i32
      %dma_wait3A_66 = arith.constant 0 : i32
      %dma_wait3A_67 = arith.constant 0 : i32
      %dma_wait3A_68 = arith.constant 0 : i32
      %dma_wait3A_69 = tpu.memref_slice %arg10[%dma_wait3A_66, %dma_wait3A_67, %dma_wait3A_68] : memref<3x128x128xf32, #tpu.memory_space<vmem>> -> memref<1x128x128xf32, #tpu.memory_space<vmem>>
      %dma_wait3A_70 = tpu.memref_squeeze %dma_wait3A_69 : memref<1x128x128xf32, #tpu.memory_space<vmem>> -> memref<128x128xf32, #tpu.memory_space<vmem>>
      %dma_wait3A_71 = arith.constant 0 : i32
      %dma_wait3A_72 = tpu.memref_slice %arg8[%dma_wait3A, %dma_wait3A_71] : memref<3x128xi32, #tpu.memory_space<vmem>> -> memref<1x128xi32, #tpu.memory_space<vmem>>
      %dma_wait3A_73 = tpu.memref_squeeze %dma_wait3A_72 : memref<1x128xi32, #tpu.memory_space<vmem>> -> memref<128xi32, #tpu.memory_space<vmem>>
      %dma_wait3A_74 = arith.constant 0 : i32
      %dma_wait3A_75 = arith.constant 0 : i32
      %dma_wait3A_76 = tpu.memref_slice %arg2[%dma_wait3A_74, %dma_wait3A_75] : memref<10000x128xf32, #tpu.memory_space<hbm>> -> memref<10000x128xf32, #tpu.memory_space<hbm>>
      tpu.wait_indirect_dma semaphore(%arg11 : memref<!tpu.dma_semaphore, #tpu.memory_space<semaphore_mem>>) src(%dma_wait3A_76 : memref<10000x128xf32, #tpu.memory_space<hbm>>) dst(%dma_wait3A_70 : memref<128x128xf32, #tpu.memory_space<vmem>>)
      %run_scoped3A_77 = arith.constant 0 : i32
      %run_scoped3A_78 = arith.constant 0 : i32
      "tpu.region"() ({
        %run_scoped3A_129 = tpu.sem_alloc : memref<!tpu.dma_semaphore, #tpu.memory_space<semaphore_mem>>
        %dma_start3A_130 = arith.constant 0 : i32
        %dma_start3A_131 = arith.constant 0 : i32
        %dma_start3A_132 = tpu.memref_slice %arg10[%run_scoped3A_77, %dma_start3A_130, %dma_start3A_131] : memref<3x128x128xf32, #tpu.memory_space<vmem>> -> memref<1x128x128xf32, #tpu.memory_space<vmem>>
        %dma_start3A_133 = tpu.memref_squeeze %dma_start3A_132 : memref<1x128x128xf32, #tpu.memory_space<vmem>> -> memref<128x128xf32, #tpu.memory_space<vmem>>
        %dma_start3A_134 = arith.constant 0 : i32
        %dma_start3A_135 = tpu.memref_slice %arg9[%run_scoped3A_78, %dma_start3A_134] : memref<3x128xi32, #tpu.memory_space<vmem>> -> memref<1x128xi32, #tpu.memory_space<vmem>>
        %dma_start3A_136 = tpu.memref_squeeze %dma_start3A_135 : memref<1x128xi32, #tpu.memory_space<vmem>> -> memref<128xi32, #tpu.memory_space<vmem>>
        %dma_start3A_137 = arith.constant 0 : i32
        %dma_start3A_138 = arith.constant 0 : i32
        %dma_start3A_139 = tpu.memref_slice %arg7[%dma_start3A_137, %dma_start3A_138] : memref<10112x128xf32, #tpu.memory_space<vmem_shared>> -> memref<10112x128xf32, #tpu.memory_space<vmem_shared>>
        tpu.enqueue_indirect_dma source(%dma_start3A_133 : memref<128x128xf32, #tpu.memory_space<vmem>>) target(%dma_start3A_139 : memref<10112x128xf32, #tpu.memory_space<vmem_shared>>) offsets(%dma_start3A_136 : memref<128xi32, #tpu.memory_space<vmem>>) semaphore(%run_scoped3A_129 : memref<!tpu.dma_semaphore, #tpu.memory_space<semaphore_mem>>) {add = true}
        %dma_wait3A_140 = arith.constant 0 : i32
        %dma_wait3A_141 = arith.constant 0 : i32
        %dma_wait3A_142 = tpu.memref_slice %arg10[%run_scoped3A_77, %dma_wait3A_140, %dma_wait3A_141] : memref<3x128x128xf32, #tpu.memory_space<vmem>> -> memref<1x128x128xf32, #tpu.memory_space<vmem>>
        %dma_wait3A_143 = tpu.memref_squeeze %dma_wait3A_142 : memref<1x128x128xf32, #tpu.memory_space<vmem>> -> memref<128x128xf32, #tpu.memory_space<vmem>>
        %dma_wait3A_144 = arith.constant 0 : i32
        %dma_wait3A_145 = tpu.memref_slice %arg9[%run_scoped3A_78, %dma_wait3A_144] : memref<3x128xi32, #tpu.memory_space<vmem>> -> memref<1x128xi32, #tpu.memory_space<vmem>>
        %dma_wait3A_146 = tpu.memref_squeeze %dma_wait3A_145 : memref<1x128xi32, #tpu.memory_space<vmem>> -> memref<128xi32, #tpu.memory_space<vmem>>
        %dma_wait3A_147 = arith.constant 0 : i32
        %dma_wait3A_148 = arith.constant 0 : i32
        %dma_wait3A_149 = tpu.memref_slice %arg7[%dma_wait3A_147, %dma_wait3A_148] : memref<10112x128xf32, #tpu.memory_space<vmem_shared>> -> memref<10112x128xf32, #tpu.memory_space<vmem_shared>>
        tpu.wait_indirect_dma semaphore(%run_scoped3A_129 : memref<!tpu.dma_semaphore, #tpu.memory_space<semaphore_mem>>) src(%dma_wait3A_143 : memref<128x128xf32, #tpu.memory_space<vmem>>) dst(%dma_wait3A_149 : memref<10112x128xf32, #tpu.memory_space<vmem_shared>>)
        tpu.yield
      }) : () -> ()
      %add3A_79 = arith.constant 3 : i32
      %add3A_80 = arith.addi %add3A_65, %add3A_79 : i32
      %lt3A = arith.constant 81 : i32
      %lt3A_81 = arith.cmpi slt, %add3A_80, %lt3A : i32
      %convert_element_type3A = arith.extui %lt3A_81 : i1 to i32
      %cond3A = arith.constant 0 : i32
      %cond3A_82 = arith.cmpi ne, %convert_element_type3A, %cond3A : i32
      scf.if %cond3A_82 {
        %run_scoped3A_129 = arith.constant 0 : i32
        "tpu.region"() ({
          %run_scoped3A_143 = tpu.sem_alloc : memref<!tpu.dma_semaphore, #tpu.memory_space<semaphore_mem>>
          %dma_start3A_144 = arith.constant 0 : i32
          %dma_start3A_145 = tpu.memref_slice %arg8[%run_scoped3A_129, %dma_start3A_144] : memref<3x128xi32, #tpu.memory_space<vmem>> -> memref<1x128xi32, #tpu.memory_space<vmem>>
          %dma_start3A_146 = tpu.memref_squeeze %dma_start3A_145 : memref<1x128xi32, #tpu.memory_space<vmem>> -> memref<128xi32, #tpu.memory_space<vmem>>
          %dma_start3A_147 = arith.constant 0 : i32
          %dma_start3A_148 = tpu.memref_slice %arg3[%add3A, %add3A_80, %dma_start3A_147] : memref<32x81x128xi32, #tpu.memory_space<hbm>> -> memref<1x1x128xi32, #tpu.memory_space<hbm>>
          %dma_start3A_149 = tpu.memref_squeeze %dma_start3A_148 : memref<1x1x128xi32, #tpu.memory_space<hbm>> -> memref<128xi32, #tpu.memory_space<hbm>>
          %dma_start3A_150 = arith.constant 0 : i32
          %dma_start3A_151 = tpu.memref_slice %arg8[%run_scoped3A_129, %dma_start3A_150] : memref<3x128xi32, #tpu.memory_space<vmem>> -> memref<1x128xi32, #tpu.memory_space<vmem>>
          %dma_start3A_152 = tpu.memref_squeeze %dma_start3A_151 : memref<1x128xi32, #tpu.memory_space<vmem>> -> memref<128xi32, #tpu.memory_space<vmem>>
          %dma_start3A_153 = arith.constant 0 : i32
          %dma_start3A_154 = tpu.memref_slice %arg3[%add3A, %add3A_80, %dma_start3A_153] : memref<32x81x128xi32, #tpu.memory_space<hbm>> -> memref<1x1x128xi32, #tpu.memory_space<hbm>>
          %dma_start3A_155 = tpu.memref_squeeze %dma_start3A_154 : memref<1x1x128xi32, #tpu.memory_space<hbm>> -> memref<128xi32, #tpu.memory_space<hbm>>
          tpu.enqueue_dma source(%dma_start3A_155 : memref<128xi32, #tpu.memory_space<hbm>>) target(%dma_start3A_152 : memref<128xi32, #tpu.memory_space<vmem>>) target_semaphore(%run_scoped3A_143 : memref<!tpu.dma_semaphore, #tpu.memory_space<semaphore_mem>>)
          %dma_wait3A_156 = arith.constant 0 : i32
          %dma_wait3A_157 = tpu.memref_slice %arg8[%run_scoped3A_129, %dma_wait3A_156] : memref<3x128xi32, #tpu.memory_space<vmem>> -> memref<1x128xi32, #tpu.memory_space<vmem>>
          %dma_wait3A_158 = tpu.memref_squeeze %dma_wait3A_157 : memref<1x128xi32, #tpu.memory_space<vmem>> -> memref<128xi32, #tpu.memory_space<vmem>>
          %dma_wait3A_159 = arith.constant 0 : i32
          %dma_wait3A_160 = tpu.memref_slice %arg3[%add3A, %add3A_80, %dma_wait3A_159] : memref<32x81x128xi32, #tpu.memory_space<hbm>> -> memref<1x1x128xi32, #tpu.memory_space<hbm>>
          %dma_wait3A_161 = tpu.memref_squeeze %dma_wait3A_160 : memref<1x1x128xi32, #tpu.memory_space<hbm>> -> memref<128xi32, #tpu.memory_space<hbm>>
          %dma_wait3A_162 = arith.constant 0 : i32
          %dma_wait3A_163 = tpu.memref_slice %arg8[%run_scoped3A_129, %dma_wait3A_162] : memref<3x128xi32, #tpu.memory_space<vmem>> -> memref<1x128xi32, #tpu.memory_space<vmem>>
          %dma_wait3A_164 = tpu.memref_squeeze %dma_wait3A_163 : memref<1x128xi32, #tpu.memory_space<vmem>> -> memref<128xi32, #tpu.memory_space<vmem>>
          %dma_wait3A_165 = arith.constant 0 : i32
          %dma_wait3A_166 = tpu.memref_slice %arg3[%add3A, %add3A_80, %dma_wait3A_165] : memref<32x81x128xi32, #tpu.memory_space<hbm>> -> memref<1x1x128xi32, #tpu.memory_space<hbm>>
          %dma_wait3A_167 = tpu.memref_squeeze %dma_wait3A_166 : memref<1x1x128xi32, #tpu.memory_space<hbm>> -> memref<128xi32, #tpu.memory_space<hbm>>
          tpu.wait_dma2 semaphore(%run_scoped3A_143 : memref<!tpu.dma_semaphore, #tpu.memory_space<semaphore_mem>>) src(%dma_wait3A_167 : memref<128xi32, #tpu.memory_space<hbm>>) dst(%dma_wait3A_164 : memref<128xi32, #tpu.memory_space<vmem>>)
          tpu.yield
        }) : () -> ()
        %run_scoped3A_130 = arith.constant 0 : i32
        "tpu.region"() ({
          %run_scoped3A_143 = tpu.sem_alloc : memref<!tpu.dma_semaphore, #tpu.memory_space<semaphore_mem>>
          %dma_start3A_144 = arith.constant 0 : i32
          %dma_start3A_145 = tpu.memref_slice %arg9[%run_scoped3A_130, %dma_start3A_144] : memref<3x128xi32, #tpu.memory_space<vmem>> -> memref<1x128xi32, #tpu.memory_space<vmem>>
          %dma_start3A_146 = tpu.memref_squeeze %dma_start3A_145 : memref<1x128xi32, #tpu.memory_space<vmem>> -> memref<128xi32, #tpu.memory_space<vmem>>
          %dma_start3A_147 = arith.constant 0 : i32
          %dma_start3A_148 = tpu.memref_slice %arg4[%add3A, %add3A_80, %dma_start3A_147] : memref<32x81x128xi32, #tpu.memory_space<hbm>> -> memref<1x1x128xi32, #tpu.memory_space<hbm>>
          %dma_start3A_149 = tpu.memref_squeeze %dma_start3A_148 : memref<1x1x128xi32, #tpu.memory_space<hbm>> -> memref<128xi32, #tpu.memory_space<hbm>>
          %dma_start3A_150 = arith.constant 0 : i32
          %dma_start3A_151 = tpu.memref_slice %arg9[%run_scoped3A_130, %dma_start3A_150] : memref<3x128xi32, #tpu.memory_space<vmem>> -> memref<1x128xi32, #tpu.memory_space<vmem>>
          %dma_start3A_152 = tpu.memref_squeeze %dma_start3A_151 : memref<1x128xi32, #tpu.memory_space<vmem>> -> memref<128xi32, #tpu.memory_space<vmem>>
          %dma_start3A_153 = arith.constant 0 : i32
          %dma_start3A_154 = tpu.memref_slice %arg4[%add3A, %add3A_80, %dma_start3A_153] : memref<32x81x128xi32, #tpu.memory_space<hbm>> -> memref<1x1x128xi32, #tpu.memory_space<hbm>>
          %dma_start3A_155 = tpu.memref_squeeze %dma_start3A_154 : memref<1x1x128xi32, #tpu.memory_space<hbm>> -> memref<128xi32, #tpu.memory_space<hbm>>
          tpu.enqueue_dma source(%dma_start3A_155 : memref<128xi32, #tpu.memory_space<hbm>>) target(%dma_start3A_152 : memref<128xi32, #tpu.memory_space<vmem>>) target_semaphore(%run_scoped3A_143 : memref<!tpu.dma_semaphore, #tpu.memory_space<semaphore_mem>>)
          %dma_wait3A_156 = arith.constant 0 : i32
          %dma_wait3A_157 = tpu.memref_slice %arg9[%run_scoped3A_130, %dma_wait3A_156] : memref<3x128xi32, #tpu.memory_space<vmem>> -> memref<1x128xi32, #tpu.memory_space<vmem>>
          %dma_wait3A_158 = tpu.memref_squeeze %dma_wait3A_157 : memref<1x128xi32, #tpu.memory_space<vmem>> -> memref<128xi32, #tpu.memory_space<vmem>>
          %dma_wait3A_159 = arith.constant 0 : i32
          %dma_wait3A_160 = tpu.memref_slice %arg4[%add3A, %add3A_80, %dma_wait3A_159] : memref<32x81x128xi32, #tpu.memory_space<hbm>> -> memref<1x1x128xi32, #tpu.memory_space<hbm>>
          %dma_wait3A_161 = tpu.memref_squeeze %dma_wait3A_160 : memref<1x1x128xi32, #tpu.memory_space<hbm>> -> memref<128xi32, #tpu.memory_space<hbm>>
          %dma_wait3A_162 = arith.constant 0 : i32
          %dma_wait3A_163 = tpu.memref_slice %arg9[%run_scoped3A_130, %dma_wait3A_162] : memref<3x128xi32, #tpu.memory_space<vmem>> -> memref<1x128xi32, #tpu.memory_space<vmem>>
          %dma_wait3A_164 = tpu.memref_squeeze %dma_wait3A_163 : memref<1x128xi32, #tpu.memory_space<vmem>> -> memref<128xi32, #tpu.memory_space<vmem>>
          %dma_wait3A_165 = arith.constant 0 : i32
          %dma_wait3A_166 = tpu.memref_slice %arg4[%add3A, %add3A_80, %dma_wait3A_165] : memref<32x81x128xi32, #tpu.memory_space<hbm>> -> memref<1x1x128xi32, #tpu.memory_space<hbm>>
          %dma_wait3A_167 = tpu.memref_squeeze %dma_wait3A_166 : memref<1x1x128xi32, #tpu.memory_space<hbm>> -> memref<128xi32, #tpu.memory_space<hbm>>
          tpu.wait_dma2 semaphore(%run_scoped3A_143 : memref<!tpu.dma_semaphore, #tpu.memory_space<semaphore_mem>>) src(%dma_wait3A_167 : memref<128xi32, #tpu.memory_space<hbm>>) dst(%dma_wait3A_164 : memref<128xi32, #tpu.memory_space<vmem>>)
          tpu.yield
        }) : () -> ()
        %dma_start3A_131 = arith.constant 0 : i32
        %dma_start3A_132 = arith.constant 0 : i32
        %dma_start3A_133 = arith.constant 0 : i32
        %dma_start3A_134 = arith.constant 0 : i32
        %dma_start3A_135 = tpu.memref_slice %arg10[%dma_start3A_132, %dma_start3A_133, %dma_start3A_134] : memref<3x128x128xf32, #tpu.memory_space<vmem>> -> memref<1x128x128xf32, #tpu.memory_space<vmem>>
        %dma_start3A_136 = tpu.memref_squeeze %dma_start3A_135 : memref<1x128x128xf32, #tpu.memory_space<vmem>> -> memref<128x128xf32, #tpu.memory_space<vmem>>
        %dma_start3A_137 = arith.constant 0 : i32
        %dma_start3A_138 = tpu.memref_slice %arg8[%dma_start3A_131, %dma_start3A_137] : memref<3x128xi32, #tpu.memory_space<vmem>> -> memref<1x128xi32, #tpu.memory_space<vmem>>
        %dma_start3A_139 = tpu.memref_squeeze %dma_start3A_138 : memref<1x128xi32, #tpu.memory_space<vmem>> -> memref<128xi32, #tpu.memory_space<vmem>>
        %dma_start3A_140 = arith.constant 0 : i32
        %dma_start3A_141 = arith.constant 0 : i32
        %dma_start3A_142 = tpu.memref_slice %arg2[%dma_start3A_140, %dma_start3A_141] : memref<10000x128xf32, #tpu.memory_space<hbm>> -> memref<10000x128xf32, #tpu.memory_space<hbm>>
        tpu.enqueue_indirect_dma source(%dma_start3A_142 : memref<10000x128xf32, #tpu.memory_space<hbm>>) target(%dma_start3A_136 : memref<128x128xf32, #tpu.memory_space<vmem>>) offsets(%dma_start3A_139 : memref<128xi32, #tpu.memory_space<vmem>>) semaphore(%arg11 : memref<!tpu.dma_semaphore, #tpu.memory_space<semaphore_mem>>)
      } else {
      }
      %add3A_83 = arith.constant 1 : i32
      %add3A_84 = arith.addi %mul3A_63, %add3A_83 : i32
      %dma_wait3A_85 = arith.constant 1 : i32
      %dma_wait3A_86 = arith.constant 1 : i32
      %dma_wait3A_87 = arith.constant 0 : i32
      %dma_wait3A_88 = arith.constant 0 : i32
      %dma_wait3A_89 = tpu.memref_slice %arg10[%dma_wait3A_86, %dma_wait3A_87, %dma_wait3A_88] : memref<3x128x128xf32, #tpu.memory_space<vmem>> -> memref<1x128x128xf32, #tpu.memory_space<vmem>>
      %dma_wait3A_90 = tpu.memref_squeeze %dma_wait3A_89 : memref<1x128x128xf32, #tpu.memory_space<vmem>> -> memref<128x128xf32, #tpu.memory_space<vmem>>
      %dma_wait3A_91 = arith.constant 0 : i32
      %dma_wait3A_92 = tpu.memref_slice %arg8[%dma_wait3A_85, %dma_wait3A_91] : memref<3x128xi32, #tpu.memory_space<vmem>> -> memref<1x128xi32, #tpu.memory_space<vmem>>
      %dma_wait3A_93 = tpu.memref_squeeze %dma_wait3A_92 : memref<1x128xi32, #tpu.memory_space<vmem>> -> memref<128xi32, #tpu.memory_space<vmem>>
      %dma_wait3A_94 = arith.constant 0 : i32
      %dma_wait3A_95 = arith.constant 0 : i32
      %dma_wait3A_96 = tpu.memref_slice %arg2[%dma_wait3A_94, %dma_wait3A_95] : memref<10000x128xf32, #tpu.memory_space<hbm>> -> memref<10000x128xf32, #tpu.memory_space<hbm>>
      tpu.wait_indirect_dma semaphore(%arg12 : memref<!tpu.dma_semaphore, #tpu.memory_space<semaphore_mem>>) src(%dma_wait3A_96 : memref<10000x128xf32, #tpu.memory_space<hbm>>) dst(%dma_wait3A_90 : memref<128x128xf32, #tpu.memory_space<vmem>>)
      %run_scoped3A_97 = arith.constant 1 : i32
      %run_scoped3A_98 = arith.constant 1 : i32
      "tpu.region"() ({
        %run_scoped3A_129 = tpu.sem_alloc : memref<!tpu.dma_semaphore, #tpu.memory_space<semaphore_mem>>
        %dma_start3A_130 = arith.constant 0 : i32
        %dma_start3A_131 = arith.constant 0 : i32
        %dma_start3A_132 = tpu.memref_slice %arg10[%run_scoped3A_97, %dma_start3A_130, %dma_start3A_131] : memref<3x128x128xf32, #tpu.memory_space<vmem>> -> memref<1x128x128xf32, #tpu.memory_space<vmem>>
        %dma_start3A_133 = tpu.memref_squeeze %dma_start3A_132 : memref<1x128x128xf32, #tpu.memory_space<vmem>> -> memref<128x128xf32, #tpu.memory_space<vmem>>
        %dma_start3A_134 = arith.constant 0 : i32
        %dma_start3A_135 = tpu.memref_slice %arg9[%run_scoped3A_98, %dma_start3A_134] : memref<3x128xi32, #tpu.memory_space<vmem>> -> memref<1x128xi32, #tpu.memory_space<vmem>>
        %dma_start3A_136 = tpu.memref_squeeze %dma_start3A_135 : memref<1x128xi32, #tpu.memory_space<vmem>> -> memref<128xi32, #tpu.memory_space<vmem>>
        %dma_start3A_137 = arith.constant 0 : i32
        %dma_start3A_138 = arith.constant 0 : i32
        %dma_start3A_139 = tpu.memref_slice %arg7[%dma_start3A_137, %dma_start3A_138] : memref<10112x128xf32, #tpu.memory_space<vmem_shared>> -> memref<10112x128xf32, #tpu.memory_space<vmem_shared>>
        tpu.enqueue_indirect_dma source(%dma_start3A_133 : memref<128x128xf32, #tpu.memory_space<vmem>>) target(%dma_start3A_139 : memref<10112x128xf32, #tpu.memory_space<vmem_shared>>) offsets(%dma_start3A_136 : memref<128xi32, #tpu.memory_space<vmem>>) semaphore(%run_scoped3A_129 : memref<!tpu.dma_semaphore, #tpu.memory_space<semaphore_mem>>) {add = true}
        %dma_wait3A_140 = arith.constant 0 : i32
        %dma_wait3A_141 = arith.constant 0 : i32
        %dma_wait3A_142 = tpu.memref_slice %arg10[%run_scoped3A_97, %dma_wait3A_140, %dma_wait3A_141] : memref<3x128x128xf32, #tpu.memory_space<vmem>> -> memref<1x128x128xf32, #tpu.memory_space<vmem>>
        %dma_wait3A_143 = tpu.memref_squeeze %dma_wait3A_142 : memref<1x128x128xf32, #tpu.memory_space<vmem>> -> memref<128x128xf32, #tpu.memory_space<vmem>>
        %dma_wait3A_144 = arith.constant 0 : i32
        %dma_wait3A_145 = tpu.memref_slice %arg9[%run_scoped3A_98, %dma_wait3A_144] : memref<3x128xi32, #tpu.memory_space<vmem>> -> memref<1x128xi32, #tpu.memory_space<vmem>>
        %dma_wait3A_146 = tpu.memref_squeeze %dma_wait3A_145 : memref<1x128xi32, #tpu.memory_space<vmem>> -> memref<128xi32, #tpu.memory_space<vmem>>
        %dma_wait3A_147 = arith.constant 0 : i32
        %dma_wait3A_148 = arith.constant 0 : i32
        %dma_wait3A_149 = tpu.memref_slice %arg7[%dma_wait3A_147, %dma_wait3A_148] : memref<10112x128xf32, #tpu.memory_space<vmem_shared>> -> memref<10112x128xf32, #tpu.memory_space<vmem_shared>>
        tpu.wait_indirect_dma semaphore(%run_scoped3A_129 : memref<!tpu.dma_semaphore, #tpu.memory_space<semaphore_mem>>) src(%dma_wait3A_143 : memref<128x128xf32, #tpu.memory_space<vmem>>) dst(%dma_wait3A_149 : memref<10112x128xf32, #tpu.memory_space<vmem_shared>>)
        tpu.yield
      }) : () -> ()
      %add3A_99 = arith.constant 3 : i32
      %add3A_100 = arith.addi %add3A_84, %add3A_99 : i32
      %lt3A_101 = arith.constant 81 : i32
      %lt3A_102 = arith.cmpi slt, %add3A_100, %lt3A_101 : i32
      %convert_element_type3A_103 = arith.extui %lt3A_102 : i1 to i32
      %cond3A_104 = arith.constant 0 : i32
      %cond3A_105 = arith.cmpi ne, %convert_element_type3A_103, %cond3A_104 : i32
      scf.if %cond3A_105 {
        %run_scoped3A_129 = arith.constant 1 : i32
        "tpu.region"() ({
          %run_scoped3A_143 = tpu.sem_alloc : memref<!tpu.dma_semaphore, #tpu.memory_space<semaphore_mem>>
          %dma_start3A_144 = arith.constant 0 : i32
          %dma_start3A_145 = tpu.memref_slice %arg8[%run_scoped3A_129, %dma_start3A_144] : memref<3x128xi32, #tpu.memory_space<vmem>> -> memref<1x128xi32, #tpu.memory_space<vmem>>
          %dma_start3A_146 = tpu.memref_squeeze %dma_start3A_145 : memref<1x128xi32, #tpu.memory_space<vmem>> -> memref<128xi32, #tpu.memory_space<vmem>>
          %dma_start3A_147 = arith.constant 0 : i32
          %dma_start3A_148 = tpu.memref_slice %arg3[%add3A, %add3A_100, %dma_start3A_147] : memref<32x81x128xi32, #tpu.memory_space<hbm>> -> memref<1x1x128xi32, #tpu.memory_space<hbm>>
          %dma_start3A_149 = tpu.memref_squeeze %dma_start3A_148 : memref<1x1x128xi32, #tpu.memory_space<hbm>> -> memref<128xi32, #tpu.memory_space<hbm>>
          %dma_start3A_150 = arith.constant 0 : i32
          %dma_start3A_151 = tpu.memref_slice %arg8[%run_scoped3A_129, %dma_start3A_150] : memref<3x128xi32, #tpu.memory_space<vmem>> -> memref<1x128xi32, #tpu.memory_space<vmem>>
          %dma_start3A_152 = tpu.memref_squeeze %dma_start3A_151 : memref<1x128xi32, #tpu.memory_space<vmem>> -> memref<128xi32, #tpu.memory_space<vmem>>
          %dma_start3A_153 = arith.constant 0 : i32
          %dma_start3A_154 = tpu.memref_slice %arg3[%add3A, %add3A_100, %dma_start3A_153] : memref<32x81x128xi32, #tpu.memory_space<hbm>> -> memref<1x1x128xi32, #tpu.memory_space<hbm>>
          %dma_start3A_155 = tpu.memref_squeeze %dma_start3A_154 : memref<1x1x128xi32, #tpu.memory_space<hbm>> -> memref<128xi32, #tpu.memory_space<hbm>>
          tpu.enqueue_dma source(%dma_start3A_155 : memref<128xi32, #tpu.memory_space<hbm>>) target(%dma_start3A_152 : memref<128xi32, #tpu.memory_space<vmem>>) target_semaphore(%run_scoped3A_143 : memref<!tpu.dma_semaphore, #tpu.memory_space<semaphore_mem>>)
          %dma_wait3A_156 = arith.constant 0 : i32
          %dma_wait3A_157 = tpu.memref_slice %arg8[%run_scoped3A_129, %dma_wait3A_156] : memref<3x128xi32, #tpu.memory_space<vmem>> -> memref<1x128xi32, #tpu.memory_space<vmem>>
          %dma_wait3A_158 = tpu.memref_squeeze %dma_wait3A_157 : memref<1x128xi32, #tpu.memory_space<vmem>> -> memref<128xi32, #tpu.memory_space<vmem>>
          %dma_wait3A_159 = arith.constant 0 : i32
          %dma_wait3A_160 = tpu.memref_slice %arg3[%add3A, %add3A_100, %dma_wait3A_159] : memref<32x81x128xi32, #tpu.memory_space<hbm>> -> memref<1x1x128xi32, #tpu.memory_space<hbm>>
          %dma_wait3A_161 = tpu.memref_squeeze %dma_wait3A_160 : memref<1x1x128xi32, #tpu.memory_space<hbm>> -> memref<128xi32, #tpu.memory_space<hbm>>
          %dma_wait3A_162 = arith.constant 0 : i32
          %dma_wait3A_163 = tpu.memref_slice %arg8[%run_scoped3A_129, %dma_wait3A_162] : memref<3x128xi32, #tpu.memory_space<vmem>> -> memref<1x128xi32, #tpu.memory_space<vmem>>
          %dma_wait3A_164 = tpu.memref_squeeze %dma_wait3A_163 : memref<1x128xi32, #tpu.memory_space<vmem>> -> memref<128xi32, #tpu.memory_space<vmem>>
          %dma_wait3A_165 = arith.constant 0 : i32
          %dma_wait3A_166 = tpu.memref_slice %arg3[%add3A, %add3A_100, %dma_wait3A_165] : memref<32x81x128xi32, #tpu.memory_space<hbm>> -> memref<1x1x128xi32, #tpu.memory_space<hbm>>
          %dma_wait3A_167 = tpu.memref_squeeze %dma_wait3A_166 : memref<1x1x128xi32, #tpu.memory_space<hbm>> -> memref<128xi32, #tpu.memory_space<hbm>>
          tpu.wait_dma2 semaphore(%run_scoped3A_143 : memref<!tpu.dma_semaphore, #tpu.memory_space<semaphore_mem>>) src(%dma_wait3A_167 : memref<128xi32, #tpu.memory_space<hbm>>) dst(%dma_wait3A_164 : memref<128xi32, #tpu.memory_space<vmem>>)
          tpu.yield
        }) : () -> ()
        %run_scoped3A_130 = arith.constant 1 : i32
        "tpu.region"() ({
          %run_scoped3A_143 = tpu.sem_alloc : memref<!tpu.dma_semaphore, #tpu.memory_space<semaphore_mem>>
          %dma_start3A_144 = arith.constant 0 : i32
          %dma_start3A_145 = tpu.memref_slice %arg9[%run_scoped3A_130, %dma_start3A_144] : memref<3x128xi32, #tpu.memory_space<vmem>> -> memref<1x128xi32, #tpu.memory_space<vmem>>
          %dma_start3A_146 = tpu.memref_squeeze %dma_start3A_145 : memref<1x128xi32, #tpu.memory_space<vmem>> -> memref<128xi32, #tpu.memory_space<vmem>>
          %dma_start3A_147 = arith.constant 0 : i32
          %dma_start3A_148 = tpu.memref_slice %arg4[%add3A, %add3A_100, %dma_start3A_147] : memref<32x81x128xi32, #tpu.memory_space<hbm>> -> memref<1x1x128xi32, #tpu.memory_space<hbm>>
          %dma_start3A_149 = tpu.memref_squeeze %dma_start3A_148 : memref<1x1x128xi32, #tpu.memory_space<hbm>> -> memref<128xi32, #tpu.memory_space<hbm>>
          %dma_start3A_150 = arith.constant 0 : i32
          %dma_start3A_151 = tpu.memref_slice %arg9[%run_scoped3A_130, %dma_start3A_150] : memref<3x128xi32, #tpu.memory_space<vmem>> -> memref<1x128xi32, #tpu.memory_space<vmem>>
          %dma_start3A_152 = tpu.memref_squeeze %dma_start3A_151 : memref<1x128xi32, #tpu.memory_space<vmem>> -> memref<128xi32, #tpu.memory_space<vmem>>
          %dma_start3A_153 = arith.constant 0 : i32
          %dma_start3A_154 = tpu.memref_slice %arg4[%add3A, %add3A_100, %dma_start3A_153] : memref<32x81x128xi32, #tpu.memory_space<hbm>> -> memref<1x1x128xi32, #tpu.memory_space<hbm>>
          %dma_start3A_155 = tpu.memref_squeeze %dma_start3A_154 : memref<1x1x128xi32, #tpu.memory_space<hbm>> -> memref<128xi32, #tpu.memory_space<hbm>>
          tpu.enqueue_dma source(%dma_start3A_155 : memref<128xi32, #tpu.memory_space<hbm>>) target(%dma_start3A_152 : memref<128xi32, #tpu.memory_space<vmem>>) target_semaphore(%run_scoped3A_143 : memref<!tpu.dma_semaphore, #tpu.memory_space<semaphore_mem>>)
          %dma_wait3A_156 = arith.constant 0 : i32
          %dma_wait3A_157 = tpu.memref_slice %arg9[%run_scoped3A_130, %dma_wait3A_156] : memref<3x128xi32, #tpu.memory_space<vmem>> -> memref<1x128xi32, #tpu.memory_space<vmem>>
          %dma_wait3A_158 = tpu.memref_squeeze %dma_wait3A_157 : memref<1x128xi32, #tpu.memory_space<vmem>> -> memref<128xi32, #tpu.memory_space<vmem>>
          %dma_wait3A_159 = arith.constant 0 : i32
          %dma_wait3A_160 = tpu.memref_slice %arg4[%add3A, %add3A_100, %dma_wait3A_159] : memref<32x81x128xi32, #tpu.memory_space<hbm>> -> memref<1x1x128xi32, #tpu.memory_space<hbm>>
          %dma_wait3A_161 = tpu.memref_squeeze %dma_wait3A_160 : memref<1x1x128xi32, #tpu.memory_space<hbm>> -> memref<128xi32, #tpu.memory_space<hbm>>
          %dma_wait3A_162 = arith.constant 0 : i32
          %dma_wait3A_163 = tpu.memref_slice %arg9[%run_scoped3A_130, %dma_wait3A_162] : memref<3x128xi32, #tpu.memory_space<vmem>> -> memref<1x128xi32, #tpu.memory_space<vmem>>
          %dma_wait3A_164 = tpu.memref_squeeze %dma_wait3A_163 : memref<1x128xi32, #tpu.memory_space<vmem>> -> memref<128xi32, #tpu.memory_space<vmem>>
          %dma_wait3A_165 = arith.constant 0 : i32
          %dma_wait3A_166 = tpu.memref_slice %arg4[%add3A, %add3A_100, %dma_wait3A_165] : memref<32x81x128xi32, #tpu.memory_space<hbm>> -> memref<1x1x128xi32, #tpu.memory_space<hbm>>
          %dma_wait3A_167 = tpu.memref_squeeze %dma_wait3A_166 : memref<1x1x128xi32, #tpu.memory_space<hbm>> -> memref<128xi32, #tpu.memory_space<hbm>>
          tpu.wait_dma2 semaphore(%run_scoped3A_143 : memref<!tpu.dma_semaphore, #tpu.memory_space<semaphore_mem>>) src(%dma_wait3A_167 : memref<128xi32, #tpu.memory_space<hbm>>) dst(%dma_wait3A_164 : memref<128xi32, #tpu.memory_space<vmem>>)
          tpu.yield
        }) : () -> ()
        %dma_start3A_131 = arith.constant 1 : i32
        %dma_start3A_132 = arith.constant 1 : i32
        %dma_start3A_133 = arith.constant 0 : i32
        %dma_start3A_134 = arith.constant 0 : i32
        %dma_start3A_135 = tpu.memref_slice %arg10[%dma_start3A_132, %dma_start3A_133, %dma_start3A_134] : memref<3x128x128xf32, #tpu.memory_space<vmem>> -> memref<1x128x128xf32, #tpu.memory_space<vmem>>
        %dma_start3A_136 = tpu.memref_squeeze %dma_start3A_135 : memref<1x128x128xf32, #tpu.memory_space<vmem>> -> memref<128x128xf32, #tpu.memory_space<vmem>>
        %dma_start3A_137 = arith.constant 0 : i32
        %dma_start3A_138 = tpu.memref_slice %arg8[%dma_start3A_131, %dma_start3A_137] : memref<3x128xi32, #tpu.memory_space<vmem>> -> memref<1x128xi32, #tpu.memory_space<vmem>>
        %dma_start3A_139 = tpu.memref_squeeze %dma_start3A_138 : memref<1x128xi32, #tpu.memory_space<vmem>> -> memref<128xi32, #tpu.memory_space<vmem>>
        %dma_start3A_140 = arith.constant 0 : i32
        %dma_start3A_141 = arith.constant 0 : i32
        %dma_start3A_142 = tpu.memref_slice %arg2[%dma_start3A_140, %dma_start3A_141] : memref<10000x128xf32, #tpu.memory_space<hbm>> -> memref<10000x128xf32, #tpu.memory_space<hbm>>
        tpu.enqueue_indirect_dma source(%dma_start3A_142 : memref<10000x128xf32, #tpu.memory_space<hbm>>) target(%dma_start3A_136 : memref<128x128xf32, #tpu.memory_space<vmem>>) offsets(%dma_start3A_139 : memref<128xi32, #tpu.memory_space<vmem>>) semaphore(%arg12 : memref<!tpu.dma_semaphore, #tpu.memory_space<semaphore_mem>>)
      } else {
      }
      %add3A_106 = arith.constant 2 : i32
      %add3A_107 = arith.addi %mul3A_63, %add3A_106 : i32
      %dma_wait3A_108 = arith.constant 2 : i32
      %dma_wait3A_109 = arith.constant 2 : i32
      %dma_wait3A_110 = arith.constant 0 : i32
      %dma_wait3A_111 = arith.constant 0 : i32
      %dma_wait3A_112 = tpu.memref_slice %arg10[%dma_wait3A_109, %dma_wait3A_110, %dma_wait3A_111] : memref<3x128x128xf32, #tpu.memory_space<vmem>> -> memref<1x128x128xf32, #tpu.memory_space<vmem>>
      %dma_wait3A_113 = tpu.memref_squeeze %dma_wait3A_112 : memref<1x128x128xf32, #tpu.memory_space<vmem>> -> memref<128x128xf32, #tpu.memory_space<vmem>>
      %dma_wait3A_114 = arith.constant 0 : i32
      %dma_wait3A_115 = tpu.memref_slice %arg8[%dma_wait3A_108, %dma_wait3A_114] : memref<3x128xi32, #tpu.memory_space<vmem>> -> memref<1x128xi32, #tpu.memory_space<vmem>>
      %dma_wait3A_116 = tpu.memref_squeeze %dma_wait3A_115 : memref<1x128xi32, #tpu.memory_space<vmem>> -> memref<128xi32, #tpu.memory_space<vmem>>
      %dma_wait3A_117 = arith.constant 0 : i32
      %dma_wait3A_118 = arith.constant 0 : i32
      %dma_wait3A_119 = tpu.memref_slice %arg2[%dma_wait3A_117, %dma_wait3A_118] : memref<10000x128xf32, #tpu.memory_space<hbm>> -> memref<10000x128xf32, #tpu.memory_space<hbm>>
      tpu.wait_indirect_dma semaphore(%arg13 : memref<!tpu.dma_semaphore, #tpu.memory_space<semaphore_mem>>) src(%dma_wait3A_119 : memref<10000x128xf32, #tpu.memory_space<hbm>>) dst(%dma_wait3A_113 : memref<128x128xf32, #tpu.memory_space<vmem>>)
      %run_scoped3A_120 = arith.constant 2 : i32
      %run_scoped3A_121 = arith.constant 2 : i32
      "tpu.region"() ({
        %run_scoped3A_129 = tpu.sem_alloc : memref<!tpu.dma_semaphore, #tpu.memory_space<semaphore_mem>>
        %dma_start3A_130 = arith.constant 0 : i32
        %dma_start3A_131 = arith.constant 0 : i32
        %dma_start3A_132 = tpu.memref_slice %arg10[%run_scoped3A_120, %dma_start3A_130, %dma_start3A_131] : memref<3x128x128xf32, #tpu.memory_space<vmem>> -> memref<1x128x128xf32, #tpu.memory_space<vmem>>
        %dma_start3A_133 = tpu.memref_squeeze %dma_start3A_132 : memref<1x128x128xf32, #tpu.memory_space<vmem>> -> memref<128x128xf32, #tpu.memory_space<vmem>>
        %dma_start3A_134 = arith.constant 0 : i32
        %dma_start3A_135 = tpu.memref_slice %arg9[%run_scoped3A_121, %dma_start3A_134] : memref<3x128xi32, #tpu.memory_space<vmem>> -> memref<1x128xi32, #tpu.memory_space<vmem>>
        %dma_start3A_136 = tpu.memref_squeeze %dma_start3A_135 : memref<1x128xi32, #tpu.memory_space<vmem>> -> memref<128xi32, #tpu.memory_space<vmem>>
        %dma_start3A_137 = arith.constant 0 : i32
        %dma_start3A_138 = arith.constant 0 : i32
        %dma_start3A_139 = tpu.memref_slice %arg7[%dma_start3A_137, %dma_start3A_138] : memref<10112x128xf32, #tpu.memory_space<vmem_shared>> -> memref<10112x128xf32, #tpu.memory_space<vmem_shared>>
        tpu.enqueue_indirect_dma source(%dma_start3A_133 : memref<128x128xf32, #tpu.memory_space<vmem>>) target(%dma_start3A_139 : memref<10112x128xf32, #tpu.memory_space<vmem_shared>>) offsets(%dma_start3A_136 : memref<128xi32, #tpu.memory_space<vmem>>) semaphore(%run_scoped3A_129 : memref<!tpu.dma_semaphore, #tpu.memory_space<semaphore_mem>>) {add = true}
        %dma_wait3A_140 = arith.constant 0 : i32
        %dma_wait3A_141 = arith.constant 0 : i32
        %dma_wait3A_142 = tpu.memref_slice %arg10[%run_scoped3A_120, %dma_wait3A_140, %dma_wait3A_141] : memref<3x128x128xf32, #tpu.memory_space<vmem>> -> memref<1x128x128xf32, #tpu.memory_space<vmem>>
        %dma_wait3A_143 = tpu.memref_squeeze %dma_wait3A_142 : memref<1x128x128xf32, #tpu.memory_space<vmem>> -> memref<128x128xf32, #tpu.memory_space<vmem>>
        %dma_wait3A_144 = arith.constant 0 : i32
        %dma_wait3A_145 = tpu.memref_slice %arg9[%run_scoped3A_121, %dma_wait3A_144] : memref<3x128xi32, #tpu.memory_space<vmem>> -> memref<1x128xi32, #tpu.memory_space<vmem>>
        %dma_wait3A_146 = tpu.memref_squeeze %dma_wait3A_145 : memref<1x128xi32, #tpu.memory_space<vmem>> -> memref<128xi32, #tpu.memory_space<vmem>>
        %dma_wait3A_147 = arith.constant 0 : i32
        %dma_wait3A_148 = arith.constant 0 : i32
        %dma_wait3A_149 = tpu.memref_slice %arg7[%dma_wait3A_147, %dma_wait3A_148] : memref<10112x128xf32, #tpu.memory_space<vmem_shared>> -> memref<10112x128xf32, #tpu.memory_space<vmem_shared>>
        tpu.wait_indirect_dma semaphore(%run_scoped3A_129 : memref<!tpu.dma_semaphore, #tpu.memory_space<semaphore_mem>>) src(%dma_wait3A_143 : memref<128x128xf32, #tpu.memory_space<vmem>>) dst(%dma_wait3A_149 : memref<10112x128xf32, #tpu.memory_space<vmem_shared>>)
        tpu.yield
      }) : () -> ()
      %add3A_122 = arith.constant 3 : i32
      %add3A_123 = arith.addi %add3A_107, %add3A_122 : i32
      %lt3A_124 = arith.constant 81 : i32
      %lt3A_125 = arith.cmpi slt, %add3A_123, %lt3A_124 : i32
      %convert_element_type3A_126 = arith.extui %lt3A_125 : i1 to i32
      %cond3A_127 = arith.constant 0 : i32
      %cond3A_128 = arith.cmpi ne, %convert_element_type3A_126, %cond3A_127 : i32
      scf.if %cond3A_128 {
        %run_scoped3A_129 = arith.constant 2 : i32
        "tpu.region"() ({
          %run_scoped3A_143 = tpu.sem_alloc : memref<!tpu.dma_semaphore, #tpu.memory_space<semaphore_mem>>
          %dma_start3A_144 = arith.constant 0 : i32
          %dma_start3A_145 = tpu.memref_slice %arg8[%run_scoped3A_129, %dma_start3A_144] : memref<3x128xi32, #tpu.memory_space<vmem>> -> memref<1x128xi32, #tpu.memory_space<vmem>>
          %dma_start3A_146 = tpu.memref_squeeze %dma_start3A_145 : memref<1x128xi32, #tpu.memory_space<vmem>> -> memref<128xi32, #tpu.memory_space<vmem>>
          %dma_start3A_147 = arith.constant 0 : i32
          %dma_start3A_148 = tpu.memref_slice %arg3[%add3A, %add3A_123, %dma_start3A_147] : memref<32x81x128xi32, #tpu.memory_space<hbm>> -> memref<1x1x128xi32, #tpu.memory_space<hbm>>
          %dma_start3A_149 = tpu.memref_squeeze %dma_start3A_148 : memref<1x1x128xi32, #tpu.memory_space<hbm>> -> memref<128xi32, #tpu.memory_space<hbm>>
          %dma_start3A_150 = arith.constant 0 : i32
          %dma_start3A_151 = tpu.memref_slice %arg8[%run_scoped3A_129, %dma_start3A_150] : memref<3x128xi32, #tpu.memory_space<vmem>> -> memref<1x128xi32, #tpu.memory_space<vmem>>
          %dma_start3A_152 = tpu.memref_squeeze %dma_start3A_151 : memref<1x128xi32, #tpu.memory_space<vmem>> -> memref<128xi32, #tpu.memory_space<vmem>>
          %dma_start3A_153 = arith.constant 0 : i32
          %dma_start3A_154 = tpu.memref_slice %arg3[%add3A, %add3A_123, %dma_start3A_153] : memref<32x81x128xi32, #tpu.memory_space<hbm>> -> memref<1x1x128xi32, #tpu.memory_space<hbm>>
          %dma_start3A_155 = tpu.memref_squeeze %dma_start3A_154 : memref<1x1x128xi32, #tpu.memory_space<hbm>> -> memref<128xi32, #tpu.memory_space<hbm>>
          tpu.enqueue_dma source(%dma_start3A_155 : memref<128xi32, #tpu.memory_space<hbm>>) target(%dma_start3A_152 : memref<128xi32, #tpu.memory_space<vmem>>) target_semaphore(%run_scoped3A_143 : memref<!tpu.dma_semaphore, #tpu.memory_space<semaphore_mem>>)
          %dma_wait3A_156 = arith.constant 0 : i32
          %dma_wait3A_157 = tpu.memref_slice %arg8[%run_scoped3A_129, %dma_wait3A_156] : memref<3x128xi32, #tpu.memory_space<vmem>> -> memref<1x128xi32, #tpu.memory_space<vmem>>
          %dma_wait3A_158 = tpu.memref_squeeze %dma_wait3A_157 : memref<1x128xi32, #tpu.memory_space<vmem>> -> memref<128xi32, #tpu.memory_space<vmem>>
          %dma_wait3A_159 = arith.constant 0 : i32
          %dma_wait3A_160 = tpu.memref_slice %arg3[%add3A, %add3A_123, %dma_wait3A_159] : memref<32x81x128xi32, #tpu.memory_space<hbm>> -> memref<1x1x128xi32, #tpu.memory_space<hbm>>
          %dma_wait3A_161 = tpu.memref_squeeze %dma_wait3A_160 : memref<1x1x128xi32, #tpu.memory_space<hbm>> -> memref<128xi32, #tpu.memory_space<hbm>>
          %dma_wait3A_162 = arith.constant 0 : i32
          %dma_wait3A_163 = tpu.memref_slice %arg8[%run_scoped3A_129, %dma_wait3A_162] : memref<3x128xi32, #tpu.memory_space<vmem>> -> memref<1x128xi32, #tpu.memory_space<vmem>>
          %dma_wait3A_164 = tpu.memref_squeeze %dma_wait3A_163 : memref<1x128xi32, #tpu.memory_space<vmem>> -> memref<128xi32, #tpu.memory_space<vmem>>
          %dma_wait3A_165 = arith.constant 0 : i32
          %dma_wait3A_166 = tpu.memref_slice %arg3[%add3A, %add3A_123, %dma_wait3A_165] : memref<32x81x128xi32, #tpu.memory_space<hbm>> -> memref<1x1x128xi32, #tpu.memory_space<hbm>>
          %dma_wait3A_167 = tpu.memref_squeeze %dma_wait3A_166 : memref<1x1x128xi32, #tpu.memory_space<hbm>> -> memref<128xi32, #tpu.memory_space<hbm>>
          tpu.wait_dma2 semaphore(%run_scoped3A_143 : memref<!tpu.dma_semaphore, #tpu.memory_space<semaphore_mem>>) src(%dma_wait3A_167 : memref<128xi32, #tpu.memory_space<hbm>>) dst(%dma_wait3A_164 : memref<128xi32, #tpu.memory_space<vmem>>)
          tpu.yield
        }) : () -> ()
        %run_scoped3A_130 = arith.constant 2 : i32
        "tpu.region"() ({
          %run_scoped3A_143 = tpu.sem_alloc : memref<!tpu.dma_semaphore, #tpu.memory_space<semaphore_mem>>
          %dma_start3A_144 = arith.constant 0 : i32
          %dma_start3A_145 = tpu.memref_slice %arg9[%run_scoped3A_130, %dma_start3A_144] : memref<3x128xi32, #tpu.memory_space<vmem>> -> memref<1x128xi32, #tpu.memory_space<vmem>>
          %dma_start3A_146 = tpu.memref_squeeze %dma_start3A_145 : memref<1x128xi32, #tpu.memory_space<vmem>> -> memref<128xi32, #tpu.memory_space<vmem>>
          %dma_start3A_147 = arith.constant 0 : i32
          %dma_start3A_148 = tpu.memref_slice %arg4[%add3A, %add3A_123, %dma_start3A_147] : memref<32x81x128xi32, #tpu.memory_space<hbm>> -> memref<1x1x128xi32, #tpu.memory_space<hbm>>
          %dma_start3A_149 = tpu.memref_squeeze %dma_start3A_148 : memref<1x1x128xi32, #tpu.memory_space<hbm>> -> memref<128xi32, #tpu.memory_space<hbm>>
          %dma_start3A_150 = arith.constant 0 : i32
          %dma_start3A_151 = tpu.memref_slice %arg9[%run_scoped3A_130, %dma_start3A_150] : memref<3x128xi32, #tpu.memory_space<vmem>> -> memref<1x128xi32, #tpu.memory_space<vmem>>
          %dma_start3A_152 = tpu.memref_squeeze %dma_start3A_151 : memref<1x128xi32, #tpu.memory_space<vmem>> -> memref<128xi32, #tpu.memory_space<vmem>>
          %dma_start3A_153 = arith.constant 0 : i32
          %dma_start3A_154 = tpu.memref_slice %arg4[%add3A, %add3A_123, %dma_start3A_153] : memref<32x81x128xi32, #tpu.memory_space<hbm>> -> memref<1x1x128xi32, #tpu.memory_space<hbm>>
          %dma_start3A_155 = tpu.memref_squeeze %dma_start3A_154 : memref<1x1x128xi32, #tpu.memory_space<hbm>> -> memref<128xi32, #tpu.memory_space<hbm>>
          tpu.enqueue_dma source(%dma_start3A_155 : memref<128xi32, #tpu.memory_space<hbm>>) target(%dma_start3A_152 : memref<128xi32, #tpu.memory_space<vmem>>) target_semaphore(%run_scoped3A_143 : memref<!tpu.dma_semaphore, #tpu.memory_space<semaphore_mem>>)
          %dma_wait3A_156 = arith.constant 0 : i32
          %dma_wait3A_157 = tpu.memref_slice %arg9[%run_scoped3A_130, %dma_wait3A_156] : memref<3x128xi32, #tpu.memory_space<vmem>> -> memref<1x128xi32, #tpu.memory_space<vmem>>
          %dma_wait3A_158 = tpu.memref_squeeze %dma_wait3A_157 : memref<1x128xi32, #tpu.memory_space<vmem>> -> memref<128xi32, #tpu.memory_space<vmem>>
          %dma_wait3A_159 = arith.constant 0 : i32
          %dma_wait3A_160 = tpu.memref_slice %arg4[%add3A, %add3A_123, %dma_wait3A_159] : memref<32x81x128xi32, #tpu.memory_space<hbm>> -> memref<1x1x128xi32, #tpu.memory_space<hbm>>
          %dma_wait3A_161 = tpu.memref_squeeze %dma_wait3A_160 : memref<1x1x128xi32, #tpu.memory_space<hbm>> -> memref<128xi32, #tpu.memory_space<hbm>>
          %dma_wait3A_162 = arith.constant 0 : i32
          %dma_wait3A_163 = tpu.memref_slice %arg9[%run_scoped3A_130, %dma_wait3A_162] : memref<3x128xi32, #tpu.memory_space<vmem>> -> memref<1x128xi32, #tpu.memory_space<vmem>>
          %dma_wait3A_164 = tpu.memref_squeeze %dma_wait3A_163 : memref<1x128xi32, #tpu.memory_space<vmem>> -> memref<128xi32, #tpu.memory_space<vmem>>
          %dma_wait3A_165 = arith.constant 0 : i32
          %dma_wait3A_166 = tpu.memref_slice %arg4[%add3A, %add3A_123, %dma_wait3A_165] : memref<32x81x128xi32, #tpu.memory_space<hbm>> -> memref<1x1x128xi32, #tpu.memory_space<hbm>>
          %dma_wait3A_167 = tpu.memref_squeeze %dma_wait3A_166 : memref<1x1x128xi32, #tpu.memory_space<hbm>> -> memref<128xi32, #tpu.memory_space<hbm>>
          tpu.wait_dma2 semaphore(%run_scoped3A_143 : memref<!tpu.dma_semaphore, #tpu.memory_space<semaphore_mem>>) src(%dma_wait3A_167 : memref<128xi32, #tpu.memory_space<hbm>>) dst(%dma_wait3A_164 : memref<128xi32, #tpu.memory_space<vmem>>)
          tpu.yield
        }) : () -> ()
        %dma_start3A_131 = arith.constant 2 : i32
        %dma_start3A_132 = arith.constant 2 : i32
        %dma_start3A_133 = arith.constant 0 : i32
        %dma_start3A_134 = arith.constant 0 : i32
        %dma_start3A_135 = tpu.memref_slice %arg10[%dma_start3A_132, %dma_start3A_133, %dma_start3A_134] : memref<3x128x128xf32, #tpu.memory_space<vmem>> -> memref<1x128x128xf32, #tpu.memory_space<vmem>>
        %dma_start3A_136 = tpu.memref_squeeze %dma_start3A_135 : memref<1x128x128xf32, #tpu.memory_space<vmem>> -> memref<128x128xf32, #tpu.memory_space<vmem>>
        %dma_start3A_137 = arith.constant 0 : i32
        %dma_start3A_138 = tpu.memref_slice %arg8[%dma_start3A_131, %dma_start3A_137] : memref<3x128xi32, #tpu.memory_space<vmem>> -> memref<1x128xi32, #tpu.memory_space<vmem>>
        %dma_start3A_139 = tpu.memref_squeeze %dma_start3A_138 : memref<1x128xi32, #tpu.memory_space<vmem>> -> memref<128xi32, #tpu.memory_space<vmem>>
        %dma_start3A_140 = arith.constant 0 : i32
        %dma_start3A_141 = arith.constant 0 : i32
        %dma_start3A_142 = tpu.memref_slice %arg2[%dma_start3A_140, %dma_start3A_141] : memref<10000x128xf32, #tpu.memory_space<hbm>> -> memref<10000x128xf32, #tpu.memory_space<hbm>>
        tpu.enqueue_indirect_dma source(%dma_start3A_142 : memref<10000x128xf32, #tpu.memory_space<hbm>>) target(%dma_start3A_136 : memref<128x128xf32, #tpu.memory_space<vmem>>) offsets(%dma_start3A_139 : memref<128xi32, #tpu.memory_space<vmem>>) semaphore(%arg13 : memref<!tpu.dma_semaphore, #tpu.memory_space<semaphore_mem>>)
      } else {
      }
    }
    %scan3A_55 = arith.constant 27 : i32
    %barrier3A_56 = arith.constant 0 : index
    tpu.barrier barrier_id(%barrier3A_56)
    %mul3A_57 = arith.constant 632 : i32
    %mul3A_58 = arith.muli %arg1, %mul3A_57 : i32
    %mul3A_59 = arith.constant 632 : i32
    %mul3A_60 = arith.muli %arg1, %mul3A_59 : i32
    "tpu.region"() ({
      %run_scoped3A_61 = tpu.sem_alloc : memref<!tpu.dma_semaphore, #tpu.memory_space<semaphore_mem>>
      %dma_start3A_62 = arith.constant 0 : i32
      %dma_start3A_63 = tpu.memref_slice %arg6[%arg0, %mul3A_60, %dma_start3A_62] : memref<2x10112x128xf32, #tpu.memory_space<hbm>> -> memref<1x632x128xf32, #tpu.memory_space<hbm>>
      %dma_start3A_64 = tpu.memref_squeeze %dma_start3A_63 : memref<1x632x128xf32, #tpu.memory_space<hbm>> -> memref<632x128xf32, #tpu.memory_space<hbm>>
      %dma_start3A_65 = arith.constant 0 : i32
      %dma_start3A_66 = tpu.memref_slice %arg7[%mul3A_58, %dma_start3A_65] : memref<10112x128xf32, #tpu.memory_space<vmem_shared>> -> memref<632x128xf32, #tpu.memory_space<vmem_shared>>
      tpu.enqueue_dma source(%dma_start3A_66 : memref<632x128xf32, #tpu.memory_space<vmem_shared>>) target(%dma_start3A_64 : memref<632x128xf32, #tpu.memory_space<hbm>>) target_semaphore(%run_scoped3A_61 : memref<!tpu.dma_semaphore, #tpu.memory_space<semaphore_mem>>)
      %dma_wait3A = arith.constant 0 : i32
      %dma_wait3A_67 = tpu.memref_slice %arg6[%arg0, %mul3A_60, %dma_wait3A] : memref<2x10112x128xf32, #tpu.memory_space<hbm>> -> memref<1x632x128xf32, #tpu.memory_space<hbm>>
      %dma_wait3A_68 = tpu.memref_squeeze %dma_wait3A_67 : memref<1x632x128xf32, #tpu.memory_space<hbm>> -> memref<632x128xf32, #tpu.memory_space<hbm>>
      %dma_wait3A_69 = arith.constant 0 : i32
      %dma_wait3A_70 = tpu.memref_slice %arg7[%mul3A_58, %dma_wait3A_69] : memref<10112x128xf32, #tpu.memory_space<vmem_shared>> -> memref<632x128xf32, #tpu.memory_space<vmem_shared>>
      tpu.wait_dma2 semaphore(%run_scoped3A_61 : memref<!tpu.dma_semaphore, #tpu.memory_space<semaphore_mem>>) src(%dma_wait3A_70 : memref<632x128xf32, #tpu.memory_space<vmem_shared>>) dst(%dma_wait3A_68 : memref<632x128xf32, #tpu.memory_space<hbm>>)
      tpu.yield
    }) : () -> ()
    return
  }
}

#map = affine_map<(d0, d1) -> (0, 0)>
#map1 = affine_map<(d0, d1) -> (0, 0, 0)>
module attributes {stable_mosaic.version = 14 : i64} {
  func.func @_agg_kernel(%arg0: i32, %arg1: i32, %arg2: memref<10000x128xf32, #tpu.memory_space<hbm>>, %arg3: memref<32x81x128xi32, #tpu.memory_space<hbm>>, %arg4: memref<32x81x128xi32, #tpu.memory_space<hbm>>, %arg5: memref<10112x128xf32, #tpu.memory_space<hbm>>, %arg6: memref<2x10112x128xf32, #tpu.memory_space<hbm>>, %arg7: memref<10112x128xf32, #tpu.memory_space<vmem_shared>>, %arg8: memref<3x128xi32, #tpu.memory_space<vmem>>, %arg9: memref<3x128xi32, #tpu.memory_space<vmem>>, %arg10: memref<3x128x128xf32, #tpu.memory_space<vmem>>, %arg11: memref<!tpu.dma_semaphore, #tpu.memory_space<semaphore_mem>>, %arg12: memref<!tpu.dma_semaphore, #tpu.memory_space<semaphore_mem>>, %arg13: memref<!tpu.dma_semaphore, #tpu.memory_space<semaphore_mem>>) attributes {dimension_semantics = [#tpu.dimension_semantics<core_parallel>, #tpu.dimension_semantics<subcore_parallel>], iteration_bounds = array<i64: 2, 16>, scalar_prefetch = 0 : i64, scratch_operands = 7 : i64, tpu.core_type = #tpu.core_type<sc_vector_subcore>, window_params = [{transform_indices = #map}, {transform_indices = #map1}, {transform_indices = #map1}, {transform_indices = #map}, {transform_indices = #map1}]} {
    %mul3A = arith.constant 16 : i32
    %mul3A_0 = arith.muli %arg0, %mul3A : i32
    %add3A = arith.addi %mul3A_0, %arg1 : i32
    %mul3A_1 = arith.constant 632 : i32
    %mul3A_2 = arith.muli %arg1, %mul3A_1 : i32
    %mul3A_3 = arith.constant 632 : i32
    %mul3A_4 = arith.muli %arg1, %mul3A_3 : i32
    "tpu.region"() ({
      %run_scoped3A_61 = tpu.sem_alloc : memref<!tpu.dma_semaphore, #tpu.memory_space<semaphore_mem>>
      %dma_start3A_62 = arith.constant 0 : i32
      %dma_start3A_63 = tpu.memref_slice %arg7[%mul3A_4, %dma_start3A_62] : memref<10112x128xf32, #tpu.memory_space<vmem_shared>> -> memref<632x128xf32, #tpu.memory_space<vmem_shared>>
      %dma_start3A_64 = arith.constant 0 : i32
      %dma_start3A_65 = tpu.memref_slice %arg5[%mul3A_2, %dma_start3A_64] : memref<10112x128xf32, #tpu.memory_space<hbm>> -> memref<632x128xf32, #tpu.memory_space<hbm>>
      tpu.enqueue_dma source(%dma_start3A_65 : memref<632x128xf32, #tpu.memory_space<hbm>>) target(%dma_start3A_63 : memref<632x128xf32, #tpu.memory_space<vmem_shared>>) target_semaphore(%run_scoped3A_61 : memref<!tpu.dma_semaphore, #tpu.memory_space<semaphore_mem>>)
      %dma_wait3A = arith.constant 0 : i32
      %dma_wait3A_66 = tpu.memref_slice %arg7[%mul3A_4, %dma_wait3A] : memref<10112x128xf32, #tpu.memory_space<vmem_shared>> -> memref<632x128xf32, #tpu.memory_space<vmem_shared>>
      %dma_wait3A_67 = arith.constant 0 : i32
      %dma_wait3A_68 = tpu.memref_slice %arg5[%mul3A_2, %dma_wait3A_67] : memref<10112x128xf32, #tpu.memory_space<hbm>> -> memref<632x128xf32, #tpu.memory_space<hbm>>
      tpu.wait_dma2 semaphore(%run_scoped3A_61 : memref<!tpu.dma_semaphore, #tpu.memory_space<semaphore_mem>>) src(%dma_wait3A_68 : memref<632x128xf32, #tpu.memory_space<hbm>>) dst(%dma_wait3A_66 : memref<632x128xf32, #tpu.memory_space<vmem_shared>>)
      tpu.yield
    }) : () -> ()
    %barrier3A = arith.constant 0 : index
    tpu.barrier barrier_id(%barrier3A)
    %run_scoped3A = arith.constant 0 : i32
    %run_scoped3A_5 = arith.constant 0 : i32
    "tpu.region"() ({
      %run_scoped3A_61 = tpu.sem_alloc : memref<!tpu.dma_semaphore, #tpu.memory_space<semaphore_mem>>
      %dma_start3A_62 = arith.constant 0 : i32
      %dma_start3A_63 = tpu.memref_slice %arg8[%run_scoped3A_5, %dma_start3A_62] : memref<3x128xi32, #tpu.memory_space<vmem>> -> memref<1x128xi32, #tpu.memory_space<vmem>>
      %dma_start3A_64 = tpu.memref_squeeze %dma_start3A_63 : memref<1x128xi32, #tpu.memory_space<vmem>> -> memref<128xi32, #tpu.memory_space<vmem>>
      %dma_start3A_65 = arith.constant 0 : i32
      %dma_start3A_66 = tpu.memref_slice %arg3[%add3A, %run_scoped3A, %dma_start3A_65] : memref<32x81x128xi32, #tpu.memory_space<hbm>> -> memref<1x1x128xi32, #tpu.memory_space<hbm>>
      %dma_start3A_67 = tpu.memref_squeeze %dma_start3A_66 : memref<1x1x128xi32, #tpu.memory_space<hbm>> -> memref<128xi32, #tpu.memory_space<hbm>>
      %dma_start3A_68 = arith.constant 0 : i32
      %dma_start3A_69 = tpu.memref_slice %arg8[%run_scoped3A_5, %dma_start3A_68] : memref<3x128xi32, #tpu.memory_space<vmem>> -> memref<1x128xi32, #tpu.memory_space<vmem>>
      %dma_start3A_70 = tpu.memref_squeeze %dma_start3A_69 : memref<1x128xi32, #tpu.memory_space<vmem>> -> memref<128xi32, #tpu.memory_space<vmem>>
      %dma_start3A_71 = arith.constant 0 : i32
      %dma_start3A_72 = tpu.memref_slice %arg3[%add3A, %run_scoped3A, %dma_start3A_71] : memref<32x81x128xi32, #tpu.memory_space<hbm>> -> memref<1x1x128xi32, #tpu.memory_space<hbm>>
      %dma_start3A_73 = tpu.memref_squeeze %dma_start3A_72 : memref<1x1x128xi32, #tpu.memory_space<hbm>> -> memref<128xi32, #tpu.memory_space<hbm>>
      tpu.enqueue_dma source(%dma_start3A_73 : memref<128xi32, #tpu.memory_space<hbm>>) target(%dma_start3A_70 : memref<128xi32, #tpu.memory_space<vmem>>) target_semaphore(%run_scoped3A_61 : memref<!tpu.dma_semaphore, #tpu.memory_space<semaphore_mem>>)
      %dma_wait3A = arith.constant 0 : i32
      %dma_wait3A_74 = tpu.memref_slice %arg8[%run_scoped3A_5, %dma_wait3A] : memref<3x128xi32, #tpu.memory_space<vmem>> -> memref<1x128xi32, #tpu.memory_space<vmem>>
      %dma_wait3A_75 = tpu.memref_squeeze %dma_wait3A_74 : memref<1x128xi32, #tpu.memory_space<vmem>> -> memref<128xi32, #tpu.memory_space<vmem>>
      %dma_wait3A_76 = arith.constant 0 : i32
      %dma_wait3A_77 = tpu.memref_slice %arg3[%add3A, %run_scoped3A, %dma_wait3A_76] : memref<32x81x128xi32, #tpu.memory_space<hbm>> -> memref<1x1x128xi32, #tpu.memory_space<hbm>>
      %dma_wait3A_78 = tpu.memref_squeeze %dma_wait3A_77 : memref<1x1x128xi32, #tpu.memory_space<hbm>> -> memref<128xi32, #tpu.memory_space<hbm>>
      %dma_wait3A_79 = arith.constant 0 : i32
      %dma_wait3A_80 = tpu.memref_slice %arg8[%run_scoped3A_5, %dma_wait3A_79] : memref<3x128xi32, #tpu.memory_space<vmem>> -> memref<1x128xi32, #tpu.memory_space<vmem>>
      %dma_wait3A_81 = tpu.memref_squeeze %dma_wait3A_80 : memref<1x128xi32, #tpu.memory_space<vmem>> -> memref<128xi32, #tpu.memory_space<vmem>>
      %dma_wait3A_82 = arith.constant 0 : i32
      %dma_wait3A_83 = tpu.memref_slice %arg3[%add3A, %run_scoped3A, %dma_wait3A_82] : memref<32x81x128xi32, #tpu.memory_space<hbm>> -> memref<1x1x128xi32, #tpu.memory_space<hbm>>
      %dma_wait3A_84 = tpu.memref_squeeze %dma_wait3A_83 : memref<1x1x128xi32, #tpu.memory_space<hbm>> -> memref<128xi32, #tpu.memory_space<hbm>>
      tpu.wait_dma2 semaphore(%run_scoped3A_61 : memref<!tpu.dma_semaphore, #tpu.memory_space<semaphore_mem>>) src(%dma_wait3A_84 : memref<128xi32, #tpu.memory_space<hbm>>) dst(%dma_wait3A_81 : memref<128xi32, #tpu.memory_space<vmem>>)
      tpu.yield
    }) : () -> ()
    %run_scoped3A_6 = arith.constant 0 : i32
    %run_scoped3A_7 = arith.constant 0 : i32
    "tpu.region"() ({
      %run_scoped3A_61 = tpu.sem_alloc : memref<!tpu.dma_semaphore, #tpu.memory_space<semaphore_mem>>
      %dma_start3A_62 = arith.constant 0 : i32
      %dma_start3A_63 = tpu.memref_slice %arg9[%run_scoped3A_7, %dma_start3A_62] : memref<3x128xi32, #tpu.memory_space<vmem>> -> memref<1x128xi32, #tpu.memory_space<vmem>>
      %dma_start3A_64 = tpu.memref_squeeze %dma_start3A_63 : memref<1x128xi32, #tpu.memory_space<vmem>> -> memref<128xi32, #tpu.memory_space<vmem>>
      %dma_start3A_65 = arith.constant 0 : i32
      %dma_start3A_66 = tpu.memref_slice %arg4[%add3A, %run_scoped3A_6, %dma_start3A_65] : memref<32x81x128xi32, #tpu.memory_space<hbm>> -> memref<1x1x128xi32, #tpu.memory_space<hbm>>
      %dma_start3A_67 = tpu.memref_squeeze %dma_start3A_66 : memref<1x1x128xi32, #tpu.memory_space<hbm>> -> memref<128xi32, #tpu.memory_space<hbm>>
      %dma_start3A_68 = arith.constant 0 : i32
      %dma_start3A_69 = tpu.memref_slice %arg9[%run_scoped3A_7, %dma_start3A_68] : memref<3x128xi32, #tpu.memory_space<vmem>> -> memref<1x128xi32, #tpu.memory_space<vmem>>
      %dma_start3A_70 = tpu.memref_squeeze %dma_start3A_69 : memref<1x128xi32, #tpu.memory_space<vmem>> -> memref<128xi32, #tpu.memory_space<vmem>>
      %dma_start3A_71 = arith.constant 0 : i32
      %dma_start3A_72 = tpu.memref_slice %arg4[%add3A, %run_scoped3A_6, %dma_start3A_71] : memref<32x81x128xi32, #tpu.memory_space<hbm>> -> memref<1x1x128xi32, #tpu.memory_space<hbm>>
      %dma_start3A_73 = tpu.memref_squeeze %dma_start3A_72 : memref<1x1x128xi32, #tpu.memory_space<hbm>> -> memref<128xi32, #tpu.memory_space<hbm>>
      tpu.enqueue_dma source(%dma_start3A_73 : memref<128xi32, #tpu.memory_space<hbm>>) target(%dma_start3A_70 : memref<128xi32, #tpu.memory_space<vmem>>) target_semaphore(%run_scoped3A_61 : memref<!tpu.dma_semaphore, #tpu.memory_space<semaphore_mem>>)
      %dma_wait3A = arith.constant 0 : i32
      %dma_wait3A_74 = tpu.memref_slice %arg9[%run_scoped3A_7, %dma_wait3A] : memref<3x128xi32, #tpu.memory_space<vmem>> -> memref<1x128xi32, #tpu.memory_space<vmem>>
      %dma_wait3A_75 = tpu.memref_squeeze %dma_wait3A_74 : memref<1x128xi32, #tpu.memory_space<vmem>> -> memref<128xi32, #tpu.memory_space<vmem>>
      %dma_wait3A_76 = arith.constant 0 : i32
      %dma_wait3A_77 = tpu.memref_slice %arg4[%add3A, %run_scoped3A_6, %dma_wait3A_76] : memref<32x81x128xi32, #tpu.memory_space<hbm>> -> memref<1x1x128xi32, #tpu.memory_space<hbm>>
      %dma_wait3A_78 = tpu.memref_squeeze %dma_wait3A_77 : memref<1x1x128xi32, #tpu.memory_space<hbm>> -> memref<128xi32, #tpu.memory_space<hbm>>
      %dma_wait3A_79 = arith.constant 0 : i32
      %dma_wait3A_80 = tpu.memref_slice %arg9[%run_scoped3A_7, %dma_wait3A_79] : memref<3x128xi32, #tpu.memory_space<vmem>> -> memref<1x128xi32, #tpu.memory_space<vmem>>
      %dma_wait3A_81 = tpu.memref_squeeze %dma_wait3A_80 : memref<1x128xi32, #tpu.memory_space<vmem>> -> memref<128xi32, #tpu.memory_space<vmem>>
      %dma_wait3A_82 = arith.constant 0 : i32
      %dma_wait3A_83 = tpu.memref_slice %arg4[%add3A, %run_scoped3A_6, %dma_wait3A_82] : memref<32x81x128xi32, #tpu.memory_space<hbm>> -> memref<1x1x128xi32, #tpu.memory_space<hbm>>
      %dma_wait3A_84 = tpu.memref_squeeze %dma_wait3A_83 : memref<1x1x128xi32, #tpu.memory_space<hbm>> -> memref<128xi32, #tpu.memory_space<hbm>>
      tpu.wait_dma2 semaphore(%run_scoped3A_61 : memref<!tpu.dma_semaphore, #tpu.memory_space<semaphore_mem>>) src(%dma_wait3A_84 : memref<128xi32, #tpu.memory_space<hbm>>) dst(%dma_wait3A_81 : memref<128xi32, #tpu.memory_space<vmem>>)
      tpu.yield
    }) : () -> ()
    %dma_start3A = arith.constant 0 : i32
    %dma_start3A_8 = arith.constant 0 : i32
    %dma_start3A_9 = arith.constant 0 : i32
    %dma_start3A_10 = arith.constant 0 : i32
    %dma_start3A_11 = tpu.memref_slice %arg10[%dma_start3A_8, %dma_start3A_9, %dma_start3A_10] : memref<3x128x128xf32, #tpu.memory_space<vmem>> -> memref<1x128x128xf32, #tpu.memory_space<vmem>>
    %dma_start3A_12 = tpu.memref_squeeze %dma_start3A_11 : memref<1x128x128xf32, #tpu.memory_space<vmem>> -> memref<128x128xf32, #tpu.memory_space<vmem>>
    %dma_start3A_13 = arith.constant 0 : i32
    %dma_start3A_14 = tpu.memref_slice %arg8[%dma_start3A, %dma_start3A_13] : memref<3x128xi32, #tpu.memory_space<vmem>> -> memref<1x128xi32, #tpu.memory_space<vmem>>
    %dma_start3A_15 = tpu.memref_squeeze %dma_start3A_14 : memref<1x128xi32, #tpu.memory_space<vmem>> -> memref<128xi32, #tpu.memory_space<vmem>>
    %dma_start3A_16 = arith.constant 0 : i32
    %dma_start3A_17 = arith.constant 0 : i32
    %dma_start3A_18 = tpu.memref_slice %arg2[%dma_start3A_16, %dma_start3A_17] : memref<10000x128xf32, #tpu.memory_space<hbm>> -> memref<10000x128xf32, #tpu.memory_space<hbm>>
    tpu.enqueue_indirect_dma source(%dma_start3A_18 : memref<10000x128xf32, #tpu.memory_space<hbm>>) target(%dma_start3A_12 : memref<128x128xf32, #tpu.memory_space<vmem>>) offsets(%dma_start3A_15 : memref<128xi32, #tpu.memory_space<vmem>>) semaphore(%arg11 : memref<!tpu.dma_semaphore, #tpu.memory_space<semaphore_mem>>)
    %run_scoped3A_19 = arith.constant 1 : i32
    %run_scoped3A_20 = arith.constant 1 : i32
    "tpu.region"() ({
      %run_scoped3A_61 = tpu.sem_alloc : memref<!tpu.dma_semaphore, #tpu.memory_space<semaphore_mem>>
      %dma_start3A_62 = arith.constant 0 : i32
      %dma_start3A_63 = tpu.memref_slice %arg8[%run_scoped3A_20, %dma_start3A_62] : memref<3x128xi32, #tpu.memory_space<vmem>> -> memref<1x128xi32, #tpu.memory_space<vmem>>
      %dma_start3A_64 = tpu.memref_squeeze %dma_start3A_63 : memref<1x128xi32, #tpu.memory_space<vmem>> -> memref<128xi32, #tpu.memory_space<vmem>>
      %dma_start3A_65 = arith.constant 0 : i32
      %dma_start3A_66 = tpu.memref_slice %arg3[%add3A, %run_scoped3A_19, %dma_start3A_65] : memref<32x81x128xi32, #tpu.memory_space<hbm>> -> memref<1x1x128xi32, #tpu.memory_space<hbm>>
      %dma_start3A_67 = tpu.memref_squeeze %dma_start3A_66 : memref<1x1x128xi32, #tpu.memory_space<hbm>> -> memref<128xi32, #tpu.memory_space<hbm>>
      %dma_start3A_68 = arith.constant 0 : i32
      %dma_start3A_69 = tpu.memref_slice %arg8[%run_scoped3A_20, %dma_start3A_68] : memref<3x128xi32, #tpu.memory_space<vmem>> -> memref<1x128xi32, #tpu.memory_space<vmem>>
      %dma_start3A_70 = tpu.memref_squeeze %dma_start3A_69 : memref<1x128xi32, #tpu.memory_space<vmem>> -> memref<128xi32, #tpu.memory_space<vmem>>
      %dma_start3A_71 = arith.constant 0 : i32
      %dma_start3A_72 = tpu.memref_slice %arg3[%add3A, %run_scoped3A_19, %dma_start3A_71] : memref<32x81x128xi32, #tpu.memory_space<hbm>> -> memref<1x1x128xi32, #tpu.memory_space<hbm>>
      %dma_start3A_73 = tpu.memref_squeeze %dma_start3A_72 : memref<1x1x128xi32, #tpu.memory_space<hbm>> -> memref<128xi32, #tpu.memory_space<hbm>>
      tpu.enqueue_dma source(%dma_start3A_73 : memref<128xi32, #tpu.memory_space<hbm>>) target(%dma_start3A_70 : memref<128xi32, #tpu.memory_space<vmem>>) target_semaphore(%run_scoped3A_61 : memref<!tpu.dma_semaphore, #tpu.memory_space<semaphore_mem>>)
      %dma_wait3A = arith.constant 0 : i32
      %dma_wait3A_74 = tpu.memref_slice %arg8[%run_scoped3A_20, %dma_wait3A] : memref<3x128xi32, #tpu.memory_space<vmem>> -> memref<1x128xi32, #tpu.memory_space<vmem>>
      %dma_wait3A_75 = tpu.memref_squeeze %dma_wait3A_74 : memref<1x128xi32, #tpu.memory_space<vmem>> -> memref<128xi32, #tpu.memory_space<vmem>>
      %dma_wait3A_76 = arith.constant 0 : i32
      %dma_wait3A_77 = tpu.memref_slice %arg3[%add3A, %run_scoped3A_19, %dma_wait3A_76] : memref<32x81x128xi32, #tpu.memory_space<hbm>> -> memref<1x1x128xi32, #tpu.memory_space<hbm>>
      %dma_wait3A_78 = tpu.memref_squeeze %dma_wait3A_77 : memref<1x1x128xi32, #tpu.memory_space<hbm>> -> memref<128xi32, #tpu.memory_space<hbm>>
      %dma_wait3A_79 = arith.constant 0 : i32
      %dma_wait3A_80 = tpu.memref_slice %arg8[%run_scoped3A_20, %dma_wait3A_79] : memref<3x128xi32, #tpu.memory_space<vmem>> -> memref<1x128xi32, #tpu.memory_space<vmem>>
      %dma_wait3A_81 = tpu.memref_squeeze %dma_wait3A_80 : memref<1x128xi32, #tpu.memory_space<vmem>> -> memref<128xi32, #tpu.memory_space<vmem>>
      %dma_wait3A_82 = arith.constant 0 : i32
      %dma_wait3A_83 = tpu.memref_slice %arg3[%add3A, %run_scoped3A_19, %dma_wait3A_82] : memref<32x81x128xi32, #tpu.memory_space<hbm>> -> memref<1x1x128xi32, #tpu.memory_space<hbm>>
      %dma_wait3A_84 = tpu.memref_squeeze %dma_wait3A_83 : memref<1x1x128xi32, #tpu.memory_space<hbm>> -> memref<128xi32, #tpu.memory_space<hbm>>
      tpu.wait_dma2 semaphore(%run_scoped3A_61 : memref<!tpu.dma_semaphore, #tpu.memory_space<semaphore_mem>>) src(%dma_wait3A_84 : memref<128xi32, #tpu.memory_space<hbm>>) dst(%dma_wait3A_81 : memref<128xi32, #tpu.memory_space<vmem>>)
      tpu.yield
    }) : () -> ()
    %run_scoped3A_21 = arith.constant 1 : i32
    %run_scoped3A_22 = arith.constant 1 : i32
    "tpu.region"() ({
      %run_scoped3A_61 = tpu.sem_alloc : memref<!tpu.dma_semaphore, #tpu.memory_space<semaphore_mem>>
      %dma_start3A_62 = arith.constant 0 : i32
      %dma_start3A_63 = tpu.memref_slice %arg9[%run_scoped3A_22, %dma_start3A_62] : memref<3x128xi32, #tpu.memory_space<vmem>> -> memref<1x128xi32, #tpu.memory_space<vmem>>
      %dma_start3A_64 = tpu.memref_squeeze %dma_start3A_63 : memref<1x128xi32, #tpu.memory_space<vmem>> -> memref<128xi32, #tpu.memory_space<vmem>>
      %dma_start3A_65 = arith.constant 0 : i32
      %dma_start3A_66 = tpu.memref_slice %arg4[%add3A, %run_scoped3A_21, %dma_start3A_65] : memref<32x81x128xi32, #tpu.memory_space<hbm>> -> memref<1x1x128xi32, #tpu.memory_space<hbm>>
      %dma_start3A_67 = tpu.memref_squeeze %dma_start3A_66 : memref<1x1x128xi32, #tpu.memory_space<hbm>> -> memref<128xi32, #tpu.memory_space<hbm>>
      %dma_start3A_68 = arith.constant 0 : i32
      %dma_start3A_69 = tpu.memref_slice %arg9[%run_scoped3A_22, %dma_start3A_68] : memref<3x128xi32, #tpu.memory_space<vmem>> -> memref<1x128xi32, #tpu.memory_space<vmem>>
      %dma_start3A_70 = tpu.memref_squeeze %dma_start3A_69 : memref<1x128xi32, #tpu.memory_space<vmem>> -> memref<128xi32, #tpu.memory_space<vmem>>
      %dma_start3A_71 = arith.constant 0 : i32
      %dma_start3A_72 = tpu.memref_slice %arg4[%add3A, %run_scoped3A_21, %dma_start3A_71] : memref<32x81x128xi32, #tpu.memory_space<hbm>> -> memref<1x1x128xi32, #tpu.memory_space<hbm>>
      %dma_start3A_73 = tpu.memref_squeeze %dma_start3A_72 : memref<1x1x128xi32, #tpu.memory_space<hbm>> -> memref<128xi32, #tpu.memory_space<hbm>>
      tpu.enqueue_dma source(%dma_start3A_73 : memref<128xi32, #tpu.memory_space<hbm>>) target(%dma_start3A_70 : memref<128xi32, #tpu.memory_space<vmem>>) target_semaphore(%run_scoped3A_61 : memref<!tpu.dma_semaphore, #tpu.memory_space<semaphore_mem>>)
      %dma_wait3A = arith.constant 0 : i32
      %dma_wait3A_74 = tpu.memref_slice %arg9[%run_scoped3A_22, %dma_wait3A] : memref<3x128xi32, #tpu.memory_space<vmem>> -> memref<1x128xi32, #tpu.memory_space<vmem>>
      %dma_wait3A_75 = tpu.memref_squeeze %dma_wait3A_74 : memref<1x128xi32, #tpu.memory_space<vmem>> -> memref<128xi32, #tpu.memory_space<vmem>>
      %dma_wait3A_76 = arith.constant 0 : i32
      %dma_wait3A_77 = tpu.memref_slice %arg4[%add3A, %run_scoped3A_21, %dma_wait3A_76] : memref<32x81x128xi32, #tpu.memory_space<hbm>> -> memref<1x1x128xi32, #tpu.memory_space<hbm>>
      %dma_wait3A_78 = tpu.memref_squeeze %dma_wait3A_77 : memref<1x1x128xi32, #tpu.memory_space<hbm>> -> memref<128xi32, #tpu.memory_space<hbm>>
      %dma_wait3A_79 = arith.constant 0 : i32
      %dma_wait3A_80 = tpu.memref_slice %arg9[%run_scoped3A_22, %dma_wait3A_79] : memref<3x128xi32, #tpu.memory_space<vmem>> -> memref<1x128xi32, #tpu.memory_space<vmem>>
      %dma_wait3A_81 = tpu.memref_squeeze %dma_wait3A_80 : memref<1x128xi32, #tpu.memory_space<vmem>> -> memref<128xi32, #tpu.memory_space<vmem>>
      %dma_wait3A_82 = arith.constant 0 : i32
      %dma_wait3A_83 = tpu.memref_slice %arg4[%add3A, %run_scoped3A_21, %dma_wait3A_82] : memref<32x81x128xi32, #tpu.memory_space<hbm>> -> memref<1x1x128xi32, #tpu.memory_space<hbm>>
      %dma_wait3A_84 = tpu.memref_squeeze %dma_wait3A_83 : memref<1x1x128xi32, #tpu.memory_space<hbm>> -> memref<128xi32, #tpu.memory_space<hbm>>
      tpu.wait_dma2 semaphore(%run_scoped3A_61 : memref<!tpu.dma_semaphore, #tpu.memory_space<semaphore_mem>>) src(%dma_wait3A_84 : memref<128xi32, #tpu.memory_space<hbm>>) dst(%dma_wait3A_81 : memref<128xi32, #tpu.memory_space<vmem>>)
      tpu.yield
    }) : () -> ()
    %dma_start3A_23 = arith.constant 1 : i32
    %dma_start3A_24 = arith.constant 1 : i32
    %dma_start3A_25 = arith.constant 0 : i32
    %dma_start3A_26 = arith.constant 0 : i32
    %dma_start3A_27 = tpu.memref_slice %arg10[%dma_start3A_24, %dma_start3A_25, %dma_start3A_26] : memref<3x128x128xf32, #tpu.memory_space<vmem>> -> memref<1x128x128xf32, #tpu.memory_space<vmem>>
    %dma_start3A_28 = tpu.memref_squeeze %dma_start3A_27 : memref<1x128x128xf32, #tpu.memory_space<vmem>> -> memref<128x128xf32, #tpu.memory_space<vmem>>
    %dma_start3A_29 = arith.constant 0 : i32
    %dma_start3A_30 = tpu.memref_slice %arg8[%dma_start3A_23, %dma_start3A_29] : memref<3x128xi32, #tpu.memory_space<vmem>> -> memref<1x128xi32, #tpu.memory_space<vmem>>
    %dma_start3A_31 = tpu.memref_squeeze %dma_start3A_30 : memref<1x128xi32, #tpu.memory_space<vmem>> -> memref<128xi32, #tpu.memory_space<vmem>>
    %dma_start3A_32 = arith.constant 0 : i32
    %dma_start3A_33 = arith.constant 0 : i32
    %dma_start3A_34 = tpu.memref_slice %arg2[%dma_start3A_32, %dma_start3A_33] : memref<10000x128xf32, #tpu.memory_space<hbm>> -> memref<10000x128xf32, #tpu.memory_space<hbm>>
    tpu.enqueue_indirect_dma source(%dma_start3A_34 : memref<10000x128xf32, #tpu.memory_space<hbm>>) target(%dma_start3A_28 : memref<128x128xf32, #tpu.memory_space<vmem>>) offsets(%dma_start3A_31 : memref<128xi32, #tpu.memory_space<vmem>>) semaphore(%arg12 : memref<!tpu.dma_semaphore, #tpu.memory_space<semaphore_mem>>)
    %run_scoped3A_35 = arith.constant 2 : i32
    %run_scoped3A_36 = arith.constant 2 : i32
    "tpu.region"() ({
      %run_scoped3A_61 = tpu.sem_alloc : memref<!tpu.dma_semaphore, #tpu.memory_space<semaphore_mem>>
      %dma_start3A_62 = arith.constant 0 : i32
      %dma_start3A_63 = tpu.memref_slice %arg8[%run_scoped3A_36, %dma_start3A_62] : memref<3x128xi32, #tpu.memory_space<vmem>> -> memref<1x128xi32, #tpu.memory_space<vmem>>
      %dma_start3A_64 = tpu.memref_squeeze %dma_start3A_63 : memref<1x128xi32, #tpu.memory_space<vmem>> -> memref<128xi32, #tpu.memory_space<vmem>>
      %dma_start3A_65 = arith.constant 0 : i32
      %dma_start3A_66 = tpu.memref_slice %arg3[%add3A, %run_scoped3A_35, %dma_start3A_65] : memref<32x81x128xi32, #tpu.memory_space<hbm>> -> memref<1x1x128xi32, #tpu.memory_space<hbm>>
      %dma_start3A_67 = tpu.memref_squeeze %dma_start3A_66 : memref<1x1x128xi32, #tpu.memory_space<hbm>> -> memref<128xi32, #tpu.memory_space<hbm>>
      %dma_start3A_68 = arith.constant 0 : i32
      %dma_start3A_69 = tpu.memref_slice %arg8[%run_scoped3A_36, %dma_start3A_68] : memref<3x128xi32, #tpu.memory_space<vmem>> -> memref<1x128xi32, #tpu.memory_space<vmem>>
      %dma_start3A_70 = tpu.memref_squeeze %dma_start3A_69 : memref<1x128xi32, #tpu.memory_space<vmem>> -> memref<128xi32, #tpu.memory_space<vmem>>
      %dma_start3A_71 = arith.constant 0 : i32
      %dma_start3A_72 = tpu.memref_slice %arg3[%add3A, %run_scoped3A_35, %dma_start3A_71] : memref<32x81x128xi32, #tpu.memory_space<hbm>> -> memref<1x1x128xi32, #tpu.memory_space<hbm>>
      %dma_start3A_73 = tpu.memref_squeeze %dma_start3A_72 : memref<1x1x128xi32, #tpu.memory_space<hbm>> -> memref<128xi32, #tpu.memory_space<hbm>>
      tpu.enqueue_dma source(%dma_start3A_73 : memref<128xi32, #tpu.memory_space<hbm>>) target(%dma_start3A_70 : memref<128xi32, #tpu.memory_space<vmem>>) target_semaphore(%run_scoped3A_61 : memref<!tpu.dma_semaphore, #tpu.memory_space<semaphore_mem>>)
      %dma_wait3A = arith.constant 0 : i32
      %dma_wait3A_74 = tpu.memref_slice %arg8[%run_scoped3A_36, %dma_wait3A] : memref<3x128xi32, #tpu.memory_space<vmem>> -> memref<1x128xi32, #tpu.memory_space<vmem>>
      %dma_wait3A_75 = tpu.memref_squeeze %dma_wait3A_74 : memref<1x128xi32, #tpu.memory_space<vmem>> -> memref<128xi32, #tpu.memory_space<vmem>>
      %dma_wait3A_76 = arith.constant 0 : i32
      %dma_wait3A_77 = tpu.memref_slice %arg3[%add3A, %run_scoped3A_35, %dma_wait3A_76] : memref<32x81x128xi32, #tpu.memory_space<hbm>> -> memref<1x1x128xi32, #tpu.memory_space<hbm>>
      %dma_wait3A_78 = tpu.memref_squeeze %dma_wait3A_77 : memref<1x1x128xi32, #tpu.memory_space<hbm>> -> memref<128xi32, #tpu.memory_space<hbm>>
      %dma_wait3A_79 = arith.constant 0 : i32
      %dma_wait3A_80 = tpu.memref_slice %arg8[%run_scoped3A_36, %dma_wait3A_79] : memref<3x128xi32, #tpu.memory_space<vmem>> -> memref<1x128xi32, #tpu.memory_space<vmem>>
      %dma_wait3A_81 = tpu.memref_squeeze %dma_wait3A_80 : memref<1x128xi32, #tpu.memory_space<vmem>> -> memref<128xi32, #tpu.memory_space<vmem>>
      %dma_wait3A_82 = arith.constant 0 : i32
      %dma_wait3A_83 = tpu.memref_slice %arg3[%add3A, %run_scoped3A_35, %dma_wait3A_82] : memref<32x81x128xi32, #tpu.memory_space<hbm>> -> memref<1x1x128xi32, #tpu.memory_space<hbm>>
      %dma_wait3A_84 = tpu.memref_squeeze %dma_wait3A_83 : memref<1x1x128xi32, #tpu.memory_space<hbm>> -> memref<128xi32, #tpu.memory_space<hbm>>
      tpu.wait_dma2 semaphore(%run_scoped3A_61 : memref<!tpu.dma_semaphore, #tpu.memory_space<semaphore_mem>>) src(%dma_wait3A_84 : memref<128xi32, #tpu.memory_space<hbm>>) dst(%dma_wait3A_81 : memref<128xi32, #tpu.memory_space<vmem>>)
      tpu.yield
    }) : () -> ()
    %run_scoped3A_37 = arith.constant 2 : i32
    %run_scoped3A_38 = arith.constant 2 : i32
    "tpu.region"() ({
      %run_scoped3A_61 = tpu.sem_alloc : memref<!tpu.dma_semaphore, #tpu.memory_space<semaphore_mem>>
      %dma_start3A_62 = arith.constant 0 : i32
      %dma_start3A_63 = tpu.memref_slice %arg9[%run_scoped3A_38, %dma_start3A_62] : memref<3x128xi32, #tpu.memory_space<vmem>> -> memref<1x128xi32, #tpu.memory_space<vmem>>
      %dma_start3A_64 = tpu.memref_squeeze %dma_start3A_63 : memref<1x128xi32, #tpu.memory_space<vmem>> -> memref<128xi32, #tpu.memory_space<vmem>>
      %dma_start3A_65 = arith.constant 0 : i32
      %dma_start3A_66 = tpu.memref_slice %arg4[%add3A, %run_scoped3A_37, %dma_start3A_65] : memref<32x81x128xi32, #tpu.memory_space<hbm>> -> memref<1x1x128xi32, #tpu.memory_space<hbm>>
      %dma_start3A_67 = tpu.memref_squeeze %dma_start3A_66 : memref<1x1x128xi32, #tpu.memory_space<hbm>> -> memref<128xi32, #tpu.memory_space<hbm>>
      %dma_start3A_68 = arith.constant 0 : i32
      %dma_start3A_69 = tpu.memref_slice %arg9[%run_scoped3A_38, %dma_start3A_68] : memref<3x128xi32, #tpu.memory_space<vmem>> -> memref<1x128xi32, #tpu.memory_space<vmem>>
      %dma_start3A_70 = tpu.memref_squeeze %dma_start3A_69 : memref<1x128xi32, #tpu.memory_space<vmem>> -> memref<128xi32, #tpu.memory_space<vmem>>
      %dma_start3A_71 = arith.constant 0 : i32
      %dma_start3A_72 = tpu.memref_slice %arg4[%add3A, %run_scoped3A_37, %dma_start3A_71] : memref<32x81x128xi32, #tpu.memory_space<hbm>> -> memref<1x1x128xi32, #tpu.memory_space<hbm>>
      %dma_start3A_73 = tpu.memref_squeeze %dma_start3A_72 : memref<1x1x128xi32, #tpu.memory_space<hbm>> -> memref<128xi32, #tpu.memory_space<hbm>>
      tpu.enqueue_dma source(%dma_start3A_73 : memref<128xi32, #tpu.memory_space<hbm>>) target(%dma_start3A_70 : memref<128xi32, #tpu.memory_space<vmem>>) target_semaphore(%run_scoped3A_61 : memref<!tpu.dma_semaphore, #tpu.memory_space<semaphore_mem>>)
      %dma_wait3A = arith.constant 0 : i32
      %dma_wait3A_74 = tpu.memref_slice %arg9[%run_scoped3A_38, %dma_wait3A] : memref<3x128xi32, #tpu.memory_space<vmem>> -> memref<1x128xi32, #tpu.memory_space<vmem>>
      %dma_wait3A_75 = tpu.memref_squeeze %dma_wait3A_74 : memref<1x128xi32, #tpu.memory_space<vmem>> -> memref<128xi32, #tpu.memory_space<vmem>>
      %dma_wait3A_76 = arith.constant 0 : i32
      %dma_wait3A_77 = tpu.memref_slice %arg4[%add3A, %run_scoped3A_37, %dma_wait3A_76] : memref<32x81x128xi32, #tpu.memory_space<hbm>> -> memref<1x1x128xi32, #tpu.memory_space<hbm>>
      %dma_wait3A_78 = tpu.memref_squeeze %dma_wait3A_77 : memref<1x1x128xi32, #tpu.memory_space<hbm>> -> memref<128xi32, #tpu.memory_space<hbm>>
      %dma_wait3A_79 = arith.constant 0 : i32
      %dma_wait3A_80 = tpu.memref_slice %arg9[%run_scoped3A_38, %dma_wait3A_79] : memref<3x128xi32, #tpu.memory_space<vmem>> -> memref<1x128xi32, #tpu.memory_space<vmem>>
      %dma_wait3A_81 = tpu.memref_squeeze %dma_wait3A_80 : memref<1x128xi32, #tpu.memory_space<vmem>> -> memref<128xi32, #tpu.memory_space<vmem>>
      %dma_wait3A_82 = arith.constant 0 : i32
      %dma_wait3A_83 = tpu.memref_slice %arg4[%add3A, %run_scoped3A_37, %dma_wait3A_82] : memref<32x81x128xi32, #tpu.memory_space<hbm>> -> memref<1x1x128xi32, #tpu.memory_space<hbm>>
      %dma_wait3A_84 = tpu.memref_squeeze %dma_wait3A_83 : memref<1x1x128xi32, #tpu.memory_space<hbm>> -> memref<128xi32, #tpu.memory_space<hbm>>
      tpu.wait_dma2 semaphore(%run_scoped3A_61 : memref<!tpu.dma_semaphore, #tpu.memory_space<semaphore_mem>>) src(%dma_wait3A_84 : memref<128xi32, #tpu.memory_space<hbm>>) dst(%dma_wait3A_81 : memref<128xi32, #tpu.memory_space<vmem>>)
      tpu.yield
    }) : () -> ()
    %dma_start3A_39 = arith.constant 2 : i32
    %dma_start3A_40 = arith.constant 2 : i32
    %dma_start3A_41 = arith.constant 0 : i32
    %dma_start3A_42 = arith.constant 0 : i32
    %dma_start3A_43 = tpu.memref_slice %arg10[%dma_start3A_40, %dma_start3A_41, %dma_start3A_42] : memref<3x128x128xf32, #tpu.memory_space<vmem>> -> memref<1x128x128xf32, #tpu.memory_space<vmem>>
    %dma_start3A_44 = tpu.memref_squeeze %dma_start3A_43 : memref<1x128x128xf32, #tpu.memory_space<vmem>> -> memref<128x128xf32, #tpu.memory_space<vmem>>
    %dma_start3A_45 = arith.constant 0 : i32
    %dma_start3A_46 = tpu.memref_slice %arg8[%dma_start3A_39, %dma_start3A_45] : memref<3x128xi32, #tpu.memory_space<vmem>> -> memref<1x128xi32, #tpu.memory_space<vmem>>
    %dma_start3A_47 = tpu.memref_squeeze %dma_start3A_46 : memref<1x128xi32, #tpu.memory_space<vmem>> -> memref<128xi32, #tpu.memory_space<vmem>>
    %dma_start3A_48 = arith.constant 0 : i32
    %dma_start3A_49 = arith.constant 0 : i32
    %dma_start3A_50 = tpu.memref_slice %arg2[%dma_start3A_48, %dma_start3A_49] : memref<10000x128xf32, #tpu.memory_space<hbm>> -> memref<10000x128xf32, #tpu.memory_space<hbm>>
    tpu.enqueue_indirect_dma source(%dma_start3A_50 : memref<10000x128xf32, #tpu.memory_space<hbm>>) target(%dma_start3A_44 : memref<128x128xf32, #tpu.memory_space<vmem>>) offsets(%dma_start3A_47 : memref<128xi32, #tpu.memory_space<vmem>>) semaphore(%arg13 : memref<!tpu.dma_semaphore, #tpu.memory_space<semaphore_mem>>)
    %scan3A = arith.constant 0 : i32
    %scan3A_51 = arith.constant 0 : i32
    %scan3A_52 = arith.constant 27 : i32
    %scan3A_53 = arith.addi %scan3A_51, %scan3A_52 : i32
    %scan3A_54 = arith.constant 1 : i32
    scf.for %scan3A_61 = %scan3A_51 to %scan3A_53 step %scan3A_54  : i32 {
      %mul3A_62 = arith.constant 3 : i32
      %mul3A_63 = arith.muli %scan3A_61, %mul3A_62 : i32
      %add3A_64 = arith.constant 0 : i32
      %add3A_65 = arith.addi %mul3A_63, %add3A_64 : i32
      %dma_wait3A = arith.constant 0 : i32
      %dma_wait3A_66 = arith.constant 0 : i32
      %dma_wait3A_67 = arith.constant 0 : i32
      %dma_wait3A_68 = arith.constant 0 : i32
      %dma_wait3A_69 = tpu.memref_slice %arg10[%dma_wait3A_66, %dma_wait3A_67, %dma_wait3A_68] : memref<3x128x128xf32, #tpu.memory_space<vmem>> -> memref<1x128x128xf32, #tpu.memory_space<vmem>>
      %dma_wait3A_70 = tpu.memref_squeeze %dma_wait3A_69 : memref<1x128x128xf32, #tpu.memory_space<vmem>> -> memref<128x128xf32, #tpu.memory_space<vmem>>
      %dma_wait3A_71 = arith.constant 0 : i32
      %dma_wait3A_72 = tpu.memref_slice %arg8[%dma_wait3A, %dma_wait3A_71] : memref<3x128xi32, #tpu.memory_space<vmem>> -> memref<1x128xi32, #tpu.memory_space<vmem>>
      %dma_wait3A_73 = tpu.memref_squeeze %dma_wait3A_72 : memref<1x128xi32, #tpu.memory_space<vmem>> -> memref<128xi32, #tpu.memory_space<vmem>>
      %dma_wait3A_74 = arith.constant 0 : i32
      %dma_wait3A_75 = arith.constant 0 : i32
      %dma_wait3A_76 = tpu.memref_slice %arg2[%dma_wait3A_74, %dma_wait3A_75] : memref<10000x128xf32, #tpu.memory_space<hbm>> -> memref<10000x128xf32, #tpu.memory_space<hbm>>
      tpu.wait_indirect_dma semaphore(%arg11 : memref<!tpu.dma_semaphore, #tpu.memory_space<semaphore_mem>>) src(%dma_wait3A_76 : memref<10000x128xf32, #tpu.memory_space<hbm>>) dst(%dma_wait3A_70 : memref<128x128xf32, #tpu.memory_space<vmem>>)
      %run_scoped3A_77 = arith.constant 0 : i32
      %run_scoped3A_78 = arith.constant 0 : i32
      "tpu.region"() ({
        %run_scoped3A_129 = tpu.sem_alloc : memref<!tpu.dma_semaphore, #tpu.memory_space<semaphore_mem>>
        %dma_start3A_130 = arith.constant 0 : i32
        %dma_start3A_131 = arith.constant 0 : i32
        %dma_start3A_132 = tpu.memref_slice %arg10[%run_scoped3A_77, %dma_start3A_130, %dma_start3A_131] : memref<3x128x128xf32, #tpu.memory_space<vmem>> -> memref<1x128x128xf32, #tpu.memory_space<vmem>>
        %dma_start3A_133 = tpu.memref_squeeze %dma_start3A_132 : memref<1x128x128xf32, #tpu.memory_space<vmem>> -> memref<128x128xf32, #tpu.memory_space<vmem>>
        %dma_start3A_134 = arith.constant 0 : i32
        %dma_start3A_135 = tpu.memref_slice %arg9[%run_scoped3A_78, %dma_start3A_134] : memref<3x128xi32, #tpu.memory_space<vmem>> -> memref<1x128xi32, #tpu.memory_space<vmem>>
        %dma_start3A_136 = tpu.memref_squeeze %dma_start3A_135 : memref<1x128xi32, #tpu.memory_space<vmem>> -> memref<128xi32, #tpu.memory_space<vmem>>
        %dma_start3A_137 = arith.constant 0 : i32
        %dma_start3A_138 = arith.constant 0 : i32
        %dma_start3A_139 = tpu.memref_slice %arg7[%dma_start3A_137, %dma_start3A_138] : memref<10112x128xf32, #tpu.memory_space<vmem_shared>> -> memref<10112x128xf32, #tpu.memory_space<vmem_shared>>
        tpu.enqueue_indirect_dma source(%dma_start3A_133 : memref<128x128xf32, #tpu.memory_space<vmem>>) target(%dma_start3A_139 : memref<10112x128xf32, #tpu.memory_space<vmem_shared>>) offsets(%dma_start3A_136 : memref<128xi32, #tpu.memory_space<vmem>>) semaphore(%run_scoped3A_129 : memref<!tpu.dma_semaphore, #tpu.memory_space<semaphore_mem>>) {add = true}
        %dma_wait3A_140 = arith.constant 0 : i32
        %dma_wait3A_141 = arith.constant 0 : i32
        %dma_wait3A_142 = tpu.memref_slice %arg10[%run_scoped3A_77, %dma_wait3A_140, %dma_wait3A_141] : memref<3x128x128xf32, #tpu.memory_space<vmem>> -> memref<1x128x128xf32, #tpu.memory_space<vmem>>
        %dma_wait3A_143 = tpu.memref_squeeze %dma_wait3A_142 : memref<1x128x128xf32, #tpu.memory_space<vmem>> -> memref<128x128xf32, #tpu.memory_space<vmem>>
        %dma_wait3A_144 = arith.constant 0 : i32
        %dma_wait3A_145 = tpu.memref_slice %arg9[%run_scoped3A_78, %dma_wait3A_144] : memref<3x128xi32, #tpu.memory_space<vmem>> -> memref<1x128xi32, #tpu.memory_space<vmem>>
        %dma_wait3A_146 = tpu.memref_squeeze %dma_wait3A_145 : memref<1x128xi32, #tpu.memory_space<vmem>> -> memref<128xi32, #tpu.memory_space<vmem>>
        %dma_wait3A_147 = arith.constant 0 : i32
        %dma_wait3A_148 = arith.constant 0 : i32
        %dma_wait3A_149 = tpu.memref_slice %arg7[%dma_wait3A_147, %dma_wait3A_148] : memref<10112x128xf32, #tpu.memory_space<vmem_shared>> -> memref<10112x128xf32, #tpu.memory_space<vmem_shared>>
        tpu.wait_indirect_dma semaphore(%run_scoped3A_129 : memref<!tpu.dma_semaphore, #tpu.memory_space<semaphore_mem>>) src(%dma_wait3A_143 : memref<128x128xf32, #tpu.memory_space<vmem>>) dst(%dma_wait3A_149 : memref<10112x128xf32, #tpu.memory_space<vmem_shared>>)
        tpu.yield
      }) : () -> ()
      %add3A_79 = arith.constant 3 : i32
      %add3A_80 = arith.addi %add3A_65, %add3A_79 : i32
      %lt3A = arith.constant 81 : i32
      %lt3A_81 = arith.cmpi slt, %add3A_80, %lt3A : i32
      %convert_element_type3A = arith.extui %lt3A_81 : i1 to i32
      %cond3A = arith.constant 0 : i32
      %cond3A_82 = arith.cmpi ne, %convert_element_type3A, %cond3A : i32
      scf.if %cond3A_82 {
        %run_scoped3A_129 = arith.constant 0 : i32
        "tpu.region"() ({
          %run_scoped3A_143 = tpu.sem_alloc : memref<!tpu.dma_semaphore, #tpu.memory_space<semaphore_mem>>
          %dma_start3A_144 = arith.constant 0 : i32
          %dma_start3A_145 = tpu.memref_slice %arg8[%run_scoped3A_129, %dma_start3A_144] : memref<3x128xi32, #tpu.memory_space<vmem>> -> memref<1x128xi32, #tpu.memory_space<vmem>>
          %dma_start3A_146 = tpu.memref_squeeze %dma_start3A_145 : memref<1x128xi32, #tpu.memory_space<vmem>> -> memref<128xi32, #tpu.memory_space<vmem>>
          %dma_start3A_147 = arith.constant 0 : i32
          %dma_start3A_148 = tpu.memref_slice %arg3[%add3A, %add3A_80, %dma_start3A_147] : memref<32x81x128xi32, #tpu.memory_space<hbm>> -> memref<1x1x128xi32, #tpu.memory_space<hbm>>
          %dma_start3A_149 = tpu.memref_squeeze %dma_start3A_148 : memref<1x1x128xi32, #tpu.memory_space<hbm>> -> memref<128xi32, #tpu.memory_space<hbm>>
          %dma_start3A_150 = arith.constant 0 : i32
          %dma_start3A_151 = tpu.memref_slice %arg8[%run_scoped3A_129, %dma_start3A_150] : memref<3x128xi32, #tpu.memory_space<vmem>> -> memref<1x128xi32, #tpu.memory_space<vmem>>
          %dma_start3A_152 = tpu.memref_squeeze %dma_start3A_151 : memref<1x128xi32, #tpu.memory_space<vmem>> -> memref<128xi32, #tpu.memory_space<vmem>>
          %dma_start3A_153 = arith.constant 0 : i32
          %dma_start3A_154 = tpu.memref_slice %arg3[%add3A, %add3A_80, %dma_start3A_153] : memref<32x81x128xi32, #tpu.memory_space<hbm>> -> memref<1x1x128xi32, #tpu.memory_space<hbm>>
          %dma_start3A_155 = tpu.memref_squeeze %dma_start3A_154 : memref<1x1x128xi32, #tpu.memory_space<hbm>> -> memref<128xi32, #tpu.memory_space<hbm>>
          tpu.enqueue_dma source(%dma_start3A_155 : memref<128xi32, #tpu.memory_space<hbm>>) target(%dma_start3A_152 : memref<128xi32, #tpu.memory_space<vmem>>) target_semaphore(%run_scoped3A_143 : memref<!tpu.dma_semaphore, #tpu.memory_space<semaphore_mem>>)
          %dma_wait3A_156 = arith.constant 0 : i32
          %dma_wait3A_157 = tpu.memref_slice %arg8[%run_scoped3A_129, %dma_wait3A_156] : memref<3x128xi32, #tpu.memory_space<vmem>> -> memref<1x128xi32, #tpu.memory_space<vmem>>
          %dma_wait3A_158 = tpu.memref_squeeze %dma_wait3A_157 : memref<1x128xi32, #tpu.memory_space<vmem>> -> memref<128xi32, #tpu.memory_space<vmem>>
          %dma_wait3A_159 = arith.constant 0 : i32
          %dma_wait3A_160 = tpu.memref_slice %arg3[%add3A, %add3A_80, %dma_wait3A_159] : memref<32x81x128xi32, #tpu.memory_space<hbm>> -> memref<1x1x128xi32, #tpu.memory_space<hbm>>
          %dma_wait3A_161 = tpu.memref_squeeze %dma_wait3A_160 : memref<1x1x128xi32, #tpu.memory_space<hbm>> -> memref<128xi32, #tpu.memory_space<hbm>>
          %dma_wait3A_162 = arith.constant 0 : i32
          %dma_wait3A_163 = tpu.memref_slice %arg8[%run_scoped3A_129, %dma_wait3A_162] : memref<3x128xi32, #tpu.memory_space<vmem>> -> memref<1x128xi32, #tpu.memory_space<vmem>>
          %dma_wait3A_164 = tpu.memref_squeeze %dma_wait3A_163 : memref<1x128xi32, #tpu.memory_space<vmem>> -> memref<128xi32, #tpu.memory_space<vmem>>
          %dma_wait3A_165 = arith.constant 0 : i32
          %dma_wait3A_166 = tpu.memref_slice %arg3[%add3A, %add3A_80, %dma_wait3A_165] : memref<32x81x128xi32, #tpu.memory_space<hbm>> -> memref<1x1x128xi32, #tpu.memory_space<hbm>>
          %dma_wait3A_167 = tpu.memref_squeeze %dma_wait3A_166 : memref<1x1x128xi32, #tpu.memory_space<hbm>> -> memref<128xi32, #tpu.memory_space<hbm>>
          tpu.wait_dma2 semaphore(%run_scoped3A_143 : memref<!tpu.dma_semaphore, #tpu.memory_space<semaphore_mem>>) src(%dma_wait3A_167 : memref<128xi32, #tpu.memory_space<hbm>>) dst(%dma_wait3A_164 : memref<128xi32, #tpu.memory_space<vmem>>)
          tpu.yield
        }) : () -> ()
        %run_scoped3A_130 = arith.constant 0 : i32
        "tpu.region"() ({
          %run_scoped3A_143 = tpu.sem_alloc : memref<!tpu.dma_semaphore, #tpu.memory_space<semaphore_mem>>
          %dma_start3A_144 = arith.constant 0 : i32
          %dma_start3A_145 = tpu.memref_slice %arg9[%run_scoped3A_130, %dma_start3A_144] : memref<3x128xi32, #tpu.memory_space<vmem>> -> memref<1x128xi32, #tpu.memory_space<vmem>>
          %dma_start3A_146 = tpu.memref_squeeze %dma_start3A_145 : memref<1x128xi32, #tpu.memory_space<vmem>> -> memref<128xi32, #tpu.memory_space<vmem>>
          %dma_start3A_147 = arith.constant 0 : i32
          %dma_start3A_148 = tpu.memref_slice %arg4[%add3A, %add3A_80, %dma_start3A_147] : memref<32x81x128xi32, #tpu.memory_space<hbm>> -> memref<1x1x128xi32, #tpu.memory_space<hbm>>
          %dma_start3A_149 = tpu.memref_squeeze %dma_start3A_148 : memref<1x1x128xi32, #tpu.memory_space<hbm>> -> memref<128xi32, #tpu.memory_space<hbm>>
          %dma_start3A_150 = arith.constant 0 : i32
          %dma_start3A_151 = tpu.memref_slice %arg9[%run_scoped3A_130, %dma_start3A_150] : memref<3x128xi32, #tpu.memory_space<vmem>> -> memref<1x128xi32, #tpu.memory_space<vmem>>
          %dma_start3A_152 = tpu.memref_squeeze %dma_start3A_151 : memref<1x128xi32, #tpu.memory_space<vmem>> -> memref<128xi32, #tpu.memory_space<vmem>>
          %dma_start3A_153 = arith.constant 0 : i32
          %dma_start3A_154 = tpu.memref_slice %arg4[%add3A, %add3A_80, %dma_start3A_153] : memref<32x81x128xi32, #tpu.memory_space<hbm>> -> memref<1x1x128xi32, #tpu.memory_space<hbm>>
          %dma_start3A_155 = tpu.memref_squeeze %dma_start3A_154 : memref<1x1x128xi32, #tpu.memory_space<hbm>> -> memref<128xi32, #tpu.memory_space<hbm>>
          tpu.enqueue_dma source(%dma_start3A_155 : memref<128xi32, #tpu.memory_space<hbm>>) target(%dma_start3A_152 : memref<128xi32, #tpu.memory_space<vmem>>) target_semaphore(%run_scoped3A_143 : memref<!tpu.dma_semaphore, #tpu.memory_space<semaphore_mem>>)
          %dma_wait3A_156 = arith.constant 0 : i32
          %dma_wait3A_157 = tpu.memref_slice %arg9[%run_scoped3A_130, %dma_wait3A_156] : memref<3x128xi32, #tpu.memory_space<vmem>> -> memref<1x128xi32, #tpu.memory_space<vmem>>
          %dma_wait3A_158 = tpu.memref_squeeze %dma_wait3A_157 : memref<1x128xi32, #tpu.memory_space<vmem>> -> memref<128xi32, #tpu.memory_space<vmem>>
          %dma_wait3A_159 = arith.constant 0 : i32
          %dma_wait3A_160 = tpu.memref_slice %arg4[%add3A, %add3A_80, %dma_wait3A_159] : memref<32x81x128xi32, #tpu.memory_space<hbm>> -> memref<1x1x128xi32, #tpu.memory_space<hbm>>
          %dma_wait3A_161 = tpu.memref_squeeze %dma_wait3A_160 : memref<1x1x128xi32, #tpu.memory_space<hbm>> -> memref<128xi32, #tpu.memory_space<hbm>>
          %dma_wait3A_162 = arith.constant 0 : i32
          %dma_wait3A_163 = tpu.memref_slice %arg9[%run_scoped3A_130, %dma_wait3A_162] : memref<3x128xi32, #tpu.memory_space<vmem>> -> memref<1x128xi32, #tpu.memory_space<vmem>>
          %dma_wait3A_164 = tpu.memref_squeeze %dma_wait3A_163 : memref<1x128xi32, #tpu.memory_space<vmem>> -> memref<128xi32, #tpu.memory_space<vmem>>
          %dma_wait3A_165 = arith.constant 0 : i32
          %dma_wait3A_166 = tpu.memref_slice %arg4[%add3A, %add3A_80, %dma_wait3A_165] : memref<32x81x128xi32, #tpu.memory_space<hbm>> -> memref<1x1x128xi32, #tpu.memory_space<hbm>>
          %dma_wait3A_167 = tpu.memref_squeeze %dma_wait3A_166 : memref<1x1x128xi32, #tpu.memory_space<hbm>> -> memref<128xi32, #tpu.memory_space<hbm>>
          tpu.wait_dma2 semaphore(%run_scoped3A_143 : memref<!tpu.dma_semaphore, #tpu.memory_space<semaphore_mem>>) src(%dma_wait3A_167 : memref<128xi32, #tpu.memory_space<hbm>>) dst(%dma_wait3A_164 : memref<128xi32, #tpu.memory_space<vmem>>)
          tpu.yield
        }) : () -> ()
        %dma_start3A_131 = arith.constant 0 : i32
        %dma_start3A_132 = arith.constant 0 : i32
        %dma_start3A_133 = arith.constant 0 : i32
        %dma_start3A_134 = arith.constant 0 : i32
        %dma_start3A_135 = tpu.memref_slice %arg10[%dma_start3A_132, %dma_start3A_133, %dma_start3A_134] : memref<3x128x128xf32, #tpu.memory_space<vmem>> -> memref<1x128x128xf32, #tpu.memory_space<vmem>>
        %dma_start3A_136 = tpu.memref_squeeze %dma_start3A_135 : memref<1x128x128xf32, #tpu.memory_space<vmem>> -> memref<128x128xf32, #tpu.memory_space<vmem>>
        %dma_start3A_137 = arith.constant 0 : i32
        %dma_start3A_138 = tpu.memref_slice %arg8[%dma_start3A_131, %dma_start3A_137] : memref<3x128xi32, #tpu.memory_space<vmem>> -> memref<1x128xi32, #tpu.memory_space<vmem>>
        %dma_start3A_139 = tpu.memref_squeeze %dma_start3A_138 : memref<1x128xi32, #tpu.memory_space<vmem>> -> memref<128xi32, #tpu.memory_space<vmem>>
        %dma_start3A_140 = arith.constant 0 : i32
        %dma_start3A_141 = arith.constant 0 : i32
        %dma_start3A_142 = tpu.memref_slice %arg2[%dma_start3A_140, %dma_start3A_141] : memref<10000x128xf32, #tpu.memory_space<hbm>> -> memref<10000x128xf32, #tpu.memory_space<hbm>>
        tpu.enqueue_indirect_dma source(%dma_start3A_142 : memref<10000x128xf32, #tpu.memory_space<hbm>>) target(%dma_start3A_136 : memref<128x128xf32, #tpu.memory_space<vmem>>) offsets(%dma_start3A_139 : memref<128xi32, #tpu.memory_space<vmem>>) semaphore(%arg11 : memref<!tpu.dma_semaphore, #tpu.memory_space<semaphore_mem>>)
      } else {
      }
      %add3A_83 = arith.constant 1 : i32
      %add3A_84 = arith.addi %mul3A_63, %add3A_83 : i32
      %dma_wait3A_85 = arith.constant 1 : i32
      %dma_wait3A_86 = arith.constant 1 : i32
      %dma_wait3A_87 = arith.constant 0 : i32
      %dma_wait3A_88 = arith.constant 0 : i32
      %dma_wait3A_89 = tpu.memref_slice %arg10[%dma_wait3A_86, %dma_wait3A_87, %dma_wait3A_88] : memref<3x128x128xf32, #tpu.memory_space<vmem>> -> memref<1x128x128xf32, #tpu.memory_space<vmem>>
      %dma_wait3A_90 = tpu.memref_squeeze %dma_wait3A_89 : memref<1x128x128xf32, #tpu.memory_space<vmem>> -> memref<128x128xf32, #tpu.memory_space<vmem>>
      %dma_wait3A_91 = arith.constant 0 : i32
      %dma_wait3A_92 = tpu.memref_slice %arg8[%dma_wait3A_85, %dma_wait3A_91] : memref<3x128xi32, #tpu.memory_space<vmem>> -> memref<1x128xi32, #tpu.memory_space<vmem>>
      %dma_wait3A_93 = tpu.memref_squeeze %dma_wait3A_92 : memref<1x128xi32, #tpu.memory_space<vmem>> -> memref<128xi32, #tpu.memory_space<vmem>>
      %dma_wait3A_94 = arith.constant 0 : i32
      %dma_wait3A_95 = arith.constant 0 : i32
      %dma_wait3A_96 = tpu.memref_slice %arg2[%dma_wait3A_94, %dma_wait3A_95] : memref<10000x128xf32, #tpu.memory_space<hbm>> -> memref<10000x128xf32, #tpu.memory_space<hbm>>
      tpu.wait_indirect_dma semaphore(%arg12 : memref<!tpu.dma_semaphore, #tpu.memory_space<semaphore_mem>>) src(%dma_wait3A_96 : memref<10000x128xf32, #tpu.memory_space<hbm>>) dst(%dma_wait3A_90 : memref<128x128xf32, #tpu.memory_space<vmem>>)
      %run_scoped3A_97 = arith.constant 1 : i32
      %run_scoped3A_98 = arith.constant 1 : i32
      "tpu.region"() ({
        %run_scoped3A_129 = tpu.sem_alloc : memref<!tpu.dma_semaphore, #tpu.memory_space<semaphore_mem>>
        %dma_start3A_130 = arith.constant 0 : i32
        %dma_start3A_131 = arith.constant 0 : i32
        %dma_start3A_132 = tpu.memref_slice %arg10[%run_scoped3A_97, %dma_start3A_130, %dma_start3A_131] : memref<3x128x128xf32, #tpu.memory_space<vmem>> -> memref<1x128x128xf32, #tpu.memory_space<vmem>>
        %dma_start3A_133 = tpu.memref_squeeze %dma_start3A_132 : memref<1x128x128xf32, #tpu.memory_space<vmem>> -> memref<128x128xf32, #tpu.memory_space<vmem>>
        %dma_start3A_134 = arith.constant 0 : i32
        %dma_start3A_135 = tpu.memref_slice %arg9[%run_scoped3A_98, %dma_start3A_134] : memref<3x128xi32, #tpu.memory_space<vmem>> -> memref<1x128xi32, #tpu.memory_space<vmem>>
        %dma_start3A_136 = tpu.memref_squeeze %dma_start3A_135 : memref<1x128xi32, #tpu.memory_space<vmem>> -> memref<128xi32, #tpu.memory_space<vmem>>
        %dma_start3A_137 = arith.constant 0 : i32
        %dma_start3A_138 = arith.constant 0 : i32
        %dma_start3A_139 = tpu.memref_slice %arg7[%dma_start3A_137, %dma_start3A_138] : memref<10112x128xf32, #tpu.memory_space<vmem_shared>> -> memref<10112x128xf32, #tpu.memory_space<vmem_shared>>
        tpu.enqueue_indirect_dma source(%dma_start3A_133 : memref<128x128xf32, #tpu.memory_space<vmem>>) target(%dma_start3A_139 : memref<10112x128xf32, #tpu.memory_space<vmem_shared>>) offsets(%dma_start3A_136 : memref<128xi32, #tpu.memory_space<vmem>>) semaphore(%run_scoped3A_129 : memref<!tpu.dma_semaphore, #tpu.memory_space<semaphore_mem>>) {add = true}
        %dma_wait3A_140 = arith.constant 0 : i32
        %dma_wait3A_141 = arith.constant 0 : i32
        %dma_wait3A_142 = tpu.memref_slice %arg10[%run_scoped3A_97, %dma_wait3A_140, %dma_wait3A_141] : memref<3x128x128xf32, #tpu.memory_space<vmem>> -> memref<1x128x128xf32, #tpu.memory_space<vmem>>
        %dma_wait3A_143 = tpu.memref_squeeze %dma_wait3A_142 : memref<1x128x128xf32, #tpu.memory_space<vmem>> -> memref<128x128xf32, #tpu.memory_space<vmem>>
        %dma_wait3A_144 = arith.constant 0 : i32
        %dma_wait3A_145 = tpu.memref_slice %arg9[%run_scoped3A_98, %dma_wait3A_144] : memref<3x128xi32, #tpu.memory_space<vmem>> -> memref<1x128xi32, #tpu.memory_space<vmem>>
        %dma_wait3A_146 = tpu.memref_squeeze %dma_wait3A_145 : memref<1x128xi32, #tpu.memory_space<vmem>> -> memref<128xi32, #tpu.memory_space<vmem>>
        %dma_wait3A_147 = arith.constant 0 : i32
        %dma_wait3A_148 = arith.constant 0 : i32
        %dma_wait3A_149 = tpu.memref_slice %arg7[%dma_wait3A_147, %dma_wait3A_148] : memref<10112x128xf32, #tpu.memory_space<vmem_shared>> -> memref<10112x128xf32, #tpu.memory_space<vmem_shared>>
        tpu.wait_indirect_dma semaphore(%run_scoped3A_129 : memref<!tpu.dma_semaphore, #tpu.memory_space<semaphore_mem>>) src(%dma_wait3A_143 : memref<128x128xf32, #tpu.memory_space<vmem>>) dst(%dma_wait3A_149 : memref<10112x128xf32, #tpu.memory_space<vmem_shared>>)
        tpu.yield
      }) : () -> ()
      %add3A_99 = arith.constant 3 : i32
      %add3A_100 = arith.addi %add3A_84, %add3A_99 : i32
      %lt3A_101 = arith.constant 81 : i32
      %lt3A_102 = arith.cmpi slt, %add3A_100, %lt3A_101 : i32
      %convert_element_type3A_103 = arith.extui %lt3A_102 : i1 to i32
      %cond3A_104 = arith.constant 0 : i32
      %cond3A_105 = arith.cmpi ne, %convert_element_type3A_103, %cond3A_104 : i32
      scf.if %cond3A_105 {
        %run_scoped3A_129 = arith.constant 1 : i32
        "tpu.region"() ({
          %run_scoped3A_143 = tpu.sem_alloc : memref<!tpu.dma_semaphore, #tpu.memory_space<semaphore_mem>>
          %dma_start3A_144 = arith.constant 0 : i32
          %dma_start3A_145 = tpu.memref_slice %arg8[%run_scoped3A_129, %dma_start3A_144] : memref<3x128xi32, #tpu.memory_space<vmem>> -> memref<1x128xi32, #tpu.memory_space<vmem>>
          %dma_start3A_146 = tpu.memref_squeeze %dma_start3A_145 : memref<1x128xi32, #tpu.memory_space<vmem>> -> memref<128xi32, #tpu.memory_space<vmem>>
          %dma_start3A_147 = arith.constant 0 : i32
          %dma_start3A_148 = tpu.memref_slice %arg3[%add3A, %add3A_100, %dma_start3A_147] : memref<32x81x128xi32, #tpu.memory_space<hbm>> -> memref<1x1x128xi32, #tpu.memory_space<hbm>>
          %dma_start3A_149 = tpu.memref_squeeze %dma_start3A_148 : memref<1x1x128xi32, #tpu.memory_space<hbm>> -> memref<128xi32, #tpu.memory_space<hbm>>
          %dma_start3A_150 = arith.constant 0 : i32
          %dma_start3A_151 = tpu.memref_slice %arg8[%run_scoped3A_129, %dma_start3A_150] : memref<3x128xi32, #tpu.memory_space<vmem>> -> memref<1x128xi32, #tpu.memory_space<vmem>>
          %dma_start3A_152 = tpu.memref_squeeze %dma_start3A_151 : memref<1x128xi32, #tpu.memory_space<vmem>> -> memref<128xi32, #tpu.memory_space<vmem>>
          %dma_start3A_153 = arith.constant 0 : i32
          %dma_start3A_154 = tpu.memref_slice %arg3[%add3A, %add3A_100, %dma_start3A_153] : memref<32x81x128xi32, #tpu.memory_space<hbm>> -> memref<1x1x128xi32, #tpu.memory_space<hbm>>
          %dma_start3A_155 = tpu.memref_squeeze %dma_start3A_154 : memref<1x1x128xi32, #tpu.memory_space<hbm>> -> memref<128xi32, #tpu.memory_space<hbm>>
          tpu.enqueue_dma source(%dma_start3A_155 : memref<128xi32, #tpu.memory_space<hbm>>) target(%dma_start3A_152 : memref<128xi32, #tpu.memory_space<vmem>>) target_semaphore(%run_scoped3A_143 : memref<!tpu.dma_semaphore, #tpu.memory_space<semaphore_mem>>)
          %dma_wait3A_156 = arith.constant 0 : i32
          %dma_wait3A_157 = tpu.memref_slice %arg8[%run_scoped3A_129, %dma_wait3A_156] : memref<3x128xi32, #tpu.memory_space<vmem>> -> memref<1x128xi32, #tpu.memory_space<vmem>>
          %dma_wait3A_158 = tpu.memref_squeeze %dma_wait3A_157 : memref<1x128xi32, #tpu.memory_space<vmem>> -> memref<128xi32, #tpu.memory_space<vmem>>
          %dma_wait3A_159 = arith.constant 0 : i32
          %dma_wait3A_160 = tpu.memref_slice %arg3[%add3A, %add3A_100, %dma_wait3A_159] : memref<32x81x128xi32, #tpu.memory_space<hbm>> -> memref<1x1x128xi32, #tpu.memory_space<hbm>>
          %dma_wait3A_161 = tpu.memref_squeeze %dma_wait3A_160 : memref<1x1x128xi32, #tpu.memory_space<hbm>> -> memref<128xi32, #tpu.memory_space<hbm>>
          %dma_wait3A_162 = arith.constant 0 : i32
          %dma_wait3A_163 = tpu.memref_slice %arg8[%run_scoped3A_129, %dma_wait3A_162] : memref<3x128xi32, #tpu.memory_space<vmem>> -> memref<1x128xi32, #tpu.memory_space<vmem>>
          %dma_wait3A_164 = tpu.memref_squeeze %dma_wait3A_163 : memref<1x128xi32, #tpu.memory_space<vmem>> -> memref<128xi32, #tpu.memory_space<vmem>>
          %dma_wait3A_165 = arith.constant 0 : i32
          %dma_wait3A_166 = tpu.memref_slice %arg3[%add3A, %add3A_100, %dma_wait3A_165] : memref<32x81x128xi32, #tpu.memory_space<hbm>> -> memref<1x1x128xi32, #tpu.memory_space<hbm>>
          %dma_wait3A_167 = tpu.memref_squeeze %dma_wait3A_166 : memref<1x1x128xi32, #tpu.memory_space<hbm>> -> memref<128xi32, #tpu.memory_space<hbm>>
          tpu.wait_dma2 semaphore(%run_scoped3A_143 : memref<!tpu.dma_semaphore, #tpu.memory_space<semaphore_mem>>) src(%dma_wait3A_167 : memref<128xi32, #tpu.memory_space<hbm>>) dst(%dma_wait3A_164 : memref<128xi32, #tpu.memory_space<vmem>>)
          tpu.yield
        }) : () -> ()
        %run_scoped3A_130 = arith.constant 1 : i32
        "tpu.region"() ({
          %run_scoped3A_143 = tpu.sem_alloc : memref<!tpu.dma_semaphore, #tpu.memory_space<semaphore_mem>>
          %dma_start3A_144 = arith.constant 0 : i32
          %dma_start3A_145 = tpu.memref_slice %arg9[%run_scoped3A_130, %dma_start3A_144] : memref<3x128xi32, #tpu.memory_space<vmem>> -> memref<1x128xi32, #tpu.memory_space<vmem>>
          %dma_start3A_146 = tpu.memref_squeeze %dma_start3A_145 : memref<1x128xi32, #tpu.memory_space<vmem>> -> memref<128xi32, #tpu.memory_space<vmem>>
          %dma_start3A_147 = arith.constant 0 : i32
          %dma_start3A_148 = tpu.memref_slice %arg4[%add3A, %add3A_100, %dma_start3A_147] : memref<32x81x128xi32, #tpu.memory_space<hbm>> -> memref<1x1x128xi32, #tpu.memory_space<hbm>>
          %dma_start3A_149 = tpu.memref_squeeze %dma_start3A_148 : memref<1x1x128xi32, #tpu.memory_space<hbm>> -> memref<128xi32, #tpu.memory_space<hbm>>
          %dma_start3A_150 = arith.constant 0 : i32
          %dma_start3A_151 = tpu.memref_slice %arg9[%run_scoped3A_130, %dma_start3A_150] : memref<3x128xi32, #tpu.memory_space<vmem>> -> memref<1x128xi32, #tpu.memory_space<vmem>>
          %dma_start3A_152 = tpu.memref_squeeze %dma_start3A_151 : memref<1x128xi32, #tpu.memory_space<vmem>> -> memref<128xi32, #tpu.memory_space<vmem>>
          %dma_start3A_153 = arith.constant 0 : i32
          %dma_start3A_154 = tpu.memref_slice %arg4[%add3A, %add3A_100, %dma_start3A_153] : memref<32x81x128xi32, #tpu.memory_space<hbm>> -> memref<1x1x128xi32, #tpu.memory_space<hbm>>
          %dma_start3A_155 = tpu.memref_squeeze %dma_start3A_154 : memref<1x1x128xi32, #tpu.memory_space<hbm>> -> memref<128xi32, #tpu.memory_space<hbm>>
          tpu.enqueue_dma source(%dma_start3A_155 : memref<128xi32, #tpu.memory_space<hbm>>) target(%dma_start3A_152 : memref<128xi32, #tpu.memory_space<vmem>>) target_semaphore(%run_scoped3A_143 : memref<!tpu.dma_semaphore, #tpu.memory_space<semaphore_mem>>)
          %dma_wait3A_156 = arith.constant 0 : i32
          %dma_wait3A_157 = tpu.memref_slice %arg9[%run_scoped3A_130, %dma_wait3A_156] : memref<3x128xi32, #tpu.memory_space<vmem>> -> memref<1x128xi32, #tpu.memory_space<vmem>>
          %dma_wait3A_158 = tpu.memref_squeeze %dma_wait3A_157 : memref<1x128xi32, #tpu.memory_space<vmem>> -> memref<128xi32, #tpu.memory_space<vmem>>
          %dma_wait3A_159 = arith.constant 0 : i32
          %dma_wait3A_160 = tpu.memref_slice %arg4[%add3A, %add3A_100, %dma_wait3A_159] : memref<32x81x128xi32, #tpu.memory_space<hbm>> -> memref<1x1x128xi32, #tpu.memory_space<hbm>>
          %dma_wait3A_161 = tpu.memref_squeeze %dma_wait3A_160 : memref<1x1x128xi32, #tpu.memory_space<hbm>> -> memref<128xi32, #tpu.memory_space<hbm>>
          %dma_wait3A_162 = arith.constant 0 : i32
          %dma_wait3A_163 = tpu.memref_slice %arg9[%run_scoped3A_130, %dma_wait3A_162] : memref<3x128xi32, #tpu.memory_space<vmem>> -> memref<1x128xi32, #tpu.memory_space<vmem>>
          %dma_wait3A_164 = tpu.memref_squeeze %dma_wait3A_163 : memref<1x128xi32, #tpu.memory_space<vmem>> -> memref<128xi32, #tpu.memory_space<vmem>>
          %dma_wait3A_165 = arith.constant 0 : i32
          %dma_wait3A_166 = tpu.memref_slice %arg4[%add3A, %add3A_100, %dma_wait3A_165] : memref<32x81x128xi32, #tpu.memory_space<hbm>> -> memref<1x1x128xi32, #tpu.memory_space<hbm>>
          %dma_wait3A_167 = tpu.memref_squeeze %dma_wait3A_166 : memref<1x1x128xi32, #tpu.memory_space<hbm>> -> memref<128xi32, #tpu.memory_space<hbm>>
          tpu.wait_dma2 semaphore(%run_scoped3A_143 : memref<!tpu.dma_semaphore, #tpu.memory_space<semaphore_mem>>) src(%dma_wait3A_167 : memref<128xi32, #tpu.memory_space<hbm>>) dst(%dma_wait3A_164 : memref<128xi32, #tpu.memory_space<vmem>>)
          tpu.yield
        }) : () -> ()
        %dma_start3A_131 = arith.constant 1 : i32
        %dma_start3A_132 = arith.constant 1 : i32
        %dma_start3A_133 = arith.constant 0 : i32
        %dma_start3A_134 = arith.constant 0 : i32
        %dma_start3A_135 = tpu.memref_slice %arg10[%dma_start3A_132, %dma_start3A_133, %dma_start3A_134] : memref<3x128x128xf32, #tpu.memory_space<vmem>> -> memref<1x128x128xf32, #tpu.memory_space<vmem>>
        %dma_start3A_136 = tpu.memref_squeeze %dma_start3A_135 : memref<1x128x128xf32, #tpu.memory_space<vmem>> -> memref<128x128xf32, #tpu.memory_space<vmem>>
        %dma_start3A_137 = arith.constant 0 : i32
        %dma_start3A_138 = tpu.memref_slice %arg8[%dma_start3A_131, %dma_start3A_137] : memref<3x128xi32, #tpu.memory_space<vmem>> -> memref<1x128xi32, #tpu.memory_space<vmem>>
        %dma_start3A_139 = tpu.memref_squeeze %dma_start3A_138 : memref<1x128xi32, #tpu.memory_space<vmem>> -> memref<128xi32, #tpu.memory_space<vmem>>
        %dma_start3A_140 = arith.constant 0 : i32
        %dma_start3A_141 = arith.constant 0 : i32
        %dma_start3A_142 = tpu.memref_slice %arg2[%dma_start3A_140, %dma_start3A_141] : memref<10000x128xf32, #tpu.memory_space<hbm>> -> memref<10000x128xf32, #tpu.memory_space<hbm>>
        tpu.enqueue_indirect_dma source(%dma_start3A_142 : memref<10000x128xf32, #tpu.memory_space<hbm>>) target(%dma_start3A_136 : memref<128x128xf32, #tpu.memory_space<vmem>>) offsets(%dma_start3A_139 : memref<128xi32, #tpu.memory_space<vmem>>) semaphore(%arg12 : memref<!tpu.dma_semaphore, #tpu.memory_space<semaphore_mem>>)
      } else {
      }
      %add3A_106 = arith.constant 2 : i32
      %add3A_107 = arith.addi %mul3A_63, %add3A_106 : i32
      %dma_wait3A_108 = arith.constant 2 : i32
      %dma_wait3A_109 = arith.constant 2 : i32
      %dma_wait3A_110 = arith.constant 0 : i32
      %dma_wait3A_111 = arith.constant 0 : i32
      %dma_wait3A_112 = tpu.memref_slice %arg10[%dma_wait3A_109, %dma_wait3A_110, %dma_wait3A_111] : memref<3x128x128xf32, #tpu.memory_space<vmem>> -> memref<1x128x128xf32, #tpu.memory_space<vmem>>
      %dma_wait3A_113 = tpu.memref_squeeze %dma_wait3A_112 : memref<1x128x128xf32, #tpu.memory_space<vmem>> -> memref<128x128xf32, #tpu.memory_space<vmem>>
      %dma_wait3A_114 = arith.constant 0 : i32
      %dma_wait3A_115 = tpu.memref_slice %arg8[%dma_wait3A_108, %dma_wait3A_114] : memref<3x128xi32, #tpu.memory_space<vmem>> -> memref<1x128xi32, #tpu.memory_space<vmem>>
      %dma_wait3A_116 = tpu.memref_squeeze %dma_wait3A_115 : memref<1x128xi32, #tpu.memory_space<vmem>> -> memref<128xi32, #tpu.memory_space<vmem>>
      %dma_wait3A_117 = arith.constant 0 : i32
      %dma_wait3A_118 = arith.constant 0 : i32
      %dma_wait3A_119 = tpu.memref_slice %arg2[%dma_wait3A_117, %dma_wait3A_118] : memref<10000x128xf32, #tpu.memory_space<hbm>> -> memref<10000x128xf32, #tpu.memory_space<hbm>>
      tpu.wait_indirect_dma semaphore(%arg13 : memref<!tpu.dma_semaphore, #tpu.memory_space<semaphore_mem>>) src(%dma_wait3A_119 : memref<10000x128xf32, #tpu.memory_space<hbm>>) dst(%dma_wait3A_113 : memref<128x128xf32, #tpu.memory_space<vmem>>)
      %run_scoped3A_120 = arith.constant 2 : i32
      %run_scoped3A_121 = arith.constant 2 : i32
      "tpu.region"() ({
        %run_scoped3A_129 = tpu.sem_alloc : memref<!tpu.dma_semaphore, #tpu.memory_space<semaphore_mem>>
        %dma_start3A_130 = arith.constant 0 : i32
        %dma_start3A_131 = arith.constant 0 : i32
        %dma_start3A_132 = tpu.memref_slice %arg10[%run_scoped3A_120, %dma_start3A_130, %dma_start3A_131] : memref<3x128x128xf32, #tpu.memory_space<vmem>> -> memref<1x128x128xf32, #tpu.memory_space<vmem>>
        %dma_start3A_133 = tpu.memref_squeeze %dma_start3A_132 : memref<1x128x128xf32, #tpu.memory_space<vmem>> -> memref<128x128xf32, #tpu.memory_space<vmem>>
        %dma_start3A_134 = arith.constant 0 : i32
        %dma_start3A_135 = tpu.memref_slice %arg9[%run_scoped3A_121, %dma_start3A_134] : memref<3x128xi32, #tpu.memory_space<vmem>> -> memref<1x128xi32, #tpu.memory_space<vmem>>
        %dma_start3A_136 = tpu.memref_squeeze %dma_start3A_135 : memref<1x128xi32, #tpu.memory_space<vmem>> -> memref<128xi32, #tpu.memory_space<vmem>>
        %dma_start3A_137 = arith.constant 0 : i32
        %dma_start3A_138 = arith.constant 0 : i32
        %dma_start3A_139 = tpu.memref_slice %arg7[%dma_start3A_137, %dma_start3A_138] : memref<10112x128xf32, #tpu.memory_space<vmem_shared>> -> memref<10112x128xf32, #tpu.memory_space<vmem_shared>>
        tpu.enqueue_indirect_dma source(%dma_start3A_133 : memref<128x128xf32, #tpu.memory_space<vmem>>) target(%dma_start3A_139 : memref<10112x128xf32, #tpu.memory_space<vmem_shared>>) offsets(%dma_start3A_136 : memref<128xi32, #tpu.memory_space<vmem>>) semaphore(%run_scoped3A_129 : memref<!tpu.dma_semaphore, #tpu.memory_space<semaphore_mem>>) {add = true}
        %dma_wait3A_140 = arith.constant 0 : i32
        %dma_wait3A_141 = arith.constant 0 : i32
        %dma_wait3A_142 = tpu.memref_slice %arg10[%run_scoped3A_120, %dma_wait3A_140, %dma_wait3A_141] : memref<3x128x128xf32, #tpu.memory_space<vmem>> -> memref<1x128x128xf32, #tpu.memory_space<vmem>>
        %dma_wait3A_143 = tpu.memref_squeeze %dma_wait3A_142 : memref<1x128x128xf32, #tpu.memory_space<vmem>> -> memref<128x128xf32, #tpu.memory_space<vmem>>
        %dma_wait3A_144 = arith.constant 0 : i32
        %dma_wait3A_145 = tpu.memref_slice %arg9[%run_scoped3A_121, %dma_wait3A_144] : memref<3x128xi32, #tpu.memory_space<vmem>> -> memref<1x128xi32, #tpu.memory_space<vmem>>
        %dma_wait3A_146 = tpu.memref_squeeze %dma_wait3A_145 : memref<1x128xi32, #tpu.memory_space<vmem>> -> memref<128xi32, #tpu.memory_space<vmem>>
        %dma_wait3A_147 = arith.constant 0 : i32
        %dma_wait3A_148 = arith.constant 0 : i32
        %dma_wait3A_149 = tpu.memref_slice %arg7[%dma_wait3A_147, %dma_wait3A_148] : memref<10112x128xf32, #tpu.memory_space<vmem_shared>> -> memref<10112x128xf32, #tpu.memory_space<vmem_shared>>
        tpu.wait_indirect_dma semaphore(%run_scoped3A_129 : memref<!tpu.dma_semaphore, #tpu.memory_space<semaphore_mem>>) src(%dma_wait3A_143 : memref<128x128xf32, #tpu.memory_space<vmem>>) dst(%dma_wait3A_149 : memref<10112x128xf32, #tpu.memory_space<vmem_shared>>)
        tpu.yield
      }) : () -> ()
      %add3A_122 = arith.constant 3 : i32
      %add3A_123 = arith.addi %add3A_107, %add3A_122 : i32
      %lt3A_124 = arith.constant 81 : i32
      %lt3A_125 = arith.cmpi slt, %add3A_123, %lt3A_124 : i32
      %convert_element_type3A_126 = arith.extui %lt3A_125 : i1 to i32
      %cond3A_127 = arith.constant 0 : i32
      %cond3A_128 = arith.cmpi ne, %convert_element_type3A_126, %cond3A_127 : i32
      scf.if %cond3A_128 {
        %run_scoped3A_129 = arith.constant 2 : i32
        "tpu.region"() ({
          %run_scoped3A_143 = tpu.sem_alloc : memref<!tpu.dma_semaphore, #tpu.memory_space<semaphore_mem>>
          %dma_start3A_144 = arith.constant 0 : i32
          %dma_start3A_145 = tpu.memref_slice %arg8[%run_scoped3A_129, %dma_start3A_144] : memref<3x128xi32, #tpu.memory_space<vmem>> -> memref<1x128xi32, #tpu.memory_space<vmem>>
          %dma_start3A_146 = tpu.memref_squeeze %dma_start3A_145 : memref<1x128xi32, #tpu.memory_space<vmem>> -> memref<128xi32, #tpu.memory_space<vmem>>
          %dma_start3A_147 = arith.constant 0 : i32
          %dma_start3A_148 = tpu.memref_slice %arg3[%add3A, %add3A_123, %dma_start3A_147] : memref<32x81x128xi32, #tpu.memory_space<hbm>> -> memref<1x1x128xi32, #tpu.memory_space<hbm>>
          %dma_start3A_149 = tpu.memref_squeeze %dma_start3A_148 : memref<1x1x128xi32, #tpu.memory_space<hbm>> -> memref<128xi32, #tpu.memory_space<hbm>>
          %dma_start3A_150 = arith.constant 0 : i32
          %dma_start3A_151 = tpu.memref_slice %arg8[%run_scoped3A_129, %dma_start3A_150] : memref<3x128xi32, #tpu.memory_space<vmem>> -> memref<1x128xi32, #tpu.memory_space<vmem>>
          %dma_start3A_152 = tpu.memref_squeeze %dma_start3A_151 : memref<1x128xi32, #tpu.memory_space<vmem>> -> memref<128xi32, #tpu.memory_space<vmem>>
          %dma_start3A_153 = arith.constant 0 : i32
          %dma_start3A_154 = tpu.memref_slice %arg3[%add3A, %add3A_123, %dma_start3A_153] : memref<32x81x128xi32, #tpu.memory_space<hbm>> -> memref<1x1x128xi32, #tpu.memory_space<hbm>>
          %dma_start3A_155 = tpu.memref_squeeze %dma_start3A_154 : memref<1x1x128xi32, #tpu.memory_space<hbm>> -> memref<128xi32, #tpu.memory_space<hbm>>
          tpu.enqueue_dma source(%dma_start3A_155 : memref<128xi32, #tpu.memory_space<hbm>>) target(%dma_start3A_152 : memref<128xi32, #tpu.memory_space<vmem>>) target_semaphore(%run_scoped3A_143 : memref<!tpu.dma_semaphore, #tpu.memory_space<semaphore_mem>>)
          %dma_wait3A_156 = arith.constant 0 : i32
          %dma_wait3A_157 = tpu.memref_slice %arg8[%run_scoped3A_129, %dma_wait3A_156] : memref<3x128xi32, #tpu.memory_space<vmem>> -> memref<1x128xi32, #tpu.memory_space<vmem>>
          %dma_wait3A_158 = tpu.memref_squeeze %dma_wait3A_157 : memref<1x128xi32, #tpu.memory_space<vmem>> -> memref<128xi32, #tpu.memory_space<vmem>>
          %dma_wait3A_159 = arith.constant 0 : i32
          %dma_wait3A_160 = tpu.memref_slice %arg3[%add3A, %add3A_123, %dma_wait3A_159] : memref<32x81x128xi32, #tpu.memory_space<hbm>> -> memref<1x1x128xi32, #tpu.memory_space<hbm>>
          %dma_wait3A_161 = tpu.memref_squeeze %dma_wait3A_160 : memref<1x1x128xi32, #tpu.memory_space<hbm>> -> memref<128xi32, #tpu.memory_space<hbm>>
          %dma_wait3A_162 = arith.constant 0 : i32
          %dma_wait3A_163 = tpu.memref_slice %arg8[%run_scoped3A_129, %dma_wait3A_162] : memref<3x128xi32, #tpu.memory_space<vmem>> -> memref<1x128xi32, #tpu.memory_space<vmem>>
          %dma_wait3A_164 = tpu.memref_squeeze %dma_wait3A_163 : memref<1x128xi32, #tpu.memory_space<vmem>> -> memref<128xi32, #tpu.memory_space<vmem>>
          %dma_wait3A_165 = arith.constant 0 : i32
          %dma_wait3A_166 = tpu.memref_slice %arg3[%add3A, %add3A_123, %dma_wait3A_165] : memref<32x81x128xi32, #tpu.memory_space<hbm>> -> memref<1x1x128xi32, #tpu.memory_space<hbm>>
          %dma_wait3A_167 = tpu.memref_squeeze %dma_wait3A_166 : memref<1x1x128xi32, #tpu.memory_space<hbm>> -> memref<128xi32, #tpu.memory_space<hbm>>
          tpu.wait_dma2 semaphore(%run_scoped3A_143 : memref<!tpu.dma_semaphore, #tpu.memory_space<semaphore_mem>>) src(%dma_wait3A_167 : memref<128xi32, #tpu.memory_space<hbm>>) dst(%dma_wait3A_164 : memref<128xi32, #tpu.memory_space<vmem>>)
          tpu.yield
        }) : () -> ()
        %run_scoped3A_130 = arith.constant 2 : i32
        "tpu.region"() ({
          %run_scoped3A_143 = tpu.sem_alloc : memref<!tpu.dma_semaphore, #tpu.memory_space<semaphore_mem>>
          %dma_start3A_144 = arith.constant 0 : i32
          %dma_start3A_145 = tpu.memref_slice %arg9[%run_scoped3A_130, %dma_start3A_144] : memref<3x128xi32, #tpu.memory_space<vmem>> -> memref<1x128xi32, #tpu.memory_space<vmem>>
          %dma_start3A_146 = tpu.memref_squeeze %dma_start3A_145 : memref<1x128xi32, #tpu.memory_space<vmem>> -> memref<128xi32, #tpu.memory_space<vmem>>
          %dma_start3A_147 = arith.constant 0 : i32
          %dma_start3A_148 = tpu.memref_slice %arg4[%add3A, %add3A_123, %dma_start3A_147] : memref<32x81x128xi32, #tpu.memory_space<hbm>> -> memref<1x1x128xi32, #tpu.memory_space<hbm>>
          %dma_start3A_149 = tpu.memref_squeeze %dma_start3A_148 : memref<1x1x128xi32, #tpu.memory_space<hbm>> -> memref<128xi32, #tpu.memory_space<hbm>>
          %dma_start3A_150 = arith.constant 0 : i32
          %dma_start3A_151 = tpu.memref_slice %arg9[%run_scoped3A_130, %dma_start3A_150] : memref<3x128xi32, #tpu.memory_space<vmem>> -> memref<1x128xi32, #tpu.memory_space<vmem>>
          %dma_start3A_152 = tpu.memref_squeeze %dma_start3A_151 : memref<1x128xi32, #tpu.memory_space<vmem>> -> memref<128xi32, #tpu.memory_space<vmem>>
          %dma_start3A_153 = arith.constant 0 : i32
          %dma_start3A_154 = tpu.memref_slice %arg4[%add3A, %add3A_123, %dma_start3A_153] : memref<32x81x128xi32, #tpu.memory_space<hbm>> -> memref<1x1x128xi32, #tpu.memory_space<hbm>>
          %dma_start3A_155 = tpu.memref_squeeze %dma_start3A_154 : memref<1x1x128xi32, #tpu.memory_space<hbm>> -> memref<128xi32, #tpu.memory_space<hbm>>
          tpu.enqueue_dma source(%dma_start3A_155 : memref<128xi32, #tpu.memory_space<hbm>>) target(%dma_start3A_152 : memref<128xi32, #tpu.memory_space<vmem>>) target_semaphore(%run_scoped3A_143 : memref<!tpu.dma_semaphore, #tpu.memory_space<semaphore_mem>>)
          %dma_wait3A_156 = arith.constant 0 : i32
          %dma_wait3A_157 = tpu.memref_slice %arg9[%run_scoped3A_130, %dma_wait3A_156] : memref<3x128xi32, #tpu.memory_space<vmem>> -> memref<1x128xi32, #tpu.memory_space<vmem>>
          %dma_wait3A_158 = tpu.memref_squeeze %dma_wait3A_157 : memref<1x128xi32, #tpu.memory_space<vmem>> -> memref<128xi32, #tpu.memory_space<vmem>>
          %dma_wait3A_159 = arith.constant 0 : i32
          %dma_wait3A_160 = tpu.memref_slice %arg4[%add3A, %add3A_123, %dma_wait3A_159] : memref<32x81x128xi32, #tpu.memory_space<hbm>> -> memref<1x1x128xi32, #tpu.memory_space<hbm>>
          %dma_wait3A_161 = tpu.memref_squeeze %dma_wait3A_160 : memref<1x1x128xi32, #tpu.memory_space<hbm>> -> memref<128xi32, #tpu.memory_space<hbm>>
          %dma_wait3A_162 = arith.constant 0 : i32
          %dma_wait3A_163 = tpu.memref_slice %arg9[%run_scoped3A_130, %dma_wait3A_162] : memref<3x128xi32, #tpu.memory_space<vmem>> -> memref<1x128xi32, #tpu.memory_space<vmem>>
          %dma_wait3A_164 = tpu.memref_squeeze %dma_wait3A_163 : memref<1x128xi32, #tpu.memory_space<vmem>> -> memref<128xi32, #tpu.memory_space<vmem>>
          %dma_wait3A_165 = arith.constant 0 : i32
          %dma_wait3A_166 = tpu.memref_slice %arg4[%add3A, %add3A_123, %dma_wait3A_165] : memref<32x81x128xi32, #tpu.memory_space<hbm>> -> memref<1x1x128xi32, #tpu.memory_space<hbm>>
          %dma_wait3A_167 = tpu.memref_squeeze %dma_wait3A_166 : memref<1x1x128xi32, #tpu.memory_space<hbm>> -> memref<128xi32, #tpu.memory_space<hbm>>
          tpu.wait_dma2 semaphore(%run_scoped3A_143 : memref<!tpu.dma_semaphore, #tpu.memory_space<semaphore_mem>>) src(%dma_wait3A_167 : memref<128xi32, #tpu.memory_space<hbm>>) dst(%dma_wait3A_164 : memref<128xi32, #tpu.memory_space<vmem>>)
          tpu.yield
        }) : () -> ()
        %dma_start3A_131 = arith.constant 2 : i32
        %dma_start3A_132 = arith.constant 2 : i32
        %dma_start3A_133 = arith.constant 0 : i32
        %dma_start3A_134 = arith.constant 0 : i32
        %dma_start3A_135 = tpu.memref_slice %arg10[%dma_start3A_132, %dma_start3A_133, %dma_start3A_134] : memref<3x128x128xf32, #tpu.memory_space<vmem>> -> memref<1x128x128xf32, #tpu.memory_space<vmem>>
        %dma_start3A_136 = tpu.memref_squeeze %dma_start3A_135 : memref<1x128x128xf32, #tpu.memory_space<vmem>> -> memref<128x128xf32, #tpu.memory_space<vmem>>
        %dma_start3A_137 = arith.constant 0 : i32
        %dma_start3A_138 = tpu.memref_slice %arg8[%dma_start3A_131, %dma_start3A_137] : memref<3x128xi32, #tpu.memory_space<vmem>> -> memref<1x128xi32, #tpu.memory_space<vmem>>
        %dma_start3A_139 = tpu.memref_squeeze %dma_start3A_138 : memref<1x128xi32, #tpu.memory_space<vmem>> -> memref<128xi32, #tpu.memory_space<vmem>>
        %dma_start3A_140 = arith.constant 0 : i32
        %dma_start3A_141 = arith.constant 0 : i32
        %dma_start3A_142 = tpu.memref_slice %arg2[%dma_start3A_140, %dma_start3A_141] : memref<10000x128xf32, #tpu.memory_space<hbm>> -> memref<10000x128xf32, #tpu.memory_space<hbm>>
        tpu.enqueue_indirect_dma source(%dma_start3A_142 : memref<10000x128xf32, #tpu.memory_space<hbm>>) target(%dma_start3A_136 : memref<128x128xf32, #tpu.memory_space<vmem>>) offsets(%dma_start3A_139 : memref<128xi32, #tpu.memory_space<vmem>>) semaphore(%arg13 : memref<!tpu.dma_semaphore, #tpu.memory_space<semaphore_mem>>)
      } else {
      }
    }
    %scan3A_55 = arith.constant 27 : i32
    %barrier3A_56 = arith.constant 0 : index
    tpu.barrier barrier_id(%barrier3A_56)
    %mul3A_57 = arith.constant 632 : i32
    %mul3A_58 = arith.muli %arg1, %mul3A_57 : i32
    %mul3A_59 = arith.constant 632 : i32
    %mul3A_60 = arith.muli %arg1, %mul3A_59 : i32
    "tpu.region"() ({
      %run_scoped3A_61 = tpu.sem_alloc : memref<!tpu.dma_semaphore, #tpu.memory_space<semaphore_mem>>
      %dma_start3A_62 = arith.constant 0 : i32
      %dma_start3A_63 = tpu.memref_slice %arg6[%arg0, %mul3A_60, %dma_start3A_62] : memref<2x10112x128xf32, #tpu.memory_space<hbm>> -> memref<1x632x128xf32, #tpu.memory_space<hbm>>
      %dma_start3A_64 = tpu.memref_squeeze %dma_start3A_63 : memref<1x632x128xf32, #tpu.memory_space<hbm>> -> memref<632x128xf32, #tpu.memory_space<hbm>>
      %dma_start3A_65 = arith.constant 0 : i32
      %dma_start3A_66 = tpu.memref_slice %arg7[%mul3A_58, %dma_start3A_65] : memref<10112x128xf32, #tpu.memory_space<vmem_shared>> -> memref<632x128xf32, #tpu.memory_space<vmem_shared>>
      tpu.enqueue_dma source(%dma_start3A_66 : memref<632x128xf32, #tpu.memory_space<vmem_shared>>) target(%dma_start3A_64 : memref<632x128xf32, #tpu.memory_space<hbm>>) target_semaphore(%run_scoped3A_61 : memref<!tpu.dma_semaphore, #tpu.memory_space<semaphore_mem>>)
      %dma_wait3A = arith.constant 0 : i32
      %dma_wait3A_67 = tpu.memref_slice %arg6[%arg0, %mul3A_60, %dma_wait3A] : memref<2x10112x128xf32, #tpu.memory_space<hbm>> -> memref<1x632x128xf32, #tpu.memory_space<hbm>>
      %dma_wait3A_68 = tpu.memref_squeeze %dma_wait3A_67 : memref<1x632x128xf32, #tpu.memory_space<hbm>> -> memref<632x128xf32, #tpu.memory_space<hbm>>
      %dma_wait3A_69 = arith.constant 0 : i32
      %dma_wait3A_70 = tpu.memref_slice %arg7[%mul3A_58, %dma_wait3A_69] : memref<10112x128xf32, #tpu.memory_space<vmem_shared>> -> memref<632x128xf32, #tpu.memory_space<vmem_shared>>
      tpu.wait_dma2 semaphore(%run_scoped3A_61 : memref<!tpu.dma_semaphore, #tpu.memory_space<semaphore_mem>>) src(%dma_wait3A_70 : memref<632x128xf32, #tpu.memory_space<vmem_shared>>) dst(%dma_wait3A_68 : memref<632x128xf32, #tpu.memory_space<hbm>>)
      tpu.yield
    }) : () -> ()
    return
  }
}

module attributes {stable_mosaic.version = 14 : i64} {
  func.func @_first_body(%arg0: i32, %arg1: memref<1000x128xf32, #tpu.memory_space<vmem>>, %arg2: memref<1000x128xf32, #tpu.memory_space<vmem>>, %arg3: memref<1000x128xf32, #tpu.memory_space<vmem>>, %arg4: memref<128x128xf32, #tpu.memory_space<vmem>>, %arg5: memref<1000x128xf32, #tpu.memory_space<vmem>>) attributes {dimension_semantics = [#tpu.dimension_semantics<arbitrary>], iteration_bounds = array<i64: 10>, scalar_prefetch = 0 : i64, scratch_operands = 0 : i64, tpu.core_type = #tpu.core_type<tc>, window_params = [{transform_indices = @transform_0, window_bounds = array<i64: 1000, 128>}, {transform_indices = @transform_1, window_bounds = array<i64: 1000, 128>}, {transform_indices = @transform_2, window_bounds = array<i64: 1000, 128>}, {pipeline_mode = #tpu.pipeline_mode<synchronous>, transform_indices = @transform_3, window_bounds = array<i64: 128, 128>}, {transform_indices = @transform_4, window_bounds = array<i64: 1000, 128>}]} {
    %get3A = arith.constant 0 : index
    %get3A_0 = arith.constant 0 : index
    %get3A_1 = vector.load %arg1[%get3A, %get3A_0] : memref<1000x128xf32, #tpu.memory_space<vmem>>, vector<1000x128xf32>
    %slice3A = vector.extract_strided_slice %get3A_1 {offsets = [0, 0], sizes = [1000, 1], strides = [1, 1]} : vector<1000x128xf32> to vector<1000x1xf32>
    %add3A = arith.constant 1.000000e+00 : f32
    %add3A_2 = vector.broadcast %add3A : f32 to vector<1000x1xf32>
    %add3A_3 = arith.addf %add3A_2, %slice3A : vector<1000x1xf32>
    %get3A_4 = arith.constant 0 : index
    %get3A_5 = arith.constant 0 : index
    %get3A_6 = vector.load %arg2[%get3A_4, %get3A_5] : memref<1000x128xf32, #tpu.memory_space<vmem>>, vector<1000x128xf32>
    %slice3A_7 = vector.extract_strided_slice %get3A_6 {offsets = [0, 0], sizes = [1000, 1], strides = [1, 1]} : vector<1000x128xf32> to vector<1000x1xf32>
    %add3A_8 = arith.addf %add3A_3, %slice3A_7 : vector<1000x1xf32>
    %rsqrt3A = math.rsqrt %add3A_8 : vector<1000x1xf32>
    %get3A_9 = arith.constant 0 : index
    %get3A_10 = arith.constant 0 : index
    %get3A_11 = vector.load %arg3[%get3A_9, %get3A_10] : memref<1000x128xf32, #tpu.memory_space<vmem>>, vector<1000x128xf32>
    %get3A_12 = arith.constant 0 : index
    %get3A_13 = arith.constant 0 : index
    %get3A_14 = vector.load %arg4[%get3A_12, %get3A_13] : memref<128x128xf32, #tpu.memory_space<vmem>>, vector<128x128xf32>
    %dot_general3A = arith.constant dense<0.000000e+00> : vector<1000x128xf32>
    %dot_general3A_15 = tpu.matmul %get3A_11, %get3A_14, %dot_general3A {dimension_numbers = #tpu.dot_dimension_numbers<[1], [0], [0], [1], [0, 0, 1, 1], [], []>, transpose_lhs_hint = false} : vector<1000x128xf32>, vector<128x128xf32>, vector<1000x128xf32> -> vector<1000x128xf32>
    %mul3A = vector.broadcast %rsqrt3A : vector<1000x1xf32> to vector<1000x128xf32>
    %mul3A_16 = arith.mulf %mul3A, %dot_general3A_15 : vector<1000x128xf32>
    %swap3A = arith.constant 0 : index
    %swap3A_17 = arith.constant 0 : index
    %swap3A_18 = vector.load %arg5[%swap3A, %swap3A_17] : memref<1000x128xf32, #tpu.memory_space<vmem>>, vector<1000x128xf32>
    tpu.vector_store %arg5[%swap3A, %swap3A_17], %mul3A_16 {strides = array<i32>} : memref<1000x128xf32, #tpu.memory_space<vmem>>, vector<1000x128xf32>,
    return
  }
  func.func @transform_0(%arg0: i32) -> (i32, i32) {
    %c0_i32 = arith.constant 0 : i32
    %c0_i32_0 = arith.constant 0 : i32
    return %arg0, %c0_i32 : i32, i32
  }
  func.func @transform_1(%arg0: i32) -> (i32, i32) {
    %c0_i32 = arith.constant 0 : i32
    %c0_i32_0 = arith.constant 0 : i32
    return %arg0, %c0_i32 : i32, i32
  }
  func.func @transform_2(%arg0: i32) -> (i32, i32) {
    %c0_i32 = arith.constant 0 : i32
    %c0_i32_0 = arith.constant 0 : i32
    return %arg0, %c0_i32 : i32, i32
  }
  func.func @transform_3(%arg0: i32) -> (i32, i32) {
    %c0_i32 = arith.constant 0 : i32
    %c0_i32_0 = arith.constant 0 : i32
    %c0_i32_1 = arith.constant 0 : i32
    return %c0_i32, %c0_i32_0 : i32, i32
  }
  func.func @transform_4(%arg0: i32) -> (i32, i32) {
    %c0_i32 = arith.constant 0 : i32
    %c0_i32_0 = arith.constant 0 : i32
    return %arg0, %c0_i32 : i32, i32
  }
}

module attributes {stable_mosaic.version = 14 : i64} {
  func.func @_mid_body(%arg0: i32, %arg1: memref<1000x128xf32, #tpu.memory_space<vmem>>, %arg2: memref<1000x128xf32, #tpu.memory_space<vmem>>, %arg3: memref<1000x128xf32, #tpu.memory_space<vmem>>, %arg4: memref<1000x128xf32, #tpu.memory_space<vmem>>, %arg5: memref<1000x128xf32, #tpu.memory_space<vmem>>, %arg6: memref<1x128xf32, #tpu.memory_space<vmem>>, %arg7: memref<128x128xf32, #tpu.memory_space<vmem>>, %arg8: memref<1000x128xf32, #tpu.memory_space<vmem>>) attributes {dimension_semantics = [#tpu.dimension_semantics<arbitrary>], iteration_bounds = array<i64: 10>, scalar_prefetch = 0 : i64, scratch_operands = 0 : i64, tpu.core_type = #tpu.core_type<tc>, window_params = [{transform_indices = @transform_0, window_bounds = array<i64: 1000, 128>}, {transform_indices = @transform_1, window_bounds = array<i64: 1000, 128>}, {transform_indices = @transform_2, window_bounds = array<i64: 1000, 128>}, {transform_indices = @transform_3, window_bounds = array<i64: 1000, 128>}, {transform_indices = @transform_4, window_bounds = array<i64: 1000, 128>}, {pipeline_mode = #tpu.pipeline_mode<synchronous>, transform_indices = @transform_5, window_bounds = array<i64: 1, 128>}, {pipeline_mode = #tpu.pipeline_mode<synchronous>, transform_indices = @transform_6, window_bounds = array<i64: 128, 128>}, {transform_indices = @transform_7, window_bounds = array<i64: 1000, 128>}]} {
    %get3A = arith.constant 0 : index
    %get3A_0 = arith.constant 0 : index
    %get3A_1 = vector.load %arg4[%get3A, %get3A_0] : memref<1000x128xf32, #tpu.memory_space<vmem>>, vector<1000x128xf32>
    %slice3A = vector.extract_strided_slice %get3A_1 {offsets = [0, 0], sizes = [1000, 1], strides = [1, 1]} : vector<1000x128xf32> to vector<1000x1xf32>
    %add3A = arith.constant 1.000000e+00 : f32
    %add3A_2 = vector.broadcast %add3A : f32 to vector<1000x1xf32>
    %add3A_3 = arith.addf %add3A_2, %slice3A : vector<1000x1xf32>
    %get3A_4 = arith.constant 0 : index
    %get3A_5 = arith.constant 0 : index
    %get3A_6 = vector.load %arg5[%get3A_4, %get3A_5] : memref<1000x128xf32, #tpu.memory_space<vmem>>, vector<1000x128xf32>
    %slice3A_7 = vector.extract_strided_slice %get3A_6 {offsets = [0, 0], sizes = [1000, 1], strides = [1, 1]} : vector<1000x128xf32> to vector<1000x1xf32>
    %add3A_8 = arith.addf %add3A_3, %slice3A_7 : vector<1000x1xf32>
    %rsqrt3A = math.rsqrt %add3A_8 : vector<1000x1xf32>
    %get3A_9 = arith.constant 0 : index
    %get3A_10 = arith.constant 0 : index
    %get3A_11 = vector.load %arg1[%get3A_9, %get3A_10] : memref<1000x128xf32, #tpu.memory_space<vmem>>, vector<1000x128xf32>
    %get3A_12 = arith.constant 0 : index
    %get3A_13 = arith.constant 0 : index
    %get3A_14 = vector.load %arg2[%get3A_12, %get3A_13] : memref<1000x128xf32, #tpu.memory_space<vmem>>, vector<1000x128xf32>
    %add3A_15 = arith.addf %get3A_11, %get3A_14 : vector<1000x128xf32>
    %get3A_16 = arith.constant 0 : index
    %get3A_17 = arith.constant 0 : index
    %get3A_18 = vector.load %arg3[%get3A_16, %get3A_17] : memref<1000x128xf32, #tpu.memory_space<vmem>>, vector<1000x128xf32>
    %add3A_19 = arith.addf %add3A_15, %get3A_18 : vector<1000x128xf32>
    %mul3A = vector.broadcast %rsqrt3A : vector<1000x1xf32> to vector<1000x128xf32>
    %mul3A_20 = arith.mulf %mul3A, %add3A_19 : vector<1000x128xf32>
    %get3A_21 = arith.constant 0 : index
    %get3A_22 = arith.constant 0 : index
    %get3A_23 = vector.load %arg6[%get3A_21, %get3A_22] : memref<1x128xf32, #tpu.memory_space<vmem>>, vector<1x128xf32>
    %add3A_24 = vector.broadcast %get3A_23 : vector<1x128xf32> to vector<1000x128xf32>
    %add3A_25 = arith.addf %mul3A_20, %add3A_24 : vector<1000x128xf32>
    %max3A = arith.constant 0.000000e+00 : f32
    %max3A_26 = vector.broadcast %max3A : f32 to vector<1000x128xf32>
    %max3A_27 = arith.maximumf %add3A_25, %max3A_26 : vector<1000x128xf32>
    %get3A_28 = arith.constant 0 : index
    %get3A_29 = arith.constant 0 : index
    %get3A_30 = vector.load %arg7[%get3A_28, %get3A_29] : memref<128x128xf32, #tpu.memory_space<vmem>>, vector<128x128xf32>
    %dot_general3A = arith.constant dense<0.000000e+00> : vector<1000x128xf32>
    %dot_general3A_31 = tpu.matmul %max3A_27, %get3A_30, %dot_general3A {dimension_numbers = #tpu.dot_dimension_numbers<[1], [0], [0], [1], [0, 0, 1, 1], [], []>, transpose_lhs_hint = false} : vector<1000x128xf32>, vector<128x128xf32>, vector<1000x128xf32> -> vector<1000x128xf32>
    %mul3A_32 = vector.broadcast %rsqrt3A : vector<1000x1xf32> to vector<1000x128xf32>
    %mul3A_33 = arith.mulf %mul3A_32, %dot_general3A_31 : vector<1000x128xf32>
    %swap3A = arith.constant 0 : index
    %swap3A_34 = arith.constant 0 : index
    %swap3A_35 = vector.load %arg8[%swap3A, %swap3A_34] : memref<1000x128xf32, #tpu.memory_space<vmem>>, vector<1000x128xf32>
    tpu.vector_store %arg8[%swap3A, %swap3A_34], %mul3A_33 {strides = array<i32>} : memref<1000x128xf32, #tpu.memory_space<vmem>>, vector<1000x128xf32>,
    return
  }
  func.func @transform_0(%arg0: i32) -> (i32, i32) {
    %c0_i32 = arith.constant 0 : i32
    %c0_i32_0 = arith.constant 0 : i32
    return %arg0, %c0_i32 : i32, i32
  }
  func.func @transform_1(%arg0: i32) -> (i32, i32) {
    %c0_i32 = arith.constant 0 : i32
    %c0_i32_0 = arith.constant 0 : i32
    return %arg0, %c0_i32 : i32, i32
  }
  func.func @transform_2(%arg0: i32) -> (i32, i32) {
    %c0_i32 = arith.constant 0 : i32
    %c0_i32_0 = arith.constant 0 : i32
    return %arg0, %c0_i32 : i32, i32
  }
  func.func @transform_3(%arg0: i32) -> (i32, i32) {
    %c0_i32 = arith.constant 0 : i32
    %c0_i32_0 = arith.constant 0 : i32
    return %arg0, %c0_i32 : i32, i32
  }
  func.func @transform_4(%arg0: i32) -> (i32, i32) {
    %c0_i32 = arith.constant 0 : i32
    %c0_i32_0 = arith.constant 0 : i32
    return %arg0, %c0_i32 : i32, i32
  }
  func.func @transform_5(%arg0: i32) -> (i32, i32) {
    %c0_i32 = arith.constant 0 : i32
    %c0_i32_0 = arith.constant 0 : i32
    %c0_i32_1 = arith.constant 0 : i32
    return %c0_i32, %c0_i32_0 : i32, i32
  }
  func.func @transform_6(%arg0: i32) -> (i32, i32) {
    %c0_i32 = arith.constant 0 : i32
    %c0_i32_0 = arith.constant 0 : i32
    %c0_i32_1 = arith.constant 0 : i32
    return %c0_i32, %c0_i32_0 : i32, i32
  }
  func.func @transform_7(%arg0: i32) -> (i32, i32) {
    %c0_i32 = arith.constant 0 : i32
    %c0_i32_0 = arith.constant 0 : i32
    return %arg0, %c0_i32 : i32, i32
  }
}

module attributes {stable_mosaic.version = 14 : i64} {
  func.func @_last_body(%arg0: i32, %arg1: memref<1000x128xf32, #tpu.memory_space<vmem>>, %arg2: memref<1000x128xf32, #tpu.memory_space<vmem>>, %arg3: memref<1000x128xf32, #tpu.memory_space<vmem>>, %arg4: memref<1000x128xf32, #tpu.memory_space<vmem>>, %arg5: memref<1000x128xf32, #tpu.memory_space<vmem>>, %arg6: memref<1x128xf32, #tpu.memory_space<vmem>>, %arg7: memref<1000x128xf32, #tpu.memory_space<vmem>>) attributes {dimension_semantics = [#tpu.dimension_semantics<arbitrary>], iteration_bounds = array<i64: 10>, scalar_prefetch = 0 : i64, scratch_operands = 0 : i64, tpu.core_type = #tpu.core_type<tc>, window_params = [{transform_indices = @transform_0, window_bounds = array<i64: 1000, 128>}, {transform_indices = @transform_1, window_bounds = array<i64: 1000, 128>}, {transform_indices = @transform_2, window_bounds = array<i64: 1000, 128>}, {transform_indices = @transform_3, window_bounds = array<i64: 1000, 128>}, {transform_indices = @transform_4, window_bounds = array<i64: 1000, 128>}, {pipeline_mode = #tpu.pipeline_mode<synchronous>, transform_indices = @transform_5, window_bounds = array<i64: 1, 128>}, {transform_indices = @transform_6, window_bounds = array<i64: 1000, 128>}]} {
    %get3A = arith.constant 0 : index
    %get3A_0 = arith.constant 0 : index
    %get3A_1 = vector.load %arg4[%get3A, %get3A_0] : memref<1000x128xf32, #tpu.memory_space<vmem>>, vector<1000x128xf32>
    %slice3A = vector.extract_strided_slice %get3A_1 {offsets = [0, 0], sizes = [1000, 1], strides = [1, 1]} : vector<1000x128xf32> to vector<1000x1xf32>
    %add3A = arith.constant 1.000000e+00 : f32
    %add3A_2 = vector.broadcast %add3A : f32 to vector<1000x1xf32>
    %add3A_3 = arith.addf %add3A_2, %slice3A : vector<1000x1xf32>
    %get3A_4 = arith.constant 0 : index
    %get3A_5 = arith.constant 0 : index
    %get3A_6 = vector.load %arg5[%get3A_4, %get3A_5] : memref<1000x128xf32, #tpu.memory_space<vmem>>, vector<1000x128xf32>
    %slice3A_7 = vector.extract_strided_slice %get3A_6 {offsets = [0, 0], sizes = [1000, 1], strides = [1, 1]} : vector<1000x128xf32> to vector<1000x1xf32>
    %add3A_8 = arith.addf %add3A_3, %slice3A_7 : vector<1000x1xf32>
    %rsqrt3A = math.rsqrt %add3A_8 : vector<1000x1xf32>
    %get3A_9 = arith.constant 0 : index
    %get3A_10 = arith.constant 0 : index
    %get3A_11 = vector.load %arg1[%get3A_9, %get3A_10] : memref<1000x128xf32, #tpu.memory_space<vmem>>, vector<1000x128xf32>
    %get3A_12 = arith.constant 0 : index
    %get3A_13 = arith.constant 0 : index
    %get3A_14 = vector.load %arg2[%get3A_12, %get3A_13] : memref<1000x128xf32, #tpu.memory_space<vmem>>, vector<1000x128xf32>
    %add3A_15 = arith.addf %get3A_11, %get3A_14 : vector<1000x128xf32>
    %get3A_16 = arith.constant 0 : index
    %get3A_17 = arith.constant 0 : index
    %get3A_18 = vector.load %arg3[%get3A_16, %get3A_17] : memref<1000x128xf32, #tpu.memory_space<vmem>>, vector<1000x128xf32>
    %add3A_19 = arith.addf %add3A_15, %get3A_18 : vector<1000x128xf32>
    %mul3A = vector.broadcast %rsqrt3A : vector<1000x1xf32> to vector<1000x128xf32>
    %mul3A_20 = arith.mulf %mul3A, %add3A_19 : vector<1000x128xf32>
    %get3A_21 = arith.constant 0 : index
    %get3A_22 = arith.constant 0 : index
    %get3A_23 = vector.load %arg6[%get3A_21, %get3A_22] : memref<1x128xf32, #tpu.memory_space<vmem>>, vector<1x128xf32>
    %add3A_24 = vector.broadcast %get3A_23 : vector<1x128xf32> to vector<1000x128xf32>
    %add3A_25 = arith.addf %mul3A_20, %add3A_24 : vector<1000x128xf32>
    %swap3A = arith.constant 0 : index
    %swap3A_26 = arith.constant 0 : index
    %swap3A_27 = vector.load %arg7[%swap3A, %swap3A_26] : memref<1000x128xf32, #tpu.memory_space<vmem>>, vector<1000x128xf32>
    tpu.vector_store %arg7[%swap3A, %swap3A_26], %add3A_25 {strides = array<i32>} : memref<1000x128xf32, #tpu.memory_space<vmem>>, vector<1000x128xf32>,
    return
  }
  func.func @transform_0(%arg0: i32) -> (i32, i32) {
    %c0_i32 = arith.constant 0 : i32
    %c0_i32_0 = arith.constant 0 : i32
    return %arg0, %c0_i32 : i32, i32
  }
  func.func @transform_1(%arg0: i32) -> (i32, i32) {
    %c0_i32 = arith.constant 0 : i32
    %c0_i32_0 = arith.constant 0 : i32
    return %arg0, %c0_i32 : i32, i32
  }
  func.func @transform_2(%arg0: i32) -> (i32, i32) {
    %c0_i32 = arith.constant 0 : i32
    %c0_i32_0 = arith.constant 0 : i32
    return %arg0, %c0_i32 : i32, i32
  }
  func.func @transform_3(%arg0: i32) -> (i32, i32) {
    %c0_i32 = arith.constant 0 : i32
    %c0_i32_0 = arith.constant 0 : i32
    return %arg0, %c0_i32 : i32, i32
  }
  func.func @transform_4(%arg0: i32) -> (i32, i32) {
    %c0_i32 = arith.constant 0 : i32
    %c0_i32_0 = arith.constant 0 : i32
    return %arg0, %c0_i32 : i32, i32
  }
  func.func @transform_5(%arg0: i32) -> (i32, i32) {
    %c0_i32 = arith.constant 0 : i32
    %c0_i32_0 = arith.constant 0 : i32
    %c0_i32_1 = arith.constant 0 : i32
    return %c0_i32, %c0_i32_0 : i32, i32
  }
  func.func @transform_6(%arg0: i32) -> (i32, i32) {
    %c0_i32 = arith.constant 0 : i32
    %c0_i32_0 = arith.constant 0 : i32
    return %arg0, %c0_i32 : i32, i32
  }
}

</mosaic_0001>

<sc_bundles>
// kernel: kernel.10.cloned.1.call-start
scs
__scs_entry_jumppad:
0x0: {  	(pc) =	sbr.rel $0x88, $3  }
0x1: {  	(tag) =	ssettag $0x0;
	lr =	simm.s32 $0x1  }
0x2: {  	[smem:$0x3F99] =	sst lr;
	_ =	strace $0xD0000000  }
0x3: {  	_ = 	snop  }
0x4: {  	_ = 	snop  }
0x5: {  	_ = 	snop  }
0x6: {  	_ = 	snop  }
0x7: {  	_ = 	snop  }
__scs_overlays_trampoline_lowered:
0x8: {  	[smem:$0x3FA8] =	sst s0  }
0x9: {  	[smem:$0x3FA9] =	sst s1  }
0xa: {  	[smem:$0x3FAA] =	sst s2  }
0xb: {  	[smem:$0x3FAB] =	sst s3  }
0xc: {  	[smem:$0x3FAC] =	sst s4  }
0xd: {  	[smem:$0x3FAD] =	sst s5  }
0xe: {  	[smem:$0x3FAE] =	sst s6  }
0xf: {  	[smem:$0x3FAF] =	sst s7  }
0x10: {  	[smem:$0x3FB0] =	sst s8  }
0x11: {  	[smem:$0x3FB1] =	sst s9;
	s0 =	simm.s32 @!p0 $0x0  }
0x12: {  	s1 =	sld [smem:$0x3F97];
	s0 =	simm.s32 @p0 $0x1  }
0x13: {  	[smem:$0x3FB2] =	sst s0;
	s0 =	simm.s32 @!p1 $0x0  }
0x14: {  	s2 =	sld [smem:$0x3F96];
	s0 =	simm.s32 @p1 $0x1  }
0x15: {  	[smem:$0x3FB3] =	sst s0;
	s0 =	simm.s32 @!p2 $0x0  }
0x16: {  	s3 =	sld [smem:$0x3FDB];
	s0 =	simm.s32 @p2 $0x1  }
0x17: {  	s4 =	simm.s32 $0x1BF5;
	[smem:$0x3FB5] =	sst s0  }
0x18: {  	s0 =	sld [smem:$0x3F98];
	_ =	swait.ge [sflag:s4], $0x0  }
0x19: {  	s7 =	sld [smem:$0x3F99]  }
0x1a: {  	s8 =	sadd.s32 $0xFFFFE003, lr  }
0x1b: {  	s9 =	sadd.s32 $0xFFFFFEF7, lr;
	s5 =	simm.s32 $0xFFFFFFFF;
	p2 =	slt.u32 s8, $0xFFFFF086  }
0x1c: {  	p1 =	slt.u32 s9, $0xF7A;
	s5 =	simm.s32 @!p2 $0x0  }
0x1d: {  	s5 =	simm.s32 @p1 $0x1;
	p0 =	seq.s32 s7, s2  }
0x1e: {  	s7 =	smul.u32 @!p0 $0xF7A, s2;
	p2 =	seq.s32 @!p0 s5, $0x0  }
0x1f: {  	s9 =	smul.u32 $0xF7A, s1;
	s8 =	simm.s32 @!p0 $0x1BF5;
	p2 =	por !p2, p0  }
0x20: {  	[sflag:s8] =	ssyncset.s32 @!p0 $0xFFFFF086;
	s6 =	sadd.s32 @!p0 s3, s7;
	s7 =	simm.s32 @!p0 $0x108  }
0x21: {  	s3 =	sadd.s32 s3, s9;
	s6 =	sadd.s32 @!p0 $0x88, s6;
	s7 =	simm.s32 @p2 $0x1082  }
0x22: {  	[simem:s7], [sflag:s8] =	dma.local @!p0 [hbm:s6], $0xF7A  }
0x23: {  	s9 =	sor.u32 $0xD0000000, s2;
	s6 =	simm.s32 $0x108;
	_ =	swait.ge @!p0 [sflag:s8], $0x0  }
0x24: {  	s3 =	sadd.s32 $0x88, s3;
	s6 =	simm.s32 @!p1 $0x1082;
	[sflag:s4] =	ssyncset.s32 $0xFFFFF086  }
0x25: {  	[simem:s6], [sflag:s4] =	dma.local [hbm:s3], $0xF7A  }
0x26: {  	[smem:$0x3F99] =	sst s1;
	(tag) =	ssettag s2;
	_ =	strace s9  }
0x27: {  	s1 =	sld [smem:$0x3FA9]  }
0x28: {  	s2 =	sld [smem:$0x3FAA]  }
0x29: {  	s4 =	sld [smem:$0x3FAC]  }
0x2a: {  	p0 =	seq.s32 s5, $0x0;
	s5 =	sld [smem:$0x3FAD]  }
0x2b: {  	s6 =	sld [smem:$0x3FAE]  }
0x2c: {  	s7 =	sld [smem:$0x3FAF]  }
0x2d: {  	s3 =	simm.s32 $0x108;
	s8 =	sld [smem:$0x3FB0]  }
0x2e: {  	s3 =	simm.s32 @!p0 $0x1082;
	s9 =	sld [smem:$0x3FB1]  }
0x2f: {  	lr =	sadd.s32 s0, s3;
	s0 =	sld [smem:$0x3FA8]  }
0x30: {  	s3 =	sld [smem:$0x3FAB]  }
0x31: {  	[smem:$0x3FB4] =	sst s10  }
0x32: {  	s10 =	sld [smem:$0x3FB2];
	_ =	sdelay $0x3  }
0x33: {  	p0 =	seq.s32 s10, $0x1;
	s10 =	sld [smem:$0x3FB4];
	_ =	sdelay $0x3  }
0x34: {  	[smem:$0x3FB4] =	sst s10  }
0x35: {  	s10 =	sld [smem:$0x3FB3];
	_ =	sdelay $0x3  }
0x36: {  	p1 =	seq.s32 s10, $0x1;
	s10 =	sld [smem:$0x3FB4];
	_ =	sdelay $0x3  }
0x37: {  	[smem:$0x3FB4] =	sst s10  }
0x38: {  	s10 =	sld [smem:$0x3FB5]  }
0x39: {  	_ = 	snop;
	(pc) =	sbr.ind lr, $3  }
0x3a: {  	_ = 	snop  }
0x3b: {  	_ = 	snop  }
0x3c: {  	p2 =	seq.s32 s10, $0x1;
	s10 =	sld [smem:$0x3FB4]  }
0x3d: {  	_ =	shalt  }
0x3e: {  	_ =	shalt  }
0x3f: {  	_ =	shalt  }
0x40: {  	_ =	shalt  }
0x41: {  	_ =	shalt  }
0x42: {  	_ =	shalt  }
0x43: {  	_ =	shalt  }
0x44: {  	_ =	shalt  }
0x45: {  	_ =	shalt  }
0x46: {  	_ =	shalt  }
0x47: {  	_ =	shalt  }
0x48: {  	_ =	shalt  }
0x49: {  	_ =	shalt  }
0x4a: {  	_ =	shalt  }
0x4b: {  	_ =	shalt  }
0x4c: {  	_ =	shalt  }
0x4d: {  	_ =	shalt  }
0x4e: {  	_ =	shalt  }
0x4f: {  	_ =	shalt  }
0x50: {  	_ =	shalt  }
0x51: {  	_ =	shalt  }
0x52: {  	_ =	shalt  }
0x53: {  	_ =	shalt  }
0x54: {  	_ =	shalt  }
0x55: {  	_ =	shalt  }
0x56: {  	_ =	shalt  }
0x57: {  	_ =	shalt  }
0x58: {  	_ =	shalt  }
0x59: {  	_ =	shalt  }
0x5a: {  	_ =	shalt  }
0x5b: {  	_ =	shalt  }
0x5c: {  	_ =	shalt  }
0x5d: {  	_ =	shalt  }
0x5e: {  	_ =	shalt  }
0x5f: {  	_ =	shalt  }
0x60: {  	_ =	shalt  }
0x61: {  	_ =	shalt  }
0x62: {  	_ =	shalt  }
0x63: {  	_ =	shalt  }
0x64: {  	_ =	shalt  }
0x65: {  	_ =	shalt  }
0x66: {  	_ =	shalt  }
0x67: {  	_ =	shalt  }
0x68: {  	_ =	shalt  }
0x69: {  	_ =	shalt  }
0x6a: {  	_ =	shalt  }
0x6b: {  	_ =	shalt  }
0x6c: {  	_ =	shalt  }
0x6d: {  	_ =	shalt  }
0x6e: {  	_ =	shalt  }
0x6f: {  	_ =	shalt  }
0x70: {  	_ =	shalt  }
0x71: {  	_ =	shalt  }
0x72: {  	_ =	shalt  }
0x73: {  	_ =	shalt  }
0x74: {  	_ =	shalt  }
0x75: {  	_ =	shalt  }
0x76: {  	_ =	shalt  }
0x77: {  	_ =	shalt  }
0x78: {  	_ =	shalt  }
0x79: {  	_ =	shalt  }
0x7a: {  	_ =	shalt  }
0x7b: {  	_ =	shalt  }
0x7c: {  	_ =	shalt  }
0x7d: {  	_ =	shalt  }
0x7e: {  	_ =	shalt  }
0x7f: {  	_ =	shalt  }
0x80: {  	_ =	shalt  }
0x81: {  	_ =	shalt  }
0x82: {  	_ =	shalt  }
0x83: {  	_ =	shalt  }
0x84: {  	_ =	shalt  }
0x85: {  	_ =	shalt  }
0x86: {  	_ =	shalt  }
0x87: {  	_ =	shalt  }
.Lfunc_end0:
.L_simem_size_0:
called_computation_lowered:
.L_overlay_start_0:
0x88: {  	s2 =	sld [smem:$0x3FD9]  }
0x89: {  	s3 =	sld [smem:$0x3FFE];
	_ =	sdelay $0x1  }
0x8a: {  	s1 =	srdreg.scid  }
0x8b: {  	s0 =	sand.u32 $0x1, s1  }
0x8c: {  	s17 =	sshll.u32 s0, $0xA;
	s2 =	sadd.s32 s3, s2  }
0x8d: {  	s2 =	sadd.s32 s2, s17  }
0x8e: {  	[smem:$0x3FC0] =	sst s2  }
0x8f: {  	_ = 	snop  }
0x90: {  	s2 =	sld [smem:$0x3FD0];
	(tm) =	ssettm $0x1  }
0x91: {  	s18 =	sld [smem:$0x3FFB];
	_ =	sdelay $0x3  }
0x92: {  	_ =	strace s18  }
0x93: {  	s3 =	sld [smem:$0x3FFC];
	_ =	sdelay $0x3  }
0x94: {  	_ =	strace s3  }
0x95: {  	s3 =	sld [smem:$0x3FFD];
	_ =	sdelay $0x3  }
0x96: {  	_ =	strace s3  }
0x97: {  	_ =	strace $0x8FFFFFFF  }
0x98: {  	s19 =	sld [smem:$0x3FDB];
	_ =	sdelay $0x1  }
0x99: {  	s4 =	simm.s32 $_scs_section_size  }
0x9a: {  	s5 =	simm.s32 $_size__tile_overlayer_lowered;
	s6 =	simm.s32 $_tile_overlayer_lowered  }
0x9b: {  	s22 =	simm.s32 $0x1BFF;
	s21 =	sshll.u32 s6, $0x1;
	s3 =	sadd.s32 s4, s19  }
0x9c: {  	s7 =	simm.s32 $0x0;
	s20 =	sshll.u32 s5, $0x1;
	s5 =	sadd.s32 s21, s3  }
0x9d: {  	[timem:s7], [sflag:s22] =	dma.local [hbm:s5], s20  }
0x9e: {  	_ =	swait.ge [sflag:s22], s20  }
0x9f: {  	s4 =	ssub.s32 $0x0, s20;
	[sflag:s22] =	ssyncset.done $0x0  }
0xa0: {  	[sflag:s22] =	ssyncadd.s32 s4;
	_ =	sdelay $0x1  }
0xa1: {  	s23 =	simm.s32 $0x1B8B  }
0xa2: {  	_ =	swait.ge [sflag:s23], $0x1  }
0xa3: {  	[sflag:s23] =	ssyncset.done $0x0  }
0xa4: {  	s25 =	simm.s32 $0x1B8E;
	s24 =	sld [smem:$0x3FFE];
	[sflag:s23] =	ssyncadd.s32 $0xFFFFFFFF  }
0xa5: {  	s26 =	simm.s32 $execute0_lowered;
	[smem:$0x3FD2] =	sst s25  }
0xa6: {  	s5 =	sshll.u32 s26, $0x1;
	_ =	strace $0x80000046;
	[dreg:$0x1] =	wrdreg $0xFFFFFFFF  }
0xa7: {  	s28 =	simm.s32 $_size_execute0_lowered;
	s3 =	sadd.s32 s3, s5;
	[dreg:$0x0] =	wrdreg $0x0  }
0xa8: {  	s5 =	sshll.u32 s28, $0x1;
	[dreg:$0x2] =	wrdreg s3  }
0xa9: {  	[dreg:$0x3] =	wrdreg s5  }
0xaa: {  	[dreg:$0x4] =	wrdreg $0xC0  }
0xab: {  	_ =	task [dreg:s7], $0x5FFFF  }
0xac: {  	[dreg:$0x1] =	wrdreg $0xFFFFFFFF  }
0xad: {  	[dreg:$0x0] =	wrdreg $0x60  }
0xae: {  	[dreg:$0x2] =	wrdreg s24  }
0xaf: {  	[dreg:$0x3] =	wrdreg s2  }
0xb0: {  	[dreg:$0x4] =	wrdreg $0x0  }
0xb1: {  	[dreg:$0x5] =	wrdreg $0x9  }
0xb2: {  	_ =	task.clear_ibuf [dreg:s7], $0x6FFFF;
	_ =	strace $0x90000046  }
0xb3: {  	s29 =	simm.s32 $0x9;
	_ =	strace $0x80000048  }
0xb4: {  	_ =	swait.ge [sflag:s29], $0x1  }
0xb5: {  	[sflag:s29] =	ssyncadd.s32 $0xFFFFFFFF  }
0xb6: {  	_ =	strace $0x90000048  }
0xb7: {  	_ =	sfence  }
0xb8: {  	s30 =	sld [smem:$0x0];
	_ =	sdelay $0x2  }
0xb9: {  	s31 =	sshll.u32 s1, $0xD;
	s1 =	sshrl.u32 s1, $0x2  }
0xba: {  	s3 =	sand.u32 $0x4000, s31;
	s1 =	sadd.s32 s1, s30  }
0xbb: {  	s0 =	sor.u32 s3, s0;
	s1 =	sshll.u32 s1, $0x11  }
0xbc: {  	s0 =	sor.u32 s1, s0  }
0xbd: {  	s0 =	sadd.s32 $0x8F2B, s0  }
0xbe: {  	[sflag:s0] =	ssyncadd.remote.s32 $0x1  }
0xbf: {  	_ =	sfence.sel $0xFFFF  }
0xc0: {  	[dreg:$0x0] =	wrdreg $0xFFFFFFFF;
	(pc) =	sbr.abs _section_cstart, $3  }
0xc1: {  	[dreg:$0x1] =	wrdreg $0xFFFFFFFF  }
0xc2: {  	_ =	task.clear_ibuf [dreg:s7], $0x2FFFF;
	_ =	strace $0x9FFFFFFF  }
0xc3: {  	(tm) =	ssettm $0x7FFFFFFF  }
tec
execute0_lowered:
.L_overlay_start_1:
0x0: {  	(tag) =	ssettag $0x1  }
0x1: {  	s6 =	rddreg [dreg:$0x0]  }
0x2: {  	s2 =	rddreg [dreg:$0x1]  }
0x3: {  	s3 =	rddreg [dreg:$0x2]  }
0x4: {  	s0 =	rddreg [dreg:$0x3];
	s1 =	stileid.u32  }
0x5: {  	s5 =	srdreg.scid;
	s4 =	simm.s32 $0x0;
	s14 =	simm.s32 $0x13C00  }
0x6: {  	s15 =	simm.s32 $0x80;
	s16 =	simm.s32 $0x0;
	s7 =	smul.u32 $0x13C00, s1  }
0x7: {  	s8 =	sand.u32 $0x1, s5;
	[smem:$0x7FF] =	sst s4;
	s12 =	smul.u32 $0x4F000, s1  }
0x8: {  	s5 =	sadd.s32 $0x4800, s6;
	s31 =	sshll.u32 s1, $0x6;
	s9 =	smul.u32 $0x13C000, s8  }
0x9: {  	_ =	strace $0x80000047;
	s28 =	ssub.s32 $0x2, s8;
	s29 =	sshll.u32 s8, $0x4  }
0xa: {  	s10 =	sshrl.u32 s7, $0x3;
	s11 =	sshrl.u32 s28, $0x1;
	s8 =	sor.u32 s1, s29  }
0xb: {  	s30 =	sshrl.u32 s12, $0x2;
	s10 =	sadd.s32 s10, s6;
	s7 =	sadd.s32 s7, s9  }
0xc: {  	s11 =	ssub.s32 s28, s11;
	s12 =	sadd.s32 s30, s3;
	s7 =	sshrl.u32 s7, $0x3  }
0xd: {  	s8 =	smul.u32 $0x2C00, s8;
	s13 =	sadd.s32 s7, s6;
	s6 =	sadd.s32 $0xF800, s10  }
0xe: {  	s7 =	sor.u32 $0x1C01, s31;
	s10 =	smax.u32 s11, $0x1;
	s11 =	sshrl.u32 s12, $0x3  }
0xf: {  	s12 =	simm.s32 $0x1;
	s9 =	sadd.s32 $0x37000, s13;
	s13 =	simm.s32 $0x13E00  }
.LBB2_1:
0x10: {  	[spmem:s11], [sflag:s7] =	dma.local [hbm:s6], $0x2780  }
0x11: {  	_ =	swait.ge [sflag:s12], $0x2780  }
0x12: {  	[sflag:s12] =	ssyncset.done $0x0  }
0x13: {  	s17 =	sand.u32 $0x3C00, s4;
	[sflag:s12] =	ssyncadd.s32 $0xFFFFD880  }
0x14: {  	[tilespmem:s13], [sflag:$0x1] =	stream.linear.gather [hbm4b:s2+s4], $0x4000, $0x38;
	[tilespmem:$0x17E00] =	vst v63  }
0x15: {  	s18 =	sand.u32 $0x380, s4;
	s17 =	sadd.s32 s8, s17;
	_ =	swait.ge [sflag:s12], $0x4000  }
0x16: {  	s17 =	sor.u32 s18, s17;
	[sflag:s12] =	ssyncset.done $0x0  }
0x17: {  	s17 =	sshrl.u32 s17, $0x3;
	[sflag:s12] =	ssyncadd.s32 $0xFFFFC000  }
0x18: {  	s17 =	sadd.s32 s5, s17;
	[bflag:$0x0] =	sbarrier.arrive $0xFFFF  }
0x19: {  	[tilespmem:s14], [sflag:$0x1] =	stream.linear.gather [hbm4b:s17+s4], $0x80, $0x38;
	[tilespmem:$0x17E00] =	vst v63  }
0x1a: {  	_ =	swait.ge [sflag:s12], $0x80  }
0x1b: {  	s30 =	simm.s32 $0x80;
	[sflag:s12] =	ssyncset.done $0x0  }
0x1c: {  	s31 =	sand.u32 $0x3C00, s30;
	[sflag:s12] =	ssyncadd.s32 $0xFFFFFF80  }
0x1d: {  	[spmem:s3] =	stream.indirect.scatter.add.f32 [tilespmem:s13], [sflag:$0x1], $0x80, s14, s15, $0xb8;
	[tilespmem:$0x17E00] =	vst v63  }
0x1e: {  	s19 =	sand.u32 $0x380, s30;
	s18 =	sadd.s32 s8, s31;
	_ =	swait.ge [sflag:s12], $0x4000  }
0x1f: {  	s18 =	sor.u32 s19, s18;
	s17 =	simm.s32 $0x100;
	[sflag:s12] =	ssyncset.done $0x0  }
.LBB2_2:
0x20: {  	s18 =	sshrl.u32 s18, $0x3  }
0x21: {  	[sflag:s12] =	ssyncadd.s32 $0xFFFFC000;
	s19 =	smov.u32 s17;
	s20 =	sadd.s32 $0x80, s17  }
0x22: {  	p0 =	sne.s32 s17, $0x2800;
	s17 =	sadd.s32 s5, s18  }
0x23: {  	[tilespmem:s14], [sflag:$0x1] =	stream.linear.gather [hbm4b:s17+s4], $0x80, $0x38;
	[tilespmem:$0x17E00] =	vst v63  }
0x24: {  	_ =	swait.ge [sflag:s12], $0x80  }
.Ltmp0:
0x25: {  	[sflag:s12] =	ssyncset.done $0x0;
	(pc) =	sbr.rel @p0 .LBB2_2-.Ltmp0, $4  }
0x26: {  	s17 =	sand.u32 $0x3C00, s19;
	[sflag:s12] =	ssyncadd.s32 $0xFFFFFF80  }
0x27: {  	[spmem:s3] =	stream.indirect.scatter.add.f32 [tilespmem:s13], [sflag:$0x1], $0x80, s14, s15, $0xb8;
	[tilespmem:$0x17E00] =	vst v63  }
0x28: {  	s18 =	sand.u32 $0x380, s19;
	s17 =	sadd.s32 s8, s17;
	_ =	swait.ge [sflag:s12], $0x4000  }
0x29: {  	s18 =	sor.u32 s18, s17;
	s17 =	smov.u32 s20;
	[sflag:s12] =	ssyncset.done $0x0  }
0x2a: {  	s17 =	sshrl.u32 s18, $0x3  }
0x2b: {  	[sflag:s12] =	ssyncadd.s32 $0xFFFFC000;
	s17 =	sadd.s32 s5, s17  }
0x2c: {  	[tilespmem:s14], [sflag:$0x1] =	stream.linear.gather [hbm4b:s17+s4], $0x80, $0x38;
	[tilespmem:$0x17E00] =	vst v63  }
0x2d: {  	_ =	swait.ge [sflag:s12], $0x80  }
0x2e: {  	[sflag:s12] =	ssyncset.done $0x0  }
0x2f: {  	[sflag:s12] =	ssyncadd.s32 $0xFFFFFF80  }
0x30: {  	[spmem:s3] =	stream.indirect.scatter.add.f32 [tilespmem:s13], [sflag:$0x1], $0x80, s14, s15, $0xb8;
	[tilespmem:$0x17E00] =	vst v63  }
0x31: {  	_ =	swait.ge [sflag:s12], $0x4000  }
0x32: {  	s16 =	sadd.s32 $0x1, s16;
	[sflag:s12] =	ssyncset.done $0x0  }
0x33: {  	p0 =	sne.s32 s16, s10;
	[sflag:s12] =	ssyncadd.s32 $0xFFFFC000  }
.Ltmp1:
0x34: {  	[bflag:$0x0] =	sbarrier.arrive $0xFFFF;
	(pc) =	sbr.rel @p0 .LBB2_1-.Ltmp1, $4  }
0x35: {  	[hbm:s9], [sflag:s7] =	dma.local [spmem:s11], $0x2780  }
0x36: {  	_ =	swait.ge [sflag:s12], $0x2780  }
0x37: {  	[sflag:s12] =	ssyncset.done $0x0  }
0x38: {  	[sflag:s12] =	ssyncadd.s32 $0xFFFFD880  }
0x39: {  	_ =	sfence.sel $0x180000  }
0x3a: {  	[bflag:$0x0] =	sbarrier.arrive $0xFFFF  }
0x3b: {  	p0 =	sne.s32 s1, $0x0;
	_ =	strace $0x90000047  }
0x3c: {  	s0 =	sadd.s32 @!p0 $0x100000, s0;
	[bflag:$0x2] =	sbarrier.arrive $0xFFFF  }
0x3d: {  	[sflag:s0] =	ssyncadd.tile.s32 @!p0 $0x1;
	_ =	shalt  }
.Lfunc_end2:
_tile_overlayer_lowered:
.L_overlay_start_2:
0x3e: {  	(tag) =	ssettag $0x2  }
0x3f: {  	s0 =	rddreg [dreg:$0x0];
	s2 =	stileid.u32  }
0x40: {  	s1 =	rddreg [dreg:$0x1];
	p0 =	sne.s32 s2, $0x0  }
0x41: {  	s3 =	rddreg [dreg:$0x2];
	[bflag:$0x3] =	sbarrier.arrive $0xFFFF;
	s2 =	simm.s32 @!p0 $0x1C01  }
0x42: {  	[timem:s3], [sflag:s2] =	dma.local @!p0 [hbm:s0], s1  }
0x43: {  	s0 =	simm.s32 @!p0 $0x1  }
0x44: {  	_ =	swait.ge @!p0 [sflag:s0], s1  }
0x45: {  	s1 =	ssub.s32 @!p0 $0x0, s1;
	[sflag:s0] =	ssyncset.done @!p0 $0x0  }
0x46: {  	[sflag:s0] =	ssyncadd.s32 @!p0 s1  }
0x47: {  	[bflag:$0x3] =	sbarrier.arrive $0xFFFF  }
0x48: {  	_ =	shalt  }

// kernel: kernel.13.cloned.1.call-start
scs
__scs_entry_jumppad:
0x0: {  	(pc) =	sbr.rel $0x88, $3  }
0x1: {  	(tag) =	ssettag $0x0;
	lr =	simm.s32 $0x1  }
0x2: {  	[smem:$0x3F99] =	sst lr;
	_ =	strace $0xD0000000  }
0x3: {  	_ = 	snop  }
0x4: {  	_ = 	snop  }
0x5: {  	_ = 	snop  }
0x6: {  	_ = 	snop  }
0x7: {  	_ = 	snop  }
__scs_overlays_trampoline_lowered:
0x8: {  	[smem:$0x3FA8] =	sst s0  }
0x9: {  	[smem:$0x3FA9] =	sst s1  }
0xa: {  	[smem:$0x3FAA] =	sst s2  }
0xb: {  	[smem:$0x3FAB] =	sst s3  }
0xc: {  	[smem:$0x3FAC] =	sst s4  }
0xd: {  	[smem:$0x3FAD] =	sst s5  }
0xe: {  	[smem:$0x3FAE] =	sst s6  }
0xf: {  	[smem:$0x3FAF] =	sst s7  }
0x10: {  	[smem:$0x3FB0] =	sst s8  }
0x11: {  	[smem:$0x3FB1] =	sst s9;
	s0 =	simm.s32 @!p0 $0x0  }
0x12: {  	s1 =	sld [smem:$0x3F97];
	s0 =	simm.s32 @p0 $0x1  }
0x13: {  	[smem:$0x3FB2] =	sst s0;
	s0 =	simm.s32 @!p1 $0x0  }
0x14: {  	s2 =	sld [smem:$0x3F96];
	s0 =	simm.s32 @p1 $0x1  }
0x15: {  	[smem:$0x3FB3] =	sst s0;
	s0 =	simm.s32 @!p2 $0x0  }
0x16: {  	s3 =	sld [smem:$0x3FDB];
	s0 =	simm.s32 @p2 $0x1  }
0x17: {  	s4 =	simm.s32 $0x1BF5;
	[smem:$0x3FB5] =	sst s0  }
0x18: {  	s0 =	sld [smem:$0x3F98];
	_ =	swait.ge [sflag:s4], $0x0  }
0x19: {  	s7 =	sld [smem:$0x3F99]  }
0x1a: {  	s8 =	sadd.s32 $0xFFFFE003, lr  }
0x1b: {  	s9 =	sadd.s32 $0xFFFFFEF7, lr;
	s5 =	simm.s32 $0xFFFFFFFF;
	p2 =	slt.u32 s8, $0xFFFFF086  }
0x1c: {  	p1 =	slt.u32 s9, $0xF7A;
	s5 =	simm.s32 @!p2 $0x0  }
0x1d: {  	s5 =	simm.s32 @p1 $0x1;
	p0 =	seq.s32 s7, s2  }
0x1e: {  	s7 =	smul.u32 @!p0 $0xF7A, s2;
	p2 =	seq.s32 @!p0 s5, $0x0  }
0x1f: {  	s9 =	smul.u32 $0xF7A, s1;
	s8 =	simm.s32 @!p0 $0x1BF5;
	p2 =	por !p2, p0  }
0x20: {  	[sflag:s8] =	ssyncset.s32 @!p0 $0xFFFFF086;
	s6 =	sadd.s32 @!p0 s3, s7;
	s7 =	simm.s32 @!p0 $0x108  }
0x21: {  	s3 =	sadd.s32 s3, s9;
	s6 =	sadd.s32 @!p0 $0x88, s6;
	s7 =	simm.s32 @p2 $0x1082  }
0x22: {  	[simem:s7], [sflag:s8] =	dma.local @!p0 [hbm:s6], $0xF7A  }
0x23: {  	s9 =	sor.u32 $0xD0000000, s2;
	s6 =	simm.s32 $0x108;
	_ =	swait.ge @!p0 [sflag:s8], $0x0  }
0x24: {  	s3 =	sadd.s32 $0x88, s3;
	s6 =	simm.s32 @!p1 $0x1082;
	[sflag:s4] =	ssyncset.s32 $0xFFFFF086  }
0x25: {  	[simem:s6], [sflag:s4] =	dma.local [hbm:s3], $0xF7A  }
0x26: {  	[smem:$0x3F99] =	sst s1;
	(tag) =	ssettag s2;
	_ =	strace s9  }
0x27: {  	s1 =	sld [smem:$0x3FA9]  }
0x28: {  	s2 =	sld [smem:$0x3FAA]  }
0x29: {  	s4 =	sld [smem:$0x3FAC]  }
0x2a: {  	p0 =	seq.s32 s5, $0x0;
	s5 =	sld [smem:$0x3FAD]  }
0x2b: {  	s6 =	sld [smem:$0x3FAE]  }
0x2c: {  	s7 =	sld [smem:$0x3FAF]  }
0x2d: {  	s3 =	simm.s32 $0x108;
	s8 =	sld [smem:$0x3FB0]  }
0x2e: {  	s3 =	simm.s32 @!p0 $0x1082;
	s9 =	sld [smem:$0x3FB1]  }
0x2f: {  	lr =	sadd.s32 s0, s3;
	s0 =	sld [smem:$0x3FA8]  }
0x30: {  	s3 =	sld [smem:$0x3FAB]  }
0x31: {  	[smem:$0x3FB4] =	sst s10  }
0x32: {  	s10 =	sld [smem:$0x3FB2];
	_ =	sdelay $0x3  }
0x33: {  	p0 =	seq.s32 s10, $0x1;
	s10 =	sld [smem:$0x3FB4];
	_ =	sdelay $0x3  }
0x34: {  	[smem:$0x3FB4] =	sst s10  }
0x35: {  	s10 =	sld [smem:$0x3FB3];
	_ =	sdelay $0x3  }
0x36: {  	p1 =	seq.s32 s10, $0x1;
	s10 =	sld [smem:$0x3FB4];
	_ =	sdelay $0x3  }
0x37: {  	[smem:$0x3FB4] =	sst s10  }
0x38: {  	s10 =	sld [smem:$0x3FB5]  }
0x39: {  	_ = 	snop;
	(pc) =	sbr.ind lr, $3  }
0x3a: {  	_ = 	snop  }
0x3b: {  	_ = 	snop  }
0x3c: {  	p2 =	seq.s32 s10, $0x1;
	s10 =	sld [smem:$0x3FB4]  }
0x3d: {  	_ =	shalt  }
0x3e: {  	_ =	shalt  }
0x3f: {  	_ =	shalt  }
0x40: {  	_ =	shalt  }
0x41: {  	_ =	shalt  }
0x42: {  	_ =	shalt  }
0x43: {  	_ =	shalt  }
0x44: {  	_ =	shalt  }
0x45: {  	_ =	shalt  }
0x46: {  	_ =	shalt  }
0x47: {  	_ =	shalt  }
0x48: {  	_ =	shalt  }
0x49: {  	_ =	shalt  }
0x4a: {  	_ =	shalt  }
0x4b: {  	_ =	shalt  }
0x4c: {  	_ =	shalt  }
0x4d: {  	_ =	shalt  }
0x4e: {  	_ =	shalt  }
0x4f: {  	_ =	shalt  }
0x50: {  	_ =	shalt  }
0x51: {  	_ =	shalt  }
0x52: {  	_ =	shalt  }
0x53: {  	_ =	shalt  }
0x54: {  	_ =	shalt  }
0x55: {  	_ =	shalt  }
0x56: {  	_ =	shalt  }
0x57: {  	_ =	shalt  }
0x58: {  	_ =	shalt  }
0x59: {  	_ =	shalt  }
0x5a: {  	_ =	shalt  }
0x5b: {  	_ =	shalt  }
0x5c: {  	_ =	shalt  }
0x5d: {  	_ =	shalt  }
0x5e: {  	_ =	shalt  }
0x5f: {  	_ =	shalt  }
0x60: {  	_ =	shalt  }
0x61: {  	_ =	shalt  }
0x62: {  	_ =	shalt  }
0x63: {  	_ =	shalt  }
0x64: {  	_ =	shalt  }
0x65: {  	_ =	shalt  }
0x66: {  	_ =	shalt  }
0x67: {  	_ =	shalt  }
0x68: {  	_ =	shalt  }
0x69: {  	_ =	shalt  }
0x6a: {  	_ =	shalt  }
0x6b: {  	_ =	shalt  }
0x6c: {  	_ =	shalt  }
0x6d: {  	_ =	shalt  }
0x6e: {  	_ =	shalt  }
0x6f: {  	_ =	shalt  }
0x70: {  	_ =	shalt  }
0x71: {  	_ =	shalt  }
0x72: {  	_ =	shalt  }
0x73: {  	_ =	shalt  }
0x74: {  	_ =	shalt  }
0x75: {  	_ =	shalt  }
0x76: {  	_ =	shalt  }
0x77: {  	_ =	shalt  }
0x78: {  	_ =	shalt  }
0x79: {  	_ =	shalt  }
0x7a: {  	_ =	shalt  }
0x7b: {  	_ =	shalt  }
0x7c: {  	_ =	shalt  }
0x7d: {  	_ =	shalt  }
0x7e: {  	_ =	shalt  }
0x7f: {  	_ =	shalt  }
0x80: {  	_ =	shalt  }
0x81: {  	_ =	shalt  }
0x82: {  	_ =	shalt  }
0x83: {  	_ =	shalt  }
0x84: {  	_ =	shalt  }
0x85: {  	_ =	shalt  }
0x86: {  	_ =	shalt  }
0x87: {  	_ =	shalt  }
.Lfunc_end0:
.L_simem_size_0:
called_computation.1_lowered:
.L_overlay_start_0:
0x88: {  	s2 =	sld [smem:$0x3FD9]  }
0x89: {  	s3 =	sld [smem:$0x3FFE];
	_ =	sdelay $0x1  }
0x8a: {  	s1 =	srdreg.scid  }
0x8b: {  	s0 =	sand.u32 $0x1, s1  }
0x8c: {  	s17 =	sshll.u32 s0, $0xA;
	s2 =	sadd.s32 s3, s2  }
0x8d: {  	s2 =	sadd.s32 s2, s17  }
0x8e: {  	[smem:$0x3FC0] =	sst s2  }
0x8f: {  	_ = 	snop  }
0x90: {  	s2 =	sld [smem:$0x3FD0];
	(tm) =	ssettm $0x1  }
0x91: {  	s18 =	sld [smem:$0x3FFB];
	_ =	sdelay $0x3  }
0x92: {  	_ =	strace s18  }
0x93: {  	s3 =	sld [smem:$0x3FFC];
	_ =	sdelay $0x3  }
0x94: {  	_ =	strace s3  }
0x95: {  	s3 =	sld [smem:$0x3FFD];
	_ =	sdelay $0x3  }
0x96: {  	_ =	strace s3  }
0x97: {  	_ =	strace $0x8FFFFFFF  }
0x98: {  	s19 =	sld [smem:$0x3FDB];
	_ =	sdelay $0x1  }
0x99: {  	s4 =	simm.s32 $_scs_section_size  }
0x9a: {  	s5 =	simm.s32 $_size__tile_overlayer_lowered;
	s6 =	simm.s32 $_tile_overlayer_lowered  }
0x9b: {  	s22 =	simm.s32 $0x1BFF;
	s21 =	sshll.u32 s6, $0x1;
	s3 =	sadd.s32 s4, s19  }
0x9c: {  	s7 =	simm.s32 $0x0;
	s20 =	sshll.u32 s5, $0x1;
	s5 =	sadd.s32 s21, s3  }
0x9d: {  	[timem:s7], [sflag:s22] =	dma.local [hbm:s5], s20  }
0x9e: {  	_ =	swait.ge [sflag:s22], s20  }
0x9f: {  	s4 =	ssub.s32 $0x0, s20;
	[sflag:s22] =	ssyncset.done $0x0  }
0xa0: {  	[sflag:s22] =	ssyncadd.s32 s4;
	_ =	sdelay $0x1  }
0xa1: {  	s23 =	simm.s32 $0x1B8B  }
0xa2: {  	_ =	swait.ge [sflag:s23], $0x1  }
0xa3: {  	[sflag:s23] =	ssyncset.done $0x0  }
0xa4: {  	s25 =	simm.s32 $0x1B8E;
	s24 =	sld [smem:$0x3FFE];
	[sflag:s23] =	ssyncadd.s32 $0xFFFFFFFF  }
0xa5: {  	s26 =	simm.s32 $execute0_lowered;
	[smem:$0x3FD2] =	sst s25  }
0xa6: {  	s5 =	sshll.u32 s26, $0x1;
	_ =	strace $0x80000049;
	[dreg:$0x1] =	wrdreg $0xFFFFFFFF  }
0xa7: {  	s28 =	simm.s32 $_size_execute0_lowered;
	s3 =	sadd.s32 s3, s5;
	[dreg:$0x0] =	wrdreg $0x0  }
0xa8: {  	s5 =	sshll.u32 s28, $0x1;
	[dreg:$0x2] =	wrdreg s3  }
0xa9: {  	[dreg:$0x3] =	wrdreg s5  }
0xaa: {  	[dreg:$0x4] =	wrdreg $0xC0  }
0xab: {  	_ =	task [dreg:s7], $0x5FFFF  }
0xac: {  	[dreg:$0x1] =	wrdreg $0xFFFFFFFF  }
0xad: {  	[dreg:$0x0] =	wrdreg $0x60  }
0xae: {  	[dreg:$0x2] =	wrdreg s2  }
0xaf: {  	[dreg:$0x3] =	wrdreg s24  }
0xb0: {  	[dreg:$0x4] =	wrdreg $0x0  }
0xb1: {  	[dreg:$0x5] =	wrdreg $0x9  }
0xb2: {  	_ =	task.clear_ibuf [dreg:s7], $0x6FFFF;
	_ =	strace $0x90000049  }
0xb3: {  	s29 =	simm.s32 $0x9;
	_ =	strace $0x8000004B  }
0xb4: {  	_ =	swait.ge [sflag:s29], $0x1  }
0xb5: {  	[sflag:s29] =	ssyncadd.s32 $0xFFFFFFFF  }
0xb6: {  	_ =	strace $0x9000004B  }
0xb7: {  	_ =	sfence  }
0xb8: {  	s30 =	sld [smem:$0x0];
	_ =	sdelay $0x2  }
0xb9: {  	s31 =	sshll.u32 s1, $0xD;
	s1 =	sshrl.u32 s1, $0x2  }
0xba: {  	s3 =	sand.u32 $0x4000, s31;
	s1 =	sadd.s32 s1, s30  }
0xbb: {  	s0 =	sor.u32 s3, s0;
	s1 =	sshll.u32 s1, $0x11  }
0xbc: {  	s0 =	sor.u32 s1, s0  }
0xbd: {  	s0 =	sadd.s32 $0x8F2B, s0  }
0xbe: {  	[sflag:s0] =	ssyncadd.remote.s32 $0x1  }
0xbf: {  	_ =	sfence.sel $0xFFFF  }
0xc0: {  	[dreg:$0x0] =	wrdreg $0xFFFFFFFF;
	(pc) =	sbr.abs _section_cstart, $3  }
0xc1: {  	[dreg:$0x1] =	wrdreg $0xFFFFFFFF  }
0xc2: {  	_ =	task.clear_ibuf [dreg:s7], $0x2FFFF;
	_ =	strace $0x9FFFFFFF  }
0xc3: {  	(tm) =	ssettm $0x7FFFFFFF  }
tec
execute0_lowered:
.L_overlay_start_1:
0x0: {  	(tag) =	ssettag $0x1  }
0x1: {  	s1 =	rddreg [dreg:$0x0]  }
0x2: {  	s0 =	rddreg [dreg:$0x1]  }
0x3: {  	s3 =	rddreg [dreg:$0x2];
	s4 =	simm.s32 $0x0;
	s13 =	stileid.u32  }
0x4: {  	s2 =	srdreg.scid;
	s28 =	simm.s32 $0x13D00;
	s29 =	simm.s32 $0x13F00  }
0x5: {  	s30 =	simm.s32 $0x1C000;
	s31 =	simm.s32 $0x1;
	[smem:$0x7FF] =	sst s4  }
0x6: {  	s7 =	smul.u32 $0x13C00, s13;
	s2 =	sand.u32 $0x1, s2;
	s5 =	sadd.s32 $0x86000, s0  }
0x7: {  	s6 =	sadd.s32 $0x4800, s0;
	s10 =	smul.u32 $0x4F000, s13;
	s16 =	sshll.u32 s13, $0x6  }
0x8: {  	s8 =	smul.u32 $0x13C000, s2;
	s14 =	sshll.u32 s2, $0x4;
	s2 =	ssub.s32 $0x2, s2  }
0x9: {  	_ =	strace $0x8000004A;
	s9 =	sshrl.u32 s7, $0x3;
	s12 =	sshrl.u32 s2, $0x1  }
0xa: {  	s15 =	sshrl.u32 s10, $0x2;
	s9 =	sadd.s32 s9, s0;
	s7 =	sadd.s32 s7, s8  }
0xb: {  	s8 =	sor.u32 s13, s14;
	s2 =	ssub.s32 s2, s12;
	s18 =	sadd.s32 s15, s3  }
0xc: {  	s11 =	sshrl.u32 s7, $0x3;
	s7 =	smul.u32 $0x2C00, s8;
	s19 =	sadd.s32 $0xF800, s9  }
0xd: {  	s9 =	sor.u32 $0x1C04, s16;
	s18 =	sshrl.u32 s18, $0x3;
	s0 =	sadd.s32 s11, s0  }
0xe: {  	[dreg:$0x4] =	wrdreg s19;
	s19 =	simm.s32 $0x4;
	s17 =	sshrl.u32 s7, $0x3  }
0xf: {  	s16 =	sadd.s32 $0x91000, s0;
	s0 =	simm.s32 $0x3;
	s20 =	sadd.s32 s5, s17  }
0x10: {  	s21 =	sadd.s32 s6, s17;
	s22 =	sor.u32 $0x10, s17;
	s15 =	sor.u32 $0x20, s17  }
0x11: {  	s17 =	smax.u32 s2, $0x1;
	s2 =	simm.s32 $0x0;
	[dreg:$0x5] =	wrdreg s20  }
.Ltmp0:
0x12: {  	[dreg:$0x6] =	wrdreg s21;
	s23 =	sadd.s32 s5, s22;
	(pc) =	sbr.rel .LBB2_1-.Ltmp0, $4  }
0x13: {  	s24 =	sadd.s32 s6, s22;
	s25 =	sadd.s32 s5, s15;
	[dreg:$0x7] =	wrdreg s23  }
0x14: {  	s26 =	sadd.s32 s6, s15;
	s20 =	simm.s32 $0x13C00;
	[dreg:$0x8] =	wrdreg s24  }
0x15: {  	s21 =	simm.s32 $0x13E00;
	s22 =	simm.s32 $0x80;
	[dreg:$0x9] =	wrdreg s25  }
0x16: {  	[dreg:$0xa] =	wrdreg s26;
	s23 =	simm.s32 $0x14000;
	s24 =	simm.s32 $0x13C80  }
.LBB2_4:
0x17: {  	s2 =	sadd.s32 $0x1, s2  }
0x18: {  	p0 =	sne.s32 s2, s17  }
.Ltmp1:
0x19: {  	[bflag:$0x0] =	sbarrier.arrive $0xFFFF;
	(pc) =	sbr.rel @!p0 .LBB2_5-.Ltmp1, $4  }
0x1a: {  	[hbm:s16], [sflag:s9] =	dma.local [spmem:s18], $0x2780  }
0x1b: {  	_ =	swait.ge [sflag:s19], $0x2780  }
0x1c: {  	[sflag:s19] =	ssyncset.done $0x0  }
0x1d: {  	[sflag:s19] =	ssyncadd.s32 $0xFFFFD880  }
.LBB2_1:
0x1e: {  	s8 =	rddreg [dreg:$0x4]  }
0x1f: {  	[spmem:s18], [sflag:s9] =	dma.local [hbm:s8], $0x2780  }
0x20: {  	_ =	swait.ge [sflag:s19], $0x2780  }
0x21: {  	[sflag:s19] =	ssyncset.done $0x0  }
0x22: {  	[sflag:s19] =	ssyncadd.s32 $0xFFFFD880  }
0x23: {  	[bflag:$0x0] =	sbarrier.arrive $0xFFFF  }
0x24: {  	s11 =	rddreg [dreg:$0x5]  }
0x25: {  	[tilespmem:s20], [sflag:$0x4] =	stream.linear.gather [hbm4b:s11+s4], $0x80, $0x38;
	v63 =	vld [tilespmem:$0x0]  }
0x26: {  	_ =	swait.ge [sflag:s19], $0x80  }
0x27: {  	[sflag:s19] =	ssyncset.done $0x0  }
0x28: {  	s12 =	rddreg [dreg:$0x6];
	[sflag:s19] =	ssyncadd.s32 $0xFFFFFF80  }
0x29: {  	[tilespmem:s21], [sflag:$0x4] =	stream.linear.gather [hbm4b:s12+s4], $0x80, $0x38;
	v63 =	vld [tilespmem:$0x0]  }
0x2a: {  	_ =	swait.ge [sflag:s19], $0x80  }
0x2b: {  	[sflag:s19] =	ssyncset.done $0x0  }
0x2c: {  	[sflag:s19] =	ssyncadd.s32 $0xFFFFFF80  }
0x2d: {  	[tilespmem:s23], [sflag:$0x1] =	stream.indirect.gather [hbm4b:s1+s22], $0x80, s20, s22, $0xb8;
	v63 =	vld [tilespmem:$0x0]  }
0x2e: {  	s13 =	rddreg [dreg:$0x7]  }
0x2f: {  	[tilespmem:s24], [sflag:$0x4] =	stream.linear.gather [hbm4b:s13+s4], $0x80, $0x38;
	v63 =	vld [tilespmem:$0x0]  }
0x30: {  	_ =	swait.ge [sflag:s19], $0x80  }
0x31: {  	[sflag:s19] =	ssyncset.done $0x0  }
0x32: {  	s10 =	simm.s32 $0x13E80;
	s14 =	rddreg [dreg:$0x8];
	[sflag:s19] =	ssyncadd.s32 $0xFFFFFF80  }
0x33: {  	[tilespmem:s10], [sflag:$0x4] =	stream.linear.gather [hbm4b:s14+s4], $0x80, $0x38;
	v63 =	vld [tilespmem:$0x0]  }
0x34: {  	_ =	swait.ge [sflag:s19], $0x80  }
0x35: {  	[sflag:s19] =	ssyncset.done $0x0  }
0x36: {  	s15 =	simm.s32 $0x18000;
	[sflag:s19] =	ssyncadd.s32 $0xFFFFFF80  }
0x37: {  	[tilespmem:s15], [sflag:$0x2] =	stream.indirect.gather [hbm4b:s1+s22], $0x80, s24, s22, $0xb8;
	v63 =	vld [tilespmem:$0x0]  }
0x38: {  	s25 =	rddreg [dreg:$0x9]  }
0x39: {  	[tilespmem:s28], [sflag:$0x4] =	stream.linear.gather [hbm4b:s25+s4], $0x80, $0x38;
	v63 =	vld [tilespmem:$0x0]  }
0x3a: {  	_ =	swait.ge [sflag:s19], $0x80  }
0x3b: {  	[sflag:s19] =	ssyncset.done $0x0  }
0x3c: {  	s26 =	rddreg [dreg:$0xa];
	[sflag:s19] =	ssyncadd.s32 $0xFFFFFF80  }
0x3d: {  	[tilespmem:s29], [sflag:$0x4] =	stream.linear.gather [hbm4b:s26+s4], $0x80, $0x38;
	v63 =	vld [tilespmem:$0x0]  }
0x3e: {  	_ =	swait.ge [sflag:s19], $0x80  }
0x3f: {  	[sflag:s19] =	ssyncset.done $0x0  }
0x40: {  	s25 =	simm.s32 $0x280;
	[sflag:s19] =	ssyncadd.s32 $0xFFFFFF80  }
0x41: {  	[tilespmem:s30], [sflag:$0x3] =	stream.indirect.gather [hbm4b:s1+s22], $0x80, s28, s22, $0xb8;
	v63 =	vld [tilespmem:$0x0]  }
.LBB2_2:
0x42: {  	_ =	swait.ge [sflag:s31], $0x4000  }
0x43: {  	[sflag:s31] =	ssyncset.done $0x0  }
0x44: {  	[sflag:s31] =	ssyncadd.s32 $0xFFFFC000  }
0x45: {  	[spmem:s3] =	stream.indirect.scatter.add.f32 [tilespmem:s23], [sflag:$0x4], $0x80, s21, s22, $0xb8;
	v63 =	vld [tilespmem:$0x0]  }
0x46: {  	_ =	swait.ge [sflag:s19], $0x4000  }
0x47: {  	p0 =	seq.s32 s25, $0x2980;
	[sflag:s19] =	ssyncset.done $0x0  }
0x48: {  	s26 =	simm.s32 @p0 $0x2;
	[sflag:s19] =	ssyncadd.s32 $0xFFFFC000  }
0x49: {  	_ =	swait.ge @p0 [sflag:s26], $0x4000  }
0x4a: {  	s8 =	simm.s32 @p0 $0x13E80;
	[sflag:s26] =	ssyncset.done @p0 $0x0  }
0x4b: {  	s10 =	simm.s32 @p0 $0x18000;
	[sflag:s26] =	ssyncadd.s32 @p0 $0xFFFFC000;
	s26 =	simm.s32 @p0 $0x80  }
0x4c: {  	[spmem:s3] =	stream.indirect.scatter.add.f32 @p0 [tilespmem:s10], [sflag:$0x4], $0x80, s8, s26, $0xb8;
	v63 =	vld [tilespmem:$0x0]  }
0x4d: {  	s8 =	sadd.s32 @!p0 $0xFFFFFF00, s25  }
0x4e: {  	s26 =	sand.u32 @!p0 $0x7C00, s8  }
0x4f: {  	s10 =	simm.s32 @p0 $0x4;
	s8 =	sand.u32 @!p0 $0x380, s8;
	s26 =	sadd.s32 @!p0 s7, s26  }
0x50: {  	_ =	swait.ge @p0 [sflag:s10], $0x4000;
	s8 =	sor.u32 @!p0 s8, s26  }
0x51: {  	s11 =	simm.s32 @!p0 $0x13C00;
	[sflag:s10] =	ssyncset.done @p0 $0x0;
	s8 =	sshrl.u32 @!p0 s8, $0x3  }
0x52: {  	[sflag:s10] =	ssyncadd.s32 @p0 $0xFFFFC000;
	s26 =	simm.s32 @!p0 $0x0;
	s10 =	sadd.s32 @!p0 s5, s8  }
0x53: {  	[tilespmem:s11], [sflag:$0x4] =	stream.linear.gather @!p0 [hbm4b:s10+s26], $0x80, $0x38;
	v63 =	vld [tilespmem:$0x0]  }
0x54: {  	s10 =	simm.s32 @!p0 $0x4  }
0x55: {  	_ =	swait.ge @!p0 [sflag:s10], $0x80  }
0x56: {  	[sflag:s10] =	ssyncset.done @!p0 $0x0  }
0x57: {  	s12 =	simm.s32 @!p0 $0x13E00;
	s8 =	sadd.s32 @!p0 s6, s8;
	[sflag:s10] =	ssyncadd.s32 @!p0 $0xFFFFFF80  }
0x58: {  	[tilespmem:s12], [sflag:$0x4] =	stream.linear.gather @!p0 [hbm4b:s8+s26], $0x80, $0x38;
	v63 =	vld [tilespmem:$0x0]  }
0x59: {  	_ =	swait.ge @!p0 [sflag:s10], $0x80  }
0x5a: {  	[sflag:s10] =	ssyncset.done @!p0 $0x0  }
0x5b: {  	s8 =	simm.s32 @!p0 $0x80;
	s12 =	simm.s32 @!p0 $0x14000;
	[sflag:s10] =	ssyncadd.s32 @!p0 $0xFFFFFF80  }
0x5c: {  	[tilespmem:s12], [sflag:$0x1] =	stream.indirect.gather @!p0 [hbm4b:s1+s8], $0x80, s11, s8, $0xb8;
	v63 =	vld [tilespmem:$0x0]  }
0x5d: {  	s13 =	sadd.s32 @!p0 $0xFFFFFF80, s25;
	s11 =	simm.s32 @!p0 $0x2  }
0x5e: {  	s14 =	sand.u32 @!p0 $0x7C00, s13;
	_ =	swait.ge @!p0 [sflag:s11], $0x4000  }
0x5f: {  	s13 =	sand.u32 @!p0 $0x380, s13;
	s14 =	sadd.s32 @!p0 s7, s14;
	[sflag:s11] =	ssyncset.done @!p0 $0x0  }
0x60: {  	s12 =	simm.s32 @!p0 $0x18000;
	[sflag:s11] =	ssyncadd.s32 @!p0 $0xFFFFC000;
	s11 =	simm.s32 @!p0 $0x13E80  }
0x61: {  	[spmem:s3] =	stream.indirect.scatter.add.f32 @!p0 [tilespmem:s12], [sflag:$0x4], $0x80, s11, s8, $0xb8;
	v63 =	vld [tilespmem:$0x0]  }
0x62: {  	s13 =	sor.u32 @!p0 s13, s14;
	_ =	swait.ge @!p0 [sflag:s10], $0x4000  }
0x63: {  	s13 =	sshrl.u32 @!p0 s13, $0x3;
	[sflag:s10] =	ssyncset.done @!p0 $0x0  }
0x64: {  	s15 =	simm.s32 @!p0 $0x13C80;
	s14 =	sadd.s32 @!p0 s5, s13;
	[sflag:s10] =	ssyncadd.s32 @!p0 $0xFFFFC000  }
0x65: {  	[tilespmem:s15], [sflag:$0x4] =	stream.linear.gather @!p0 [hbm4b:s14+s26], $0x80, $0x38;
	v63 =	vld [tilespmem:$0x0]  }
0x66: {  	_ =	swait.ge @!p0 [sflag:s10], $0x80  }
0x67: {  	[sflag:s10] =	ssyncset.done @!p0 $0x0  }
0x68: {  	s13 =	sadd.s32 @!p0 s6, s13;
	[sflag:s10] =	ssyncadd.s32 @!p0 $0xFFFFFF80  }
0x69: {  	[tilespmem:s11], [sflag:$0x4] =	stream.linear.gather @!p0 [hbm4b:s13+s26], $0x80, $0x38;
	v63 =	vld [tilespmem:$0x0]  }
0x6a: {  	_ =	swait.ge @!p0 [sflag:s10], $0x80  }
0x6b: {  	[sflag:s10] =	ssyncset.done @!p0 $0x0  }
0x6c: {  	[sflag:s10] =	ssyncadd.s32 @!p0 $0xFFFFFF80  }
0x6d: {  	[tilespmem:s12], [sflag:$0x2] =	stream.indirect.gather @!p0 [hbm4b:s1+s8], $0x80, s15, s8, $0xb8;
	v63 =	vld [tilespmem:$0x0]  }
0x6e: {  	_ =	swait.ge [sflag:s0], $0x4000  }
0x6f: {  	[sflag:s0] =	ssyncset.done $0x0  }
.Ltmp2:
0x70: {  	[sflag:s0] =	ssyncadd.s32 $0xFFFFC000;
	(pc) =	sbr.rel @p0 .LBB2_4-.Ltmp2, $4  }
0x71: {  	[spmem:s3] =	stream.indirect.scatter.add.f32 [tilespmem:s30], [sflag:$0x4], $0x80, s29, s22, $0xb8;
	v63 =	vld [tilespmem:$0x0]  }
0x72: {  	_ =	swait.ge [sflag:s19], $0x4000  }
0x73: {  	[sflag:s19] =	ssyncset.done $0x0  }
0x74: {  	[sflag:s19] =	ssyncadd.s32 $0xFFFFC000  }
0x75: {  	s8 =	sand.u32 $0x7C00, s25  }
0x76: {  	s10 =	sand.u32 $0x380, s25;
	s8 =	sadd.s32 s7, s8  }
0x77: {  	s8 =	sor.u32 s10, s8  }
0x78: {  	s8 =	sshrl.u32 s8, $0x3  }
0x79: {  	s26 =	sadd.s32 s5, s8  }
0x7a: {  	[tilespmem:s28], [sflag:$0x4] =	stream.linear.gather [hbm4b:s26+s4], $0x80, $0x38;
	v63 =	vld [tilespmem:$0x0]  }
0x7b: {  	_ =	swait.ge [sflag:s19], $0x80  }
0x7c: {  	[sflag:s19] =	ssyncset.done $0x0  }
0x7d: {  	s8 =	sadd.s32 s6, s8;
	[sflag:s19] =	ssyncadd.s32 $0xFFFFFF80  }
0x7e: {  	[tilespmem:s29], [sflag:$0x4] =	stream.linear.gather [hbm4b:s8+s4], $0x80, $0x38;
	v63 =	vld [tilespmem:$0x0]  }
.Ltmp3:
0x7f: {  	_ = 	snop;
	(pc) =	sbr.rel .LBB2_2-.Ltmp3, $4  }
0x80: {  	_ =	swait.ge [sflag:s19], $0x80  }
0x81: {  	[sflag:s19] =	ssyncset.done $0x0  }
0x82: {  	s25 =	sadd.s32 $0x180, s25;
	[sflag:s19] =	ssyncadd.s32 $0xFFFFFF80  }
0x83: {  	[tilespmem:s30], [sflag:$0x3] =	stream.indirect.gather [hbm4b:s1+s22], $0x80, s28, s22, $0xb8;
	v63 =	vld [tilespmem:$0x0]  }
.LBB2_5:
0x84: {  	_ =	sfence.sel $0x180000  }
0x85: {  	[bflag:$0x0] =	sbarrier.arrive $0xFFFF  }
0x86: {  	_ =	strace $0x9000004A  }
0x87: {  	s0 =	stileid.u32;
	[bflag:$0x2] =	sbarrier.arrive $0xFFFF  }
0x88: {  	p0 =	sne.s32 s0, $0x0;
	s0 =	rddreg [dreg:$0x3]  }
0x89: {  	s0 =	sadd.s32 @!p0 $0x100000, s0  }
0x8a: {  	[sflag:s0] =	ssyncadd.tile.s32 @!p0 $0x1;
	_ =	shalt  }
.Lfunc_end2:
_tile_overlayer_lowered:
.L_overlay_start_2:
0x8b: {  	(tag) =	ssettag $0x2  }
0x8c: {  	s0 =	rddreg [dreg:$0x0];
	s2 =	stileid.u32  }
0x8d: {  	s1 =	rddreg [dreg:$0x1];
	p0 =	sne.s32 s2, $0x0  }
0x8e: {  	s3 =	rddreg [dreg:$0x2];
	[bflag:$0x3] =	sbarrier.arrive $0xFFFF;
	s2 =	simm.s32 @!p0 $0x1C04  }
0x8f: {  	[timem:s3], [sflag:s2] =	dma.local @!p0 [hbm:s0], s1  }
0x90: {  	s0 =	simm.s32 @!p0 $0x4  }
0x91: {  	_ =	swait.ge @!p0 [sflag:s0], s1  }
0x92: {  	s1 =	ssub.s32 @!p0 $0x0, s1;
	[sflag:s0] =	ssyncset.done @!p0 $0x0  }
0x93: {  	[sflag:s0] =	ssyncadd.s32 @!p0 s1  }
0x94: {  	[bflag:$0x3] =	sbarrier.arrive $0xFFFF  }
0x95: {  	_ =	shalt  }

// kernel: kernel.16.cloned.1.call-start
scs
__scs_entry_jumppad:
0x0: {  	(pc) =	sbr.rel $0x88, $3  }
0x1: {  	(tag) =	ssettag $0x0;
	lr =	simm.s32 $0x1  }
0x2: {  	[smem:$0x3F99] =	sst lr;
	_ =	strace $0xD0000000  }
0x3: {  	_ = 	snop  }
0x4: {  	_ = 	snop  }
0x5: {  	_ = 	snop  }
0x6: {  	_ = 	snop  }
0x7: {  	_ = 	snop  }
__scs_overlays_trampoline_lowered:
0x8: {  	[smem:$0x3FA8] =	sst s0  }
0x9: {  	[smem:$0x3FA9] =	sst s1  }
0xa: {  	[smem:$0x3FAA] =	sst s2  }
0xb: {  	[smem:$0x3FAB] =	sst s3  }
0xc: {  	[smem:$0x3FAC] =	sst s4  }
0xd: {  	[smem:$0x3FAD] =	sst s5  }
0xe: {  	[smem:$0x3FAE] =	sst s6  }
0xf: {  	[smem:$0x3FAF] =	sst s7  }
0x10: {  	[smem:$0x3FB0] =	sst s8  }
0x11: {  	[smem:$0x3FB1] =	sst s9;
	s0 =	simm.s32 @!p0 $0x0  }
0x12: {  	s1 =	sld [smem:$0x3F97];
	s0 =	simm.s32 @p0 $0x1  }
0x13: {  	[smem:$0x3FB2] =	sst s0;
	s0 =	simm.s32 @!p1 $0x0  }
0x14: {  	s2 =	sld [smem:$0x3F96];
	s0 =	simm.s32 @p1 $0x1  }
0x15: {  	[smem:$0x3FB3] =	sst s0;
	s0 =	simm.s32 @!p2 $0x0  }
0x16: {  	s3 =	sld [smem:$0x3FDB];
	s0 =	simm.s32 @p2 $0x1  }
0x17: {  	s4 =	simm.s32 $0x1BF5;
	[smem:$0x3FB5] =	sst s0  }
0x18: {  	s0 =	sld [smem:$0x3F98];
	_ =	swait.ge [sflag:s4], $0x0  }
0x19: {  	s7 =	sld [smem:$0x3F99]  }
0x1a: {  	s8 =	sadd.s32 $0xFFFFE003, lr  }
0x1b: {  	s9 =	sadd.s32 $0xFFFFFEF7, lr;
	s5 =	simm.s32 $0xFFFFFFFF;
	p2 =	slt.u32 s8, $0xFFFFF086  }
0x1c: {  	p1 =	slt.u32 s9, $0xF7A;
	s5 =	simm.s32 @!p2 $0x0  }
0x1d: {  	s5 =	simm.s32 @p1 $0x1;
	p0 =	seq.s32 s7, s2  }
0x1e: {  	s7 =	smul.u32 @!p0 $0xF7A, s2;
	p2 =	seq.s32 @!p0 s5, $0x0  }
0x1f: {  	s9 =	smul.u32 $0xF7A, s1;
	s8 =	simm.s32 @!p0 $0x1BF5;
	p2 =	por !p2, p0  }
0x20: {  	[sflag:s8] =	ssyncset.s32 @!p0 $0xFFFFF086;
	s6 =	sadd.s32 @!p0 s3, s7;
	s7 =	simm.s32 @!p0 $0x108  }
0x21: {  	s3 =	sadd.s32 s3, s9;
	s6 =	sadd.s32 @!p0 $0x88, s6;
	s7 =	simm.s32 @p2 $0x1082  }
0x22: {  	[simem:s7], [sflag:s8] =	dma.local @!p0 [hbm:s6], $0xF7A  }
0x23: {  	s9 =	sor.u32 $0xD0000000, s2;
	s6 =	simm.s32 $0x108;
	_ =	swait.ge @!p0 [sflag:s8], $0x0  }
0x24: {  	s3 =	sadd.s32 $0x88, s3;
	s6 =	simm.s32 @!p1 $0x1082;
	[sflag:s4] =	ssyncset.s32 $0xFFFFF086  }
0x25: {  	[simem:s6], [sflag:s4] =	dma.local [hbm:s3], $0xF7A  }
0x26: {  	[smem:$0x3F99] =	sst s1;
	(tag) =	ssettag s2;
	_ =	strace s9  }
0x27: {  	s1 =	sld [smem:$0x3FA9]  }
0x28: {  	s2 =	sld [smem:$0x3FAA]  }
0x29: {  	s4 =	sld [smem:$0x3FAC]  }
0x2a: {  	p0 =	seq.s32 s5, $0x0;
	s5 =	sld [smem:$0x3FAD]  }
0x2b: {  	s6 =	sld [smem:$0x3FAE]  }
0x2c: {  	s7 =	sld [smem:$0x3FAF]  }
0x2d: {  	s3 =	simm.s32 $0x108;
	s8 =	sld [smem:$0x3FB0]  }
0x2e: {  	s3 =	simm.s32 @!p0 $0x1082;
	s9 =	sld [smem:$0x3FB1]  }
0x2f: {  	lr =	sadd.s32 s0, s3;
	s0 =	sld [smem:$0x3FA8]  }
0x30: {  	s3 =	sld [smem:$0x3FAB]  }
0x31: {  	[smem:$0x3FB4] =	sst s10  }
0x32: {  	s10 =	sld [smem:$0x3FB2];
	_ =	sdelay $0x3  }
0x33: {  	p0 =	seq.s32 s10, $0x1;
	s10 =	sld [smem:$0x3FB4];
	_ =	sdelay $0x3  }
0x34: {  	[smem:$0x3FB4] =	sst s10  }
0x35: {  	s10 =	sld [smem:$0x3FB3];
	_ =	sdelay $0x3  }
0x36: {  	p1 =	seq.s32 s10, $0x1;
	s10 =	sld [smem:$0x3FB4];
	_ =	sdelay $0x3  }
0x37: {  	[smem:$0x3FB4] =	sst s10  }
0x38: {  	s10 =	sld [smem:$0x3FB5]  }
0x39: {  	_ = 	snop;
	(pc) =	sbr.ind lr, $3  }
0x3a: {  	_ = 	snop  }
0x3b: {  	_ = 	snop  }
0x3c: {  	p2 =	seq.s32 s10, $0x1;
	s10 =	sld [smem:$0x3FB4]  }
0x3d: {  	_ =	shalt  }
0x3e: {  	_ =	shalt  }
0x3f: {  	_ =	shalt  }
0x40: {  	_ =	shalt  }
0x41: {  	_ =	shalt  }
0x42: {  	_ =	shalt  }
0x43: {  	_ =	shalt  }
0x44: {  	_ =	shalt  }
0x45: {  	_ =	shalt  }
0x46: {  	_ =	shalt  }
0x47: {  	_ =	shalt  }
0x48: {  	_ =	shalt  }
0x49: {  	_ =	shalt  }
0x4a: {  	_ =	shalt  }
0x4b: {  	_ =	shalt  }
0x4c: {  	_ =	shalt  }
0x4d: {  	_ =	shalt  }
0x4e: {  	_ =	shalt  }
0x4f: {  	_ =	shalt  }
0x50: {  	_ =	shalt  }
0x51: {  	_ =	shalt  }
0x52: {  	_ =	shalt  }
0x53: {  	_ =	shalt  }
0x54: {  	_ =	shalt  }
0x55: {  	_ =	shalt  }
0x56: {  	_ =	shalt  }
0x57: {  	_ =	shalt  }
0x58: {  	_ =	shalt  }
0x59: {  	_ =	shalt  }
0x5a: {  	_ =	shalt  }
0x5b: {  	_ =	shalt  }
0x5c: {  	_ =	shalt  }
0x5d: {  	_ =	shalt  }
0x5e: {  	_ =	shalt  }
0x5f: {  	_ =	shalt  }
0x60: {  	_ =	shalt  }
0x61: {  	_ =	shalt  }
0x62: {  	_ =	shalt  }
0x63: {  	_ =	shalt  }
0x64: {  	_ =	shalt  }
0x65: {  	_ =	shalt  }
0x66: {  	_ =	shalt  }
0x67: {  	_ =	shalt  }
0x68: {  	_ =	shalt  }
0x69: {  	_ =	shalt  }
0x6a: {  	_ =	shalt  }
0x6b: {  	_ =	shalt  }
0x6c: {  	_ =	shalt  }
0x6d: {  	_ =	shalt  }
0x6e: {  	_ =	shalt  }
0x6f: {  	_ =	shalt  }
0x70: {  	_ =	shalt  }
0x71: {  	_ =	shalt  }
0x72: {  	_ =	shalt  }
0x73: {  	_ =	shalt  }
0x74: {  	_ =	shalt  }
0x75: {  	_ =	shalt  }
0x76: {  	_ =	shalt  }
0x77: {  	_ =	shalt  }
0x78: {  	_ =	shalt  }
0x79: {  	_ =	shalt  }
0x7a: {  	_ =	shalt  }
0x7b: {  	_ =	shalt  }
0x7c: {  	_ =	shalt  }
0x7d: {  	_ =	shalt  }
0x7e: {  	_ =	shalt  }
0x7f: {  	_ =	shalt  }
0x80: {  	_ =	shalt  }
0x81: {  	_ =	shalt  }
0x82: {  	_ =	shalt  }
0x83: {  	_ =	shalt  }
0x84: {  	_ =	shalt  }
0x85: {  	_ =	shalt  }
0x86: {  	_ =	shalt  }
0x87: {  	_ =	shalt  }
.Lfunc_end0:
.L_simem_size_0:
called_computation.2_lowered:
.L_overlay_start_0:
0x88: {  	s2 =	sld [smem:$0x3FD9]  }
0x89: {  	s3 =	sld [smem:$0x3FFE];
	_ =	sdelay $0x1  }
0x8a: {  	s1 =	srdreg.scid  }
0x8b: {  	s0 =	sand.u32 $0x1, s1  }
0x8c: {  	s17 =	sshll.u32 s0, $0xA;
	s2 =	sadd.s32 s3, s2  }
0x8d: {  	s2 =	sadd.s32 s2, s17  }
0x8e: {  	[smem:$0x3FC0] =	sst s2  }
0x8f: {  	_ = 	snop  }
0x90: {  	s2 =	sld [smem:$0x3FD0];
	(tm) =	ssettm $0x1  }
0x91: {  	s18 =	sld [smem:$0x3FFB];
	_ =	sdelay $0x3  }
0x92: {  	_ =	strace s18  }
0x93: {  	s3 =	sld [smem:$0x3FFC];
	_ =	sdelay $0x3  }
0x94: {  	_ =	strace s3  }
0x95: {  	s3 =	sld [smem:$0x3FFD];
	_ =	sdelay $0x3  }
0x96: {  	_ =	strace s3  }
0x97: {  	_ =	strace $0x8FFFFFFF  }
0x98: {  	s19 =	sld [smem:$0x3FDB];
	_ =	sdelay $0x1  }
0x99: {  	s4 =	simm.s32 $_scs_section_size  }
0x9a: {  	s5 =	simm.s32 $_size__tile_overlayer_lowered;
	s6 =	simm.s32 $_tile_overlayer_lowered  }
0x9b: {  	s22 =	simm.s32 $0x1BFF;
	s21 =	sshll.u32 s6, $0x1;
	s3 =	sadd.s32 s4, s19  }
0x9c: {  	s7 =	simm.s32 $0x0;
	s20 =	sshll.u32 s5, $0x1;
	s5 =	sadd.s32 s21, s3  }
0x9d: {  	[timem:s7], [sflag:s22] =	dma.local [hbm:s5], s20  }
0x9e: {  	_ =	swait.ge [sflag:s22], s20  }
0x9f: {  	s4 =	ssub.s32 $0x0, s20;
	[sflag:s22] =	ssyncset.done $0x0  }
0xa0: {  	[sflag:s22] =	ssyncadd.s32 s4;
	_ =	sdelay $0x1  }
0xa1: {  	s23 =	simm.s32 $0x1B8B  }
0xa2: {  	_ =	swait.ge [sflag:s23], $0x1  }
0xa3: {  	[sflag:s23] =	ssyncset.done $0x0  }
0xa4: {  	s25 =	simm.s32 $0x1B8E;
	s24 =	sld [smem:$0x3FFE];
	[sflag:s23] =	ssyncadd.s32 $0xFFFFFFFF  }
0xa5: {  	s26 =	simm.s32 $execute0_lowered;
	[smem:$0x3FD2] =	sst s25  }
0xa6: {  	s5 =	sshll.u32 s26, $0x1;
	_ =	strace $0x8000004C;
	[dreg:$0x1] =	wrdreg $0xFFFFFFFF  }
0xa7: {  	s28 =	simm.s32 $_size_execute0_lowered;
	s3 =	sadd.s32 s3, s5;
	[dreg:$0x0] =	wrdreg $0x0  }
0xa8: {  	s5 =	sshll.u32 s28, $0x1;
	[dreg:$0x2] =	wrdreg s3  }
0xa9: {  	[dreg:$0x3] =	wrdreg s5  }
0xaa: {  	[dreg:$0x4] =	wrdreg $0xC0  }
0xab: {  	_ =	task [dreg:s7], $0x5FFFF  }
0xac: {  	[dreg:$0x1] =	wrdreg $0xFFFFFFFF  }
0xad: {  	[dreg:$0x0] =	wrdreg $0x60  }
0xae: {  	[dreg:$0x2] =	wrdreg s2  }
0xaf: {  	[dreg:$0x3] =	wrdreg s24  }
0xb0: {  	[dreg:$0x4] =	wrdreg $0x0  }
0xb1: {  	[dreg:$0x5] =	wrdreg $0x9  }
0xb2: {  	_ =	task.clear_ibuf [dreg:s7], $0x6FFFF;
	_ =	strace $0x9000004C  }
0xb3: {  	s29 =	simm.s32 $0x9;
	_ =	strace $0x8000004E  }
0xb4: {  	_ =	swait.ge [sflag:s29], $0x1  }
0xb5: {  	[sflag:s29] =	ssyncadd.s32 $0xFFFFFFFF  }
0xb6: {  	_ =	strace $0x9000004E  }
0xb7: {  	_ =	sfence  }
0xb8: {  	s30 =	sld [smem:$0x0];
	_ =	sdelay $0x2  }
0xb9: {  	s31 =	sshll.u32 s1, $0xD;
	s1 =	sshrl.u32 s1, $0x2  }
0xba: {  	s3 =	sand.u32 $0x4000, s31;
	s1 =	sadd.s32 s1, s30  }
0xbb: {  	s0 =	sor.u32 s3, s0;
	s1 =	sshll.u32 s1, $0x11  }
0xbc: {  	s0 =	sor.u32 s1, s0  }
0xbd: {  	s0 =	sadd.s32 $0x8F2B, s0  }
0xbe: {  	[sflag:s0] =	ssyncadd.remote.s32 $0x1  }
0xbf: {  	_ =	sfence.sel $0xFFFF  }
0xc0: {  	[dreg:$0x0] =	wrdreg $0xFFFFFFFF;
	(pc) =	sbr.abs _section_cstart, $3  }
0xc1: {  	[dreg:$0x1] =	wrdreg $0xFFFFFFFF  }
0xc2: {  	_ =	task.clear_ibuf [dreg:s7], $0x2FFFF;
	_ =	strace $0x9FFFFFFF  }
0xc3: {  	(tm) =	ssettm $0x7FFFFFFF  }
tec
execute0_lowered:
.L_overlay_start_1:
0x0: {  	(tag) =	ssettag $0x1  }
0x1: {  	s1 =	rddreg [dreg:$0x0]  }
0x2: {  	s0 =	rddreg [dreg:$0x1]  }
0x3: {  	s3 =	rddreg [dreg:$0x2];
	s4 =	simm.s32 $0x0;
	s13 =	stileid.u32  }
0x4: {  	s2 =	srdreg.scid;
	s28 =	simm.s32 $0x13D00;
	s29 =	simm.s32 $0x13F00  }
0x5: {  	s30 =	simm.s32 $0x1C000;
	s31 =	simm.s32 $0x1;
	[smem:$0x7FF] =	sst s4  }
0x6: {  	s7 =	smul.u32 $0x13C00, s13;
	s2 =	sand.u32 $0x1, s2;
	s5 =	sadd.s32 $0x86000, s0  }
0x7: {  	s6 =	sadd.s32 $0x4800, s0;
	s10 =	smul.u32 $0x4F000, s13;
	s16 =	sshll.u32 s13, $0x6  }
0x8: {  	s8 =	smul.u32 $0x13C000, s2;
	s14 =	sshll.u32 s2, $0x4;
	s2 =	ssub.s32 $0x2, s2  }
0x9: {  	_ =	strace $0x8000004D;
	s9 =	sshrl.u32 s7, $0x3;
	s12 =	sshrl.u32 s2, $0x1  }
0xa: {  	s15 =	sshrl.u32 s10, $0x2;
	s9 =	sadd.s32 s9, s0;
	s7 =	sadd.s32 s7, s8  }
0xb: {  	s8 =	sor.u32 s13, s14;
	s2 =	ssub.s32 s2, s12;
	s18 =	sadd.s32 s15, s3  }
0xc: {  	s11 =	sshrl.u32 s7, $0x3;
	s7 =	smul.u32 $0x2C00, s8;
	s19 =	sadd.s32 $0xF800, s9  }
0xd: {  	s9 =	sor.u32 $0x1C04, s16;
	s18 =	sshrl.u32 s18, $0x3;
	s0 =	sadd.s32 s11, s0  }
0xe: {  	[dreg:$0x4] =	wrdreg s19;
	s19 =	simm.s32 $0x4;
	s17 =	sshrl.u32 s7, $0x3  }
0xf: {  	s16 =	sadd.s32 $0x91000, s0;
	s0 =	simm.s32 $0x3;
	s20 =	sadd.s32 s5, s17  }
0x10: {  	s21 =	sadd.s32 s6, s17;
	s22 =	sor.u32 $0x10, s17;
	s15 =	sor.u32 $0x20, s17  }
0x11: {  	s17 =	smax.u32 s2, $0x1;
	s2 =	simm.s32 $0x0;
	[dreg:$0x5] =	wrdreg s20  }
.Ltmp0:
0x12: {  	[dreg:$0x6] =	wrdreg s21;
	s23 =	sadd.s32 s5, s22;
	(pc) =	sbr.rel .LBB2_1-.Ltmp0, $4  }
0x13: {  	s24 =	sadd.s32 s6, s22;
	s25 =	sadd.s32 s5, s15;
	[dreg:$0x7] =	wrdreg s23  }
0x14: {  	s26 =	sadd.s32 s6, s15;
	s20 =	simm.s32 $0x13C00;
	[dreg:$0x8] =	wrdreg s24  }
0x15: {  	s21 =	simm.s32 $0x13E00;
	s22 =	simm.s32 $0x80;
	[dreg:$0x9] =	wrdreg s25  }
0x16: {  	[dreg:$0xa] =	wrdreg s26;
	s23 =	simm.s32 $0x14000;
	s24 =	simm.s32 $0x13C80  }
.LBB2_4:
0x17: {  	s2 =	sadd.s32 $0x1, s2  }
0x18: {  	p0 =	sne.s32 s2, s17  }
.Ltmp1:
0x19: {  	[bflag:$0x0] =	sbarrier.arrive $0xFFFF;
	(pc) =	sbr.rel @!p0 .LBB2_5-.Ltmp1, $4  }
0x1a: {  	[hbm:s16], [sflag:s9] =	dma.local [spmem:s18], $0x2780  }
0x1b: {  	_ =	swait.ge [sflag:s19], $0x2780  }
0x1c: {  	[sflag:s19] =	ssyncset.done $0x0  }
0x1d: {  	[sflag:s19] =	ssyncadd.s32 $0xFFFFD880  }
.LBB2_1:
0x1e: {  	s8 =	rddreg [dreg:$0x4]  }
0x1f: {  	[spmem:s18], [sflag:s9] =	dma.local [hbm:s8], $0x2780  }
0x20: {  	_ =	swait.ge [sflag:s19], $0x2780  }
0x21: {  	[sflag:s19] =	ssyncset.done $0x0  }
0x22: {  	[sflag:s19] =	ssyncadd.s32 $0xFFFFD880  }
0x23: {  	[bflag:$0x0] =	sbarrier.arrive $0xFFFF  }
0x24: {  	s11 =	rddreg [dreg:$0x5]  }
0x25: {  	[tilespmem:s20], [sflag:$0x4] =	stream.linear.gather [hbm4b:s11+s4], $0x80, $0x38;
	v63 =	vld [tilespmem:$0x0]  }
0x26: {  	_ =	swait.ge [sflag:s19], $0x80  }
0x27: {  	[sflag:s19] =	ssyncset.done $0x0  }
0x28: {  	s12 =	rddreg [dreg:$0x6];
	[sflag:s19] =	ssyncadd.s32 $0xFFFFFF80  }
0x29: {  	[tilespmem:s21], [sflag:$0x4] =	stream.linear.gather [hbm4b:s12+s4], $0x80, $0x38;
	v63 =	vld [tilespmem:$0x0]  }
0x2a: {  	_ =	swait.ge [sflag:s19], $0x80  }
0x2b: {  	[sflag:s19] =	ssyncset.done $0x0  }
0x2c: {  	[sflag:s19] =	ssyncadd.s32 $0xFFFFFF80  }
0x2d: {  	[tilespmem:s23], [sflag:$0x1] =	stream.indirect.gather [hbm4b:s1+s22], $0x80, s20, s22, $0xb8;
	v63 =	vld [tilespmem:$0x0]  }
0x2e: {  	s13 =	rddreg [dreg:$0x7]  }
0x2f: {  	[tilespmem:s24], [sflag:$0x4] =	stream.linear.gather [hbm4b:s13+s4], $0x80, $0x38;
	v63 =	vld [tilespmem:$0x0]  }
0x30: {  	_ =	swait.ge [sflag:s19], $0x80  }
0x31: {  	[sflag:s19] =	ssyncset.done $0x0  }
0x32: {  	s10 =	simm.s32 $0x13E80;
	s14 =	rddreg [dreg:$0x8];
	[sflag:s19] =	ssyncadd.s32 $0xFFFFFF80  }
0x33: {  	[tilespmem:s10], [sflag:$0x4] =	stream.linear.gather [hbm4b:s14+s4], $0x80, $0x38;
	v63 =	vld [tilespmem:$0x0]  }
0x34: {  	_ =	swait.ge [sflag:s19], $0x80  }
0x35: {  	[sflag:s19] =	ssyncset.done $0x0  }
0x36: {  	s15 =	simm.s32 $0x18000;
	[sflag:s19] =	ssyncadd.s32 $0xFFFFFF80  }
0x37: {  	[tilespmem:s15], [sflag:$0x2] =	stream.indirect.gather [hbm4b:s1+s22], $0x80, s24, s22, $0xb8;
	v63 =	vld [tilespmem:$0x0]  }
0x38: {  	s25 =	rddreg [dreg:$0x9]  }
0x39: {  	[tilespmem:s28], [sflag:$0x4] =	stream.linear.gather [hbm4b:s25+s4], $0x80, $0x38;
	v63 =	vld [tilespmem:$0x0]  }
0x3a: {  	_ =	swait.ge [sflag:s19], $0x80  }
0x3b: {  	[sflag:s19] =	ssyncset.done $0x0  }
0x3c: {  	s26 =	rddreg [dreg:$0xa];
	[sflag:s19] =	ssyncadd.s32 $0xFFFFFF80  }
0x3d: {  	[tilespmem:s29], [sflag:$0x4] =	stream.linear.gather [hbm4b:s26+s4], $0x80, $0x38;
	v63 =	vld [tilespmem:$0x0]  }
0x3e: {  	_ =	swait.ge [sflag:s19], $0x80  }
0x3f: {  	[sflag:s19] =	ssyncset.done $0x0  }
0x40: {  	s25 =	simm.s32 $0x280;
	[sflag:s19] =	ssyncadd.s32 $0xFFFFFF80  }
0x41: {  	[tilespmem:s30], [sflag:$0x3] =	stream.indirect.gather [hbm4b:s1+s22], $0x80, s28, s22, $0xb8;
	v63 =	vld [tilespmem:$0x0]  }
.LBB2_2:
0x42: {  	_ =	swait.ge [sflag:s31], $0x4000  }
0x43: {  	[sflag:s31] =	ssyncset.done $0x0  }
0x44: {  	[sflag:s31] =	ssyncadd.s32 $0xFFFFC000  }
0x45: {  	[spmem:s3] =	stream.indirect.scatter.add.f32 [tilespmem:s23], [sflag:$0x4], $0x80, s21, s22, $0xb8;
	v63 =	vld [tilespmem:$0x0]  }
0x46: {  	_ =	swait.ge [sflag:s19], $0x4000  }
0x47: {  	p0 =	seq.s32 s25, $0x2980;
	[sflag:s19] =	ssyncset.done $0x0  }
0x48: {  	s26 =	simm.s32 @p0 $0x2;
	[sflag:s19] =	ssyncadd.s32 $0xFFFFC000  }
0x49: {  	_ =	swait.ge @p0 [sflag:s26], $0x4000  }
0x4a: {  	s8 =	simm.s32 @p0 $0x13E80;
	[sflag:s26] =	ssyncset.done @p0 $0x0  }
0x4b: {  	s10 =	simm.s32 @p0 $0x18000;
	[sflag:s26] =	ssyncadd.s32 @p0 $0xFFFFC000;
	s26 =	simm.s32 @p0 $0x80  }
0x4c: {  	[spmem:s3] =	stream.indirect.scatter.add.f32 @p0 [tilespmem:s10], [sflag:$0x4], $0x80, s8, s26, $0xb8;
	v63 =	vld [tilespmem:$0x0]  }
0x4d: {  	s8 =	sadd.s32 @!p0 $0xFFFFFF00, s25  }
0x4e: {  	s26 =	sand.u32 @!p0 $0x7C00, s8  }
0x4f: {  	s10 =	simm.s32 @p0 $0x4;
	s8 =	sand.u32 @!p0 $0x380, s8;
	s26 =	sadd.s32 @!p0 s7, s26  }
0x50: {  	_ =	swait.ge @p0 [sflag:s10], $0x4000;
	s8 =	sor.u32 @!p0 s8, s26  }
0x51: {  	s11 =	simm.s32 @!p0 $0x13C00;
	[sflag:s10] =	ssyncset.done @p0 $0x0;
	s8 =	sshrl.u32 @!p0 s8, $0x3  }
0x52: {  	[sflag:s10] =	ssyncadd.s32 @p0 $0xFFFFC000;
	s26 =	simm.s32 @!p0 $0x0;
	s10 =	sadd.s32 @!p0 s5, s8  }
0x53: {  	[tilespmem:s11], [sflag:$0x4] =	stream.linear.gather @!p0 [hbm4b:s10+s26], $0x80, $0x38;
	v63 =	vld [tilespmem:$0x0]  }
0x54: {  	s10 =	simm.s32 @!p0 $0x4  }
0x55: {  	_ =	swait.ge @!p0 [sflag:s10], $0x80  }
0x56: {  	[sflag:s10] =	ssyncset.done @!p0 $0x0  }
0x57: {  	s12 =	simm.s32 @!p0 $0x13E00;
	s8 =	sadd.s32 @!p0 s6, s8;
	[sflag:s10] =	ssyncadd.s32 @!p0 $0xFFFFFF80  }
0x58: {  	[tilespmem:s12], [sflag:$0x4] =	stream.linear.gather @!p0 [hbm4b:s8+s26], $0x80, $0x38;
	v63 =	vld [tilespmem:$0x0]  }
0x59: {  	_ =	swait.ge @!p0 [sflag:s10], $0x80  }
0x5a: {  	[sflag:s10] =	ssyncset.done @!p0 $0x0  }
0x5b: {  	s8 =	simm.s32 @!p0 $0x80;
	s12 =	simm.s32 @!p0 $0x14000;
	[sflag:s10] =	ssyncadd.s32 @!p0 $0xFFFFFF80  }
0x5c: {  	[tilespmem:s12], [sflag:$0x1] =	stream.indirect.gather @!p0 [hbm4b:s1+s8], $0x80, s11, s8, $0xb8;
	v63 =	vld [tilespmem:$0x0]  }
0x5d: {  	s13 =	sadd.s32 @!p0 $0xFFFFFF80, s25;
	s11 =	simm.s32 @!p0 $0x2  }
0x5e: {  	s14 =	sand.u32 @!p0 $0x7C00, s13;
	_ =	swait.ge @!p0 [sflag:s11], $0x4000  }
0x5f: {  	s13 =	sand.u32 @!p0 $0x380, s13;
	s14 =	sadd.s32 @!p0 s7, s14;
	[sflag:s11] =	ssyncset.done @!p0 $0x0  }
0x60: {  	s12 =	simm.s32 @!p0 $0x18000;
	[sflag:s11] =	ssyncadd.s32 @!p0 $0xFFFFC000;
	s11 =	simm.s32 @!p0 $0x13E80  }
0x61: {  	[spmem:s3] =	stream.indirect.scatter.add.f32 @!p0 [tilespmem:s12], [sflag:$0x4], $0x80, s11, s8, $0xb8;
	v63 =	vld [tilespmem:$0x0]  }
0x62: {  	s13 =	sor.u32 @!p0 s13, s14;
	_ =	swait.ge @!p0 [sflag:s10], $0x4000  }
0x63: {  	s13 =	sshrl.u32 @!p0 s13, $0x3;
	[sflag:s10] =	ssyncset.done @!p0 $0x0  }
0x64: {  	s15 =	simm.s32 @!p0 $0x13C80;
	s14 =	sadd.s32 @!p0 s5, s13;
	[sflag:s10] =	ssyncadd.s32 @!p0 $0xFFFFC000  }
0x65: {  	[tilespmem:s15], [sflag:$0x4] =	stream.linear.gather @!p0 [hbm4b:s14+s26], $0x80, $0x38;
	v63 =	vld [tilespmem:$0x0]  }
0x66: {  	_ =	swait.ge @!p0 [sflag:s10], $0x80  }
0x67: {  	[sflag:s10] =	ssyncset.done @!p0 $0x0  }
0x68: {  	s13 =	sadd.s32 @!p0 s6, s13;
	[sflag:s10] =	ssyncadd.s32 @!p0 $0xFFFFFF80  }
0x69: {  	[tilespmem:s11], [sflag:$0x4] =	stream.linear.gather @!p0 [hbm4b:s13+s26], $0x80, $0x38;
	v63 =	vld [tilespmem:$0x0]  }
0x6a: {  	_ =	swait.ge @!p0 [sflag:s10], $0x80  }
0x6b: {  	[sflag:s10] =	ssyncset.done @!p0 $0x0  }
0x6c: {  	[sflag:s10] =	ssyncadd.s32 @!p0 $0xFFFFFF80  }
0x6d: {  	[tilespmem:s12], [sflag:$0x2] =	stream.indirect.gather @!p0 [hbm4b:s1+s8], $0x80, s15, s8, $0xb8;
	v63 =	vld [tilespmem:$0x0]  }
0x6e: {  	_ =	swait.ge [sflag:s0], $0x4000  }
0x6f: {  	[sflag:s0] =	ssyncset.done $0x0  }
.Ltmp2:
0x70: {  	[sflag:s0] =	ssyncadd.s32 $0xFFFFC000;
	(pc) =	sbr.rel @p0 .LBB2_4-.Ltmp2, $4  }
0x71: {  	[spmem:s3] =	stream.indirect.scatter.add.f32 [tilespmem:s30], [sflag:$0x4], $0x80, s29, s22, $0xb8;
	v63 =	vld [tilespmem:$0x0]  }
0x72: {  	_ =	swait.ge [sflag:s19], $0x4000  }
0x73: {  	[sflag:s19] =	ssyncset.done $0x0  }
0x74: {  	[sflag:s19] =	ssyncadd.s32 $0xFFFFC000  }
0x75: {  	s8 =	sand.u32 $0x7C00, s25  }
0x76: {  	s10 =	sand.u32 $0x380, s25;
	s8 =	sadd.s32 s7, s8  }
0x77: {  	s8 =	sor.u32 s10, s8  }
0x78: {  	s8 =	sshrl.u32 s8, $0x3  }
0x79: {  	s26 =	sadd.s32 s5, s8  }
0x7a: {  	[tilespmem:s28], [sflag:$0x4] =	stream.linear.gather [hbm4b:s26+s4], $0x80, $0x38;
	v63 =	vld [tilespmem:$0x0]  }
0x7b: {  	_ =	swait.ge [sflag:s19], $0x80  }
0x7c: {  	[sflag:s19] =	ssyncset.done $0x0  }
0x7d: {  	s8 =	sadd.s32 s6, s8;
	[sflag:s19] =	ssyncadd.s32 $0xFFFFFF80  }
0x7e: {  	[tilespmem:s29], [sflag:$0x4] =	stream.linear.gather [hbm4b:s8+s4], $0x80, $0x38;
	v63 =	vld [tilespmem:$0x0]  }
.Ltmp3:
0x7f: {  	_ = 	snop;
	(pc) =	sbr.rel .LBB2_2-.Ltmp3, $4  }
0x80: {  	_ =	swait.ge [sflag:s19], $0x80  }
0x81: {  	[sflag:s19] =	ssyncset.done $0x0  }
0x82: {  	s25 =	sadd.s32 $0x180, s25;
	[sflag:s19] =	ssyncadd.s32 $0xFFFFFF80  }
0x83: {  	[tilespmem:s30], [sflag:$0x3] =	stream.indirect.gather [hbm4b:s1+s22], $0x80, s28, s22, $0xb8;
	v63 =	vld [tilespmem:$0x0]  }
.LBB2_5:
0x84: {  	_ =	sfence.sel $0x180000  }
0x85: {  	[bflag:$0x0] =	sbarrier.arrive $0xFFFF  }
0x86: {  	_ =	strace $0x9000004D  }
0x87: {  	s0 =	stileid.u32;
	[bflag:$0x2] =	sbarrier.arrive $0xFFFF  }
0x88: {  	p0 =	sne.s32 s0, $0x0;
	s0 =	rddreg [dreg:$0x3]  }
0x89: {  	s0 =	sadd.s32 @!p0 $0x100000, s0  }
0x8a: {  	[sflag:s0] =	ssyncadd.tile.s32 @!p0 $0x1;
	_ =	shalt  }
.Lfunc_end2:
_tile_overlayer_lowered:
.L_overlay_start_2:
0x8b: {  	(tag) =	ssettag $0x2  }
0x8c: {  	s0 =	rddreg [dreg:$0x0];
	s2 =	stileid.u32  }
0x8d: {  	s1 =	rddreg [dreg:$0x1];
	p0 =	sne.s32 s2, $0x0  }
0x8e: {  	s3 =	rddreg [dreg:$0x2];
	[bflag:$0x3] =	sbarrier.arrive $0xFFFF;
	s2 =	simm.s32 @!p0 $0x1C04  }
0x8f: {  	[timem:s3], [sflag:s2] =	dma.local @!p0 [hbm:s0], s1  }
0x90: {  	s0 =	simm.s32 @!p0 $0x4  }
0x91: {  	_ =	swait.ge @!p0 [sflag:s0], s1  }
0x92: {  	s1 =	ssub.s32 @!p0 $0x0, s1;
	[sflag:s0] =	ssyncset.done @!p0 $0x0  }
0x93: {  	[sflag:s0] =	ssyncadd.s32 @!p0 s1  }
0x94: {  	[bflag:$0x3] =	sbarrier.arrive $0xFFFF  }
0x95: {  	_ =	shalt  }

// kernel: kernel.19.cloned.1.call-start
scs
__scs_entry_jumppad:
0x0: {  	(pc) =	sbr.rel $0x88, $3  }
0x1: {  	(tag) =	ssettag $0x0;
	lr =	simm.s32 $0x1  }
0x2: {  	[smem:$0x3F99] =	sst lr;
	_ =	strace $0xD0000000  }
0x3: {  	_ = 	snop  }
0x4: {  	_ = 	snop  }
0x5: {  	_ = 	snop  }
0x6: {  	_ = 	snop  }
0x7: {  	_ = 	snop  }
__scs_overlays_trampoline_lowered:
0x8: {  	[smem:$0x3FA8] =	sst s0  }
0x9: {  	[smem:$0x3FA9] =	sst s1  }
0xa: {  	[smem:$0x3FAA] =	sst s2  }
0xb: {  	[smem:$0x3FAB] =	sst s3  }
0xc: {  	[smem:$0x3FAC] =	sst s4  }
0xd: {  	[smem:$0x3FAD] =	sst s5  }
0xe: {  	[smem:$0x3FAE] =	sst s6  }
0xf: {  	[smem:$0x3FAF] =	sst s7  }
0x10: {  	[smem:$0x3FB0] =	sst s8  }
0x11: {  	[smem:$0x3FB1] =	sst s9;
	s0 =	simm.s32 @!p0 $0x0  }
0x12: {  	s1 =	sld [smem:$0x3F97];
	s0 =	simm.s32 @p0 $0x1  }
0x13: {  	[smem:$0x3FB2] =	sst s0;
	s0 =	simm.s32 @!p1 $0x0  }
0x14: {  	s2 =	sld [smem:$0x3F96];
	s0 =	simm.s32 @p1 $0x1  }
0x15: {  	[smem:$0x3FB3] =	sst s0;
	s0 =	simm.s32 @!p2 $0x0  }
0x16: {  	s3 =	sld [smem:$0x3FDB];
	s0 =	simm.s32 @p2 $0x1  }
0x17: {  	s4 =	simm.s32 $0x1BF5;
	[smem:$0x3FB5] =	sst s0  }
0x18: {  	s0 =	sld [smem:$0x3F98];
	_ =	swait.ge [sflag:s4], $0x0  }
0x19: {  	s7 =	sld [smem:$0x3F99]  }
0x1a: {  	s8 =	sadd.s32 $0xFFFFE003, lr  }
0x1b: {  	s9 =	sadd.s32 $0xFFFFFEF7, lr;
	s5 =	simm.s32 $0xFFFFFFFF;
	p2 =	slt.u32 s8, $0xFFFFF086  }
0x1c: {  	p1 =	slt.u32 s9, $0xF7A;
	s5 =	simm.s32 @!p2 $0x0  }
0x1d: {  	s5 =	simm.s32 @p1 $0x1;
	p0 =	seq.s32 s7, s2  }
0x1e: {  	s7 =	smul.u32 @!p0 $0xF7A, s2;
	p2 =	seq.s32 @!p0 s5, $0x0  }
0x1f: {  	s9 =	smul.u32 $0xF7A, s1;
	s8 =	simm.s32 @!p0 $0x1BF5;
	p2 =	por !p2, p0  }
0x20: {  	[sflag:s8] =	ssyncset.s32 @!p0 $0xFFFFF086;
	s6 =	sadd.s32 @!p0 s3, s7;
	s7 =	simm.s32 @!p0 $0x108  }
0x21: {  	s3 =	sadd.s32 s3, s9;
	s6 =	sadd.s32 @!p0 $0x88, s6;
	s7 =	simm.s32 @p2 $0x1082  }
0x22: {  	[simem:s7], [sflag:s8] =	dma.local @!p0 [hbm:s6], $0xF7A  }
0x23: {  	s9 =	sor.u32 $0xD0000000, s2;
	s6 =	simm.s32 $0x108;
	_ =	swait.ge @!p0 [sflag:s8], $0x0  }
0x24: {  	s3 =	sadd.s32 $0x88, s3;
	s6 =	simm.s32 @!p1 $0x1082;
	[sflag:s4] =	ssyncset.s32 $0xFFFFF086  }
0x25: {  	[simem:s6], [sflag:s4] =	dma.local [hbm:s3], $0xF7A  }
0x26: {  	[smem:$0x3F99] =	sst s1;
	(tag) =	ssettag s2;
	_ =	strace s9  }
0x27: {  	s1 =	sld [smem:$0x3FA9]  }
0x28: {  	s2 =	sld [smem:$0x3FAA]  }
0x29: {  	s4 =	sld [smem:$0x3FAC]  }
0x2a: {  	p0 =	seq.s32 s5, $0x0;
	s5 =	sld [smem:$0x3FAD]  }
0x2b: {  	s6 =	sld [smem:$0x3FAE]  }
0x2c: {  	s7 =	sld [smem:$0x3FAF]  }
0x2d: {  	s3 =	simm.s32 $0x108;
	s8 =	sld [smem:$0x3FB0]  }
0x2e: {  	s3 =	simm.s32 @!p0 $0x1082;
	s9 =	sld [smem:$0x3FB1]  }
0x2f: {  	lr =	sadd.s32 s0, s3;
	s0 =	sld [smem:$0x3FA8]  }
0x30: {  	s3 =	sld [smem:$0x3FAB]  }
0x31: {  	[smem:$0x3FB4] =	sst s10  }
0x32: {  	s10 =	sld [smem:$0x3FB2];
	_ =	sdelay $0x3  }
0x33: {  	p0 =	seq.s32 s10, $0x1;
	s10 =	sld [smem:$0x3FB4];
	_ =	sdelay $0x3  }
0x34: {  	[smem:$0x3FB4] =	sst s10  }
0x35: {  	s10 =	sld [smem:$0x3FB3];
	_ =	sdelay $0x3  }
0x36: {  	p1 =	seq.s32 s10, $0x1;
	s10 =	sld [smem:$0x3FB4];
	_ =	sdelay $0x3  }
0x37: {  	[smem:$0x3FB4] =	sst s10  }
0x38: {  	s10 =	sld [smem:$0x3FB5]  }
0x39: {  	_ = 	snop;
	(pc) =	sbr.ind lr, $3  }
0x3a: {  	_ = 	snop  }
0x3b: {  	_ = 	snop  }
0x3c: {  	p2 =	seq.s32 s10, $0x1;
	s10 =	sld [smem:$0x3FB4]  }
0x3d: {  	_ =	shalt  }
0x3e: {  	_ =	shalt  }
0x3f: {  	_ =	shalt  }
0x40: {  	_ =	shalt  }
0x41: {  	_ =	shalt  }
0x42: {  	_ =	shalt  }
0x43: {  	_ =	shalt  }
0x44: {  	_ =	shalt  }
0x45: {  	_ =	shalt  }
0x46: {  	_ =	shalt  }
0x47: {  	_ =	shalt  }
0x48: {  	_ =	shalt  }
0x49: {  	_ =	shalt  }
0x4a: {  	_ =	shalt  }
0x4b: {  	_ =	shalt  }
0x4c: {  	_ =	shalt  }
0x4d: {  	_ =	shalt  }
0x4e: {  	_ =	shalt  }
0x4f: {  	_ =	shalt  }
0x50: {  	_ =	shalt  }
0x51: {  	_ =	shalt  }
0x52: {  	_ =	shalt  }
0x53: {  	_ =	shalt  }
0x54: {  	_ =	shalt  }
0x55: {  	_ =	shalt  }
0x56: {  	_ =	shalt  }
0x57: {  	_ =	shalt  }
0x58: {  	_ =	shalt  }
0x59: {  	_ =	shalt  }
0x5a: {  	_ =	shalt  }
0x5b: {  	_ =	shalt  }
0x5c: {  	_ =	shalt  }
0x5d: {  	_ =	shalt  }
0x5e: {  	_ =	shalt  }
0x5f: {  	_ =	shalt  }
0x60: {  	_ =	shalt  }
0x61: {  	_ =	shalt  }
0x62: {  	_ =	shalt  }
0x63: {  	_ =	shalt  }
0x64: {  	_ =	shalt  }
0x65: {  	_ =	shalt  }
0x66: {  	_ =	shalt  }
0x67: {  	_ =	shalt  }
0x68: {  	_ =	shalt  }
0x69: {  	_ =	shalt  }
0x6a: {  	_ =	shalt  }
0x6b: {  	_ =	shalt  }
0x6c: {  	_ =	shalt  }
0x6d: {  	_ =	shalt  }
0x6e: {  	_ =	shalt  }
0x6f: {  	_ =	shalt  }
0x70: {  	_ =	shalt  }
0x71: {  	_ =	shalt  }
0x72: {  	_ =	shalt  }
0x73: {  	_ =	shalt  }
0x74: {  	_ =	shalt  }
0x75: {  	_ =	shalt  }
0x76: {  	_ =	shalt  }
0x77: {  	_ =	shalt  }
0x78: {  	_ =	shalt  }
0x79: {  	_ =	shalt  }
0x7a: {  	_ =	shalt  }
0x7b: {  	_ =	shalt  }
0x7c: {  	_ =	shalt  }
0x7d: {  	_ =	shalt  }
0x7e: {  	_ =	shalt  }
0x7f: {  	_ =	shalt  }
0x80: {  	_ =	shalt  }
0x81: {  	_ =	shalt  }
0x82: {  	_ =	shalt  }
0x83: {  	_ =	shalt  }
0x84: {  	_ =	shalt  }
0x85: {  	_ =	shalt  }
0x86: {  	_ =	shalt  }
0x87: {  	_ =	shalt  }
.Lfunc_end0:
.L_simem_size_0:
called_computation.3_lowered:
.L_overlay_start_0:
0x88: {  	s2 =	sld [smem:$0x3FD9]  }
0x89: {  	s3 =	sld [smem:$0x3FFE];
	_ =	sdelay $0x1  }
0x8a: {  	s1 =	srdreg.scid  }
0x8b: {  	s0 =	sand.u32 $0x1, s1  }
0x8c: {  	s17 =	sshll.u32 s0, $0xA;
	s2 =	sadd.s32 s3, s2  }
0x8d: {  	s2 =	sadd.s32 s2, s17  }
0x8e: {  	[smem:$0x3FC0] =	sst s2  }
0x8f: {  	_ = 	snop  }
0x90: {  	s2 =	sld [smem:$0x3FD0];
	(tm) =	ssettm $0x1  }
0x91: {  	s18 =	sld [smem:$0x3FFB];
	_ =	sdelay $0x3  }
0x92: {  	_ =	strace s18  }
0x93: {  	s3 =	sld [smem:$0x3FFC];
	_ =	sdelay $0x3  }
0x94: {  	_ =	strace s3  }
0x95: {  	s3 =	sld [smem:$0x3FFD];
	_ =	sdelay $0x3  }
0x96: {  	_ =	strace s3  }
0x97: {  	_ =	strace $0x8FFFFFFF  }
0x98: {  	s19 =	sld [smem:$0x3FDB];
	_ =	sdelay $0x1  }
0x99: {  	s4 =	simm.s32 $_scs_section_size  }
0x9a: {  	s5 =	simm.s32 $_size__tile_overlayer_lowered;
	s6 =	simm.s32 $_tile_overlayer_lowered  }
0x9b: {  	s22 =	simm.s32 $0x1BFF;
	s21 =	sshll.u32 s6, $0x1;
	s3 =	sadd.s32 s4, s19  }
0x9c: {  	s7 =	simm.s32 $0x0;
	s20 =	sshll.u32 s5, $0x1;
	s5 =	sadd.s32 s21, s3  }
0x9d: {  	[timem:s7], [sflag:s22] =	dma.local [hbm:s5], s20  }
0x9e: {  	_ =	swait.ge [sflag:s22], s20  }
0x9f: {  	s4 =	ssub.s32 $0x0, s20;
	[sflag:s22] =	ssyncset.done $0x0  }
0xa0: {  	[sflag:s22] =	ssyncadd.s32 s4;
	_ =	sdelay $0x1  }
0xa1: {  	s23 =	simm.s32 $0x1B8B  }
0xa2: {  	_ =	swait.ge [sflag:s23], $0x1  }
0xa3: {  	[sflag:s23] =	ssyncset.done $0x0  }
0xa4: {  	s25 =	simm.s32 $0x1B8E;
	s24 =	sld [smem:$0x3FFE];
	[sflag:s23] =	ssyncadd.s32 $0xFFFFFFFF  }
0xa5: {  	s26 =	simm.s32 $execute0_lowered;
	[smem:$0x3FD2] =	sst s25  }
0xa6: {  	s5 =	sshll.u32 s26, $0x1;
	_ =	strace $0x8000004F;
	[dreg:$0x1] =	wrdreg $0xFFFFFFFF  }
0xa7: {  	s28 =	simm.s32 $_size_execute0_lowered;
	s3 =	sadd.s32 s3, s5;
	[dreg:$0x0] =	wrdreg $0x0  }
0xa8: {  	s5 =	sshll.u32 s28, $0x1;
	[dreg:$0x2] =	wrdreg s3  }
0xa9: {  	[dreg:$0x3] =	wrdreg s5  }
0xaa: {  	[dreg:$0x4] =	wrdreg $0xC0  }
0xab: {  	_ =	task [dreg:s7], $0x5FFFF  }
0xac: {  	[dreg:$0x1] =	wrdreg $0xFFFFFFFF  }
0xad: {  	[dreg:$0x0] =	wrdreg $0x60  }
0xae: {  	[dreg:$0x2] =	wrdreg s2  }
0xaf: {  	[dreg:$0x3] =	wrdreg s24  }
0xb0: {  	[dreg:$0x4] =	wrdreg $0x0  }
0xb1: {  	[dreg:$0x5] =	wrdreg $0x9  }
0xb2: {  	_ =	task.clear_ibuf [dreg:s7], $0x6FFFF;
	_ =	strace $0x9000004F  }
0xb3: {  	s29 =	simm.s32 $0x9;
	_ =	strace $0x80000051  }
0xb4: {  	_ =	swait.ge [sflag:s29], $0x1  }
0xb5: {  	[sflag:s29] =	ssyncadd.s32 $0xFFFFFFFF  }
0xb6: {  	_ =	strace $0x90000051  }
0xb7: {  	_ =	sfence  }
0xb8: {  	s30 =	sld [smem:$0x0];
	_ =	sdelay $0x2  }
0xb9: {  	s31 =	sshll.u32 s1, $0xD;
	s1 =	sshrl.u32 s1, $0x2  }
0xba: {  	s3 =	sand.u32 $0x4000, s31;
	s1 =	sadd.s32 s1, s30  }
0xbb: {  	s0 =	sor.u32 s3, s0;
	s1 =	sshll.u32 s1, $0x11  }
0xbc: {  	s0 =	sor.u32 s1, s0  }
0xbd: {  	s0 =	sadd.s32 $0x8F2B, s0  }
0xbe: {  	[sflag:s0] =	ssyncadd.remote.s32 $0x1  }
0xbf: {  	_ =	sfence.sel $0xFFFF  }
0xc0: {  	[dreg:$0x0] =	wrdreg $0xFFFFFFFF;
	(pc) =	sbr.abs _section_cstart, $3  }
0xc1: {  	[dreg:$0x1] =	wrdreg $0xFFFFFFFF  }
0xc2: {  	_ =	task.clear_ibuf [dreg:s7], $0x2FFFF;
	_ =	strace $0x9FFFFFFF  }
0xc3: {  	(tm) =	ssettm $0x7FFFFFFF  }
tec
execute0_lowered:
.L_overlay_start_1:
0x0: {  	(tag) =	ssettag $0x1  }
0x1: {  	s1 =	rddreg [dreg:$0x0]  }
0x2: {  	s0 =	rddreg [dreg:$0x1]  }
0x3: {  	s3 =	rddreg [dreg:$0x2];
	s4 =	simm.s32 $0x0;
	s13 =	stileid.u32  }
0x4: {  	s2 =	srdreg.scid;
	s28 =	simm.s32 $0x13D00;
	s29 =	simm.s32 $0x13F00  }
0x5: {  	s30 =	simm.s32 $0x1C000;
	s31 =	simm.s32 $0x1;
	[smem:$0x7FF] =	sst s4  }
0x6: {  	s7 =	smul.u32 $0x13C00, s13;
	s2 =	sand.u32 $0x1, s2;
	s5 =	sadd.s32 $0x86000, s0  }
0x7: {  	s6 =	sadd.s32 $0x4800, s0;
	s10 =	smul.u32 $0x4F000, s13;
	s16 =	sshll.u32 s13, $0x6  }
0x8: {  	s8 =	smul.u32 $0x13C000, s2;
	s14 =	sshll.u32 s2, $0x4;
	s2 =	ssub.s32 $0x2, s2  }
0x9: {  	_ =	strace $0x80000050;
	s9 =	sshrl.u32 s7, $0x3;
	s12 =	sshrl.u32 s2, $0x1  }
0xa: {  	s15 =	sshrl.u32 s10, $0x2;
	s9 =	sadd.s32 s9, s0;
	s7 =	sadd.s32 s7, s8  }
0xb: {  	s8 =	sor.u32 s13, s14;
	s2 =	ssub.s32 s2, s12;
	s18 =	sadd.s32 s15, s3  }
0xc: {  	s11 =	sshrl.u32 s7, $0x3;
	s7 =	smul.u32 $0x2C00, s8;
	s19 =	sadd.s32 $0xF800, s9  }
0xd: {  	s9 =	sor.u32 $0x1C04, s16;
	s18 =	sshrl.u32 s18, $0x3;
	s0 =	sadd.s32 s11, s0  }
0xe: {  	[dreg:$0x4] =	wrdreg s19;
	s19 =	simm.s32 $0x4;
	s17 =	sshrl.u32 s7, $0x3  }
0xf: {  	s16 =	sadd.s32 $0x91000, s0;
	s0 =	simm.s32 $0x3;
	s20 =	sadd.s32 s5, s17  }
0x10: {  	s21 =	sadd.s32 s6, s17;
	s22 =	sor.u32 $0x10, s17;
	s15 =	sor.u32 $0x20, s17  }
0x11: {  	s17 =	smax.u32 s2, $0x1;
	s2 =	simm.s32 $0x0;
	[dreg:$0x5] =	wrdreg s20  }
.Ltmp0:
0x12: {  	[dreg:$0x6] =	wrdreg s21;
	s23 =	sadd.s32 s5, s22;
	(pc) =	sbr.rel .LBB2_1-.Ltmp0, $4  }
0x13: {  	s24 =	sadd.s32 s6, s22;
	s25 =	sadd.s32 s5, s15;
	[dreg:$0x7] =	wrdreg s23  }
0x14: {  	s26 =	sadd.s32 s6, s15;
	s20 =	simm.s32 $0x13C00;
	[dreg:$0x8] =	wrdreg s24  }
0x15: {  	s21 =	simm.s32 $0x13E00;
	s22 =	simm.s32 $0x80;
	[dreg:$0x9] =	wrdreg s25  }
0x16: {  	[dreg:$0xa] =	wrdreg s26;
	s23 =	simm.s32 $0x14000;
	s24 =	simm.s32 $0x13C80  }
.LBB2_4:
0x17: {  	s2 =	sadd.s32 $0x1, s2  }
0x18: {  	p0 =	sne.s32 s2, s17  }
.Ltmp1:
0x19: {  	[bflag:$0x0] =	sbarrier.arrive $0xFFFF;
	(pc) =	sbr.rel @!p0 .LBB2_5-.Ltmp1, $4  }
0x1a: {  	[hbm:s16], [sflag:s9] =	dma.local [spmem:s18], $0x2780  }
0x1b: {  	_ =	swait.ge [sflag:s19], $0x2780  }
0x1c: {  	[sflag:s19] =	ssyncset.done $0x0  }
0x1d: {  	[sflag:s19] =	ssyncadd.s32 $0xFFFFD880  }
.LBB2_1:
0x1e: {  	s8 =	rddreg [dreg:$0x4]  }
0x1f: {  	[spmem:s18], [sflag:s9] =	dma.local [hbm:s8], $0x2780  }
0x20: {  	_ =	swait.ge [sflag:s19], $0x2780  }
0x21: {  	[sflag:s19] =	ssyncset.done $0x0  }
0x22: {  	[sflag:s19] =	ssyncadd.s32 $0xFFFFD880  }
0x23: {  	[bflag:$0x0] =	sbarrier.arrive $0xFFFF  }
0x24: {  	s11 =	rddreg [dreg:$0x5]  }
0x25: {  	[tilespmem:s20], [sflag:$0x4] =	stream.linear.gather [hbm4b:s11+s4], $0x80, $0x38;
	v63 =	vld [tilespmem:$0x0]  }
0x26: {  	_ =	swait.ge [sflag:s19], $0x80  }
0x27: {  	[sflag:s19] =	ssyncset.done $0x0  }
0x28: {  	s12 =	rddreg [dreg:$0x6];
	[sflag:s19] =	ssyncadd.s32 $0xFFFFFF80  }
0x29: {  	[tilespmem:s21], [sflag:$0x4] =	stream.linear.gather [hbm4b:s12+s4], $0x80, $0x38;
	v63 =	vld [tilespmem:$0x0]  }
0x2a: {  	_ =	swait.ge [sflag:s19], $0x80  }
0x2b: {  	[sflag:s19] =	ssyncset.done $0x0  }
0x2c: {  	[sflag:s19] =	ssyncadd.s32 $0xFFFFFF80  }
0x2d: {  	[tilespmem:s23], [sflag:$0x1] =	stream.indirect.gather [hbm4b:s1+s22], $0x80, s20, s22, $0xb8;
	v63 =	vld [tilespmem:$0x0]  }
0x2e: {  	s13 =	rddreg [dreg:$0x7]  }
0x2f: {  	[tilespmem:s24], [sflag:$0x4] =	stream.linear.gather [hbm4b:s13+s4], $0x80, $0x38;
	v63 =	vld [tilespmem:$0x0]  }
0x30: {  	_ =	swait.ge [sflag:s19], $0x80  }
0x31: {  	[sflag:s19] =	ssyncset.done $0x0  }
0x32: {  	s10 =	simm.s32 $0x13E80;
	s14 =	rddreg [dreg:$0x8];
	[sflag:s19] =	ssyncadd.s32 $0xFFFFFF80  }
0x33: {  	[tilespmem:s10], [sflag:$0x4] =	stream.linear.gather [hbm4b:s14+s4], $0x80, $0x38;
	v63 =	vld [tilespmem:$0x0]  }
0x34: {  	_ =	swait.ge [sflag:s19], $0x80  }
0x35: {  	[sflag:s19] =	ssyncset.done $0x0  }
0x36: {  	s15 =	simm.s32 $0x18000;
	[sflag:s19] =	ssyncadd.s32 $0xFFFFFF80  }
0x37: {  	[tilespmem:s15], [sflag:$0x2] =	stream.indirect.gather [hbm4b:s1+s22], $0x80, s24, s22, $0xb8;
	v63 =	vld [tilespmem:$0x0]  }
0x38: {  	s25 =	rddreg [dreg:$0x9]  }
0x39: {  	[tilespmem:s28], [sflag:$0x4] =	stream.linear.gather [hbm4b:s25+s4], $0x80, $0x38;
	v63 =	vld [tilespmem:$0x0]  }
0x3a: {  	_ =	swait.ge [sflag:s19], $0x80  }
0x3b: {  	[sflag:s19] =	ssyncset.done $0x0  }
0x3c: {  	s26 =	rddreg [dreg:$0xa];
	[sflag:s19] =	ssyncadd.s32 $0xFFFFFF80  }
0x3d: {  	[tilespmem:s29], [sflag:$0x4] =	stream.linear.gather [hbm4b:s26+s4], $0x80, $0x38;
	v63 =	vld [tilespmem:$0x0]  }
0x3e: {  	_ =	swait.ge [sflag:s19], $0x80  }
0x3f: {  	[sflag:s19] =	ssyncset.done $0x0  }
0x40: {  	s25 =	simm.s32 $0x280;
	[sflag:s19] =	ssyncadd.s32 $0xFFFFFF80  }
0x41: {  	[tilespmem:s30], [sflag:$0x3] =	stream.indirect.gather [hbm4b:s1+s22], $0x80, s28, s22, $0xb8;
	v63 =	vld [tilespmem:$0x0]  }
.LBB2_2:
0x42: {  	_ =	swait.ge [sflag:s31], $0x4000  }
0x43: {  	[sflag:s31] =	ssyncset.done $0x0  }
0x44: {  	[sflag:s31] =	ssyncadd.s32 $0xFFFFC000  }
0x45: {  	[spmem:s3] =	stream.indirect.scatter.add.f32 [tilespmem:s23], [sflag:$0x4], $0x80, s21, s22, $0xb8;
	v63 =	vld [tilespmem:$0x0]  }
0x46: {  	_ =	swait.ge [sflag:s19], $0x4000  }
0x47: {  	p0 =	seq.s32 s25, $0x2980;
	[sflag:s19] =	ssyncset.done $0x0  }
0x48: {  	s26 =	simm.s32 @p0 $0x2;
	[sflag:s19] =	ssyncadd.s32 $0xFFFFC000  }
0x49: {  	_ =	swait.ge @p0 [sflag:s26], $0x4000  }
0x4a: {  	s8 =	simm.s32 @p0 $0x13E80;
	[sflag:s26] =	ssyncset.done @p0 $0x0  }
0x4b: {  	s10 =	simm.s32 @p0 $0x18000;
	[sflag:s26] =	ssyncadd.s32 @p0 $0xFFFFC000;
	s26 =	simm.s32 @p0 $0x80  }
0x4c: {  	[spmem:s3] =	stream.indirect.scatter.add.f32 @p0 [tilespmem:s10], [sflag:$0x4], $0x80, s8, s26, $0xb8;
	v63 =	vld [tilespmem:$0x0]  }
0x4d: {  	s8 =	sadd.s32 @!p0 $0xFFFFFF00, s25  }
0x4e: {  	s26 =	sand.u32 @!p0 $0x7C00, s8  }
0x4f: {  	s10 =	simm.s32 @p0 $0x4;
	s8 =	sand.u32 @!p0 $0x380, s8;
	s26 =	sadd.s32 @!p0 s7, s26  }
0x50: {  	_ =	swait.ge @p0 [sflag:s10], $0x4000;
	s8 =	sor.u32 @!p0 s8, s26  }
0x51: {  	s11 =	simm.s32 @!p0 $0x13C00;
	[sflag:s10] =	ssyncset.done @p0 $0x0;
	s8 =	sshrl.u32 @!p0 s8, $0x3  }
0x52: {  	[sflag:s10] =	ssyncadd.s32 @p0 $0xFFFFC000;
	s26 =	simm.s32 @!p0 $0x0;
	s10 =	sadd.s32 @!p0 s5, s8  }
0x53: {  	[tilespmem:s11], [sflag:$0x4] =	stream.linear.gather @!p0 [hbm4b:s10+s26], $0x80, $0x38;
	v63 =	vld [tilespmem:$0x0]  }
0x54: {  	s10 =	simm.s32 @!p0 $0x4  }
0x55: {  	_ =	swait.ge @!p0 [sflag:s10], $0x80  }
0x56: {  	[sflag:s10] =	ssyncset.done @!p0 $0x0  }
0x57: {  	s12 =	simm.s32 @!p0 $0x13E00;
	s8 =	sadd.s32 @!p0 s6, s8;
	[sflag:s10] =	ssyncadd.s32 @!p0 $0xFFFFFF80  }
0x58: {  	[tilespmem:s12], [sflag:$0x4] =	stream.linear.gather @!p0 [hbm4b:s8+s26], $0x80, $0x38;
	v63 =	vld [tilespmem:$0x0]  }
0x59: {  	_ =	swait.ge @!p0 [sflag:s10], $0x80  }
0x5a: {  	[sflag:s10] =	ssyncset.done @!p0 $0x0  }
0x5b: {  	s8 =	simm.s32 @!p0 $0x80;
	s12 =	simm.s32 @!p0 $0x14000;
	[sflag:s10] =	ssyncadd.s32 @!p0 $0xFFFFFF80  }
0x5c: {  	[tilespmem:s12], [sflag:$0x1] =	stream.indirect.gather @!p0 [hbm4b:s1+s8], $0x80, s11, s8, $0xb8;
	v63 =	vld [tilespmem:$0x0]  }
0x5d: {  	s13 =	sadd.s32 @!p0 $0xFFFFFF80, s25;
	s11 =	simm.s32 @!p0 $0x2  }
0x5e: {  	s14 =	sand.u32 @!p0 $0x7C00, s13;
	_ =	swait.ge @!p0 [sflag:s11], $0x4000  }
0x5f: {  	s13 =	sand.u32 @!p0 $0x380, s13;
	s14 =	sadd.s32 @!p0 s7, s14;
	[sflag:s11] =	ssyncset.done @!p0 $0x0  }
0x60: {  	s12 =	simm.s32 @!p0 $0x18000;
	[sflag:s11] =	ssyncadd.s32 @!p0 $0xFFFFC000;
	s11 =	simm.s32 @!p0 $0x13E80  }
0x61: {  	[spmem:s3] =	stream.indirect.scatter.add.f32 @!p0 [tilespmem:s12], [sflag:$0x4], $0x80, s11, s8, $0xb8;
	v63 =	vld [tilespmem:$0x0]  }
0x62: {  	s13 =	sor.u32 @!p0 s13, s14;
	_ =	swait.ge @!p0 [sflag:s10], $0x4000  }
0x63: {  	s13 =	sshrl.u32 @!p0 s13, $0x3;
	[sflag:s10] =	ssyncset.done @!p0 $0x0  }
0x64: {  	s15 =	simm.s32 @!p0 $0x13C80;
	s14 =	sadd.s32 @!p0 s5, s13;
	[sflag:s10] =	ssyncadd.s32 @!p0 $0xFFFFC000  }
0x65: {  	[tilespmem:s15], [sflag:$0x4] =	stream.linear.gather @!p0 [hbm4b:s14+s26], $0x80, $0x38;
	v63 =	vld [tilespmem:$0x0]  }
0x66: {  	_ =	swait.ge @!p0 [sflag:s10], $0x80  }
0x67: {  	[sflag:s10] =	ssyncset.done @!p0 $0x0  }
0x68: {  	s13 =	sadd.s32 @!p0 s6, s13;
	[sflag:s10] =	ssyncadd.s32 @!p0 $0xFFFFFF80  }
0x69: {  	[tilespmem:s11], [sflag:$0x4] =	stream.linear.gather @!p0 [hbm4b:s13+s26], $0x80, $0x38;
	v63 =	vld [tilespmem:$0x0]  }
0x6a: {  	_ =	swait.ge @!p0 [sflag:s10], $0x80  }
0x6b: {  	[sflag:s10] =	ssyncset.done @!p0 $0x0  }
0x6c: {  	[sflag:s10] =	ssyncadd.s32 @!p0 $0xFFFFFF80  }
0x6d: {  	[tilespmem:s12], [sflag:$0x2] =	stream.indirect.gather @!p0 [hbm4b:s1+s8], $0x80, s15, s8, $0xb8;
	v63 =	vld [tilespmem:$0x0]  }
0x6e: {  	_ =	swait.ge [sflag:s0], $0x4000  }
0x6f: {  	[sflag:s0] =	ssyncset.done $0x0  }
.Ltmp2:
0x70: {  	[sflag:s0] =	ssyncadd.s32 $0xFFFFC000;
	(pc) =	sbr.rel @p0 .LBB2_4-.Ltmp2, $4  }
0x71: {  	[spmem:s3] =	stream.indirect.scatter.add.f32 [tilespmem:s30], [sflag:$0x4], $0x80, s29, s22, $0xb8;
	v63 =	vld [tilespmem:$0x0]  }
0x72: {  	_ =	swait.ge [sflag:s19], $0x4000  }
0x73: {  	[sflag:s19] =	ssyncset.done $0x0  }
0x74: {  	[sflag:s19] =	ssyncadd.s32 $0xFFFFC000  }
0x75: {  	s8 =	sand.u32 $0x7C00, s25  }
0x76: {  	s10 =	sand.u32 $0x380, s25;
	s8 =	sadd.s32 s7, s8  }
0x77: {  	s8 =	sor.u32 s10, s8  }
0x78: {  	s8 =	sshrl.u32 s8, $0x3  }
0x79: {  	s26 =	sadd.s32 s5, s8  }
0x7a: {  	[tilespmem:s28], [sflag:$0x4] =	stream.linear.gather [hbm4b:s26+s4], $0x80, $0x38;
	v63 =	vld [tilespmem:$0x0]  }
0x7b: {  	_ =	swait.ge [sflag:s19], $0x80  }
0x7c: {  	[sflag:s19] =	ssyncset.done $0x0  }
0x7d: {  	s8 =	sadd.s32 s6, s8;
	[sflag:s19] =	ssyncadd.s32 $0xFFFFFF80  }
0x7e: {  	[tilespmem:s29], [sflag:$0x4] =	stream.linear.gather [hbm4b:s8+s4], $0x80, $0x38;
	v63 =	vld [tilespmem:$0x0]  }
.Ltmp3:
0x7f: {  	_ = 	snop;
	(pc) =	sbr.rel .LBB2_2-.Ltmp3, $4  }
0x80: {  	_ =	swait.ge [sflag:s19], $0x80  }
0x81: {  	[sflag:s19] =	ssyncset.done $0x0  }
0x82: {  	s25 =	sadd.s32 $0x180, s25;
	[sflag:s19] =	ssyncadd.s32 $0xFFFFFF80  }
0x83: {  	[tilespmem:s30], [sflag:$0x3] =	stream.indirect.gather [hbm4b:s1+s22], $0x80, s28, s22, $0xb8;
	v63 =	vld [tilespmem:$0x0]  }
.LBB2_5:
0x84: {  	_ =	sfence.sel $0x180000  }
0x85: {  	[bflag:$0x0] =	sbarrier.arrive $0xFFFF  }
0x86: {  	_ =	strace $0x90000050  }
0x87: {  	s0 =	stileid.u32;
	[bflag:$0x2] =	sbarrier.arrive $0xFFFF  }
0x88: {  	p0 =	sne.s32 s0, $0x0;
	s0 =	rddreg [dreg:$0x3]  }
0x89: {  	s0 =	sadd.s32 @!p0 $0x100000, s0  }
0x8a: {  	[sflag:s0] =	ssyncadd.tile.s32 @!p0 $0x1;
	_ =	shalt  }
.Lfunc_end2:
_tile_overlayer_lowered:
.L_overlay_start_2:
0x8b: {  	(tag) =	ssettag $0x2  }
0x8c: {  	s0 =	rddreg [dreg:$0x0];
	s2 =	stileid.u32  }
0x8d: {  	s1 =	rddreg [dreg:$0x1];
	p0 =	sne.s32 s2, $0x0  }
0x8e: {  	s3 =	rddreg [dreg:$0x2];
	[bflag:$0x3] =	sbarrier.arrive $0xFFFF;
	s2 =	simm.s32 @!p0 $0x1C04  }
0x8f: {  	[timem:s3], [sflag:s2] =	dma.local @!p0 [hbm:s0], s1  }
0x90: {  	s0 =	simm.s32 @!p0 $0x4  }
0x91: {  	_ =	swait.ge @!p0 [sflag:s0], s1  }
0x92: {  	s1 =	ssub.s32 @!p0 $0x0, s1;
	[sflag:s0] =	ssyncset.done @!p0 $0x0  }
0x93: {  	[sflag:s0] =	ssyncadd.s32 @!p0 s1  }
0x94: {  	[bflag:$0x3] =	sbarrier.arrive $0xFFFF  }
0x95: {  	_ =	shalt  }

</sc_bundles>
